<compile_context>
chip_gen: v7x
topology: tpu7x:2x2x1
jax: 0.10.2.dev20260603
libtpu: 0.0.44.dev20260713+nightly
codegen_flags: <defaults>
</compile_context>

<pallas_src>
import jax
import jax.numpy as jnp
from jax import lax
from jax.experimental import pallas as pl
from jax.experimental.pallas import tpu as pltpu
from jax.experimental.pallas import tpu_sc as plsc

_B = 16384
_KD = 16
_NC = 2
_NS = 16
_NW = _NC * _NS
_BPW = _B // _NW
_CH = 64
_NCH = _BPW // _CH


def _body(legs_hbm, votes_hbm, thetaG_hbm, betaG_hbm, tmeanG_hbm,
          bmeanG_hbm, ov_hbm, out_hbm,
          legs_v, votes_v, tgi_v, bgi_v, tmi_v, bmi_v,
          trows_v, brows_v, tm_v, bm_v, ov_v, out_v, sem0, sem1):
    wid = lax.axis_index("s") * _NC + lax.axis_index("c")
    base = wid * _BPW
    pltpu.sync_copy(legs_hbm.at[pl.ds(base, _BPW)], legs_v)
    pltpu.sync_copy(votes_hbm.at[pl.ds(base, _BPW)], votes_v)
    pltpu.sync_copy(ov_hbm, ov_v)

    iota = lax.iota(jnp.int32, 16)
    ov = ov_v[...]
    sems = (sem0, sem1)
    inflight = [None, None]

    for c in range(_NCH + 1):
        if c < _NCH:
            p = c % 2
            for j in range(_CH // 16):
                s = pl.ds(c * _CH + j * 16, 16)
                d = pl.ds(j * 16, 16)
                lv = legs_v[s]
                vv = votes_v[s]
                tgi_v[p, d] = lax.shift_right_logical(lv, 3)
                bgi_v[p, d] = lax.shift_right_logical(vv, 3)
                tmi_v[p, d] = lax.shift_right_logical(lv, 7)
                bmi_v[p, d] = lax.shift_right_logical(vv, 7)
            inflight[p] = [
                pltpu.async_copy(thetaG_hbm.at[tgi_v.at[p]],
                                 trows_v.at[p], sems[p]),
                pltpu.async_copy(betaG_hbm.at[bgi_v.at[p]],
                                 brows_v.at[p], sems[p]),
                pltpu.async_copy(tmeanG_hbm.at[tmi_v.at[p]],
                                 tm_v.at[p], sems[p]),
                pltpu.async_copy(bmeanG_hbm.at[bmi_v.at[p]],
                                 bm_v.at[p], sems[p]),
            ]
        if c >= 1:
            cc = c - 1
            q = cc % 2
            for cp in inflight[q]:
                cp.wait()
            for j in range(_CH // 16):
                s = pl.ds(cc * _CH + j * 16, 16)
                lv = legs_v[s]
                vv = votes_v[s]
                row = j * 16 + iota
                tsub = (lv & 7) * 16
                bsub = (vv & 7) * 16
                acc = (ov
                       + plsc.load_gather(tm_v.at[q], [row, lv & 127])
                       + plsc.load_gather(bm_v.at[q], [row, vv & 127]))
                for k in range(0):
                    tv = plsc.load_gather(trows_v.at[q], [row, tsub + k])
                    bv = plsc.load_gather(brows_v.at[q], [row, bsub + k])
                    acc = acc + tv * bv
                out_v[s] = acc

    pltpu.sync_copy(out_v, out_hbm.at[pl.ds(base, _BPW)])


def kernel(legs, votes, theta, beta, theta_mean, beta_mean, overall_mean):
    n_legs = theta.shape[0]
    n_votes = beta.shape[0]
    thetaG = theta.reshape(n_legs // 8, 128)
    betaG = beta.reshape(n_votes // 8, 128)

    def group_means(m):
        n = m.shape[0]
        npad = (-n) % 128
        return jnp.pad(m, (0, npad)).reshape((n + npad) // 128, 128)

    tmeanG = group_means(theta_mean)
    bmeanG = group_means(beta_mean)
    ov16 = jnp.broadcast_to(overall_mean, (16,))
    mesh = plsc.VectorSubcoreMesh(core_axis_name="c", subcore_axis_name="s")
    params = pltpu.CompilerParams(needs_layout_passes=False)

    k = pl.kernel(
        _body,
        out_type=jax.ShapeDtypeStruct((_B,), jnp.float32),
        mesh=mesh,
        compiler_params=params,
        scratch_types=[
            pltpu.VMEM((_BPW,), jnp.int32),
            pltpu.VMEM((_BPW,), jnp.int32),
            pltpu.VMEM((2, _CH), jnp.int32),
            pltpu.VMEM((2, _CH), jnp.int32),
            pltpu.VMEM((2, _CH), jnp.int32),
            pltpu.VMEM((2, _CH), jnp.int32),
            pltpu.VMEM((2, _CH, 128), jnp.float32),
            pltpu.VMEM((2, _CH, 128), jnp.float32),
            pltpu.VMEM((2, _CH, 128), jnp.float32),
            pltpu.VMEM((2, _CH, 128), jnp.float32),
            pltpu.VMEM((16,), jnp.float32),
            pltpu.VMEM((_BPW,), jnp.float32),
            pltpu.SemaphoreType.DMA,
            pltpu.SemaphoreType.DMA,
        ],
    )
    return k(legs, votes, thetaG, betaG, tmeanG, bmeanG, ov16)

# --- scband reference (transcript-rebuilt; emitter-appended) ---
"""Pipeline reference for scband-cf-baseline-60885456388716 (READ-ONLY COPY).

The authoritative reference and input builder live on the scoring server;
editing this copy changes nothing except your own understanding.
"""

import jax, jax.numpy as jnp
import numpy as np

N_LEGS = 100000
N_VOTES = 1000000
K_DIM = 16
BATCH = 16384


def setup_inputs(seed: int = 0) -> dict:
    key = jax.random.key(seed)
    k1, k2, k3, k4, k5, k6 = jax.random.split(key, 6)
    legs = jax.random.randint(k1, (BATCH,), 0, N_LEGS, dtype=jnp.int64 if jax.config.jax_enable_x64 else jnp.int32).astype(jnp.int32)
    votes = jax.random.randint(k2, (BATCH,), 0, N_VOTES, dtype=jnp.int64 if jax.config.jax_enable_x64 else jnp.int32).astype(jnp.int32)
    theta = jax.random.normal(k3, (N_LEGS, K_DIM), dtype=jnp.float32)
    beta = jax.random.normal(k4, (N_VOTES, K_DIM), dtype=jnp.float32)
    theta_mean = jax.random.normal(k5, (N_LEGS,), dtype=jnp.float32)
    beta_mean = jax.random.normal(k6, (N_VOTES,), dtype=jnp.float32)
    overall_mean = jnp.zeros((1,), dtype=jnp.float32)
    return {
        "legs": legs,
        "votes": votes,
        "theta": theta,
        "beta": beta,
        "theta_mean": theta_mean,
        "beta_mean": beta_mean,
        "overall_mean": overall_mean,
    }


def reference(legs, votes, theta, beta, theta_mean, beta_mean, overall_mean):
    # gather embedding rows (SparseCore-friendly gathers)
    theta_rows = jnp.take(theta, legs, axis=0)        # [B, k_dim]
    beta_rows = jnp.take(beta, votes, axis=0)         # [B, k_dim]
    temp_sum = jnp.sum(theta_rows * beta_rows, axis=1)  # [B]
    out = temp_sum + jnp.take(theta_mean, legs, axis=0) + jnp.take(beta_mean, votes, axis=0) + overall_mean
    return out

if __name__ == "__main__":
    import jax
    _d = setup_inputs()
    print(jax.jit(kernel)(*tuple(_d.values())))

</pallas_src>

<mosaic_0001>
#map = affine_map<(d0, d1) -> (0)>
#map1 = affine_map<(d0, d1) -> (0, 0)>
module attributes {stable_mosaic.version = 14 : i64} {
  func.func @_body(%arg0: i32, %arg1: i32, %arg2: memref<16384xi32, #tpu.memory_space<hbm>>, %arg3: memref<16384xi32, #tpu.memory_space<hbm>>, %arg4: memref<12500x128xf32, #tpu.memory_space<hbm>>, %arg5: memref<125000x128xf32, #tpu.memory_space<hbm>>, %arg6: memref<782x128xf32, #tpu.memory_space<hbm>>, %arg7: memref<7813x128xf32, #tpu.memory_space<hbm>>, %arg8: memref<16xf32, #tpu.memory_space<hbm>>, %arg9: memref<16384xf32, #tpu.memory_space<hbm>>, %arg10: memref<512xi32, #tpu.memory_space<vmem>>, %arg11: memref<512xi32, #tpu.memory_space<vmem>>, %arg12: memref<2x64xi32, #tpu.memory_space<vmem>>, %arg13: memref<2x64xi32, #tpu.memory_space<vmem>>, %arg14: memref<2x64xi32, #tpu.memory_space<vmem>>, %arg15: memref<2x64xi32, #tpu.memory_space<vmem>>, %arg16: memref<2x64x128xf32, #tpu.memory_space<vmem>>, %arg17: memref<2x64x128xf32, #tpu.memory_space<vmem>>, %arg18: memref<2x64x128xf32, #tpu.memory_space<vmem>>, %arg19: memref<2x64x128xf32, #tpu.memory_space<vmem>>, %arg20: memref<16xf32, #tpu.memory_space<vmem>>, %arg21: memref<512xf32, #tpu.memory_space<vmem>>, %arg22: memref<!tpu.dma_semaphore, #tpu.memory_space<semaphore_mem>>, %arg23: memref<!tpu.dma_semaphore, #tpu.memory_space<semaphore_mem>>) attributes {dimension_semantics = [#tpu.dimension_semantics<core_parallel>, #tpu.dimension_semantics<subcore_parallel>], iteration_bounds = array<i64: 2, 16>, scalar_prefetch = 0 : i64, scratch_operands = 14 : i64, tpu.core_type = #tpu.core_type<sc_vector_subcore>, window_params = [{transform_indices = #map}, {transform_indices = #map}, {transform_indices = #map1}, {transform_indices = #map1}, {transform_indices = #map1}, {transform_indices = #map1}, {transform_indices = #map}, {transform_indices = #map}]} {
    %mul3A = arith.constant 2 : i32
    %mul3A_0 = arith.muli %arg1, %mul3A : i32
    %add3A = arith.addi %mul3A_0, %arg0 : i32
    %mul3A_1 = arith.constant 512 : i32
    %mul3A_2 = arith.muli %add3A, %mul3A_1 : i32
    "tpu.region"() ({
      %run_scoped3A = tpu.sem_alloc : memref<!tpu.dma_semaphore, #tpu.memory_space<semaphore_mem>>
      %dma_start3A_3102 = tpu.memref_slice %arg2[%mul3A_2] : memref<16384xi32, #tpu.memory_space<hbm>> -> memref<512xi32, #tpu.memory_space<hbm>>
      %dma_start3A_3103 = tpu.memref_slice %arg2[%mul3A_2] : memref<16384xi32, #tpu.memory_space<hbm>> -> memref<512xi32, #tpu.memory_space<hbm>>
      tpu.enqueue_dma source(%dma_start3A_3103 : memref<512xi32, #tpu.memory_space<hbm>>) target(%arg10 : memref<512xi32, #tpu.memory_space<vmem>>) target_semaphore(%run_scoped3A : memref<!tpu.dma_semaphore, #tpu.memory_space<semaphore_mem>>)
      %dma_wait3A_3104 = tpu.memref_slice %arg2[%mul3A_2] : memref<16384xi32, #tpu.memory_space<hbm>> -> memref<512xi32, #tpu.memory_space<hbm>>
      %dma_wait3A_3105 = tpu.memref_slice %arg2[%mul3A_2] : memref<16384xi32, #tpu.memory_space<hbm>> -> memref<512xi32, #tpu.memory_space<hbm>>
      tpu.wait_dma2 semaphore(%run_scoped3A : memref<!tpu.dma_semaphore, #tpu.memory_space<semaphore_mem>>) src(%dma_wait3A_3105 : memref<512xi32, #tpu.memory_space<hbm>>) dst(%arg10 : memref<512xi32, #tpu.memory_space<vmem>>)
      tpu.yield
    }) : () -> ()
    "tpu.region"() ({
      %run_scoped3A = tpu.sem_alloc : memref<!tpu.dma_semaphore, #tpu.memory_space<semaphore_mem>>
      %dma_start3A_3102 = tpu.memref_slice %arg3[%mul3A_2] : memref<16384xi32, #tpu.memory_space<hbm>> -> memref<512xi32, #tpu.memory_space<hbm>>
      %dma_start3A_3103 = tpu.memref_slice %arg3[%mul3A_2] : memref<16384xi32, #tpu.memory_space<hbm>> -> memref<512xi32, #tpu.memory_space<hbm>>
      tpu.enqueue_dma source(%dma_start3A_3103 : memref<512xi32, #tpu.memory_space<hbm>>) target(%arg11 : memref<512xi32, #tpu.memory_space<vmem>>) target_semaphore(%run_scoped3A : memref<!tpu.dma_semaphore, #tpu.memory_space<semaphore_mem>>)
      %dma_wait3A_3104 = tpu.memref_slice %arg3[%mul3A_2] : memref<16384xi32, #tpu.memory_space<hbm>> -> memref<512xi32, #tpu.memory_space<hbm>>
      %dma_wait3A_3105 = tpu.memref_slice %arg3[%mul3A_2] : memref<16384xi32, #tpu.memory_space<hbm>> -> memref<512xi32, #tpu.memory_space<hbm>>
      tpu.wait_dma2 semaphore(%run_scoped3A : memref<!tpu.dma_semaphore, #tpu.memory_space<semaphore_mem>>) src(%dma_wait3A_3105 : memref<512xi32, #tpu.memory_space<hbm>>) dst(%arg11 : memref<512xi32, #tpu.memory_space<vmem>>)
      tpu.yield
    }) : () -> ()
    "tpu.region"() ({
      %run_scoped3A = tpu.sem_alloc : memref<!tpu.dma_semaphore, #tpu.memory_space<semaphore_mem>>
      tpu.enqueue_dma source(%arg8 : memref<16xf32, #tpu.memory_space<hbm>>) target(%arg20 : memref<16xf32, #tpu.memory_space<vmem>>) target_semaphore(%run_scoped3A : memref<!tpu.dma_semaphore, #tpu.memory_space<semaphore_mem>>)
      tpu.wait_dma2 semaphore(%run_scoped3A : memref<!tpu.dma_semaphore, #tpu.memory_space<semaphore_mem>>) src(%arg8 : memref<16xf32, #tpu.memory_space<hbm>>) dst(%arg20 : memref<16xf32, #tpu.memory_space<vmem>>)
      tpu.yield
    }) : () -> ()
    %iota3A = tpu.iota {dimensions = array<i32: 0>} : vector<16xi32>
    %get3A = arith.constant 0 : index
    %get3A_3 = tpu.vector_load %arg20[%get3A] {strides = array<i32>} : memref<16xf32, #tpu.memory_space<vmem>>, vector<16xf32>,
    %get3A_4 = arith.constant 0 : index
    %get3A_5 = tpu.vector_load %arg10[%get3A_4] {strides = array<i32>} : memref<512xi32, #tpu.memory_space<vmem>>, vector<16xi32>,
    %get3A_6 = arith.constant 0 : index
    %get3A_7 = tpu.vector_load %arg11[%get3A_6] {strides = array<i32>} : memref<512xi32, #tpu.memory_space<vmem>>, vector<16xi32>,
    %shift_right_logical3A = arith.constant 3 : i32
    %shift_right_logical3A_8 = vector.broadcast %shift_right_logical3A : i32 to vector<16xi32>
    %shift_right_logical3A_9 = arith.shrui %get3A_5, %shift_right_logical3A_8 : vector<16xi32>
    %swap3A = arith.constant 0 : i32
    %swap3A_10 = arith.index_cast %swap3A : i32 to index
    %swap3A_11 = arith.constant 0 : index
    %swap3A_12 = tpu.vector_load %arg12[%swap3A_10, %swap3A_11] {strides = array<i32>} : memref<2x64xi32, #tpu.memory_space<vmem>>, vector<16xi32>,
    tpu.vector_store %arg12[%swap3A_10, %swap3A_11], %shift_right_logical3A_9 {strides = array<i32>} : memref<2x64xi32, #tpu.memory_space<vmem>>, vector<16xi32>,
    %shift_right_logical3A_13 = arith.constant 3 : i32
    %shift_right_logical3A_14 = vector.broadcast %shift_right_logical3A_13 : i32 to vector<16xi32>
    %shift_right_logical3A_15 = arith.shrui %get3A_7, %shift_right_logical3A_14 : vector<16xi32>
    %swap3A_16 = arith.constant 0 : i32
    %swap3A_17 = arith.index_cast %swap3A_16 : i32 to index
    %swap3A_18 = arith.constant 0 : index
    %swap3A_19 = tpu.vector_load %arg13[%swap3A_17, %swap3A_18] {strides = array<i32>} : memref<2x64xi32, #tpu.memory_space<vmem>>, vector<16xi32>,
    tpu.vector_store %arg13[%swap3A_17, %swap3A_18], %shift_right_logical3A_15 {strides = array<i32>} : memref<2x64xi32, #tpu.memory_space<vmem>>, vector<16xi32>,
    %shift_right_logical3A_20 = arith.constant 7 : i32
    %shift_right_logical3A_21 = vector.broadcast %shift_right_logical3A_20 : i32 to vector<16xi32>
    %shift_right_logical3A_22 = arith.shrui %get3A_5, %shift_right_logical3A_21 : vector<16xi32>
    %swap3A_23 = arith.constant 0 : i32
    %swap3A_24 = arith.index_cast %swap3A_23 : i32 to index
    %swap3A_25 = arith.constant 0 : index
    %swap3A_26 = tpu.vector_load %arg14[%swap3A_24, %swap3A_25] {strides = array<i32>} : memref<2x64xi32, #tpu.memory_space<vmem>>, vector<16xi32>,
    tpu.vector_store %arg14[%swap3A_24, %swap3A_25], %shift_right_logical3A_22 {strides = array<i32>} : memref<2x64xi32, #tpu.memory_space<vmem>>, vector<16xi32>,
    %shift_right_logical3A_27 = arith.constant 7 : i32
    %shift_right_logical3A_28 = vector.broadcast %shift_right_logical3A_27 : i32 to vector<16xi32>
    %shift_right_logical3A_29 = arith.shrui %get3A_7, %shift_right_logical3A_28 : vector<16xi32>
    %swap3A_30 = arith.constant 0 : i32
    %swap3A_31 = arith.index_cast %swap3A_30 : i32 to index
    %swap3A_32 = arith.constant 0 : index
    %swap3A_33 = tpu.vector_load %arg15[%swap3A_31, %swap3A_32] {strides = array<i32>} : memref<2x64xi32, #tpu.memory_space<vmem>>, vector<16xi32>,
    tpu.vector_store %arg15[%swap3A_31, %swap3A_32], %shift_right_logical3A_29 {strides = array<i32>} : memref<2x64xi32, #tpu.memory_space<vmem>>, vector<16xi32>,
    %get3A_34 = arith.constant 16 : index
    %get3A_35 = tpu.vector_load %arg10[%get3A_34] {strides = array<i32>} : memref<512xi32, #tpu.memory_space<vmem>>, vector<16xi32>,
    %get3A_36 = arith.constant 16 : index
    %get3A_37 = tpu.vector_load %arg11[%get3A_36] {strides = array<i32>} : memref<512xi32, #tpu.memory_space<vmem>>, vector<16xi32>,
    %shift_right_logical3A_38 = arith.constant 3 : i32
    %shift_right_logical3A_39 = vector.broadcast %shift_right_logical3A_38 : i32 to vector<16xi32>
    %shift_right_logical3A_40 = arith.shrui %get3A_35, %shift_right_logical3A_39 : vector<16xi32>
    %swap3A_41 = arith.constant 0 : i32
    %swap3A_42 = arith.index_cast %swap3A_41 : i32 to index
    %swap3A_43 = arith.constant 16 : index
    %swap3A_44 = tpu.vector_load %arg12[%swap3A_42, %swap3A_43] {strides = array<i32>} : memref<2x64xi32, #tpu.memory_space<vmem>>, vector<16xi32>,
    tpu.vector_store %arg12[%swap3A_42, %swap3A_43], %shift_right_logical3A_40 {strides = array<i32>} : memref<2x64xi32, #tpu.memory_space<vmem>>, vector<16xi32>,
    %shift_right_logical3A_45 = arith.constant 3 : i32
    %shift_right_logical3A_46 = vector.broadcast %shift_right_logical3A_45 : i32 to vector<16xi32>
    %shift_right_logical3A_47 = arith.shrui %get3A_37, %shift_right_logical3A_46 : vector<16xi32>
    %swap3A_48 = arith.constant 0 : i32
    %swap3A_49 = arith.index_cast %swap3A_48 : i32 to index
    %swap3A_50 = arith.constant 16 : index
    %swap3A_51 = tpu.vector_load %arg13[%swap3A_49, %swap3A_50] {strides = array<i32>} : memref<2x64xi32, #tpu.memory_space<vmem>>, vector<16xi32>,
    tpu.vector_store %arg13[%swap3A_49, %swap3A_50], %shift_right_logical3A_47 {strides = array<i32>} : memref<2x64xi32, #tpu.memory_space<vmem>>, vector<16xi32>,
    %shift_right_logical3A_52 = arith.constant 7 : i32
    %shift_right_logical3A_53 = vector.broadcast %shift_right_logical3A_52 : i32 to vector<16xi32>
    %shift_right_logical3A_54 = arith.shrui %get3A_35, %shift_right_logical3A_53 : vector<16xi32>
    %swap3A_55 = arith.constant 0 : i32
    %swap3A_56 = arith.index_cast %swap3A_55 : i32 to index
    %swap3A_57 = arith.constant 16 : index
    %swap3A_58 = tpu.vector_load %arg14[%swap3A_56, %swap3A_57] {strides = array<i32>} : memref<2x64xi32, #tpu.memory_space<vmem>>, vector<16xi32>,
    tpu.vector_store %arg14[%swap3A_56, %swap3A_57], %shift_right_logical3A_54 {strides = array<i32>} : memref<2x64xi32, #tpu.memory_space<vmem>>, vector<16xi32>,
    %shift_right_logical3A_59 = arith.constant 7 : i32
    %shift_right_logical3A_60 = vector.broadcast %shift_right_logical3A_59 : i32 to vector<16xi32>
    %shift_right_logical3A_61 = arith.shrui %get3A_37, %shift_right_logical3A_60 : vector<16xi32>
    %swap3A_62 = arith.constant 0 : i32
    %swap3A_63 = arith.index_cast %swap3A_62 : i32 to index
    %swap3A_64 = arith.constant 16 : index
    %swap3A_65 = tpu.vector_load %arg15[%swap3A_63, %swap3A_64] {strides = array<i32>} : memref<2x64xi32, #tpu.memory_space<vmem>>, vector<16xi32>,
    tpu.vector_store %arg15[%swap3A_63, %swap3A_64], %shift_right_logical3A_61 {strides = array<i32>} : memref<2x64xi32, #tpu.memory_space<vmem>>, vector<16xi32>,
    %get3A_66 = arith.constant 32 : index
    %get3A_67 = tpu.vector_load %arg10[%get3A_66] {strides = array<i32>} : memref<512xi32, #tpu.memory_space<vmem>>, vector<16xi32>,
    %get3A_68 = arith.constant 32 : index
    %get3A_69 = tpu.vector_load %arg11[%get3A_68] {strides = array<i32>} : memref<512xi32, #tpu.memory_space<vmem>>, vector<16xi32>,
    %shift_right_logical3A_70 = arith.constant 3 : i32
    %shift_right_logical3A_71 = vector.broadcast %shift_right_logical3A_70 : i32 to vector<16xi32>
    %shift_right_logical3A_72 = arith.shrui %get3A_67, %shift_right_logical3A_71 : vector<16xi32>
    %swap3A_73 = arith.constant 0 : i32
    %swap3A_74 = arith.index_cast %swap3A_73 : i32 to index
    %swap3A_75 = arith.constant 32 : index
    %swap3A_76 = tpu.vector_load %arg12[%swap3A_74, %swap3A_75] {strides = array<i32>} : memref<2x64xi32, #tpu.memory_space<vmem>>, vector<16xi32>,
    tpu.vector_store %arg12[%swap3A_74, %swap3A_75], %shift_right_logical3A_72 {strides = array<i32>} : memref<2x64xi32, #tpu.memory_space<vmem>>, vector<16xi32>,
    %shift_right_logical3A_77 = arith.constant 3 : i32
    %shift_right_logical3A_78 = vector.broadcast %shift_right_logical3A_77 : i32 to vector<16xi32>
    %shift_right_logical3A_79 = arith.shrui %get3A_69, %shift_right_logical3A_78 : vector<16xi32>
    %swap3A_80 = arith.constant 0 : i32
    %swap3A_81 = arith.index_cast %swap3A_80 : i32 to index
    %swap3A_82 = arith.constant 32 : index
    %swap3A_83 = tpu.vector_load %arg13[%swap3A_81, %swap3A_82] {strides = array<i32>} : memref<2x64xi32, #tpu.memory_space<vmem>>, vector<16xi32>,
    tpu.vector_store %arg13[%swap3A_81, %swap3A_82], %shift_right_logical3A_79 {strides = array<i32>} : memref<2x64xi32, #tpu.memory_space<vmem>>, vector<16xi32>,
    %shift_right_logical3A_84 = arith.constant 7 : i32
    %shift_right_logical3A_85 = vector.broadcast %shift_right_logical3A_84 : i32 to vector<16xi32>
    %shift_right_logical3A_86 = arith.shrui %get3A_67, %shift_right_logical3A_85 : vector<16xi32>
    %swap3A_87 = arith.constant 0 : i32
    %swap3A_88 = arith.index_cast %swap3A_87 : i32 to index
    %swap3A_89 = arith.constant 32 : index
    %swap3A_90 = tpu.vector_load %arg14[%swap3A_88, %swap3A_89] {strides = array<i32>} : memref<2x64xi32, #tpu.memory_space<vmem>>, vector<16xi32>,
    tpu.vector_store %arg14[%swap3A_88, %swap3A_89], %shift_right_logical3A_86 {strides = array<i32>} : memref<2x64xi32, #tpu.memory_space<vmem>>, vector<16xi32>,
    %shift_right_logical3A_91 = arith.constant 7 : i32
    %shift_right_logical3A_92 = vector.broadcast %shift_right_logical3A_91 : i32 to vector<16xi32>
    %shift_right_logical3A_93 = arith.shrui %get3A_69, %shift_right_logical3A_92 : vector<16xi32>
    %swap3A_94 = arith.constant 0 : i32
    %swap3A_95 = arith.index_cast %swap3A_94 : i32 to index
    %swap3A_96 = arith.constant 32 : index
    %swap3A_97 = tpu.vector_load %arg15[%swap3A_95, %swap3A_96] {strides = array<i32>} : memref<2x64xi32, #tpu.memory_space<vmem>>, vector<16xi32>,
    tpu.vector_store %arg15[%swap3A_95, %swap3A_96], %shift_right_logical3A_93 {strides = array<i32>} : memref<2x64xi32, #tpu.memory_space<vmem>>, vector<16xi32>,
    %get3A_98 = arith.constant 48 : index
    %get3A_99 = tpu.vector_load %arg10[%get3A_98] {strides = array<i32>} : memref<512xi32, #tpu.memory_space<vmem>>, vector<16xi32>,
    %get3A_100 = arith.constant 48 : index
    %get3A_101 = tpu.vector_load %arg11[%get3A_100] {strides = array<i32>} : memref<512xi32, #tpu.memory_space<vmem>>, vector<16xi32>,
    %shift_right_logical3A_102 = arith.constant 3 : i32
    %shift_right_logical3A_103 = vector.broadcast %shift_right_logical3A_102 : i32 to vector<16xi32>
    %shift_right_logical3A_104 = arith.shrui %get3A_99, %shift_right_logical3A_103 : vector<16xi32>
    %swap3A_105 = arith.constant 0 : i32
    %swap3A_106 = arith.index_cast %swap3A_105 : i32 to index
    %swap3A_107 = arith.constant 48 : index
    %swap3A_108 = tpu.vector_load %arg12[%swap3A_106, %swap3A_107] {strides = array<i32>} : memref<2x64xi32, #tpu.memory_space<vmem>>, vector<16xi32>,
    tpu.vector_store %arg12[%swap3A_106, %swap3A_107], %shift_right_logical3A_104 {strides = array<i32>} : memref<2x64xi32, #tpu.memory_space<vmem>>, vector<16xi32>,
    %shift_right_logical3A_109 = arith.constant 3 : i32
    %shift_right_logical3A_110 = vector.broadcast %shift_right_logical3A_109 : i32 to vector<16xi32>
    %shift_right_logical3A_111 = arith.shrui %get3A_101, %shift_right_logical3A_110 : vector<16xi32>
    %swap3A_112 = arith.constant 0 : i32
    %swap3A_113 = arith.index_cast %swap3A_112 : i32 to index
    %swap3A_114 = arith.constant 48 : index
    %swap3A_115 = tpu.vector_load %arg13[%swap3A_113, %swap3A_114] {strides = array<i32>} : memref<2x64xi32, #tpu.memory_space<vmem>>, vector<16xi32>,
    tpu.vector_store %arg13[%swap3A_113, %swap3A_114], %shift_right_logical3A_111 {strides = array<i32>} : memref<2x64xi32, #tpu.memory_space<vmem>>, vector<16xi32>,
    %shift_right_logical3A_116 = arith.constant 7 : i32
    %shift_right_logical3A_117 = vector.broadcast %shift_right_logical3A_116 : i32 to vector<16xi32>
    %shift_right_logical3A_118 = arith.shrui %get3A_99, %shift_right_logical3A_117 : vector<16xi32>
    %swap3A_119 = arith.constant 0 : i32
    %swap3A_120 = arith.index_cast %swap3A_119 : i32 to index
    %swap3A_121 = arith.constant 48 : index
    %swap3A_122 = tpu.vector_load %arg14[%swap3A_120, %swap3A_121] {strides = array<i32>} : memref<2x64xi32, #tpu.memory_space<vmem>>, vector<16xi32>,
    tpu.vector_store %arg14[%swap3A_120, %swap3A_121], %shift_right_logical3A_118 {strides = array<i32>} : memref<2x64xi32, #tpu.memory_space<vmem>>, vector<16xi32>,
    %shift_right_logical3A_123 = arith.constant 7 : i32
    %shift_right_logical3A_124 = vector.broadcast %shift_right_logical3A_123 : i32 to vector<16xi32>
    %shift_right_logical3A_125 = arith.shrui %get3A_101, %shift_right_logical3A_124 : vector<16xi32>
    %swap3A_126 = arith.constant 0 : i32
    %swap3A_127 = arith.index_cast %swap3A_126 : i32 to index
    %swap3A_128 = arith.constant 48 : index
    %swap3A_129 = tpu.vector_load %arg15[%swap3A_127, %swap3A_128] {strides = array<i32>} : memref<2x64xi32, #tpu.memory_space<vmem>>, vector<16xi32>,
    tpu.vector_store %arg15[%swap3A_127, %swap3A_128], %shift_right_logical3A_125 {strides = array<i32>} : memref<2x64xi32, #tpu.memory_space<vmem>>, vector<16xi32>,
    %dma_start3A = arith.constant 0 : i32
    %dma_start3A_130 = arith.constant 0 : i32
    %dma_start3A_131 = arith.constant 0 : i32
    %dma_start3A_132 = arith.constant 0 : i32
    %dma_start3A_133 = tpu.memref_slice %arg16[%dma_start3A_130, %dma_start3A_131, %dma_start3A_132] : memref<2x64x128xf32, #tpu.memory_space<vmem>> -> memref<1x64x128xf32, #tpu.memory_space<vmem>>
    %dma_start3A_134 = tpu.memref_squeeze %dma_start3A_133 : memref<1x64x128xf32, #tpu.memory_space<vmem>> -> memref<64x128xf32, #tpu.memory_space<vmem>>
    %dma_start3A_135 = arith.constant 0 : i32
    %dma_start3A_136 = tpu.memref_slice %arg12[%dma_start3A, %dma_start3A_135] : memref<2x64xi32, #tpu.memory_space<vmem>> -> memref<1x64xi32, #tpu.memory_space<vmem>>
    %dma_start3A_137 = tpu.memref_squeeze %dma_start3A_136 : memref<1x64xi32, #tpu.memory_space<vmem>> -> memref<64xi32, #tpu.memory_space<vmem>>
    %dma_start3A_138 = arith.constant 0 : i32
    %dma_start3A_139 = arith.constant 0 : i32
    %dma_start3A_140 = tpu.memref_slice %arg4[%dma_start3A_138, %dma_start3A_139] : memref<12500x128xf32, #tpu.memory_space<hbm>> -> memref<12500x128xf32, #tpu.memory_space<hbm>>
    tpu.enqueue_indirect_dma source(%dma_start3A_140 : memref<12500x128xf32, #tpu.memory_space<hbm>>) target(%dma_start3A_134 : memref<64x128xf32, #tpu.memory_space<vmem>>) offsets(%dma_start3A_137 : memref<64xi32, #tpu.memory_space<vmem>>) semaphore(%arg22 : memref<!tpu.dma_semaphore, #tpu.memory_space<semaphore_mem>>)
    %dma_start3A_141 = arith.constant 0 : i32
    %dma_start3A_142 = arith.constant 0 : i32
    %dma_start3A_143 = arith.constant 0 : i32
    %dma_start3A_144 = arith.constant 0 : i32
    %dma_start3A_145 = tpu.memref_slice %arg17[%dma_start3A_142, %dma_start3A_143, %dma_start3A_144] : memref<2x64x128xf32, #tpu.memory_space<vmem>> -> memref<1x64x128xf32, #tpu.memory_space<vmem>>
    %dma_start3A_146 = tpu.memref_squeeze %dma_start3A_145 : memref<1x64x128xf32, #tpu.memory_space<vmem>> -> memref<64x128xf32, #tpu.memory_space<vmem>>
    %dma_start3A_147 = arith.constant 0 : i32
    %dma_start3A_148 = tpu.memref_slice %arg13[%dma_start3A_141, %dma_start3A_147] : memref<2x64xi32, #tpu.memory_space<vmem>> -> memref<1x64xi32, #tpu.memory_space<vmem>>
    %dma_start3A_149 = tpu.memref_squeeze %dma_start3A_148 : memref<1x64xi32, #tpu.memory_space<vmem>> -> memref<64xi32, #tpu.memory_space<vmem>>
    %dma_start3A_150 = arith.constant 0 : i32
    %dma_start3A_151 = arith.constant 0 : i32
    %dma_start3A_152 = tpu.memref_slice %arg5[%dma_start3A_150, %dma_start3A_151] : memref<125000x128xf32, #tpu.memory_space<hbm>> -> memref<125000x128xf32, #tpu.memory_space<hbm>>
    tpu.enqueue_indirect_dma source(%dma_start3A_152 : memref<125000x128xf32, #tpu.memory_space<hbm>>) target(%dma_start3A_146 : memref<64x128xf32, #tpu.memory_space<vmem>>) offsets(%dma_start3A_149 : memref<64xi32, #tpu.memory_space<vmem>>) semaphore(%arg22 : memref<!tpu.dma_semaphore, #tpu.memory_space<semaphore_mem>>)
    %dma_start3A_153 = arith.constant 0 : i32
    %dma_start3A_154 = arith.constant 0 : i32
    %dma_start3A_155 = arith.constant 0 : i32
    %dma_start3A_156 = arith.constant 0 : i32
    %dma_start3A_157 = tpu.memref_slice %arg18[%dma_start3A_154, %dma_start3A_155, %dma_start3A_156] : memref<2x64x128xf32, #tpu.memory_space<vmem>> -> memref<1x64x128xf32, #tpu.memory_space<vmem>>
    %dma_start3A_158 = tpu.memref_squeeze %dma_start3A_157 : memref<1x64x128xf32, #tpu.memory_space<vmem>> -> memref<64x128xf32, #tpu.memory_space<vmem>>
    %dma_start3A_159 = arith.constant 0 : i32
    %dma_start3A_160 = tpu.memref_slice %arg14[%dma_start3A_153, %dma_start3A_159] : memref<2x64xi32, #tpu.memory_space<vmem>> -> memref<1x64xi32, #tpu.memory_space<vmem>>
    %dma_start3A_161 = tpu.memref_squeeze %dma_start3A_160 : memref<1x64xi32, #tpu.memory_space<vmem>> -> memref<64xi32, #tpu.memory_space<vmem>>
    %dma_start3A_162 = arith.constant 0 : i32
    %dma_start3A_163 = arith.constant 0 : i32
    %dma_start3A_164 = tpu.memref_slice %arg6[%dma_start3A_162, %dma_start3A_163] : memref<782x128xf32, #tpu.memory_space<hbm>> -> memref<782x128xf32, #tpu.memory_space<hbm>>
    tpu.enqueue_indirect_dma source(%dma_start3A_164 : memref<782x128xf32, #tpu.memory_space<hbm>>) target(%dma_start3A_158 : memref<64x128xf32, #tpu.memory_space<vmem>>) offsets(%dma_start3A_161 : memref<64xi32, #tpu.memory_space<vmem>>) semaphore(%arg22 : memref<!tpu.dma_semaphore, #tpu.memory_space<semaphore_mem>>)
    %dma_start3A_165 = arith.constant 0 : i32
    %dma_start3A_166 = arith.constant 0 : i32
    %dma_start3A_167 = arith.constant 0 : i32
    %dma_start3A_168 = arith.constant 0 : i32
    %dma_start3A_169 = tpu.memref_slice %arg19[%dma_start3A_166, %dma_start3A_167, %dma_start3A_168] : memref<2x64x128xf32, #tpu.memory_space<vmem>> -> memref<1x64x128xf32, #tpu.memory_space<vmem>>
    %dma_start3A_170 = tpu.memref_squeeze %dma_start3A_169 : memref<1x64x128xf32, #tpu.memory_space<vmem>> -> memref<64x128xf32, #tpu.memory_space<vmem>>
    %dma_start3A_171 = arith.constant 0 : i32
    %dma_start3A_172 = tpu.memref_slice %arg15[%dma_start3A_165, %dma_start3A_171] : memref<2x64xi32, #tpu.memory_space<vmem>> -> memref<1x64xi32, #tpu.memory_space<vmem>>
    %dma_start3A_173 = tpu.memref_squeeze %dma_start3A_172 : memref<1x64xi32, #tpu.memory_space<vmem>> -> memref<64xi32, #tpu.memory_space<vmem>>
    %dma_start3A_174 = arith.constant 0 : i32
    %dma_start3A_175 = arith.constant 0 : i32
    %dma_start3A_176 = tpu.memref_slice %arg7[%dma_start3A_174, %dma_start3A_175] : memref<7813x128xf32, #tpu.memory_space<hbm>> -> memref<7813x128xf32, #tpu.memory_space<hbm>>
    tpu.enqueue_indirect_dma source(%dma_start3A_176 : memref<7813x128xf32, #tpu.memory_space<hbm>>) target(%dma_start3A_170 : memref<64x128xf32, #tpu.memory_space<vmem>>) offsets(%dma_start3A_173 : memref<64xi32, #tpu.memory_space<vmem>>) semaphore(%arg22 : memref<!tpu.dma_semaphore, #tpu.memory_space<semaphore_mem>>)
    %get3A_177 = arith.constant 64 : index
    %get3A_178 = tpu.vector_load %arg10[%get3A_177] {strides = array<i32>} : memref<512xi32, #tpu.memory_space<vmem>>, vector<16xi32>,
    %get3A_179 = arith.constant 64 : index
    %get3A_180 = tpu.vector_load %arg11[%get3A_179] {strides = array<i32>} : memref<512xi32, #tpu.memory_space<vmem>>, vector<16xi32>,
    %shift_right_logical3A_181 = arith.constant 3 : i32
    %shift_right_logical3A_182 = vector.broadcast %shift_right_logical3A_181 : i32 to vector<16xi32>
    %shift_right_logical3A_183 = arith.shrui %get3A_178, %shift_right_logical3A_182 : vector<16xi32>
    %swap3A_184 = arith.constant 1 : i32
    %swap3A_185 = arith.index_cast %swap3A_184 : i32 to index
    %swap3A_186 = arith.constant 0 : index
    %swap3A_187 = tpu.vector_load %arg12[%swap3A_185, %swap3A_186] {strides = array<i32>} : memref<2x64xi32, #tpu.memory_space<vmem>>, vector<16xi32>,
    tpu.vector_store %arg12[%swap3A_185, %swap3A_186], %shift_right_logical3A_183 {strides = array<i32>} : memref<2x64xi32, #tpu.memory_space<vmem>>, vector<16xi32>,
    %shift_right_logical3A_188 = arith.constant 3 : i32
    %shift_right_logical3A_189 = vector.broadcast %shift_right_logical3A_188 : i32 to vector<16xi32>
    %shift_right_logical3A_190 = arith.shrui %get3A_180, %shift_right_logical3A_189 : vector<16xi32>
    %swap3A_191 = arith.constant 1 : i32
    %swap3A_192 = arith.index_cast %swap3A_191 : i32 to index
    %swap3A_193 = arith.constant 0 : index
    %swap3A_194 = tpu.vector_load %arg13[%swap3A_192, %swap3A_193] {strides = array<i32>} : memref<2x64xi32, #tpu.memory_space<vmem>>, vector<16xi32>,
    tpu.vector_store %arg13[%swap3A_192, %swap3A_193], %shift_right_logical3A_190 {strides = array<i32>} : memref<2x64xi32, #tpu.memory_space<vmem>>, vector<16xi32>,
    %shift_right_logical3A_195 = arith.constant 7 : i32
    %shift_right_logical3A_196 = vector.broadcast %shift_right_logical3A_195 : i32 to vector<16xi32>
    %shift_right_logical3A_197 = arith.shrui %get3A_178, %shift_right_logical3A_196 : vector<16xi32>
    %swap3A_198 = arith.constant 1 : i32
    %swap3A_199 = arith.index_cast %swap3A_198 : i32 to index
    %swap3A_200 = arith.constant 0 : index
    %swap3A_201 = tpu.vector_load %arg14[%swap3A_199, %swap3A_200] {strides = array<i32>} : memref<2x64xi32, #tpu.memory_space<vmem>>, vector<16xi32>,
    tpu.vector_store %arg14[%swap3A_199, %swap3A_200], %shift_right_logical3A_197 {strides = array<i32>} : memref<2x64xi32, #tpu.memory_space<vmem>>, vector<16xi32>,
    %shift_right_logical3A_202 = arith.constant 7 : i32
    %shift_right_logical3A_203 = vector.broadcast %shift_right_logical3A_202 : i32 to vector<16xi32>
    %shift_right_logical3A_204 = arith.shrui %get3A_180, %shift_right_logical3A_203 : vector<16xi32>
    %swap3A_205 = arith.constant 1 : i32
    %swap3A_206 = arith.index_cast %swap3A_205 : i32 to index
    %swap3A_207 = arith.constant 0 : index
    %swap3A_208 = tpu.vector_load %arg15[%swap3A_206, %swap3A_207] {strides = array<i32>} : memref<2x64xi32, #tpu.memory_space<vmem>>, vector<16xi32>,
    tpu.vector_store %arg15[%swap3A_206, %swap3A_207], %shift_right_logical3A_204 {strides = array<i32>} : memref<2x64xi32, #tpu.memory_space<vmem>>, vector<16xi32>,
    %get3A_209 = arith.constant 80 : index
    %get3A_210 = tpu.vector_load %arg10[%get3A_209] {strides = array<i32>} : memref<512xi32, #tpu.memory_space<vmem>>, vector<16xi32>,
    %get3A_211 = arith.constant 80 : index
    %get3A_212 = tpu.vector_load %arg11[%get3A_211] {strides = array<i32>} : memref<512xi32, #tpu.memory_space<vmem>>, vector<16xi32>,
    %shift_right_logical3A_213 = arith.constant 3 : i32
    %shift_right_logical3A_214 = vector.broadcast %shift_right_logical3A_213 : i32 to vector<16xi32>
    %shift_right_logical3A_215 = arith.shrui %get3A_210, %shift_right_logical3A_214 : vector<16xi32>
    %swap3A_216 = arith.constant 1 : i32
    %swap3A_217 = arith.index_cast %swap3A_216 : i32 to index
    %swap3A_218 = arith.constant 16 : index
    %swap3A_219 = tpu.vector_load %arg12[%swap3A_217, %swap3A_218] {strides = array<i32>} : memref<2x64xi32, #tpu.memory_space<vmem>>, vector<16xi32>,
    tpu.vector_store %arg12[%swap3A_217, %swap3A_218], %shift_right_logical3A_215 {strides = array<i32>} : memref<2x64xi32, #tpu.memory_space<vmem>>, vector<16xi32>,
    %shift_right_logical3A_220 = arith.constant 3 : i32
    %shift_right_logical3A_221 = vector.broadcast %shift_right_logical3A_220 : i32 to vector<16xi32>
    %shift_right_logical3A_222 = arith.shrui %get3A_212, %shift_right_logical3A_221 : vector<16xi32>
    %swap3A_223 = arith.constant 1 : i32
    %swap3A_224 = arith.index_cast %swap3A_223 : i32 to index
    %swap3A_225 = arith.constant 16 : index
    %swap3A_226 = tpu.vector_load %arg13[%swap3A_224, %swap3A_225] {strides = array<i32>} : memref<2x64xi32, #tpu.memory_space<vmem>>, vector<16xi32>,
    tpu.vector_store %arg13[%swap3A_224, %swap3A_225], %shift_right_logical3A_222 {strides = array<i32>} : memref<2x64xi32, #tpu.memory_space<vmem>>, vector<16xi32>,
    %shift_right_logical3A_227 = arith.constant 7 : i32
    %shift_right_logical3A_228 = vector.broadcast %shift_right_logical3A_227 : i32 to vector<16xi32>
    %shift_right_logical3A_229 = arith.shrui %get3A_210, %shift_right_logical3A_228 : vector<16xi32>
    %swap3A_230 = arith.constant 1 : i32
    %swap3A_231 = arith.index_cast %swap3A_230 : i32 to index
    %swap3A_232 = arith.constant 16 : index
    %swap3A_233 = tpu.vector_load %arg14[%swap3A_231, %swap3A_232] {strides = array<i32>} : memref<2x64xi32, #tpu.memory_space<vmem>>, vector<16xi32>,
    tpu.vector_store %arg14[%swap3A_231, %swap3A_232], %shift_right_logical3A_229 {strides = array<i32>} : memref<2x64xi32, #tpu.memory_space<vmem>>, vector<16xi32>,
    %shift_right_logical3A_234 = arith.constant 7 : i32
    %shift_right_logical3A_235 = vector.broadcast %shift_right_logical3A_234 : i32 to vector<16xi32>
    %shift_right_logical3A_236 = arith.shrui %get3A_212, %shift_right_logical3A_235 : vector<16xi32>
    %swap3A_237 = arith.constant 1 : i32
    %swap3A_238 = arith.index_cast %swap3A_237 : i32 to index
    %swap3A_239 = arith.constant 16 : index
    %swap3A_240 = tpu.vector_load %arg15[%swap3A_238, %swap3A_239] {strides = array<i32>} : memref<2x64xi32, #tpu.memory_space<vmem>>, vector<16xi32>,
    tpu.vector_store %arg15[%swap3A_238, %swap3A_239], %shift_right_logical3A_236 {strides = array<i32>} : memref<2x64xi32, #tpu.memory_space<vmem>>, vector<16xi32>,
    %get3A_241 = arith.constant 96 : index
    %get3A_242 = tpu.vector_load %arg10[%get3A_241] {strides = array<i32>} : memref<512xi32, #tpu.memory_space<vmem>>, vector<16xi32>,
    %get3A_243 = arith.constant 96 : index
    %get3A_244 = tpu.vector_load %arg11[%get3A_243] {strides = array<i32>} : memref<512xi32, #tpu.memory_space<vmem>>, vector<16xi32>,
    %shift_right_logical3A_245 = arith.constant 3 : i32
    %shift_right_logical3A_246 = vector.broadcast %shift_right_logical3A_245 : i32 to vector<16xi32>
    %shift_right_logical3A_247 = arith.shrui %get3A_242, %shift_right_logical3A_246 : vector<16xi32>
    %swap3A_248 = arith.constant 1 : i32
    %swap3A_249 = arith.index_cast %swap3A_248 : i32 to index
    %swap3A_250 = arith.constant 32 : index
    %swap3A_251 = tpu.vector_load %arg12[%swap3A_249, %swap3A_250] {strides = array<i32>} : memref<2x64xi32, #tpu.memory_space<vmem>>, vector<16xi32>,
    tpu.vector_store %arg12[%swap3A_249, %swap3A_250], %shift_right_logical3A_247 {strides = array<i32>} : memref<2x64xi32, #tpu.memory_space<vmem>>, vector<16xi32>,
    %shift_right_logical3A_252 = arith.constant 3 : i32
    %shift_right_logical3A_253 = vector.broadcast %shift_right_logical3A_252 : i32 to vector<16xi32>
    %shift_right_logical3A_254 = arith.shrui %get3A_244, %shift_right_logical3A_253 : vector<16xi32>
    %swap3A_255 = arith.constant 1 : i32
    %swap3A_256 = arith.index_cast %swap3A_255 : i32 to index
    %swap3A_257 = arith.constant 32 : index
    %swap3A_258 = tpu.vector_load %arg13[%swap3A_256, %swap3A_257] {strides = array<i32>} : memref<2x64xi32, #tpu.memory_space<vmem>>, vector<16xi32>,
    tpu.vector_store %arg13[%swap3A_256, %swap3A_257], %shift_right_logical3A_254 {strides = array<i32>} : memref<2x64xi32, #tpu.memory_space<vmem>>, vector<16xi32>,
    %shift_right_logical3A_259 = arith.constant 7 : i32
    %shift_right_logical3A_260 = vector.broadcast %shift_right_logical3A_259 : i32 to vector<16xi32>
    %shift_right_logical3A_261 = arith.shrui %get3A_242, %shift_right_logical3A_260 : vector<16xi32>
    %swap3A_262 = arith.constant 1 : i32
    %swap3A_263 = arith.index_cast %swap3A_262 : i32 to index
    %swap3A_264 = arith.constant 32 : index
    %swap3A_265 = tpu.vector_load %arg14[%swap3A_263, %swap3A_264] {strides = array<i32>} : memref<2x64xi32, #tpu.memory_space<vmem>>, vector<16xi32>,
    tpu.vector_store %arg14[%swap3A_263, %swap3A_264], %shift_right_logical3A_261 {strides = array<i32>} : memref<2x64xi32, #tpu.memory_space<vmem>>, vector<16xi32>,
    %shift_right_logical3A_266 = arith.constant 7 : i32
    %shift_right_logical3A_267 = vector.broadcast %shift_right_logical3A_266 : i32 to vector<16xi32>
    %shift_right_logical3A_268 = arith.shrui %get3A_244, %shift_right_logical3A_267 : vector<16xi32>
    %swap3A_269 = arith.constant 1 : i32
    %swap3A_270 = arith.index_cast %swap3A_269 : i32 to index
    %swap3A_271 = arith.constant 32 : index
    %swap3A_272 = tpu.vector_load %arg15[%swap3A_270, %swap3A_271] {strides = array<i32>} : memref<2x64xi32, #tpu.memory_space<vmem>>, vector<16xi32>,
    tpu.vector_store %arg15[%swap3A_270, %swap3A_271], %shift_right_logical3A_268 {strides = array<i32>} : memref<2x64xi32, #tpu.memory_space<vmem>>, vector<16xi32>,
    %get3A_273 = arith.constant 112 : index
    %get3A_274 = tpu.vector_load %arg10[%get3A_273] {strides = array<i32>} : memref<512xi32, #tpu.memory_space<vmem>>, vector<16xi32>,
    %get3A_275 = arith.constant 112 : index
    %get3A_276 = tpu.vector_load %arg11[%get3A_275] {strides = array<i32>} : memref<512xi32, #tpu.memory_space<vmem>>, vector<16xi32>,
    %shift_right_logical3A_277 = arith.constant 3 : i32
    %shift_right_logical3A_278 = vector.broadcast %shift_right_logical3A_277 : i32 to vector<16xi32>
    %shift_right_logical3A_279 = arith.shrui %get3A_274, %shift_right_logical3A_278 : vector<16xi32>
    %swap3A_280 = arith.constant 1 : i32
    %swap3A_281 = arith.index_cast %swap3A_280 : i32 to index
    %swap3A_282 = arith.constant 48 : index
    %swap3A_283 = tpu.vector_load %arg12[%swap3A_281, %swap3A_282] {strides = array<i32>} : memref<2x64xi32, #tpu.memory_space<vmem>>, vector<16xi32>,
    tpu.vector_store %arg12[%swap3A_281, %swap3A_282], %shift_right_logical3A_279 {strides = array<i32>} : memref<2x64xi32, #tpu.memory_space<vmem>>, vector<16xi32>,
    %shift_right_logical3A_284 = arith.constant 3 : i32
    %shift_right_logical3A_285 = vector.broadcast %shift_right_logical3A_284 : i32 to vector<16xi32>
    %shift_right_logical3A_286 = arith.shrui %get3A_276, %shift_right_logical3A_285 : vector<16xi32>
    %swap3A_287 = arith.constant 1 : i32
    %swap3A_288 = arith.index_cast %swap3A_287 : i32 to index
    %swap3A_289 = arith.constant 48 : index
    %swap3A_290 = tpu.vector_load %arg13[%swap3A_288, %swap3A_289] {strides = array<i32>} : memref<2x64xi32, #tpu.memory_space<vmem>>, vector<16xi32>,
    tpu.vector_store %arg13[%swap3A_288, %swap3A_289], %shift_right_logical3A_286 {strides = array<i32>} : memref<2x64xi32, #tpu.memory_space<vmem>>, vector<16xi32>,
    %shift_right_logical3A_291 = arith.constant 7 : i32
    %shift_right_logical3A_292 = vector.broadcast %shift_right_logical3A_291 : i32 to vector<16xi32>
    %shift_right_logical3A_293 = arith.shrui %get3A_274, %shift_right_logical3A_292 : vector<16xi32>
    %swap3A_294 = arith.constant 1 : i32
    %swap3A_295 = arith.index_cast %swap3A_294 : i32 to index
    %swap3A_296 = arith.constant 48 : index
    %swap3A_297 = tpu.vector_load %arg14[%swap3A_295, %swap3A_296] {strides = array<i32>} : memref<2x64xi32, #tpu.memory_space<vmem>>, vector<16xi32>,
    tpu.vector_store %arg14[%swap3A_295, %swap3A_296], %shift_right_logical3A_293 {strides = array<i32>} : memref<2x64xi32, #tpu.memory_space<vmem>>, vector<16xi32>,
    %shift_right_logical3A_298 = arith.constant 7 : i32
    %shift_right_logical3A_299 = vector.broadcast %shift_right_logical3A_298 : i32 to vector<16xi32>
    %shift_right_logical3A_300 = arith.shrui %get3A_276, %shift_right_logical3A_299 : vector<16xi32>
    %swap3A_301 = arith.constant 1 : i32
    %swap3A_302 = arith.index_cast %swap3A_301 : i32 to index
    %swap3A_303 = arith.constant 48 : index
    %swap3A_304 = tpu.vector_load %arg15[%swap3A_302, %swap3A_303] {strides = array<i32>} : memref<2x64xi32, #tpu.memory_space<vmem>>, vector<16xi32>,
    tpu.vector_store %arg15[%swap3A_302, %swap3A_303], %shift_right_logical3A_300 {strides = array<i32>} : memref<2x64xi32, #tpu.memory_space<vmem>>, vector<16xi32>,
    %dma_start3A_305 = arith.constant 1 : i32
    %dma_start3A_306 = arith.constant 1 : i32
    %dma_start3A_307 = arith.constant 0 : i32
    %dma_start3A_308 = arith.constant 0 : i32
    %dma_start3A_309 = tpu.memref_slice %arg16[%dma_start3A_306, %dma_start3A_307, %dma_start3A_308] : memref<2x64x128xf32, #tpu.memory_space<vmem>> -> memref<1x64x128xf32, #tpu.memory_space<vmem>>
    %dma_start3A_310 = tpu.memref_squeeze %dma_start3A_309 : memref<1x64x128xf32, #tpu.memory_space<vmem>> -> memref<64x128xf32, #tpu.memory_space<vmem>>
    %dma_start3A_311 = arith.constant 0 : i32
    %dma_start3A_312 = tpu.memref_slice %arg12[%dma_start3A_305, %dma_start3A_311] : memref<2x64xi32, #tpu.memory_space<vmem>> -> memref<1x64xi32, #tpu.memory_space<vmem>>
    %dma_start3A_313 = tpu.memref_squeeze %dma_start3A_312 : memref<1x64xi32, #tpu.memory_space<vmem>> -> memref<64xi32, #tpu.memory_space<vmem>>
    %dma_start3A_314 = arith.constant 0 : i32
    %dma_start3A_315 = arith.constant 0 : i32
    %dma_start3A_316 = tpu.memref_slice %arg4[%dma_start3A_314, %dma_start3A_315] : memref<12500x128xf32, #tpu.memory_space<hbm>> -> memref<12500x128xf32, #tpu.memory_space<hbm>>
    tpu.enqueue_indirect_dma source(%dma_start3A_316 : memref<12500x128xf32, #tpu.memory_space<hbm>>) target(%dma_start3A_310 : memref<64x128xf32, #tpu.memory_space<vmem>>) offsets(%dma_start3A_313 : memref<64xi32, #tpu.memory_space<vmem>>) semaphore(%arg23 : memref<!tpu.dma_semaphore, #tpu.memory_space<semaphore_mem>>)
    %dma_start3A_317 = arith.constant 1 : i32
    %dma_start3A_318 = arith.constant 1 : i32
    %dma_start3A_319 = arith.constant 0 : i32
    %dma_start3A_320 = arith.constant 0 : i32
    %dma_start3A_321 = tpu.memref_slice %arg17[%dma_start3A_318, %dma_start3A_319, %dma_start3A_320] : memref<2x64x128xf32, #tpu.memory_space<vmem>> -> memref<1x64x128xf32, #tpu.memory_space<vmem>>
    %dma_start3A_322 = tpu.memref_squeeze %dma_start3A_321 : memref<1x64x128xf32, #tpu.memory_space<vmem>> -> memref<64x128xf32, #tpu.memory_space<vmem>>
    %dma_start3A_323 = arith.constant 0 : i32
    %dma_start3A_324 = tpu.memref_slice %arg13[%dma_start3A_317, %dma_start3A_323] : memref<2x64xi32, #tpu.memory_space<vmem>> -> memref<1x64xi32, #tpu.memory_space<vmem>>
    %dma_start3A_325 = tpu.memref_squeeze %dma_start3A_324 : memref<1x64xi32, #tpu.memory_space<vmem>> -> memref<64xi32, #tpu.memory_space<vmem>>
    %dma_start3A_326 = arith.constant 0 : i32
    %dma_start3A_327 = arith.constant 0 : i32
    %dma_start3A_328 = tpu.memref_slice %arg5[%dma_start3A_326, %dma_start3A_327] : memref<125000x128xf32, #tpu.memory_space<hbm>> -> memref<125000x128xf32, #tpu.memory_space<hbm>>
    tpu.enqueue_indirect_dma source(%dma_start3A_328 : memref<125000x128xf32, #tpu.memory_space<hbm>>) target(%dma_start3A_322 : memref<64x128xf32, #tpu.memory_space<vmem>>) offsets(%dma_start3A_325 : memref<64xi32, #tpu.memory_space<vmem>>) semaphore(%arg23 : memref<!tpu.dma_semaphore, #tpu.memory_space<semaphore_mem>>)
    %dma_start3A_329 = arith.constant 1 : i32
    %dma_start3A_330 = arith.constant 1 : i32
    %dma_start3A_331 = arith.constant 0 : i32
    %dma_start3A_332 = arith.constant 0 : i32
    %dma_start3A_333 = tpu.memref_slice %arg18[%dma_start3A_330, %dma_start3A_331, %dma_start3A_332] : memref<2x64x128xf32, #tpu.memory_space<vmem>> -> memref<1x64x128xf32, #tpu.memory_space<vmem>>
    %dma_start3A_334 = tpu.memref_squeeze %dma_start3A_333 : memref<1x64x128xf32, #tpu.memory_space<vmem>> -> memref<64x128xf32, #tpu.memory_space<vmem>>
    %dma_start3A_335 = arith.constant 0 : i32
    %dma_start3A_336 = tpu.memref_slice %arg14[%dma_start3A_329, %dma_start3A_335] : memref<2x64xi32, #tpu.memory_space<vmem>> -> memref<1x64xi32, #tpu.memory_space<vmem>>
    %dma_start3A_337 = tpu.memref_squeeze %dma_start3A_336 : memref<1x64xi32, #tpu.memory_space<vmem>> -> memref<64xi32, #tpu.memory_space<vmem>>
    %dma_start3A_338 = arith.constant 0 : i32
    %dma_start3A_339 = arith.constant 0 : i32
    %dma_start3A_340 = tpu.memref_slice %arg6[%dma_start3A_338, %dma_start3A_339] : memref<782x128xf32, #tpu.memory_space<hbm>> -> memref<782x128xf32, #tpu.memory_space<hbm>>
    tpu.enqueue_indirect_dma source(%dma_start3A_340 : memref<782x128xf32, #tpu.memory_space<hbm>>) target(%dma_start3A_334 : memref<64x128xf32, #tpu.memory_space<vmem>>) offsets(%dma_start3A_337 : memref<64xi32, #tpu.memory_space<vmem>>) semaphore(%arg23 : memref<!tpu.dma_semaphore, #tpu.memory_space<semaphore_mem>>)
    %dma_start3A_341 = arith.constant 1 : i32
    %dma_start3A_342 = arith.constant 1 : i32
    %dma_start3A_343 = arith.constant 0 : i32
    %dma_start3A_344 = arith.constant 0 : i32
    %dma_start3A_345 = tpu.memref_slice %arg19[%dma_start3A_342, %dma_start3A_343, %dma_start3A_344] : memref<2x64x128xf32, #tpu.memory_space<vmem>> -> memref<1x64x128xf32, #tpu.memory_space<vmem>>
    %dma_start3A_346 = tpu.memref_squeeze %dma_start3A_345 : memref<1x64x128xf32, #tpu.memory_space<vmem>> -> memref<64x128xf32, #tpu.memory_space<vmem>>
    %dma_start3A_347 = arith.constant 0 : i32
    %dma_start3A_348 = tpu.memref_slice %arg15[%dma_start3A_341, %dma_start3A_347] : memref<2x64xi32, #tpu.memory_space<vmem>> -> memref<1x64xi32, #tpu.memory_space<vmem>>
    %dma_start3A_349 = tpu.memref_squeeze %dma_start3A_348 : memref<1x64xi32, #tpu.memory_space<vmem>> -> memref<64xi32, #tpu.memory_space<vmem>>
    %dma_start3A_350 = arith.constant 0 : i32
    %dma_start3A_351 = arith.constant 0 : i32
    %dma_start3A_352 = tpu.memref_slice %arg7[%dma_start3A_350, %dma_start3A_351] : memref<7813x128xf32, #tpu.memory_space<hbm>> -> memref<7813x128xf32, #tpu.memory_space<hbm>>
    tpu.enqueue_indirect_dma source(%dma_start3A_352 : memref<7813x128xf32, #tpu.memory_space<hbm>>) target(%dma_start3A_346 : memref<64x128xf32, #tpu.memory_space<vmem>>) offsets(%dma_start3A_349 : memref<64xi32, #tpu.memory_space<vmem>>) semaphore(%arg23 : memref<!tpu.dma_semaphore, #tpu.memory_space<semaphore_mem>>)
    %dma_wait3A = arith.constant 0 : i32
    %dma_wait3A_353 = arith.constant 0 : i32
    %dma_wait3A_354 = arith.constant 0 : i32
    %dma_wait3A_355 = arith.constant 0 : i32
    %dma_wait3A_356 = tpu.memref_slice %arg16[%dma_wait3A_353, %dma_wait3A_354, %dma_wait3A_355] : memref<2x64x128xf32, #tpu.memory_space<vmem>> -> memref<1x64x128xf32, #tpu.memory_space<vmem>>
    %dma_wait3A_357 = tpu.memref_squeeze %dma_wait3A_356 : memref<1x64x128xf32, #tpu.memory_space<vmem>> -> memref<64x128xf32, #tpu.memory_space<vmem>>
    %dma_wait3A_358 = arith.constant 0 : i32
    %dma_wait3A_359 = tpu.memref_slice %arg12[%dma_wait3A, %dma_wait3A_358] : memref<2x64xi32, #tpu.memory_space<vmem>> -> memref<1x64xi32, #tpu.memory_space<vmem>>
    %dma_wait3A_360 = tpu.memref_squeeze %dma_wait3A_359 : memref<1x64xi32, #tpu.memory_space<vmem>> -> memref<64xi32, #tpu.memory_space<vmem>>
    %dma_wait3A_361 = arith.constant 0 : i32
    %dma_wait3A_362 = arith.constant 0 : i32
    %dma_wait3A_363 = tpu.memref_slice %arg4[%dma_wait3A_361, %dma_wait3A_362] : memref<12500x128xf32, #tpu.memory_space<hbm>> -> memref<12500x128xf32, #tpu.memory_space<hbm>>
    tpu.wait_indirect_dma semaphore(%arg22 : memref<!tpu.dma_semaphore, #tpu.memory_space<semaphore_mem>>) src(%dma_wait3A_363 : memref<12500x128xf32, #tpu.memory_space<hbm>>) dst(%dma_wait3A_357 : memref<64x128xf32, #tpu.memory_space<vmem>>)
    %dma_wait3A_364 = arith.constant 0 : i32
    %dma_wait3A_365 = arith.constant 0 : i32
    %dma_wait3A_366 = arith.constant 0 : i32
    %dma_wait3A_367 = arith.constant 0 : i32
    %dma_wait3A_368 = tpu.memref_slice %arg17[%dma_wait3A_365, %dma_wait3A_366, %dma_wait3A_367] : memref<2x64x128xf32, #tpu.memory_space<vmem>> -> memref<1x64x128xf32, #tpu.memory_space<vmem>>
    %dma_wait3A_369 = tpu.memref_squeeze %dma_wait3A_368 : memref<1x64x128xf32, #tpu.memory_space<vmem>> -> memref<64x128xf32, #tpu.memory_space<vmem>>
    %dma_wait3A_370 = arith.constant 0 : i32
    %dma_wait3A_371 = tpu.memref_slice %arg13[%dma_wait3A_364, %dma_wait3A_370] : memref<2x64xi32, #tpu.memory_space<vmem>> -> memref<1x64xi32, #tpu.memory_space<vmem>>
    %dma_wait3A_372 = tpu.memref_squeeze %dma_wait3A_371 : memref<1x64xi32, #tpu.memory_space<vmem>> -> memref<64xi32, #tpu.memory_space<vmem>>
    %dma_wait3A_373 = arith.constant 0 : i32
    %dma_wait3A_374 = arith.constant 0 : i32
    %dma_wait3A_375 = tpu.memref_slice %arg5[%dma_wait3A_373, %dma_wait3A_374] : memref<125000x128xf32, #tpu.memory_space<hbm>> -> memref<125000x128xf32, #tpu.memory_space<hbm>>
    tpu.wait_indirect_dma semaphore(%arg22 : memref<!tpu.dma_semaphore, #tpu.memory_space<semaphore_mem>>) src(%dma_wait3A_375 : memref<125000x128xf32, #tpu.memory_space<hbm>>) dst(%dma_wait3A_369 : memref<64x128xf32, #tpu.memory_space<vmem>>)
    %dma_wait3A_376 = arith.constant 0 : i32
    %dma_wait3A_377 = arith.constant 0 : i32
    %dma_wait3A_378 = arith.constant 0 : i32
    %dma_wait3A_379 = arith.constant 0 : i32
    %dma_wait3A_380 = tpu.memref_slice %arg18[%dma_wait3A_377, %dma_wait3A_378, %dma_wait3A_379] : memref<2x64x128xf32, #tpu.memory_space<vmem>> -> memref<1x64x128xf32, #tpu.memory_space<vmem>>
    %dma_wait3A_381 = tpu.memref_squeeze %dma_wait3A_380 : memref<1x64x128xf32, #tpu.memory_space<vmem>> -> memref<64x128xf32, #tpu.memory_space<vmem>>
    %dma_wait3A_382 = arith.constant 0 : i32
    %dma_wait3A_383 = tpu.memref_slice %arg14[%dma_wait3A_376, %dma_wait3A_382] : memref<2x64xi32, #tpu.memory_space<vmem>> -> memref<1x64xi32, #tpu.memory_space<vmem>>
    %dma_wait3A_384 = tpu.memref_squeeze %dma_wait3A_383 : memref<1x64xi32, #tpu.memory_space<vmem>> -> memref<64xi32, #tpu.memory_space<vmem>>
    %dma_wait3A_385 = arith.constant 0 : i32
    %dma_wait3A_386 = arith.constant 0 : i32
    %dma_wait3A_387 = tpu.memref_slice %arg6[%dma_wait3A_385, %dma_wait3A_386] : memref<782x128xf32, #tpu.memory_space<hbm>> -> memref<782x128xf32, #tpu.memory_space<hbm>>
    tpu.wait_indirect_dma semaphore(%arg22 : memref<!tpu.dma_semaphore, #tpu.memory_space<semaphore_mem>>) src(%dma_wait3A_387 : memref<782x128xf32, #tpu.memory_space<hbm>>) dst(%dma_wait3A_381 : memref<64x128xf32, #tpu.memory_space<vmem>>)
    %dma_wait3A_388 = arith.constant 0 : i32
    %dma_wait3A_389 = arith.constant 0 : i32
    %dma_wait3A_390 = arith.constant 0 : i32
    %dma_wait3A_391 = arith.constant 0 : i32
    %dma_wait3A_392 = tpu.memref_slice %arg19[%dma_wait3A_389, %dma_wait3A_390, %dma_wait3A_391] : memref<2x64x128xf32, #tpu.memory_space<vmem>> -> memref<1x64x128xf32, #tpu.memory_space<vmem>>
    %dma_wait3A_393 = tpu.memref_squeeze %dma_wait3A_392 : memref<1x64x128xf32, #tpu.memory_space<vmem>> -> memref<64x128xf32, #tpu.memory_space<vmem>>
    %dma_wait3A_394 = arith.constant 0 : i32
    %dma_wait3A_395 = tpu.memref_slice %arg15[%dma_wait3A_388, %dma_wait3A_394] : memref<2x64xi32, #tpu.memory_space<vmem>> -> memref<1x64xi32, #tpu.memory_space<vmem>>
    %dma_wait3A_396 = tpu.memref_squeeze %dma_wait3A_395 : memref<1x64xi32, #tpu.memory_space<vmem>> -> memref<64xi32, #tpu.memory_space<vmem>>
    %dma_wait3A_397 = arith.constant 0 : i32
    %dma_wait3A_398 = arith.constant 0 : i32
    %dma_wait3A_399 = tpu.memref_slice %arg7[%dma_wait3A_397, %dma_wait3A_398] : memref<7813x128xf32, #tpu.memory_space<hbm>> -> memref<7813x128xf32, #tpu.memory_space<hbm>>
    tpu.wait_indirect_dma semaphore(%arg22 : memref<!tpu.dma_semaphore, #tpu.memory_space<semaphore_mem>>) src(%dma_wait3A_399 : memref<7813x128xf32, #tpu.memory_space<hbm>>) dst(%dma_wait3A_393 : memref<64x128xf32, #tpu.memory_space<vmem>>)
    %get3A_400 = arith.constant 0 : index
    %get3A_401 = tpu.vector_load %arg10[%get3A_400] {strides = array<i32>} : memref<512xi32, #tpu.memory_space<vmem>>, vector<16xi32>,
    %get3A_402 = arith.constant 0 : index
    %get3A_403 = tpu.vector_load %arg11[%get3A_402] {strides = array<i32>} : memref<512xi32, #tpu.memory_space<vmem>>, vector<16xi32>,
    %add3A_404 = arith.constant 0 : i32
    %add3A_405 = vector.broadcast %add3A_404 : i32 to vector<16xi32>
    %add3A_406 = arith.addi %add3A_405, %iota3A : vector<16xi32>
    %and3A = arith.constant 7 : i32
    %and3A_407 = vector.broadcast %and3A : i32 to vector<16xi32>
    %and3A_408 = arith.andi %get3A_401, %and3A_407 : vector<16xi32>
    %mul3A_409 = arith.constant 16 : i32
    %mul3A_410 = vector.broadcast %mul3A_409 : i32 to vector<16xi32>
    %mul3A_411 = arith.muli %and3A_408, %mul3A_410 : vector<16xi32>
    %and3A_412 = arith.constant 7 : i32
    %and3A_413 = vector.broadcast %and3A_412 : i32 to vector<16xi32>
    %and3A_414 = arith.andi %get3A_403, %and3A_413 : vector<16xi32>
    %mul3A_415 = arith.constant 16 : i32
    %mul3A_416 = vector.broadcast %mul3A_415 : i32 to vector<16xi32>
    %mul3A_417 = arith.muli %and3A_414, %mul3A_416 : vector<16xi32>
    %and3A_418 = arith.constant 127 : i32
    %and3A_419 = vector.broadcast %and3A_418 : i32 to vector<16xi32>
    %and3A_420 = arith.andi %get3A_401, %and3A_419 : vector<16xi32>
    %gather3A = arith.constant 0 : i32
    %gather3A_421 = arith.constant 0 : i32
    %gather3A_422 = arith.constant 0 : i32
    %gather3A_423 = tpu.memref_slice %arg18[%gather3A, %gather3A_421, %gather3A_422] : memref<2x64x128xf32, #tpu.memory_space<vmem>> -> memref<1x64x128xf32, #tpu.memory_space<vmem>>
    %gather3A_424 = tpu.memref_squeeze %gather3A_423 : memref<1x64x128xf32, #tpu.memory_space<vmem>> -> memref<64x128xf32, #tpu.memory_space<vmem>>
    %gather3A_425 = tpu.vector_load_idx %gather3A_424[%add3A_406, %and3A_420] : memref<64x128xf32, #tpu.memory_space<vmem>>[vector<16xi32>, vector<16xi32>], vector<16xf32>,
    %add3A_426 = arith.addf %get3A_3, %gather3A_425 : vector<16xf32>
    %and3A_427 = arith.constant 127 : i32
    %and3A_428 = vector.broadcast %and3A_427 : i32 to vector<16xi32>
    %and3A_429 = arith.andi %get3A_403, %and3A_428 : vector<16xi32>
    %gather3A_430 = arith.constant 0 : i32
    %gather3A_431 = arith.constant 0 : i32
    %gather3A_432 = arith.constant 0 : i32
    %gather3A_433 = tpu.memref_slice %arg19[%gather3A_430, %gather3A_431, %gather3A_432] : memref<2x64x128xf32, #tpu.memory_space<vmem>> -> memref<1x64x128xf32, #tpu.memory_space<vmem>>
    %gather3A_434 = tpu.memref_squeeze %gather3A_433 : memref<1x64x128xf32, #tpu.memory_space<vmem>> -> memref<64x128xf32, #tpu.memory_space<vmem>>
    %gather3A_435 = tpu.vector_load_idx %gather3A_434[%add3A_406, %and3A_429] : memref<64x128xf32, #tpu.memory_space<vmem>>[vector<16xi32>, vector<16xi32>], vector<16xf32>,
    %add3A_436 = arith.addf %add3A_426, %gather3A_435 : vector<16xf32>
    %swap3A_437 = arith.constant 0 : index
    %swap3A_438 = tpu.vector_load %arg21[%swap3A_437] {strides = array<i32>} : memref<512xf32, #tpu.memory_space<vmem>>, vector<16xf32>,
    tpu.vector_store %arg21[%swap3A_437], %add3A_436 {strides = array<i32>} : memref<512xf32, #tpu.memory_space<vmem>>, vector<16xf32>,
    %get3A_439 = arith.constant 16 : index
    %get3A_440 = tpu.vector_load %arg10[%get3A_439] {strides = array<i32>} : memref<512xi32, #tpu.memory_space<vmem>>, vector<16xi32>,
    %get3A_441 = arith.constant 16 : index
    %get3A_442 = tpu.vector_load %arg11[%get3A_441] {strides = array<i32>} : memref<512xi32, #tpu.memory_space<vmem>>, vector<16xi32>,
    %add3A_443 = arith.constant 16 : i32
    %add3A_444 = vector.broadcast %add3A_443 : i32 to vector<16xi32>
    %add3A_445 = arith.addi %add3A_444, %iota3A : vector<16xi32>
    %and3A_446 = arith.constant 7 : i32
    %and3A_447 = vector.broadcast %and3A_446 : i32 to vector<16xi32>
    %and3A_448 = arith.andi %get3A_440, %and3A_447 : vector<16xi32>
    %mul3A_449 = arith.constant 16 : i32
    %mul3A_450 = vector.broadcast %mul3A_449 : i32 to vector<16xi32>
    %mul3A_451 = arith.muli %and3A_448, %mul3A_450 : vector<16xi32>
    %and3A_452 = arith.constant 7 : i32
    %and3A_453 = vector.broadcast %and3A_452 : i32 to vector<16xi32>
    %and3A_454 = arith.andi %get3A_442, %and3A_453 : vector<16xi32>
    %mul3A_455 = arith.constant 16 : i32
    %mul3A_456 = vector.broadcast %mul3A_455 : i32 to vector<16xi32>
    %mul3A_457 = arith.muli %and3A_454, %mul3A_456 : vector<16xi32>
    %and3A_458 = arith.constant 127 : i32
    %and3A_459 = vector.broadcast %and3A_458 : i32 to vector<16xi32>
    %and3A_460 = arith.andi %get3A_440, %and3A_459 : vector<16xi32>
    %gather3A_461 = arith.constant 0 : i32
    %gather3A_462 = arith.constant 0 : i32
    %gather3A_463 = arith.constant 0 : i32
    %gather3A_464 = tpu.memref_slice %arg18[%gather3A_461, %gather3A_462, %gather3A_463] : memref<2x64x128xf32, #tpu.memory_space<vmem>> -> memref<1x64x128xf32, #tpu.memory_space<vmem>>
    %gather3A_465 = tpu.memref_squeeze %gather3A_464 : memref<1x64x128xf32, #tpu.memory_space<vmem>> -> memref<64x128xf32, #tpu.memory_space<vmem>>
    %gather3A_466 = tpu.vector_load_idx %gather3A_465[%add3A_445, %and3A_460] : memref<64x128xf32, #tpu.memory_space<vmem>>[vector<16xi32>, vector<16xi32>], vector<16xf32>,
    %add3A_467 = arith.addf %get3A_3, %gather3A_466 : vector<16xf32>
    %and3A_468 = arith.constant 127 : i32
    %and3A_469 = vector.broadcast %and3A_468 : i32 to vector<16xi32>
    %and3A_470 = arith.andi %get3A_442, %and3A_469 : vector<16xi32>
    %gather3A_471 = arith.constant 0 : i32
    %gather3A_472 = arith.constant 0 : i32
    %gather3A_473 = arith.constant 0 : i32
    %gather3A_474 = tpu.memref_slice %arg19[%gather3A_471, %gather3A_472, %gather3A_473] : memref<2x64x128xf32, #tpu.memory_space<vmem>> -> memref<1x64x128xf32, #tpu.memory_space<vmem>>
    %gather3A_475 = tpu.memref_squeeze %gather3A_474 : memref<1x64x128xf32, #tpu.memory_space<vmem>> -> memref<64x128xf32, #tpu.memory_space<vmem>>
    %gather3A_476 = tpu.vector_load_idx %gather3A_475[%add3A_445, %and3A_470] : memref<64x128xf32, #tpu.memory_space<vmem>>[vector<16xi32>, vector<16xi32>], vector<16xf32>,
    %add3A_477 = arith.addf %add3A_467, %gather3A_476 : vector<16xf32>
    %swap3A_478 = arith.constant 16 : index
    %swap3A_479 = tpu.vector_load %arg21[%swap3A_478] {strides = array<i32>} : memref<512xf32, #tpu.memory_space<vmem>>, vector<16xf32>,
    tpu.vector_store %arg21[%swap3A_478], %add3A_477 {strides = array<i32>} : memref<512xf32, #tpu.memory_space<vmem>>, vector<16xf32>,
    %get3A_480 = arith.constant 32 : index
    %get3A_481 = tpu.vector_load %arg10[%get3A_480] {strides = array<i32>} : memref<512xi32, #tpu.memory_space<vmem>>, vector<16xi32>,
    %get3A_482 = arith.constant 32 : index
    %get3A_483 = tpu.vector_load %arg11[%get3A_482] {strides = array<i32>} : memref<512xi32, #tpu.memory_space<vmem>>, vector<16xi32>,
    %add3A_484 = arith.constant 32 : i32
    %add3A_485 = vector.broadcast %add3A_484 : i32 to vector<16xi32>
    %add3A_486 = arith.addi %add3A_485, %iota3A : vector<16xi32>
    %and3A_487 = arith.constant 7 : i32
    %and3A_488 = vector.broadcast %and3A_487 : i32 to vector<16xi32>
    %and3A_489 = arith.andi %get3A_481, %and3A_488 : vector<16xi32>
    %mul3A_490 = arith.constant 16 : i32
    %mul3A_491 = vector.broadcast %mul3A_490 : i32 to vector<16xi32>
    %mul3A_492 = arith.muli %and3A_489, %mul3A_491 : vector<16xi32>
    %and3A_493 = arith.constant 7 : i32
    %and3A_494 = vector.broadcast %and3A_493 : i32 to vector<16xi32>
    %and3A_495 = arith.andi %get3A_483, %and3A_494 : vector<16xi32>
    %mul3A_496 = arith.constant 16 : i32
    %mul3A_497 = vector.broadcast %mul3A_496 : i32 to vector<16xi32>
    %mul3A_498 = arith.muli %and3A_495, %mul3A_497 : vector<16xi32>
    %and3A_499 = arith.constant 127 : i32
    %and3A_500 = vector.broadcast %and3A_499 : i32 to vector<16xi32>
    %and3A_501 = arith.andi %get3A_481, %and3A_500 : vector<16xi32>
    %gather3A_502 = arith.constant 0 : i32
    %gather3A_503 = arith.constant 0 : i32
    %gather3A_504 = arith.constant 0 : i32
    %gather3A_505 = tpu.memref_slice %arg18[%gather3A_502, %gather3A_503, %gather3A_504] : memref<2x64x128xf32, #tpu.memory_space<vmem>> -> memref<1x64x128xf32, #tpu.memory_space<vmem>>
    %gather3A_506 = tpu.memref_squeeze %gather3A_505 : memref<1x64x128xf32, #tpu.memory_space<vmem>> -> memref<64x128xf32, #tpu.memory_space<vmem>>
    %gather3A_507 = tpu.vector_load_idx %gather3A_506[%add3A_486, %and3A_501] : memref<64x128xf32, #tpu.memory_space<vmem>>[vector<16xi32>, vector<16xi32>], vector<16xf32>,
    %add3A_508 = arith.addf %get3A_3, %gather3A_507 : vector<16xf32>
    %and3A_509 = arith.constant 127 : i32
    %and3A_510 = vector.broadcast %and3A_509 : i32 to vector<16xi32>
    %and3A_511 = arith.andi %get3A_483, %and3A_510 : vector<16xi32>
    %gather3A_512 = arith.constant 0 : i32
    %gather3A_513 = arith.constant 0 : i32
    %gather3A_514 = arith.constant 0 : i32
    %gather3A_515 = tpu.memref_slice %arg19[%gather3A_512, %gather3A_513, %gather3A_514] : memref<2x64x128xf32, #tpu.memory_space<vmem>> -> memref<1x64x128xf32, #tpu.memory_space<vmem>>
    %gather3A_516 = tpu.memref_squeeze %gather3A_515 : memref<1x64x128xf32, #tpu.memory_space<vmem>> -> memref<64x128xf32, #tpu.memory_space<vmem>>
    %gather3A_517 = tpu.vector_load_idx %gather3A_516[%add3A_486, %and3A_511] : memref<64x128xf32, #tpu.memory_space<vmem>>[vector<16xi32>, vector<16xi32>], vector<16xf32>,
    %add3A_518 = arith.addf %add3A_508, %gather3A_517 : vector<16xf32>
    %swap3A_519 = arith.constant 32 : index
    %swap3A_520 = tpu.vector_load %arg21[%swap3A_519] {strides = array<i32>} : memref<512xf32, #tpu.memory_space<vmem>>, vector<16xf32>,
    tpu.vector_store %arg21[%swap3A_519], %add3A_518 {strides = array<i32>} : memref<512xf32, #tpu.memory_space<vmem>>, vector<16xf32>,
    %get3A_521 = arith.constant 48 : index
    %get3A_522 = tpu.vector_load %arg10[%get3A_521] {strides = array<i32>} : memref<512xi32, #tpu.memory_space<vmem>>, vector<16xi32>,
    %get3A_523 = arith.constant 48 : index
    %get3A_524 = tpu.vector_load %arg11[%get3A_523] {strides = array<i32>} : memref<512xi32, #tpu.memory_space<vmem>>, vector<16xi32>,
    %add3A_525 = arith.constant 48 : i32
    %add3A_526 = vector.broadcast %add3A_525 : i32 to vector<16xi32>
    %add3A_527 = arith.addi %add3A_526, %iota3A : vector<16xi32>
    %and3A_528 = arith.constant 7 : i32
    %and3A_529 = vector.broadcast %and3A_528 : i32 to vector<16xi32>
    %and3A_530 = arith.andi %get3A_522, %and3A_529 : vector<16xi32>
    %mul3A_531 = arith.constant 16 : i32
    %mul3A_532 = vector.broadcast %mul3A_531 : i32 to vector<16xi32>
    %mul3A_533 = arith.muli %and3A_530, %mul3A_532 : vector<16xi32>
    %and3A_534 = arith.constant 7 : i32
    %and3A_535 = vector.broadcast %and3A_534 : i32 to vector<16xi32>
    %and3A_536 = arith.andi %get3A_524, %and3A_535 : vector<16xi32>
    %mul3A_537 = arith.constant 16 : i32
    %mul3A_538 = vector.broadcast %mul3A_537 : i32 to vector<16xi32>
    %mul3A_539 = arith.muli %and3A_536, %mul3A_538 : vector<16xi32>
    %and3A_540 = arith.constant 127 : i32
    %and3A_541 = vector.broadcast %and3A_540 : i32 to vector<16xi32>
    %and3A_542 = arith.andi %get3A_522, %and3A_541 : vector<16xi32>
    %gather3A_543 = arith.constant 0 : i32
    %gather3A_544 = arith.constant 0 : i32
    %gather3A_545 = arith.constant 0 : i32
    %gather3A_546 = tpu.memref_slice %arg18[%gather3A_543, %gather3A_544, %gather3A_545] : memref<2x64x128xf32, #tpu.memory_space<vmem>> -> memref<1x64x128xf32, #tpu.memory_space<vmem>>
    %gather3A_547 = tpu.memref_squeeze %gather3A_546 : memref<1x64x128xf32, #tpu.memory_space<vmem>> -> memref<64x128xf32, #tpu.memory_space<vmem>>
    %gather3A_548 = tpu.vector_load_idx %gather3A_547[%add3A_527, %and3A_542] : memref<64x128xf32, #tpu.memory_space<vmem>>[vector<16xi32>, vector<16xi32>], vector<16xf32>,
    %add3A_549 = arith.addf %get3A_3, %gather3A_548 : vector<16xf32>
    %and3A_550 = arith.constant 127 : i32
    %and3A_551 = vector.broadcast %and3A_550 : i32 to vector<16xi32>
    %and3A_552 = arith.andi %get3A_524, %and3A_551 : vector<16xi32>
    %gather3A_553 = arith.constant 0 : i32
    %gather3A_554 = arith.constant 0 : i32
    %gather3A_555 = arith.constant 0 : i32
    %gather3A_556 = tpu.memref_slice %arg19[%gather3A_553, %gather3A_554, %gather3A_555] : memref<2x64x128xf32, #tpu.memory_space<vmem>> -> memref<1x64x128xf32, #tpu.memory_space<vmem>>
    %gather3A_557 = tpu.memref_squeeze %gather3A_556 : memref<1x64x128xf32, #tpu.memory_space<vmem>> -> memref<64x128xf32, #tpu.memory_space<vmem>>
    %gather3A_558 = tpu.vector_load_idx %gather3A_557[%add3A_527, %and3A_552] : memref<64x128xf32, #tpu.memory_space<vmem>>[vector<16xi32>, vector<16xi32>], vector<16xf32>,
    %add3A_559 = arith.addf %add3A_549, %gather3A_558 : vector<16xf32>
    %swap3A_560 = arith.constant 48 : index
    %swap3A_561 = tpu.vector_load %arg21[%swap3A_560] {strides = array<i32>} : memref<512xf32, #tpu.memory_space<vmem>>, vector<16xf32>,
    tpu.vector_store %arg21[%swap3A_560], %add3A_559 {strides = array<i32>} : memref<512xf32, #tpu.memory_space<vmem>>, vector<16xf32>,
    %get3A_562 = arith.constant 128 : index
    %get3A_563 = tpu.vector_load %arg10[%get3A_562] {strides = array<i32>} : memref<512xi32, #tpu.memory_space<vmem>>, vector<16xi32>,
    %get3A_564 = arith.constant 128 : index
    %get3A_565 = tpu.vector_load %arg11[%get3A_564] {strides = array<i32>} : memref<512xi32, #tpu.memory_space<vmem>>, vector<16xi32>,
    %shift_right_logical3A_566 = arith.constant 3 : i32
    %shift_right_logical3A_567 = vector.broadcast %shift_right_logical3A_566 : i32 to vector<16xi32>
    %shift_right_logical3A_568 = arith.shrui %get3A_563, %shift_right_logical3A_567 : vector<16xi32>
    %swap3A_569 = arith.constant 0 : i32
    %swap3A_570 = arith.index_cast %swap3A_569 : i32 to index
    %swap3A_571 = arith.constant 0 : index
    %swap3A_572 = tpu.vector_load %arg12[%swap3A_570, %swap3A_571] {strides = array<i32>} : memref<2x64xi32, #tpu.memory_space<vmem>>, vector<16xi32>,
    tpu.vector_store %arg12[%swap3A_570, %swap3A_571], %shift_right_logical3A_568 {strides = array<i32>} : memref<2x64xi32, #tpu.memory_space<vmem>>, vector<16xi32>,
    %shift_right_logical3A_573 = arith.constant 3 : i32
    %shift_right_logical3A_574 = vector.broadcast %shift_right_logical3A_573 : i32 to vector<16xi32>
    %shift_right_logical3A_575 = arith.shrui %get3A_565, %shift_right_logical3A_574 : vector<16xi32>
    %swap3A_576 = arith.constant 0 : i32
    %swap3A_577 = arith.index_cast %swap3A_576 : i32 to index
    %swap3A_578 = arith.constant 0 : index
    %swap3A_579 = tpu.vector_load %arg13[%swap3A_577, %swap3A_578] {strides = array<i32>} : memref<2x64xi32, #tpu.memory_space<vmem>>, vector<16xi32>,
    tpu.vector_store %arg13[%swap3A_577, %swap3A_578], %shift_right_logical3A_575 {strides = array<i32>} : memref<2x64xi32, #tpu.memory_space<vmem>>, vector<16xi32>,
    %shift_right_logical3A_580 = arith.constant 7 : i32
    %shift_right_logical3A_581 = vector.broadcast %shift_right_logical3A_580 : i32 to vector<16xi32>
    %shift_right_logical3A_582 = arith.shrui %get3A_563, %shift_right_logical3A_581 : vector<16xi32>
    %swap3A_583 = arith.constant 0 : i32
    %swap3A_584 = arith.index_cast %swap3A_583 : i32 to index
    %swap3A_585 = arith.constant 0 : index
    %swap3A_586 = tpu.vector_load %arg14[%swap3A_584, %swap3A_585] {strides = array<i32>} : memref<2x64xi32, #tpu.memory_space<vmem>>, vector<16xi32>,
    tpu.vector_store %arg14[%swap3A_584, %swap3A_585], %shift_right_logical3A_582 {strides = array<i32>} : memref<2x64xi32, #tpu.memory_space<vmem>>, vector<16xi32>,
    %shift_right_logical3A_587 = arith.constant 7 : i32
    %shift_right_logical3A_588 = vector.broadcast %shift_right_logical3A_587 : i32 to vector<16xi32>
    %shift_right_logical3A_589 = arith.shrui %get3A_565, %shift_right_logical3A_588 : vector<16xi32>
    %swap3A_590 = arith.constant 0 : i32
    %swap3A_591 = arith.index_cast %swap3A_590 : i32 to index
    %swap3A_592 = arith.constant 0 : index
    %swap3A_593 = tpu.vector_load %arg15[%swap3A_591, %swap3A_592] {strides = array<i32>} : memref<2x64xi32, #tpu.memory_space<vmem>>, vector<16xi32>,
    tpu.vector_store %arg15[%swap3A_591, %swap3A_592], %shift_right_logical3A_589 {strides = array<i32>} : memref<2x64xi32, #tpu.memory_space<vmem>>, vector<16xi32>,
    %get3A_594 = arith.constant 144 : index
    %get3A_595 = tpu.vector_load %arg10[%get3A_594] {strides = array<i32>} : memref<512xi32, #tpu.memory_space<vmem>>, vector<16xi32>,
    %get3A_596 = arith.constant 144 : index
    %get3A_597 = tpu.vector_load %arg11[%get3A_596] {strides = array<i32>} : memref<512xi32, #tpu.memory_space<vmem>>, vector<16xi32>,
    %shift_right_logical3A_598 = arith.constant 3 : i32
    %shift_right_logical3A_599 = vector.broadcast %shift_right_logical3A_598 : i32 to vector<16xi32>
    %shift_right_logical3A_600 = arith.shrui %get3A_595, %shift_right_logical3A_599 : vector<16xi32>
    %swap3A_601 = arith.constant 0 : i32
    %swap3A_602 = arith.index_cast %swap3A_601 : i32 to index
    %swap3A_603 = arith.constant 16 : index
    %swap3A_604 = tpu.vector_load %arg12[%swap3A_602, %swap3A_603] {strides = array<i32>} : memref<2x64xi32, #tpu.memory_space<vmem>>, vector<16xi32>,
    tpu.vector_store %arg12[%swap3A_602, %swap3A_603], %shift_right_logical3A_600 {strides = array<i32>} : memref<2x64xi32, #tpu.memory_space<vmem>>, vector<16xi32>,
    %shift_right_logical3A_605 = arith.constant 3 : i32
    %shift_right_logical3A_606 = vector.broadcast %shift_right_logical3A_605 : i32 to vector<16xi32>
    %shift_right_logical3A_607 = arith.shrui %get3A_597, %shift_right_logical3A_606 : vector<16xi32>
    %swap3A_608 = arith.constant 0 : i32
    %swap3A_609 = arith.index_cast %swap3A_608 : i32 to index
    %swap3A_610 = arith.constant 16 : index
    %swap3A_611 = tpu.vector_load %arg13[%swap3A_609, %swap3A_610] {strides = array<i32>} : memref<2x64xi32, #tpu.memory_space<vmem>>, vector<16xi32>,
    tpu.vector_store %arg13[%swap3A_609, %swap3A_610], %shift_right_logical3A_607 {strides = array<i32>} : memref<2x64xi32, #tpu.memory_space<vmem>>, vector<16xi32>,
    %shift_right_logical3A_612 = arith.constant 7 : i32
    %shift_right_logical3A_613 = vector.broadcast %shift_right_logical3A_612 : i32 to vector<16xi32>
    %shift_right_logical3A_614 = arith.shrui %get3A_595, %shift_right_logical3A_613 : vector<16xi32>
    %swap3A_615 = arith.constant 0 : i32
    %swap3A_616 = arith.index_cast %swap3A_615 : i32 to index
    %swap3A_617 = arith.constant 16 : index
    %swap3A_618 = tpu.vector_load %arg14[%swap3A_616, %swap3A_617] {strides = array<i32>} : memref<2x64xi32, #tpu.memory_space<vmem>>, vector<16xi32>,
    tpu.vector_store %arg14[%swap3A_616, %swap3A_617], %shift_right_logical3A_614 {strides = array<i32>} : memref<2x64xi32, #tpu.memory_space<vmem>>, vector<16xi32>,
    %shift_right_logical3A_619 = arith.constant 7 : i32
    %shift_right_logical3A_620 = vector.broadcast %shift_right_logical3A_619 : i32 to vector<16xi32>
    %shift_right_logical3A_621 = arith.shrui %get3A_597, %shift_right_logical3A_620 : vector<16xi32>
    %swap3A_622 = arith.constant 0 : i32
    %swap3A_623 = arith.index_cast %swap3A_622 : i32 to index
    %swap3A_624 = arith.constant 16 : index
    %swap3A_625 = tpu.vector_load %arg15[%swap3A_623, %swap3A_624] {strides = array<i32>} : memref<2x64xi32, #tpu.memory_space<vmem>>, vector<16xi32>,
    tpu.vector_store %arg15[%swap3A_623, %swap3A_624], %shift_right_logical3A_621 {strides = array<i32>} : memref<2x64xi32, #tpu.memory_space<vmem>>, vector<16xi32>,
    %get3A_626 = arith.constant 160 : index
    %get3A_627 = tpu.vector_load %arg10[%get3A_626] {strides = array<i32>} : memref<512xi32, #tpu.memory_space<vmem>>, vector<16xi32>,
    %get3A_628 = arith.constant 160 : index
    %get3A_629 = tpu.vector_load %arg11[%get3A_628] {strides = array<i32>} : memref<512xi32, #tpu.memory_space<vmem>>, vector<16xi32>,
    %shift_right_logical3A_630 = arith.constant 3 : i32
    %shift_right_logical3A_631 = vector.broadcast %shift_right_logical3A_630 : i32 to vector<16xi32>
    %shift_right_logical3A_632 = arith.shrui %get3A_627, %shift_right_logical3A_631 : vector<16xi32>
    %swap3A_633 = arith.constant 0 : i32
    %swap3A_634 = arith.index_cast %swap3A_633 : i32 to index
    %swap3A_635 = arith.constant 32 : index
    %swap3A_636 = tpu.vector_load %arg12[%swap3A_634, %swap3A_635] {strides = array<i32>} : memref<2x64xi32, #tpu.memory_space<vmem>>, vector<16xi32>,
    tpu.vector_store %arg12[%swap3A_634, %swap3A_635], %shift_right_logical3A_632 {strides = array<i32>} : memref<2x64xi32, #tpu.memory_space<vmem>>, vector<16xi32>,
    %shift_right_logical3A_637 = arith.constant 3 : i32
    %shift_right_logical3A_638 = vector.broadcast %shift_right_logical3A_637 : i32 to vector<16xi32>
    %shift_right_logical3A_639 = arith.shrui %get3A_629, %shift_right_logical3A_638 : vector<16xi32>
    %swap3A_640 = arith.constant 0 : i32
    %swap3A_641 = arith.index_cast %swap3A_640 : i32 to index
    %swap3A_642 = arith.constant 32 : index
    %swap3A_643 = tpu.vector_load %arg13[%swap3A_641, %swap3A_642] {strides = array<i32>} : memref<2x64xi32, #tpu.memory_space<vmem>>, vector<16xi32>,
    tpu.vector_store %arg13[%swap3A_641, %swap3A_642], %shift_right_logical3A_639 {strides = array<i32>} : memref<2x64xi32, #tpu.memory_space<vmem>>, vector<16xi32>,
    %shift_right_logical3A_644 = arith.constant 7 : i32
    %shift_right_logical3A_645 = vector.broadcast %shift_right_logical3A_644 : i32 to vector<16xi32>
    %shift_right_logical3A_646 = arith.shrui %get3A_627, %shift_right_logical3A_645 : vector<16xi32>
    %swap3A_647 = arith.constant 0 : i32
    %swap3A_648 = arith.index_cast %swap3A_647 : i32 to index
    %swap3A_649 = arith.constant 32 : index
    %swap3A_650 = tpu.vector_load %arg14[%swap3A_648, %swap3A_649] {strides = array<i32>} : memref<2x64xi32, #tpu.memory_space<vmem>>, vector<16xi32>,
    tpu.vector_store %arg14[%swap3A_648, %swap3A_649], %shift_right_logical3A_646 {strides = array<i32>} : memref<2x64xi32, #tpu.memory_space<vmem>>, vector<16xi32>,
    %shift_right_logical3A_651 = arith.constant 7 : i32
    %shift_right_logical3A_652 = vector.broadcast %shift_right_logical3A_651 : i32 to vector<16xi32>
    %shift_right_logical3A_653 = arith.shrui %get3A_629, %shift_right_logical3A_652 : vector<16xi32>
    %swap3A_654 = arith.constant 0 : i32
    %swap3A_655 = arith.index_cast %swap3A_654 : i32 to index
    %swap3A_656 = arith.constant 32 : index
    %swap3A_657 = tpu.vector_load %arg15[%swap3A_655, %swap3A_656] {strides = array<i32>} : memref<2x64xi32, #tpu.memory_space<vmem>>, vector<16xi32>,
    tpu.vector_store %arg15[%swap3A_655, %swap3A_656], %shift_right_logical3A_653 {strides = array<i32>} : memref<2x64xi32, #tpu.memory_space<vmem>>, vector<16xi32>,
    %get3A_658 = arith.constant 176 : index
    %get3A_659 = tpu.vector_load %arg10[%get3A_658] {strides = array<i32>} : memref<512xi32, #tpu.memory_space<vmem>>, vector<16xi32>,
    %get3A_660 = arith.constant 176 : index
    %get3A_661 = tpu.vector_load %arg11[%get3A_660] {strides = array<i32>} : memref<512xi32, #tpu.memory_space<vmem>>, vector<16xi32>,
    %shift_right_logical3A_662 = arith.constant 3 : i32
    %shift_right_logical3A_663 = vector.broadcast %shift_right_logical3A_662 : i32 to vector<16xi32>
    %shift_right_logical3A_664 = arith.shrui %get3A_659, %shift_right_logical3A_663 : vector<16xi32>
    %swap3A_665 = arith.constant 0 : i32
    %swap3A_666 = arith.index_cast %swap3A_665 : i32 to index
    %swap3A_667 = arith.constant 48 : index
    %swap3A_668 = tpu.vector_load %arg12[%swap3A_666, %swap3A_667] {strides = array<i32>} : memref<2x64xi32, #tpu.memory_space<vmem>>, vector<16xi32>,
    tpu.vector_store %arg12[%swap3A_666, %swap3A_667], %shift_right_logical3A_664 {strides = array<i32>} : memref<2x64xi32, #tpu.memory_space<vmem>>, vector<16xi32>,
    %shift_right_logical3A_669 = arith.constant 3 : i32
    %shift_right_logical3A_670 = vector.broadcast %shift_right_logical3A_669 : i32 to vector<16xi32>
    %shift_right_logical3A_671 = arith.shrui %get3A_661, %shift_right_logical3A_670 : vector<16xi32>
    %swap3A_672 = arith.constant 0 : i32
    %swap3A_673 = arith.index_cast %swap3A_672 : i32 to index
    %swap3A_674 = arith.constant 48 : index
    %swap3A_675 = tpu.vector_load %arg13[%swap3A_673, %swap3A_674] {strides = array<i32>} : memref<2x64xi32, #tpu.memory_space<vmem>>, vector<16xi32>,
    tpu.vector_store %arg13[%swap3A_673, %swap3A_674], %shift_right_logical3A_671 {strides = array<i32>} : memref<2x64xi32, #tpu.memory_space<vmem>>, vector<16xi32>,
    %shift_right_logical3A_676 = arith.constant 7 : i32
    %shift_right_logical3A_677 = vector.broadcast %shift_right_logical3A_676 : i32 to vector<16xi32>
    %shift_right_logical3A_678 = arith.shrui %get3A_659, %shift_right_logical3A_677 : vector<16xi32>
    %swap3A_679 = arith.constant 0 : i32
    %swap3A_680 = arith.index_cast %swap3A_679 : i32 to index
    %swap3A_681 = arith.constant 48 : index
    %swap3A_682 = tpu.vector_load %arg14[%swap3A_680, %swap3A_681] {strides = array<i32>} : memref<2x64xi32, #tpu.memory_space<vmem>>, vector<16xi32>,
    tpu.vector_store %arg14[%swap3A_680, %swap3A_681], %shift_right_logical3A_678 {strides = array<i32>} : memref<2x64xi32, #tpu.memory_space<vmem>>, vector<16xi32>,
    %shift_right_logical3A_683 = arith.constant 7 : i32
    %shift_right_logical3A_684 = vector.broadcast %shift_right_logical3A_683 : i32 to vector<16xi32>
    %shift_right_logical3A_685 = arith.shrui %get3A_661, %shift_right_logical3A_684 : vector<16xi32>
    %swap3A_686 = arith.constant 0 : i32
    %swap3A_687 = arith.index_cast %swap3A_686 : i32 to index
    %swap3A_688 = arith.constant 48 : index
    %swap3A_689 = tpu.vector_load %arg15[%swap3A_687, %swap3A_688] {strides = array<i32>} : memref<2x64xi32, #tpu.memory_space<vmem>>, vector<16xi32>,
    tpu.vector_store %arg15[%swap3A_687, %swap3A_688], %shift_right_logical3A_685 {strides = array<i32>} : memref<2x64xi32, #tpu.memory_space<vmem>>, vector<16xi32>,
    %dma_start3A_690 = arith.constant 0 : i32
    %dma_start3A_691 = arith.constant 0 : i32
    %dma_start3A_692 = arith.constant 0 : i32
    %dma_start3A_693 = arith.constant 0 : i32
    %dma_start3A_694 = tpu.memref_slice %arg16[%dma_start3A_691, %dma_start3A_692, %dma_start3A_693] : memref<2x64x128xf32, #tpu.memory_space<vmem>> -> memref<1x64x128xf32, #tpu.memory_space<vmem>>
    %dma_start3A_695 = tpu.memref_squeeze %dma_start3A_694 : memref<1x64x128xf32, #tpu.memory_space<vmem>> -> memref<64x128xf32, #tpu.memory_space<vmem>>
    %dma_start3A_696 = arith.constant 0 : i32
    %dma_start3A_697 = tpu.memref_slice %arg12[%dma_start3A_690, %dma_start3A_696] : memref<2x64xi32, #tpu.memory_space<vmem>> -> memref<1x64xi32, #tpu.memory_space<vmem>>
    %dma_start3A_698 = tpu.memref_squeeze %dma_start3A_697 : memref<1x64xi32, #tpu.memory_space<vmem>> -> memref<64xi32, #tpu.memory_space<vmem>>
    %dma_start3A_699 = arith.constant 0 : i32
    %dma_start3A_700 = arith.constant 0 : i32
    %dma_start3A_701 = tpu.memref_slice %arg4[%dma_start3A_699, %dma_start3A_700] : memref<12500x128xf32, #tpu.memory_space<hbm>> -> memref<12500x128xf32, #tpu.memory_space<hbm>>
    tpu.enqueue_indirect_dma source(%dma_start3A_701 : memref<12500x128xf32, #tpu.memory_space<hbm>>) target(%dma_start3A_695 : memref<64x128xf32, #tpu.memory_space<vmem>>) offsets(%dma_start3A_698 : memref<64xi32, #tpu.memory_space<vmem>>) semaphore(%arg22 : memref<!tpu.dma_semaphore, #tpu.memory_space<semaphore_mem>>)
    %dma_start3A_702 = arith.constant 0 : i32
    %dma_start3A_703 = arith.constant 0 : i32
    %dma_start3A_704 = arith.constant 0 : i32
    %dma_start3A_705 = arith.constant 0 : i32
    %dma_start3A_706 = tpu.memref_slice %arg17[%dma_start3A_703, %dma_start3A_704, %dma_start3A_705] : memref<2x64x128xf32, #tpu.memory_space<vmem>> -> memref<1x64x128xf32, #tpu.memory_space<vmem>>
    %dma_start3A_707 = tpu.memref_squeeze %dma_start3A_706 : memref<1x64x128xf32, #tpu.memory_space<vmem>> -> memref<64x128xf32, #tpu.memory_space<vmem>>
    %dma_start3A_708 = arith.constant 0 : i32
    %dma_start3A_709 = tpu.memref_slice %arg13[%dma_start3A_702, %dma_start3A_708] : memref<2x64xi32, #tpu.memory_space<vmem>> -> memref<1x64xi32, #tpu.memory_space<vmem>>
    %dma_start3A_710 = tpu.memref_squeeze %dma_start3A_709 : memref<1x64xi32, #tpu.memory_space<vmem>> -> memref<64xi32, #tpu.memory_space<vmem>>
    %dma_start3A_711 = arith.constant 0 : i32
    %dma_start3A_712 = arith.constant 0 : i32
    %dma_start3A_713 = tpu.memref_slice %arg5[%dma_start3A_711, %dma_start3A_712] : memref<125000x128xf32, #tpu.memory_space<hbm>> -> memref<125000x128xf32, #tpu.memory_space<hbm>>
    tpu.enqueue_indirect_dma source(%dma_start3A_713 : memref<125000x128xf32, #tpu.memory_space<hbm>>) target(%dma_start3A_707 : memref<64x128xf32, #tpu.memory_space<vmem>>) offsets(%dma_start3A_710 : memref<64xi32, #tpu.memory_space<vmem>>) semaphore(%arg22 : memref<!tpu.dma_semaphore, #tpu.memory_space<semaphore_mem>>)
    %dma_start3A_714 = arith.constant 0 : i32
    %dma_start3A_715 = arith.constant 0 : i32
    %dma_start3A_716 = arith.constant 0 : i32
    %dma_start3A_717 = arith.constant 0 : i32
    %dma_start3A_718 = tpu.memref_slice %arg18[%dma_start3A_715, %dma_start3A_716, %dma_start3A_717] : memref<2x64x128xf32, #tpu.memory_space<vmem>> -> memref<1x64x128xf32, #tpu.memory_space<vmem>>
    %dma_start3A_719 = tpu.memref_squeeze %dma_start3A_718 : memref<1x64x128xf32, #tpu.memory_space<vmem>> -> memref<64x128xf32, #tpu.memory_space<vmem>>
    %dma_start3A_720 = arith.constant 0 : i32
    %dma_start3A_721 = tpu.memref_slice %arg14[%dma_start3A_714, %dma_start3A_720] : memref<2x64xi32, #tpu.memory_space<vmem>> -> memref<1x64xi32, #tpu.memory_space<vmem>>
    %dma_start3A_722 = tpu.memref_squeeze %dma_start3A_721 : memref<1x64xi32, #tpu.memory_space<vmem>> -> memref<64xi32, #tpu.memory_space<vmem>>
    %dma_start3A_723 = arith.constant 0 : i32
    %dma_start3A_724 = arith.constant 0 : i32
    %dma_start3A_725 = tpu.memref_slice %arg6[%dma_start3A_723, %dma_start3A_724] : memref<782x128xf32, #tpu.memory_space<hbm>> -> memref<782x128xf32, #tpu.memory_space<hbm>>
    tpu.enqueue_indirect_dma source(%dma_start3A_725 : memref<782x128xf32, #tpu.memory_space<hbm>>) target(%dma_start3A_719 : memref<64x128xf32, #tpu.memory_space<vmem>>) offsets(%dma_start3A_722 : memref<64xi32, #tpu.memory_space<vmem>>) semaphore(%arg22 : memref<!tpu.dma_semaphore, #tpu.memory_space<semaphore_mem>>)
    %dma_start3A_726 = arith.constant 0 : i32
    %dma_start3A_727 = arith.constant 0 : i32
    %dma_start3A_728 = arith.constant 0 : i32
    %dma_start3A_729 = arith.constant 0 : i32
    %dma_start3A_730 = tpu.memref_slice %arg19[%dma_start3A_727, %dma_start3A_728, %dma_start3A_729] : memref<2x64x128xf32, #tpu.memory_space<vmem>> -> memref<1x64x128xf32, #tpu.memory_space<vmem>>
    %dma_start3A_731 = tpu.memref_squeeze %dma_start3A_730 : memref<1x64x128xf32, #tpu.memory_space<vmem>> -> memref<64x128xf32, #tpu.memory_space<vmem>>
    %dma_start3A_732 = arith.constant 0 : i32
    %dma_start3A_733 = tpu.memref_slice %arg15[%dma_start3A_726, %dma_start3A_732] : memref<2x64xi32, #tpu.memory_space<vmem>> -> memref<1x64xi32, #tpu.memory_space<vmem>>
    %dma_start3A_734 = tpu.memref_squeeze %dma_start3A_733 : memref<1x64xi32, #tpu.memory_space<vmem>> -> memref<64xi32, #tpu.memory_space<vmem>>
    %dma_start3A_735 = arith.constant 0 : i32
    %dma_start3A_736 = arith.constant 0 : i32
    %dma_start3A_737 = tpu.memref_slice %arg7[%dma_start3A_735, %dma_start3A_736] : memref<7813x128xf32, #tpu.memory_space<hbm>> -> memref<7813x128xf32, #tpu.memory_space<hbm>>
    tpu.enqueue_indirect_dma source(%dma_start3A_737 : memref<7813x128xf32, #tpu.memory_space<hbm>>) target(%dma_start3A_731 : memref<64x128xf32, #tpu.memory_space<vmem>>) offsets(%dma_start3A_734 : memref<64xi32, #tpu.memory_space<vmem>>) semaphore(%arg22 : memref<!tpu.dma_semaphore, #tpu.memory_space<semaphore_mem>>)
    %dma_wait3A_738 = arith.constant 1 : i32
    %dma_wait3A_739 = arith.constant 1 : i32
    %dma_wait3A_740 = arith.constant 0 : i32
    %dma_wait3A_741 = arith.constant 0 : i32
    %dma_wait3A_742 = tpu.memref_slice %arg16[%dma_wait3A_739, %dma_wait3A_740, %dma_wait3A_741] : memref<2x64x128xf32, #tpu.memory_space<vmem>> -> memref<1x64x128xf32, #tpu.memory_space<vmem>>
    %dma_wait3A_743 = tpu.memref_squeeze %dma_wait3A_742 : memref<1x64x128xf32, #tpu.memory_space<vmem>> -> memref<64x128xf32, #tpu.memory_space<vmem>>
    %dma_wait3A_744 = arith.constant 0 : i32
    %dma_wait3A_745 = tpu.memref_slice %arg12[%dma_wait3A_738, %dma_wait3A_744] : memref<2x64xi32, #tpu.memory_space<vmem>> -> memref<1x64xi32, #tpu.memory_space<vmem>>
    %dma_wait3A_746 = tpu.memref_squeeze %dma_wait3A_745 : memref<1x64xi32, #tpu.memory_space<vmem>> -> memref<64xi32, #tpu.memory_space<vmem>>
    %dma_wait3A_747 = arith.constant 0 : i32
    %dma_wait3A_748 = arith.constant 0 : i32
    %dma_wait3A_749 = tpu.memref_slice %arg4[%dma_wait3A_747, %dma_wait3A_748] : memref<12500x128xf32, #tpu.memory_space<hbm>> -> memref<12500x128xf32, #tpu.memory_space<hbm>>
    tpu.wait_indirect_dma semaphore(%arg23 : memref<!tpu.dma_semaphore, #tpu.memory_space<semaphore_mem>>) src(%dma_wait3A_749 : memref<12500x128xf32, #tpu.memory_space<hbm>>) dst(%dma_wait3A_743 : memref<64x128xf32, #tpu.memory_space<vmem>>)
    %dma_wait3A_750 = arith.constant 1 : i32
    %dma_wait3A_751 = arith.constant 1 : i32
    %dma_wait3A_752 = arith.constant 0 : i32
    %dma_wait3A_753 = arith.constant 0 : i32
    %dma_wait3A_754 = tpu.memref_slice %arg17[%dma_wait3A_751, %dma_wait3A_752, %dma_wait3A_753] : memref<2x64x128xf32, #tpu.memory_space<vmem>> -> memref<1x64x128xf32, #tpu.memory_space<vmem>>
    %dma_wait3A_755 = tpu.memref_squeeze %dma_wait3A_754 : memref<1x64x128xf32, #tpu.memory_space<vmem>> -> memref<64x128xf32, #tpu.memory_space<vmem>>
    %dma_wait3A_756 = arith.constant 0 : i32
    %dma_wait3A_757 = tpu.memref_slice %arg13[%dma_wait3A_750, %dma_wait3A_756] : memref<2x64xi32, #tpu.memory_space<vmem>> -> memref<1x64xi32, #tpu.memory_space<vmem>>
    %dma_wait3A_758 = tpu.memref_squeeze %dma_wait3A_757 : memref<1x64xi32, #tpu.memory_space<vmem>> -> memref<64xi32, #tpu.memory_space<vmem>>
    %dma_wait3A_759 = arith.constant 0 : i32
    %dma_wait3A_760 = arith.constant 0 : i32
    %dma_wait3A_761 = tpu.memref_slice %arg5[%dma_wait3A_759, %dma_wait3A_760] : memref<125000x128xf32, #tpu.memory_space<hbm>> -> memref<125000x128xf32, #tpu.memory_space<hbm>>
    tpu.wait_indirect_dma semaphore(%arg23 : memref<!tpu.dma_semaphore, #tpu.memory_space<semaphore_mem>>) src(%dma_wait3A_761 : memref<125000x128xf32, #tpu.memory_space<hbm>>) dst(%dma_wait3A_755 : memref<64x128xf32, #tpu.memory_space<vmem>>)
    %dma_wait3A_762 = arith.constant 1 : i32
    %dma_wait3A_763 = arith.constant 1 : i32
    %dma_wait3A_764 = arith.constant 0 : i32
    %dma_wait3A_765 = arith.constant 0 : i32
    %dma_wait3A_766 = tpu.memref_slice %arg18[%dma_wait3A_763, %dma_wait3A_764, %dma_wait3A_765] : memref<2x64x128xf32, #tpu.memory_space<vmem>> -> memref<1x64x128xf32, #tpu.memory_space<vmem>>
    %dma_wait3A_767 = tpu.memref_squeeze %dma_wait3A_766 : memref<1x64x128xf32, #tpu.memory_space<vmem>> -> memref<64x128xf32, #tpu.memory_space<vmem>>
    %dma_wait3A_768 = arith.constant 0 : i32
    %dma_wait3A_769 = tpu.memref_slice %arg14[%dma_wait3A_762, %dma_wait3A_768] : memref<2x64xi32, #tpu.memory_space<vmem>> -> memref<1x64xi32, #tpu.memory_space<vmem>>
    %dma_wait3A_770 = tpu.memref_squeeze %dma_wait3A_769 : memref<1x64xi32, #tpu.memory_space<vmem>> -> memref<64xi32, #tpu.memory_space<vmem>>
    %dma_wait3A_771 = arith.constant 0 : i32
    %dma_wait3A_772 = arith.constant 0 : i32
    %dma_wait3A_773 = tpu.memref_slice %arg6[%dma_wait3A_771, %dma_wait3A_772] : memref<782x128xf32, #tpu.memory_space<hbm>> -> memref<782x128xf32, #tpu.memory_space<hbm>>
    tpu.wait_indirect_dma semaphore(%arg23 : memref<!tpu.dma_semaphore, #tpu.memory_space<semaphore_mem>>) src(%dma_wait3A_773 : memref<782x128xf32, #tpu.memory_space<hbm>>) dst(%dma_wait3A_767 : memref<64x128xf32, #tpu.memory_space<vmem>>)
    %dma_wait3A_774 = arith.constant 1 : i32
    %dma_wait3A_775 = arith.constant 1 : i32
    %dma_wait3A_776 = arith.constant 0 : i32
    %dma_wait3A_777 = arith.constant 0 : i32
    %dma_wait3A_778 = tpu.memref_slice %arg19[%dma_wait3A_775, %dma_wait3A_776, %dma_wait3A_777] : memref<2x64x128xf32, #tpu.memory_space<vmem>> -> memref<1x64x128xf32, #tpu.memory_space<vmem>>
    %dma_wait3A_779 = tpu.memref_squeeze %dma_wait3A_778 : memref<1x64x128xf32, #tpu.memory_space<vmem>> -> memref<64x128xf32, #tpu.memory_space<vmem>>
    %dma_wait3A_780 = arith.constant 0 : i32
    %dma_wait3A_781 = tpu.memref_slice %arg15[%dma_wait3A_774, %dma_wait3A_780] : memref<2x64xi32, #tpu.memory_space<vmem>> -> memref<1x64xi32, #tpu.memory_space<vmem>>
    %dma_wait3A_782 = tpu.memref_squeeze %dma_wait3A_781 : memref<1x64xi32, #tpu.memory_space<vmem>> -> memref<64xi32, #tpu.memory_space<vmem>>
    %dma_wait3A_783 = arith.constant 0 : i32
    %dma_wait3A_784 = arith.constant 0 : i32
    %dma_wait3A_785 = tpu.memref_slice %arg7[%dma_wait3A_783, %dma_wait3A_784] : memref<7813x128xf32, #tpu.memory_space<hbm>> -> memref<7813x128xf32, #tpu.memory_space<hbm>>
    tpu.wait_indirect_dma semaphore(%arg23 : memref<!tpu.dma_semaphore, #tpu.memory_space<semaphore_mem>>) src(%dma_wait3A_785 : memref<7813x128xf32, #tpu.memory_space<hbm>>) dst(%dma_wait3A_779 : memref<64x128xf32, #tpu.memory_space<vmem>>)
    %get3A_786 = arith.constant 64 : index
    %get3A_787 = tpu.vector_load %arg10[%get3A_786] {strides = array<i32>} : memref<512xi32, #tpu.memory_space<vmem>>, vector<16xi32>,
    %get3A_788 = arith.constant 64 : index
    %get3A_789 = tpu.vector_load %arg11[%get3A_788] {strides = array<i32>} : memref<512xi32, #tpu.memory_space<vmem>>, vector<16xi32>,
    %add3A_790 = arith.constant 0 : i32
    %add3A_791 = vector.broadcast %add3A_790 : i32 to vector<16xi32>
    %add3A_792 = arith.addi %add3A_791, %iota3A : vector<16xi32>
    %and3A_793 = arith.constant 7 : i32
    %and3A_794 = vector.broadcast %and3A_793 : i32 to vector<16xi32>
    %and3A_795 = arith.andi %get3A_787, %and3A_794 : vector<16xi32>
    %mul3A_796 = arith.constant 16 : i32
    %mul3A_797 = vector.broadcast %mul3A_796 : i32 to vector<16xi32>
    %mul3A_798 = arith.muli %and3A_795, %mul3A_797 : vector<16xi32>
    %and3A_799 = arith.constant 7 : i32
    %and3A_800 = vector.broadcast %and3A_799 : i32 to vector<16xi32>
    %and3A_801 = arith.andi %get3A_789, %and3A_800 : vector<16xi32>
    %mul3A_802 = arith.constant 16 : i32
    %mul3A_803 = vector.broadcast %mul3A_802 : i32 to vector<16xi32>
    %mul3A_804 = arith.muli %and3A_801, %mul3A_803 : vector<16xi32>
    %and3A_805 = arith.constant 127 : i32
    %and3A_806 = vector.broadcast %and3A_805 : i32 to vector<16xi32>
    %and3A_807 = arith.andi %get3A_787, %and3A_806 : vector<16xi32>
    %gather3A_808 = arith.constant 1 : i32
    %gather3A_809 = arith.constant 0 : i32
    %gather3A_810 = arith.constant 0 : i32
    %gather3A_811 = tpu.memref_slice %arg18[%gather3A_808, %gather3A_809, %gather3A_810] : memref<2x64x128xf32, #tpu.memory_space<vmem>> -> memref<1x64x128xf32, #tpu.memory_space<vmem>>
    %gather3A_812 = tpu.memref_squeeze %gather3A_811 : memref<1x64x128xf32, #tpu.memory_space<vmem>> -> memref<64x128xf32, #tpu.memory_space<vmem>>
    %gather3A_813 = tpu.vector_load_idx %gather3A_812[%add3A_792, %and3A_807] : memref<64x128xf32, #tpu.memory_space<vmem>>[vector<16xi32>, vector<16xi32>], vector<16xf32>,
    %add3A_814 = arith.addf %get3A_3, %gather3A_813 : vector<16xf32>
    %and3A_815 = arith.constant 127 : i32
    %and3A_816 = vector.broadcast %and3A_815 : i32 to vector<16xi32>
    %and3A_817 = arith.andi %get3A_789, %and3A_816 : vector<16xi32>
    %gather3A_818 = arith.constant 1 : i32
    %gather3A_819 = arith.constant 0 : i32
    %gather3A_820 = arith.constant 0 : i32
    %gather3A_821 = tpu.memref_slice %arg19[%gather3A_818, %gather3A_819, %gather3A_820] : memref<2x64x128xf32, #tpu.memory_space<vmem>> -> memref<1x64x128xf32, #tpu.memory_space<vmem>>
    %gather3A_822 = tpu.memref_squeeze %gather3A_821 : memref<1x64x128xf32, #tpu.memory_space<vmem>> -> memref<64x128xf32, #tpu.memory_space<vmem>>
    %gather3A_823 = tpu.vector_load_idx %gather3A_822[%add3A_792, %and3A_817] : memref<64x128xf32, #tpu.memory_space<vmem>>[vector<16xi32>, vector<16xi32>], vector<16xf32>,
    %add3A_824 = arith.addf %add3A_814, %gather3A_823 : vector<16xf32>
    %swap3A_825 = arith.constant 64 : index
    %swap3A_826 = tpu.vector_load %arg21[%swap3A_825] {strides = array<i32>} : memref<512xf32, #tpu.memory_space<vmem>>, vector<16xf32>,
    tpu.vector_store %arg21[%swap3A_825], %add3A_824 {strides = array<i32>} : memref<512xf32, #tpu.memory_space<vmem>>, vector<16xf32>,
    %get3A_827 = arith.constant 80 : index
    %get3A_828 = tpu.vector_load %arg10[%get3A_827] {strides = array<i32>} : memref<512xi32, #tpu.memory_space<vmem>>, vector<16xi32>,
    %get3A_829 = arith.constant 80 : index
    %get3A_830 = tpu.vector_load %arg11[%get3A_829] {strides = array<i32>} : memref<512xi32, #tpu.memory_space<vmem>>, vector<16xi32>,
    %add3A_831 = arith.constant 16 : i32
    %add3A_832 = vector.broadcast %add3A_831 : i32 to vector<16xi32>
    %add3A_833 = arith.addi %add3A_832, %iota3A : vector<16xi32>
    %and3A_834 = arith.constant 7 : i32
    %and3A_835 = vector.broadcast %and3A_834 : i32 to vector<16xi32>
    %and3A_836 = arith.andi %get3A_828, %and3A_835 : vector<16xi32>
    %mul3A_837 = arith.constant 16 : i32
    %mul3A_838 = vector.broadcast %mul3A_837 : i32 to vector<16xi32>
    %mul3A_839 = arith.muli %and3A_836, %mul3A_838 : vector<16xi32>
    %and3A_840 = arith.constant 7 : i32
    %and3A_841 = vector.broadcast %and3A_840 : i32 to vector<16xi32>
    %and3A_842 = arith.andi %get3A_830, %and3A_841 : vector<16xi32>
    %mul3A_843 = arith.constant 16 : i32
    %mul3A_844 = vector.broadcast %mul3A_843 : i32 to vector<16xi32>
    %mul3A_845 = arith.muli %and3A_842, %mul3A_844 : vector<16xi32>
    %and3A_846 = arith.constant 127 : i32
    %and3A_847 = vector.broadcast %and3A_846 : i32 to vector<16xi32>
    %and3A_848 = arith.andi %get3A_828, %and3A_847 : vector<16xi32>
    %gather3A_849 = arith.constant 1 : i32
    %gather3A_850 = arith.constant 0 : i32
    %gather3A_851 = arith.constant 0 : i32
    %gather3A_852 = tpu.memref_slice %arg18[%gather3A_849, %gather3A_850, %gather3A_851] : memref<2x64x128xf32, #tpu.memory_space<vmem>> -> memref<1x64x128xf32, #tpu.memory_space<vmem>>
    %gather3A_853 = tpu.memref_squeeze %gather3A_852 : memref<1x64x128xf32, #tpu.memory_space<vmem>> -> memref<64x128xf32, #tpu.memory_space<vmem>>
    %gather3A_854 = tpu.vector_load_idx %gather3A_853[%add3A_833, %and3A_848] : memref<64x128xf32, #tpu.memory_space<vmem>>[vector<16xi32>, vector<16xi32>], vector<16xf32>,
    %add3A_855 = arith.addf %get3A_3, %gather3A_854 : vector<16xf32>
    %and3A_856 = arith.constant 127 : i32
    %and3A_857 = vector.broadcast %and3A_856 : i32 to vector<16xi32>
    %and3A_858 = arith.andi %get3A_830, %and3A_857 : vector<16xi32>
    %gather3A_859 = arith.constant 1 : i32
    %gather3A_860 = arith.constant 0 : i32
    %gather3A_861 = arith.constant 0 : i32
    %gather3A_862 = tpu.memref_slice %arg19[%gather3A_859, %gather3A_860, %gather3A_861] : memref<2x64x128xf32, #tpu.memory_space<vmem>> -> memref<1x64x128xf32, #tpu.memory_space<vmem>>
    %gather3A_863 = tpu.memref_squeeze %gather3A_862 : memref<1x64x128xf32, #tpu.memory_space<vmem>> -> memref<64x128xf32, #tpu.memory_space<vmem>>
    %gather3A_864 = tpu.vector_load_idx %gather3A_863[%add3A_833, %and3A_858] : memref<64x128xf32, #tpu.memory_space<vmem>>[vector<16xi32>, vector<16xi32>], vector<16xf32>,
    %add3A_865 = arith.addf %add3A_855, %gather3A_864 : vector<16xf32>
    %swap3A_866 = arith.constant 80 : index
    %swap3A_867 = tpu.vector_load %arg21[%swap3A_866] {strides = array<i32>} : memref<512xf32, #tpu.memory_space<vmem>>, vector<16xf32>,
    tpu.vector_store %arg21[%swap3A_866], %add3A_865 {strides = array<i32>} : memref<512xf32, #tpu.memory_space<vmem>>, vector<16xf32>,
    %get3A_868 = arith.constant 96 : index
    %get3A_869 = tpu.vector_load %arg10[%get3A_868] {strides = array<i32>} : memref<512xi32, #tpu.memory_space<vmem>>, vector<16xi32>,
    %get3A_870 = arith.constant 96 : index
    %get3A_871 = tpu.vector_load %arg11[%get3A_870] {strides = array<i32>} : memref<512xi32, #tpu.memory_space<vmem>>, vector<16xi32>,
    %add3A_872 = arith.constant 32 : i32
    %add3A_873 = vector.broadcast %add3A_872 : i32 to vector<16xi32>
    %add3A_874 = arith.addi %add3A_873, %iota3A : vector<16xi32>
    %and3A_875 = arith.constant 7 : i32
    %and3A_876 = vector.broadcast %and3A_875 : i32 to vector<16xi32>
    %and3A_877 = arith.andi %get3A_869, %and3A_876 : vector<16xi32>
    %mul3A_878 = arith.constant 16 : i32
    %mul3A_879 = vector.broadcast %mul3A_878 : i32 to vector<16xi32>
    %mul3A_880 = arith.muli %and3A_877, %mul3A_879 : vector<16xi32>
    %and3A_881 = arith.constant 7 : i32
    %and3A_882 = vector.broadcast %and3A_881 : i32 to vector<16xi32>
    %and3A_883 = arith.andi %get3A_871, %and3A_882 : vector<16xi32>
    %mul3A_884 = arith.constant 16 : i32
    %mul3A_885 = vector.broadcast %mul3A_884 : i32 to vector<16xi32>
    %mul3A_886 = arith.muli %and3A_883, %mul3A_885 : vector<16xi32>
    %and3A_887 = arith.constant 127 : i32
    %and3A_888 = vector.broadcast %and3A_887 : i32 to vector<16xi32>
    %and3A_889 = arith.andi %get3A_869, %and3A_888 : vector<16xi32>
    %gather3A_890 = arith.constant 1 : i32
    %gather3A_891 = arith.constant 0 : i32
    %gather3A_892 = arith.constant 0 : i32
    %gather3A_893 = tpu.memref_slice %arg18[%gather3A_890, %gather3A_891, %gather3A_892] : memref<2x64x128xf32, #tpu.memory_space<vmem>> -> memref<1x64x128xf32, #tpu.memory_space<vmem>>
    %gather3A_894 = tpu.memref_squeeze %gather3A_893 : memref<1x64x128xf32, #tpu.memory_space<vmem>> -> memref<64x128xf32, #tpu.memory_space<vmem>>
    %gather3A_895 = tpu.vector_load_idx %gather3A_894[%add3A_874, %and3A_889] : memref<64x128xf32, #tpu.memory_space<vmem>>[vector<16xi32>, vector<16xi32>], vector<16xf32>,
    %add3A_896 = arith.addf %get3A_3, %gather3A_895 : vector<16xf32>
    %and3A_897 = arith.constant 127 : i32
    %and3A_898 = vector.broadcast %and3A_897 : i32 to vector<16xi32>
    %and3A_899 = arith.andi %get3A_871, %and3A_898 : vector<16xi32>
    %gather3A_900 = arith.constant 1 : i32
    %gather3A_901 = arith.constant 0 : i32
    %gather3A_902 = arith.constant 0 : i32
    %gather3A_903 = tpu.memref_slice %arg19[%gather3A_900, %gather3A_901, %gather3A_902] : memref<2x64x128xf32, #tpu.memory_space<vmem>> -> memref<1x64x128xf32, #tpu.memory_space<vmem>>
    %gather3A_904 = tpu.memref_squeeze %gather3A_903 : memref<1x64x128xf32, #tpu.memory_space<vmem>> -> memref<64x128xf32, #tpu.memory_space<vmem>>
    %gather3A_905 = tpu.vector_load_idx %gather3A_904[%add3A_874, %and3A_899] : memref<64x128xf32, #tpu.memory_space<vmem>>[vector<16xi32>, vector<16xi32>], vector<16xf32>,
    %add3A_906 = arith.addf %add3A_896, %gather3A_905 : vector<16xf32>
    %swap3A_907 = arith.constant 96 : index
    %swap3A_908 = tpu.vector_load %arg21[%swap3A_907] {strides = array<i32>} : memref<512xf32, #tpu.memory_space<vmem>>, vector<16xf32>,
    tpu.vector_store %arg21[%swap3A_907], %add3A_906 {strides = array<i32>} : memref<512xf32, #tpu.memory_space<vmem>>, vector<16xf32>,
    %get3A_909 = arith.constant 112 : index
    %get3A_910 = tpu.vector_load %arg10[%get3A_909] {strides = array<i32>} : memref<512xi32, #tpu.memory_space<vmem>>, vector<16xi32>,
    %get3A_911 = arith.constant 112 : index
    %get3A_912 = tpu.vector_load %arg11[%get3A_911] {strides = array<i32>} : memref<512xi32, #tpu.memory_space<vmem>>, vector<16xi32>,
    %add3A_913 = arith.constant 48 : i32
    %add3A_914 = vector.broadcast %add3A_913 : i32 to vector<16xi32>
    %add3A_915 = arith.addi %add3A_914, %iota3A : vector<16xi32>
    %and3A_916 = arith.constant 7 : i32
    %and3A_917 = vector.broadcast %and3A_916 : i32 to vector<16xi32>
    %and3A_918 = arith.andi %get3A_910, %and3A_917 : vector<16xi32>
    %mul3A_919 = arith.constant 16 : i32
    %mul3A_920 = vector.broadcast %mul3A_919 : i32 to vector<16xi32>
    %mul3A_921 = arith.muli %and3A_918, %mul3A_920 : vector<16xi32>
    %and3A_922 = arith.constant 7 : i32
    %and3A_923 = vector.broadcast %and3A_922 : i32 to vector<16xi32>
    %and3A_924 = arith.andi %get3A_912, %and3A_923 : vector<16xi32>
    %mul3A_925 = arith.constant 16 : i32
    %mul3A_926 = vector.broadcast %mul3A_925 : i32 to vector<16xi32>
    %mul3A_927 = arith.muli %and3A_924, %mul3A_926 : vector<16xi32>
    %and3A_928 = arith.constant 127 : i32
    %and3A_929 = vector.broadcast %and3A_928 : i32 to vector<16xi32>
    %and3A_930 = arith.andi %get3A_910, %and3A_929 : vector<16xi32>
    %gather3A_931 = arith.constant 1 : i32
    %gather3A_932 = arith.constant 0 : i32
    %gather3A_933 = arith.constant 0 : i32
    %gather3A_934 = tpu.memref_slice %arg18[%gather3A_931, %gather3A_932, %gather3A_933] : memref<2x64x128xf32, #tpu.memory_space<vmem>> -> memref<1x64x128xf32, #tpu.memory_space<vmem>>
    %gather3A_935 = tpu.memref_squeeze %gather3A_934 : memref<1x64x128xf32, #tpu.memory_space<vmem>> -> memref<64x128xf32, #tpu.memory_space<vmem>>
    %gather3A_936 = tpu.vector_load_idx %gather3A_935[%add3A_915, %and3A_930] : memref<64x128xf32, #tpu.memory_space<vmem>>[vector<16xi32>, vector<16xi32>], vector<16xf32>,
    %add3A_937 = arith.addf %get3A_3, %gather3A_936 : vector<16xf32>
    %and3A_938 = arith.constant 127 : i32
    %and3A_939 = vector.broadcast %and3A_938 : i32 to vector<16xi32>
    %and3A_940 = arith.andi %get3A_912, %and3A_939 : vector<16xi32>
    %gather3A_941 = arith.constant 1 : i32
    %gather3A_942 = arith.constant 0 : i32
    %gather3A_943 = arith.constant 0 : i32
    %gather3A_944 = tpu.memref_slice %arg19[%gather3A_941, %gather3A_942, %gather3A_943] : memref<2x64x128xf32, #tpu.memory_space<vmem>> -> memref<1x64x128xf32, #tpu.memory_space<vmem>>
    %gather3A_945 = tpu.memref_squeeze %gather3A_944 : memref<1x64x128xf32, #tpu.memory_space<vmem>> -> memref<64x128xf32, #tpu.memory_space<vmem>>
    %gather3A_946 = tpu.vector_load_idx %gather3A_945[%add3A_915, %and3A_940] : memref<64x128xf32, #tpu.memory_space<vmem>>[vector<16xi32>, vector<16xi32>], vector<16xf32>,
    %add3A_947 = arith.addf %add3A_937, %gather3A_946 : vector<16xf32>
    %swap3A_948 = arith.constant 112 : index
    %swap3A_949 = tpu.vector_load %arg21[%swap3A_948] {strides = array<i32>} : memref<512xf32, #tpu.memory_space<vmem>>, vector<16xf32>,
    tpu.vector_store %arg21[%swap3A_948], %add3A_947 {strides = array<i32>} : memref<512xf32, #tpu.memory_space<vmem>>, vector<16xf32>,
    %get3A_950 = arith.constant 192 : index
    %get3A_951 = tpu.vector_load %arg10[%get3A_950] {strides = array<i32>} : memref<512xi32, #tpu.memory_space<vmem>>, vector<16xi32>,
    %get3A_952 = arith.constant 192 : index
    %get3A_953 = tpu.vector_load %arg11[%get3A_952] {strides = array<i32>} : memref<512xi32, #tpu.memory_space<vmem>>, vector<16xi32>,
    %shift_right_logical3A_954 = arith.constant 3 : i32
    %shift_right_logical3A_955 = vector.broadcast %shift_right_logical3A_954 : i32 to vector<16xi32>
    %shift_right_logical3A_956 = arith.shrui %get3A_951, %shift_right_logical3A_955 : vector<16xi32>
    %swap3A_957 = arith.constant 1 : i32
    %swap3A_958 = arith.index_cast %swap3A_957 : i32 to index
    %swap3A_959 = arith.constant 0 : index
    %swap3A_960 = tpu.vector_load %arg12[%swap3A_958, %swap3A_959] {strides = array<i32>} : memref<2x64xi32, #tpu.memory_space<vmem>>, vector<16xi32>,
    tpu.vector_store %arg12[%swap3A_958, %swap3A_959], %shift_right_logical3A_956 {strides = array<i32>} : memref<2x64xi32, #tpu.memory_space<vmem>>, vector<16xi32>,
    %shift_right_logical3A_961 = arith.constant 3 : i32
    %shift_right_logical3A_962 = vector.broadcast %shift_right_logical3A_961 : i32 to vector<16xi32>
    %shift_right_logical3A_963 = arith.shrui %get3A_953, %shift_right_logical3A_962 : vector<16xi32>
    %swap3A_964 = arith.constant 1 : i32
    %swap3A_965 = arith.index_cast %swap3A_964 : i32 to index
    %swap3A_966 = arith.constant 0 : index
    %swap3A_967 = tpu.vector_load %arg13[%swap3A_965, %swap3A_966] {strides = array<i32>} : memref<2x64xi32, #tpu.memory_space<vmem>>, vector<16xi32>,
    tpu.vector_store %arg13[%swap3A_965, %swap3A_966], %shift_right_logical3A_963 {strides = array<i32>} : memref<2x64xi32, #tpu.memory_space<vmem>>, vector<16xi32>,
    %shift_right_logical3A_968 = arith.constant 7 : i32
    %shift_right_logical3A_969 = vector.broadcast %shift_right_logical3A_968 : i32 to vector<16xi32>
    %shift_right_logical3A_970 = arith.shrui %get3A_951, %shift_right_logical3A_969 : vector<16xi32>
    %swap3A_971 = arith.constant 1 : i32
    %swap3A_972 = arith.index_cast %swap3A_971 : i32 to index
    %swap3A_973 = arith.constant 0 : index
    %swap3A_974 = tpu.vector_load %arg14[%swap3A_972, %swap3A_973] {strides = array<i32>} : memref<2x64xi32, #tpu.memory_space<vmem>>, vector<16xi32>,
    tpu.vector_store %arg14[%swap3A_972, %swap3A_973], %shift_right_logical3A_970 {strides = array<i32>} : memref<2x64xi32, #tpu.memory_space<vmem>>, vector<16xi32>,
    %shift_right_logical3A_975 = arith.constant 7 : i32
    %shift_right_logical3A_976 = vector.broadcast %shift_right_logical3A_975 : i32 to vector<16xi32>
    %shift_right_logical3A_977 = arith.shrui %get3A_953, %shift_right_logical3A_976 : vector<16xi32>
    %swap3A_978 = arith.constant 1 : i32
    %swap3A_979 = arith.index_cast %swap3A_978 : i32 to index
    %swap3A_980 = arith.constant 0 : index
    %swap3A_981 = tpu.vector_load %arg15[%swap3A_979, %swap3A_980] {strides = array<i32>} : memref<2x64xi32, #tpu.memory_space<vmem>>, vector<16xi32>,
    tpu.vector_store %arg15[%swap3A_979, %swap3A_980], %shift_right_logical3A_977 {strides = array<i32>} : memref<2x64xi32, #tpu.memory_space<vmem>>, vector<16xi32>,
    %get3A_982 = arith.constant 208 : index
    %get3A_983 = tpu.vector_load %arg10[%get3A_982] {strides = array<i32>} : memref<512xi32, #tpu.memory_space<vmem>>, vector<16xi32>,
    %get3A_984 = arith.constant 208 : index
    %get3A_985 = tpu.vector_load %arg11[%get3A_984] {strides = array<i32>} : memref<512xi32, #tpu.memory_space<vmem>>, vector<16xi32>,
    %shift_right_logical3A_986 = arith.constant 3 : i32
    %shift_right_logical3A_987 = vector.broadcast %shift_right_logical3A_986 : i32 to vector<16xi32>
    %shift_right_logical3A_988 = arith.shrui %get3A_983, %shift_right_logical3A_987 : vector<16xi32>
    %swap3A_989 = arith.constant 1 : i32
    %swap3A_990 = arith.index_cast %swap3A_989 : i32 to index
    %swap3A_991 = arith.constant 16 : index
    %swap3A_992 = tpu.vector_load %arg12[%swap3A_990, %swap3A_991] {strides = array<i32>} : memref<2x64xi32, #tpu.memory_space<vmem>>, vector<16xi32>,
    tpu.vector_store %arg12[%swap3A_990, %swap3A_991], %shift_right_logical3A_988 {strides = array<i32>} : memref<2x64xi32, #tpu.memory_space<vmem>>, vector<16xi32>,
    %shift_right_logical3A_993 = arith.constant 3 : i32
    %shift_right_logical3A_994 = vector.broadcast %shift_right_logical3A_993 : i32 to vector<16xi32>
    %shift_right_logical3A_995 = arith.shrui %get3A_985, %shift_right_logical3A_994 : vector<16xi32>
    %swap3A_996 = arith.constant 1 : i32
    %swap3A_997 = arith.index_cast %swap3A_996 : i32 to index
    %swap3A_998 = arith.constant 16 : index
    %swap3A_999 = tpu.vector_load %arg13[%swap3A_997, %swap3A_998] {strides = array<i32>} : memref<2x64xi32, #tpu.memory_space<vmem>>, vector<16xi32>,
    tpu.vector_store %arg13[%swap3A_997, %swap3A_998], %shift_right_logical3A_995 {strides = array<i32>} : memref<2x64xi32, #tpu.memory_space<vmem>>, vector<16xi32>,
    %shift_right_logical3A_1000 = arith.constant 7 : i32
    %shift_right_logical3A_1001 = vector.broadcast %shift_right_logical3A_1000 : i32 to vector<16xi32>
    %shift_right_logical3A_1002 = arith.shrui %get3A_983, %shift_right_logical3A_1001 : vector<16xi32>
    %swap3A_1003 = arith.constant 1 : i32
    %swap3A_1004 = arith.index_cast %swap3A_1003 : i32 to index
    %swap3A_1005 = arith.constant 16 : index
    %swap3A_1006 = tpu.vector_load %arg14[%swap3A_1004, %swap3A_1005] {strides = array<i32>} : memref<2x64xi32, #tpu.memory_space<vmem>>, vector<16xi32>,
    tpu.vector_store %arg14[%swap3A_1004, %swap3A_1005], %shift_right_logical3A_1002 {strides = array<i32>} : memref<2x64xi32, #tpu.memory_space<vmem>>, vector<16xi32>,
    %shift_right_logical3A_1007 = arith.constant 7 : i32
    %shift_right_logical3A_1008 = vector.broadcast %shift_right_logical3A_1007 : i32 to vector<16xi32>
    %shift_right_logical3A_1009 = arith.shrui %get3A_985, %shift_right_logical3A_1008 : vector<16xi32>
    %swap3A_1010 = arith.constant 1 : i32
    %swap3A_1011 = arith.index_cast %swap3A_1010 : i32 to index
    %swap3A_1012 = arith.constant 16 : index
    %swap3A_1013 = tpu.vector_load %arg15[%swap3A_1011, %swap3A_1012] {strides = array<i32>} : memref<2x64xi32, #tpu.memory_space<vmem>>, vector<16xi32>,
    tpu.vector_store %arg15[%swap3A_1011, %swap3A_1012], %shift_right_logical3A_1009 {strides = array<i32>} : memref<2x64xi32, #tpu.memory_space<vmem>>, vector<16xi32>,
    %get3A_1014 = arith.constant 224 : index
    %get3A_1015 = tpu.vector_load %arg10[%get3A_1014] {strides = array<i32>} : memref<512xi32, #tpu.memory_space<vmem>>, vector<16xi32>,
    %get3A_1016 = arith.constant 224 : index
    %get3A_1017 = tpu.vector_load %arg11[%get3A_1016] {strides = array<i32>} : memref<512xi32, #tpu.memory_space<vmem>>, vector<16xi32>,
    %shift_right_logical3A_1018 = arith.constant 3 : i32
    %shift_right_logical3A_1019 = vector.broadcast %shift_right_logical3A_1018 : i32 to vector<16xi32>
    %shift_right_logical3A_1020 = arith.shrui %get3A_1015, %shift_right_logical3A_1019 : vector<16xi32>
    %swap3A_1021 = arith.constant 1 : i32
    %swap3A_1022 = arith.index_cast %swap3A_1021 : i32 to index
    %swap3A_1023 = arith.constant 32 : index
    %swap3A_1024 = tpu.vector_load %arg12[%swap3A_1022, %swap3A_1023] {strides = array<i32>} : memref<2x64xi32, #tpu.memory_space<vmem>>, vector<16xi32>,
    tpu.vector_store %arg12[%swap3A_1022, %swap3A_1023], %shift_right_logical3A_1020 {strides = array<i32>} : memref<2x64xi32, #tpu.memory_space<vmem>>, vector<16xi32>,
    %shift_right_logical3A_1025 = arith.constant 3 : i32
    %shift_right_logical3A_1026 = vector.broadcast %shift_right_logical3A_1025 : i32 to vector<16xi32>
    %shift_right_logical3A_1027 = arith.shrui %get3A_1017, %shift_right_logical3A_1026 : vector<16xi32>
    %swap3A_1028 = arith.constant 1 : i32
    %swap3A_1029 = arith.index_cast %swap3A_1028 : i32 to index
    %swap3A_1030 = arith.constant 32 : index
    %swap3A_1031 = tpu.vector_load %arg13[%swap3A_1029, %swap3A_1030] {strides = array<i32>} : memref<2x64xi32, #tpu.memory_space<vmem>>, vector<16xi32>,
    tpu.vector_store %arg13[%swap3A_1029, %swap3A_1030], %shift_right_logical3A_1027 {strides = array<i32>} : memref<2x64xi32, #tpu.memory_space<vmem>>, vector<16xi32>,
    %shift_right_logical3A_1032 = arith.constant 7 : i32
    %shift_right_logical3A_1033 = vector.broadcast %shift_right_logical3A_1032 : i32 to vector<16xi32>
    %shift_right_logical3A_1034 = arith.shrui %get3A_1015, %shift_right_logical3A_1033 : vector<16xi32>
    %swap3A_1035 = arith.constant 1 : i32
    %swap3A_1036 = arith.index_cast %swap3A_1035 : i32 to index
    %swap3A_1037 = arith.constant 32 : index
    %swap3A_1038 = tpu.vector_load %arg14[%swap3A_1036, %swap3A_1037] {strides = array<i32>} : memref<2x64xi32, #tpu.memory_space<vmem>>, vector<16xi32>,
    tpu.vector_store %arg14[%swap3A_1036, %swap3A_1037], %shift_right_logical3A_1034 {strides = array<i32>} : memref<2x64xi32, #tpu.memory_space<vmem>>, vector<16xi32>,
    %shift_right_logical3A_1039 = arith.constant 7 : i32
    %shift_right_logical3A_1040 = vector.broadcast %shift_right_logical3A_1039 : i32 to vector<16xi32>
    %shift_right_logical3A_1041 = arith.shrui %get3A_1017, %shift_right_logical3A_1040 : vector<16xi32>
    %swap3A_1042 = arith.constant 1 : i32
    %swap3A_1043 = arith.index_cast %swap3A_1042 : i32 to index
    %swap3A_1044 = arith.constant 32 : index
    %swap3A_1045 = tpu.vector_load %arg15[%swap3A_1043, %swap3A_1044] {strides = array<i32>} : memref<2x64xi32, #tpu.memory_space<vmem>>, vector<16xi32>,
    tpu.vector_store %arg15[%swap3A_1043, %swap3A_1044], %shift_right_logical3A_1041 {strides = array<i32>} : memref<2x64xi32, #tpu.memory_space<vmem>>, vector<16xi32>,
    %get3A_1046 = arith.constant 240 : index
    %get3A_1047 = tpu.vector_load %arg10[%get3A_1046] {strides = array<i32>} : memref<512xi32, #tpu.memory_space<vmem>>, vector<16xi32>,
    %get3A_1048 = arith.constant 240 : index
    %get3A_1049 = tpu.vector_load %arg11[%get3A_1048] {strides = array<i32>} : memref<512xi32, #tpu.memory_space<vmem>>, vector<16xi32>,
    %shift_right_logical3A_1050 = arith.constant 3 : i32
    %shift_right_logical3A_1051 = vector.broadcast %shift_right_logical3A_1050 : i32 to vector<16xi32>
    %shift_right_logical3A_1052 = arith.shrui %get3A_1047, %shift_right_logical3A_1051 : vector<16xi32>
    %swap3A_1053 = arith.constant 1 : i32
    %swap3A_1054 = arith.index_cast %swap3A_1053 : i32 to index
    %swap3A_1055 = arith.constant 48 : index
    %swap3A_1056 = tpu.vector_load %arg12[%swap3A_1054, %swap3A_1055] {strides = array<i32>} : memref<2x64xi32, #tpu.memory_space<vmem>>, vector<16xi32>,
    tpu.vector_store %arg12[%swap3A_1054, %swap3A_1055], %shift_right_logical3A_1052 {strides = array<i32>} : memref<2x64xi32, #tpu.memory_space<vmem>>, vector<16xi32>,
    %shift_right_logical3A_1057 = arith.constant 3 : i32
    %shift_right_logical3A_1058 = vector.broadcast %shift_right_logical3A_1057 : i32 to vector<16xi32>
    %shift_right_logical3A_1059 = arith.shrui %get3A_1049, %shift_right_logical3A_1058 : vector<16xi32>
    %swap3A_1060 = arith.constant 1 : i32
    %swap3A_1061 = arith.index_cast %swap3A_1060 : i32 to index
    %swap3A_1062 = arith.constant 48 : index
    %swap3A_1063 = tpu.vector_load %arg13[%swap3A_1061, %swap3A_1062] {strides = array<i32>} : memref<2x64xi32, #tpu.memory_space<vmem>>, vector<16xi32>,
    tpu.vector_store %arg13[%swap3A_1061, %swap3A_1062], %shift_right_logical3A_1059 {strides = array<i32>} : memref<2x64xi32, #tpu.memory_space<vmem>>, vector<16xi32>,
    %shift_right_logical3A_1064 = arith.constant 7 : i32
    %shift_right_logical3A_1065 = vector.broadcast %shift_right_logical3A_1064 : i32 to vector<16xi32>
    %shift_right_logical3A_1066 = arith.shrui %get3A_1047, %shift_right_logical3A_1065 : vector<16xi32>
    %swap3A_1067 = arith.constant 1 : i32
    %swap3A_1068 = arith.index_cast %swap3A_1067 : i32 to index
    %swap3A_1069 = arith.constant 48 : index
    %swap3A_1070 = tpu.vector_load %arg14[%swap3A_1068, %swap3A_1069] {strides = array<i32>} : memref<2x64xi32, #tpu.memory_space<vmem>>, vector<16xi32>,
    tpu.vector_store %arg14[%swap3A_1068, %swap3A_1069], %shift_right_logical3A_1066 {strides = array<i32>} : memref<2x64xi32, #tpu.memory_space<vmem>>, vector<16xi32>,
    %shift_right_logical3A_1071 = arith.constant 7 : i32
    %shift_right_logical3A_1072 = vector.broadcast %shift_right_logical3A_1071 : i32 to vector<16xi32>
    %shift_right_logical3A_1073 = arith.shrui %get3A_1049, %shift_right_logical3A_1072 : vector<16xi32>
    %swap3A_1074 = arith.constant 1 : i32
    %swap3A_1075 = arith.index_cast %swap3A_1074 : i32 to index
    %swap3A_1076 = arith.constant 48 : index
    %swap3A_1077 = tpu.vector_load %arg15[%swap3A_1075, %swap3A_1076] {strides = array<i32>} : memref<2x64xi32, #tpu.memory_space<vmem>>, vector<16xi32>,
    tpu.vector_store %arg15[%swap3A_1075, %swap3A_1076], %shift_right_logical3A_1073 {strides = array<i32>} : memref<2x64xi32, #tpu.memory_space<vmem>>, vector<16xi32>,
    %dma_start3A_1078 = arith.constant 1 : i32
    %dma_start3A_1079 = arith.constant 1 : i32
    %dma_start3A_1080 = arith.constant 0 : i32
    %dma_start3A_1081 = arith.constant 0 : i32
    %dma_start3A_1082 = tpu.memref_slice %arg16[%dma_start3A_1079, %dma_start3A_1080, %dma_start3A_1081] : memref<2x64x128xf32, #tpu.memory_space<vmem>> -> memref<1x64x128xf32, #tpu.memory_space<vmem>>
    %dma_start3A_1083 = tpu.memref_squeeze %dma_start3A_1082 : memref<1x64x128xf32, #tpu.memory_space<vmem>> -> memref<64x128xf32, #tpu.memory_space<vmem>>
    %dma_start3A_1084 = arith.constant 0 : i32
    %dma_start3A_1085 = tpu.memref_slice %arg12[%dma_start3A_1078, %dma_start3A_1084] : memref<2x64xi32, #tpu.memory_space<vmem>> -> memref<1x64xi32, #tpu.memory_space<vmem>>
    %dma_start3A_1086 = tpu.memref_squeeze %dma_start3A_1085 : memref<1x64xi32, #tpu.memory_space<vmem>> -> memref<64xi32, #tpu.memory_space<vmem>>
    %dma_start3A_1087 = arith.constant 0 : i32
    %dma_start3A_1088 = arith.constant 0 : i32
    %dma_start3A_1089 = tpu.memref_slice %arg4[%dma_start3A_1087, %dma_start3A_1088] : memref<12500x128xf32, #tpu.memory_space<hbm>> -> memref<12500x128xf32, #tpu.memory_space<hbm>>
    tpu.enqueue_indirect_dma source(%dma_start3A_1089 : memref<12500x128xf32, #tpu.memory_space<hbm>>) target(%dma_start3A_1083 : memref<64x128xf32, #tpu.memory_space<vmem>>) offsets(%dma_start3A_1086 : memref<64xi32, #tpu.memory_space<vmem>>) semaphore(%arg23 : memref<!tpu.dma_semaphore, #tpu.memory_space<semaphore_mem>>)
    %dma_start3A_1090 = arith.constant 1 : i32
    %dma_start3A_1091 = arith.constant 1 : i32
    %dma_start3A_1092 = arith.constant 0 : i32
    %dma_start3A_1093 = arith.constant 0 : i32
    %dma_start3A_1094 = tpu.memref_slice %arg17[%dma_start3A_1091, %dma_start3A_1092, %dma_start3A_1093] : memref<2x64x128xf32, #tpu.memory_space<vmem>> -> memref<1x64x128xf32, #tpu.memory_space<vmem>>
    %dma_start3A_1095 = tpu.memref_squeeze %dma_start3A_1094 : memref<1x64x128xf32, #tpu.memory_space<vmem>> -> memref<64x128xf32, #tpu.memory_space<vmem>>
    %dma_start3A_1096 = arith.constant 0 : i32
    %dma_start3A_1097 = tpu.memref_slice %arg13[%dma_start3A_1090, %dma_start3A_1096] : memref<2x64xi32, #tpu.memory_space<vmem>> -> memref<1x64xi32, #tpu.memory_space<vmem>>
    %dma_start3A_1098 = tpu.memref_squeeze %dma_start3A_1097 : memref<1x64xi32, #tpu.memory_space<vmem>> -> memref<64xi32, #tpu.memory_space<vmem>>
    %dma_start3A_1099 = arith.constant 0 : i32
    %dma_start3A_1100 = arith.constant 0 : i32
    %dma_start3A_1101 = tpu.memref_slice %arg5[%dma_start3A_1099, %dma_start3A_1100] : memref<125000x128xf32, #tpu.memory_space<hbm>> -> memref<125000x128xf32, #tpu.memory_space<hbm>>
    tpu.enqueue_indirect_dma source(%dma_start3A_1101 : memref<125000x128xf32, #tpu.memory_space<hbm>>) target(%dma_start3A_1095 : memref<64x128xf32, #tpu.memory_space<vmem>>) offsets(%dma_start3A_1098 : memref<64xi32, #tpu.memory_space<vmem>>) semaphore(%arg23 : memref<!tpu.dma_semaphore, #tpu.memory_space<semaphore_mem>>)
    %dma_start3A_1102 = arith.constant 1 : i32
    %dma_start3A_1103 = arith.constant 1 : i32
    %dma_start3A_1104 = arith.constant 0 : i32
    %dma_start3A_1105 = arith.constant 0 : i32
    %dma_start3A_1106 = tpu.memref_slice %arg18[%dma_start3A_1103, %dma_start3A_1104, %dma_start3A_1105] : memref<2x64x128xf32, #tpu.memory_space<vmem>> -> memref<1x64x128xf32, #tpu.memory_space<vmem>>
    %dma_start3A_1107 = tpu.memref_squeeze %dma_start3A_1106 : memref<1x64x128xf32, #tpu.memory_space<vmem>> -> memref<64x128xf32, #tpu.memory_space<vmem>>
    %dma_start3A_1108 = arith.constant 0 : i32
    %dma_start3A_1109 = tpu.memref_slice %arg14[%dma_start3A_1102, %dma_start3A_1108] : memref<2x64xi32, #tpu.memory_space<vmem>> -> memref<1x64xi32, #tpu.memory_space<vmem>>
    %dma_start3A_1110 = tpu.memref_squeeze %dma_start3A_1109 : memref<1x64xi32, #tpu.memory_space<vmem>> -> memref<64xi32, #tpu.memory_space<vmem>>
    %dma_start3A_1111 = arith.constant 0 : i32
    %dma_start3A_1112 = arith.constant 0 : i32
    %dma_start3A_1113 = tpu.memref_slice %arg6[%dma_start3A_1111, %dma_start3A_1112] : memref<782x128xf32, #tpu.memory_space<hbm>> -> memref<782x128xf32, #tpu.memory_space<hbm>>
    tpu.enqueue_indirect_dma source(%dma_start3A_1113 : memref<782x128xf32, #tpu.memory_space<hbm>>) target(%dma_start3A_1107 : memref<64x128xf32, #tpu.memory_space<vmem>>) offsets(%dma_start3A_1110 : memref<64xi32, #tpu.memory_space<vmem>>) semaphore(%arg23 : memref<!tpu.dma_semaphore, #tpu.memory_space<semaphore_mem>>)
    %dma_start3A_1114 = arith.constant 1 : i32
    %dma_start3A_1115 = arith.constant 1 : i32
    %dma_start3A_1116 = arith.constant 0 : i32
    %dma_start3A_1117 = arith.constant 0 : i32
    %dma_start3A_1118 = tpu.memref_slice %arg19[%dma_start3A_1115, %dma_start3A_1116, %dma_start3A_1117] : memref<2x64x128xf32, #tpu.memory_space<vmem>> -> memref<1x64x128xf32, #tpu.memory_space<vmem>>
    %dma_start3A_1119 = tpu.memref_squeeze %dma_start3A_1118 : memref<1x64x128xf32, #tpu.memory_space<vmem>> -> memref<64x128xf32, #tpu.memory_space<vmem>>
    %dma_start3A_1120 = arith.constant 0 : i32
    %dma_start3A_1121 = tpu.memref_slice %arg15[%dma_start3A_1114, %dma_start3A_1120] : memref<2x64xi32, #tpu.memory_space<vmem>> -> memref<1x64xi32, #tpu.memory_space<vmem>>
    %dma_start3A_1122 = tpu.memref_squeeze %dma_start3A_1121 : memref<1x64xi32, #tpu.memory_space<vmem>> -> memref<64xi32, #tpu.memory_space<vmem>>
    %dma_start3A_1123 = arith.constant 0 : i32
    %dma_start3A_1124 = arith.constant 0 : i32
    %dma_start3A_1125 = tpu.memref_slice %arg7[%dma_start3A_1123, %dma_start3A_1124] : memref<7813x128xf32, #tpu.memory_space<hbm>> -> memref<7813x128xf32, #tpu.memory_space<hbm>>
    tpu.enqueue_indirect_dma source(%dma_start3A_1125 : memref<7813x128xf32, #tpu.memory_space<hbm>>) target(%dma_start3A_1119 : memref<64x128xf32, #tpu.memory_space<vmem>>) offsets(%dma_start3A_1122 : memref<64xi32, #tpu.memory_space<vmem>>) semaphore(%arg23 : memref<!tpu.dma_semaphore, #tpu.memory_space<semaphore_mem>>)
    %dma_wait3A_1126 = arith.constant 0 : i32
    %dma_wait3A_1127 = arith.constant 0 : i32
    %dma_wait3A_1128 = arith.constant 0 : i32
    %dma_wait3A_1129 = arith.constant 0 : i32
    %dma_wait3A_1130 = tpu.memref_slice %arg16[%dma_wait3A_1127, %dma_wait3A_1128, %dma_wait3A_1129] : memref<2x64x128xf32, #tpu.memory_space<vmem>> -> memref<1x64x128xf32, #tpu.memory_space<vmem>>
    %dma_wait3A_1131 = tpu.memref_squeeze %dma_wait3A_1130 : memref<1x64x128xf32, #tpu.memory_space<vmem>> -> memref<64x128xf32, #tpu.memory_space<vmem>>
    %dma_wait3A_1132 = arith.constant 0 : i32
    %dma_wait3A_1133 = tpu.memref_slice %arg12[%dma_wait3A_1126, %dma_wait3A_1132] : memref<2x64xi32, #tpu.memory_space<vmem>> -> memref<1x64xi32, #tpu.memory_space<vmem>>
    %dma_wait3A_1134 = tpu.memref_squeeze %dma_wait3A_1133 : memref<1x64xi32, #tpu.memory_space<vmem>> -> memref<64xi32, #tpu.memory_space<vmem>>
    %dma_wait3A_1135 = arith.constant 0 : i32
    %dma_wait3A_1136 = arith.constant 0 : i32
    %dma_wait3A_1137 = tpu.memref_slice %arg4[%dma_wait3A_1135, %dma_wait3A_1136] : memref<12500x128xf32, #tpu.memory_space<hbm>> -> memref<12500x128xf32, #tpu.memory_space<hbm>>
    tpu.wait_indirect_dma semaphore(%arg22 : memref<!tpu.dma_semaphore, #tpu.memory_space<semaphore_mem>>) src(%dma_wait3A_1137 : memref<12500x128xf32, #tpu.memory_space<hbm>>) dst(%dma_wait3A_1131 : memref<64x128xf32, #tpu.memory_space<vmem>>)
    %dma_wait3A_1138 = arith.constant 0 : i32
    %dma_wait3A_1139 = arith.constant 0 : i32
    %dma_wait3A_1140 = arith.constant 0 : i32
    %dma_wait3A_1141 = arith.constant 0 : i32
    %dma_wait3A_1142 = tpu.memref_slice %arg17[%dma_wait3A_1139, %dma_wait3A_1140, %dma_wait3A_1141] : memref<2x64x128xf32, #tpu.memory_space<vmem>> -> memref<1x64x128xf32, #tpu.memory_space<vmem>>
    %dma_wait3A_1143 = tpu.memref_squeeze %dma_wait3A_1142 : memref<1x64x128xf32, #tpu.memory_space<vmem>> -> memref<64x128xf32, #tpu.memory_space<vmem>>
    %dma_wait3A_1144 = arith.constant 0 : i32
    %dma_wait3A_1145 = tpu.memref_slice %arg13[%dma_wait3A_1138, %dma_wait3A_1144] : memref<2x64xi32, #tpu.memory_space<vmem>> -> memref<1x64xi32, #tpu.memory_space<vmem>>
    %dma_wait3A_1146 = tpu.memref_squeeze %dma_wait3A_1145 : memref<1x64xi32, #tpu.memory_space<vmem>> -> memref<64xi32, #tpu.memory_space<vmem>>
    %dma_wait3A_1147 = arith.constant 0 : i32
    %dma_wait3A_1148 = arith.constant 0 : i32
    %dma_wait3A_1149 = tpu.memref_slice %arg5[%dma_wait3A_1147, %dma_wait3A_1148] : memref<125000x128xf32, #tpu.memory_space<hbm>> -> memref<125000x128xf32, #tpu.memory_space<hbm>>
    tpu.wait_indirect_dma semaphore(%arg22 : memref<!tpu.dma_semaphore, #tpu.memory_space<semaphore_mem>>) src(%dma_wait3A_1149 : memref<125000x128xf32, #tpu.memory_space<hbm>>) dst(%dma_wait3A_1143 : memref<64x128xf32, #tpu.memory_space<vmem>>)
    %dma_wait3A_1150 = arith.constant 0 : i32
    %dma_wait3A_1151 = arith.constant 0 : i32
    %dma_wait3A_1152 = arith.constant 0 : i32
    %dma_wait3A_1153 = arith.constant 0 : i32
    %dma_wait3A_1154 = tpu.memref_slice %arg18[%dma_wait3A_1151, %dma_wait3A_1152, %dma_wait3A_1153] : memref<2x64x128xf32, #tpu.memory_space<vmem>> -> memref<1x64x128xf32, #tpu.memory_space<vmem>>
    %dma_wait3A_1155 = tpu.memref_squeeze %dma_wait3A_1154 : memref<1x64x128xf32, #tpu.memory_space<vmem>> -> memref<64x128xf32, #tpu.memory_space<vmem>>
    %dma_wait3A_1156 = arith.constant 0 : i32
    %dma_wait3A_1157 = tpu.memref_slice %arg14[%dma_wait3A_1150, %dma_wait3A_1156] : memref<2x64xi32, #tpu.memory_space<vmem>> -> memref<1x64xi32, #tpu.memory_space<vmem>>
    %dma_wait3A_1158 = tpu.memref_squeeze %dma_wait3A_1157 : memref<1x64xi32, #tpu.memory_space<vmem>> -> memref<64xi32, #tpu.memory_space<vmem>>
    %dma_wait3A_1159 = arith.constant 0 : i32
    %dma_wait3A_1160 = arith.constant 0 : i32
    %dma_wait3A_1161 = tpu.memref_slice %arg6[%dma_wait3A_1159, %dma_wait3A_1160] : memref<782x128xf32, #tpu.memory_space<hbm>> -> memref<782x128xf32, #tpu.memory_space<hbm>>
    tpu.wait_indirect_dma semaphore(%arg22 : memref<!tpu.dma_semaphore, #tpu.memory_space<semaphore_mem>>) src(%dma_wait3A_1161 : memref<782x128xf32, #tpu.memory_space<hbm>>) dst(%dma_wait3A_1155 : memref<64x128xf32, #tpu.memory_space<vmem>>)
    %dma_wait3A_1162 = arith.constant 0 : i32
    %dma_wait3A_1163 = arith.constant 0 : i32
    %dma_wait3A_1164 = arith.constant 0 : i32
    %dma_wait3A_1165 = arith.constant 0 : i32
    %dma_wait3A_1166 = tpu.memref_slice %arg19[%dma_wait3A_1163, %dma_wait3A_1164, %dma_wait3A_1165] : memref<2x64x128xf32, #tpu.memory_space<vmem>> -> memref<1x64x128xf32, #tpu.memory_space<vmem>>
    %dma_wait3A_1167 = tpu.memref_squeeze %dma_wait3A_1166 : memref<1x64x128xf32, #tpu.memory_space<vmem>> -> memref<64x128xf32, #tpu.memory_space<vmem>>
    %dma_wait3A_1168 = arith.constant 0 : i32
    %dma_wait3A_1169 = tpu.memref_slice %arg15[%dma_wait3A_1162, %dma_wait3A_1168] : memref<2x64xi32, #tpu.memory_space<vmem>> -> memref<1x64xi32, #tpu.memory_space<vmem>>
    %dma_wait3A_1170 = tpu.memref_squeeze %dma_wait3A_1169 : memref<1x64xi32, #tpu.memory_space<vmem>> -> memref<64xi32, #tpu.memory_space<vmem>>
    %dma_wait3A_1171 = arith.constant 0 : i32
    %dma_wait3A_1172 = arith.constant 0 : i32
    %dma_wait3A_1173 = tpu.memref_slice %arg7[%dma_wait3A_1171, %dma_wait3A_1172] : memref<7813x128xf32, #tpu.memory_space<hbm>> -> memref<7813x128xf32, #tpu.memory_space<hbm>>
    tpu.wait_indirect_dma semaphore(%arg22 : memref<!tpu.dma_semaphore, #tpu.memory_space<semaphore_mem>>) src(%dma_wait3A_1173 : memref<7813x128xf32, #tpu.memory_space<hbm>>) dst(%dma_wait3A_1167 : memref<64x128xf32, #tpu.memory_space<vmem>>)
    %get3A_1174 = arith.constant 128 : index
    %get3A_1175 = tpu.vector_load %arg10[%get3A_1174] {strides = array<i32>} : memref<512xi32, #tpu.memory_space<vmem>>, vector<16xi32>,
    %get3A_1176 = arith.constant 128 : index
    %get3A_1177 = tpu.vector_load %arg11[%get3A_1176] {strides = array<i32>} : memref<512xi32, #tpu.memory_space<vmem>>, vector<16xi32>,
    %add3A_1178 = arith.constant 0 : i32
    %add3A_1179 = vector.broadcast %add3A_1178 : i32 to vector<16xi32>
    %add3A_1180 = arith.addi %add3A_1179, %iota3A : vector<16xi32>
    %and3A_1181 = arith.constant 7 : i32
    %and3A_1182 = vector.broadcast %and3A_1181 : i32 to vector<16xi32>
    %and3A_1183 = arith.andi %get3A_1175, %and3A_1182 : vector<16xi32>
    %mul3A_1184 = arith.constant 16 : i32
    %mul3A_1185 = vector.broadcast %mul3A_1184 : i32 to vector<16xi32>
    %mul3A_1186 = arith.muli %and3A_1183, %mul3A_1185 : vector<16xi32>
    %and3A_1187 = arith.constant 7 : i32
    %and3A_1188 = vector.broadcast %and3A_1187 : i32 to vector<16xi32>
    %and3A_1189 = arith.andi %get3A_1177, %and3A_1188 : vector<16xi32>
    %mul3A_1190 = arith.constant 16 : i32
    %mul3A_1191 = vector.broadcast %mul3A_1190 : i32 to vector<16xi32>
    %mul3A_1192 = arith.muli %and3A_1189, %mul3A_1191 : vector<16xi32>
    %and3A_1193 = arith.constant 127 : i32
    %and3A_1194 = vector.broadcast %and3A_1193 : i32 to vector<16xi32>
    %and3A_1195 = arith.andi %get3A_1175, %and3A_1194 : vector<16xi32>
    %gather3A_1196 = arith.constant 0 : i32
    %gather3A_1197 = arith.constant 0 : i32
    %gather3A_1198 = arith.constant 0 : i32
    %gather3A_1199 = tpu.memref_slice %arg18[%gather3A_1196, %gather3A_1197, %gather3A_1198] : memref<2x64x128xf32, #tpu.memory_space<vmem>> -> memref<1x64x128xf32, #tpu.memory_space<vmem>>
    %gather3A_1200 = tpu.memref_squeeze %gather3A_1199 : memref<1x64x128xf32, #tpu.memory_space<vmem>> -> memref<64x128xf32, #tpu.memory_space<vmem>>
    %gather3A_1201 = tpu.vector_load_idx %gather3A_1200[%add3A_1180, %and3A_1195] : memref<64x128xf32, #tpu.memory_space<vmem>>[vector<16xi32>, vector<16xi32>], vector<16xf32>,
    %add3A_1202 = arith.addf %get3A_3, %gather3A_1201 : vector<16xf32>
    %and3A_1203 = arith.constant 127 : i32
    %and3A_1204 = vector.broadcast %and3A_1203 : i32 to vector<16xi32>
    %and3A_1205 = arith.andi %get3A_1177, %and3A_1204 : vector<16xi32>
    %gather3A_1206 = arith.constant 0 : i32
    %gather3A_1207 = arith.constant 0 : i32
    %gather3A_1208 = arith.constant 0 : i32
    %gather3A_1209 = tpu.memref_slice %arg19[%gather3A_1206, %gather3A_1207, %gather3A_1208] : memref<2x64x128xf32, #tpu.memory_space<vmem>> -> memref<1x64x128xf32, #tpu.memory_space<vmem>>
    %gather3A_1210 = tpu.memref_squeeze %gather3A_1209 : memref<1x64x128xf32, #tpu.memory_space<vmem>> -> memref<64x128xf32, #tpu.memory_space<vmem>>
    %gather3A_1211 = tpu.vector_load_idx %gather3A_1210[%add3A_1180, %and3A_1205] : memref<64x128xf32, #tpu.memory_space<vmem>>[vector<16xi32>, vector<16xi32>], vector<16xf32>,
    %add3A_1212 = arith.addf %add3A_1202, %gather3A_1211 : vector<16xf32>
    %swap3A_1213 = arith.constant 128 : index
    %swap3A_1214 = tpu.vector_load %arg21[%swap3A_1213] {strides = array<i32>} : memref<512xf32, #tpu.memory_space<vmem>>, vector<16xf32>,
    tpu.vector_store %arg21[%swap3A_1213], %add3A_1212 {strides = array<i32>} : memref<512xf32, #tpu.memory_space<vmem>>, vector<16xf32>,
    %get3A_1215 = arith.constant 144 : index
    %get3A_1216 = tpu.vector_load %arg10[%get3A_1215] {strides = array<i32>} : memref<512xi32, #tpu.memory_space<vmem>>, vector<16xi32>,
    %get3A_1217 = arith.constant 144 : index
    %get3A_1218 = tpu.vector_load %arg11[%get3A_1217] {strides = array<i32>} : memref<512xi32, #tpu.memory_space<vmem>>, vector<16xi32>,
    %add3A_1219 = arith.constant 16 : i32
    %add3A_1220 = vector.broadcast %add3A_1219 : i32 to vector<16xi32>
    %add3A_1221 = arith.addi %add3A_1220, %iota3A : vector<16xi32>
    %and3A_1222 = arith.constant 7 : i32
    %and3A_1223 = vector.broadcast %and3A_1222 : i32 to vector<16xi32>
    %and3A_1224 = arith.andi %get3A_1216, %and3A_1223 : vector<16xi32>
    %mul3A_1225 = arith.constant 16 : i32
    %mul3A_1226 = vector.broadcast %mul3A_1225 : i32 to vector<16xi32>
    %mul3A_1227 = arith.muli %and3A_1224, %mul3A_1226 : vector<16xi32>
    %and3A_1228 = arith.constant 7 : i32
    %and3A_1229 = vector.broadcast %and3A_1228 : i32 to vector<16xi32>
    %and3A_1230 = arith.andi %get3A_1218, %and3A_1229 : vector<16xi32>
    %mul3A_1231 = arith.constant 16 : i32
    %mul3A_1232 = vector.broadcast %mul3A_1231 : i32 to vector<16xi32>
    %mul3A_1233 = arith.muli %and3A_1230, %mul3A_1232 : vector<16xi32>
    %and3A_1234 = arith.constant 127 : i32
    %and3A_1235 = vector.broadcast %and3A_1234 : i32 to vector<16xi32>
    %and3A_1236 = arith.andi %get3A_1216, %and3A_1235 : vector<16xi32>
    %gather3A_1237 = arith.constant 0 : i32
    %gather3A_1238 = arith.constant 0 : i32
    %gather3A_1239 = arith.constant 0 : i32
    %gather3A_1240 = tpu.memref_slice %arg18[%gather3A_1237, %gather3A_1238, %gather3A_1239] : memref<2x64x128xf32, #tpu.memory_space<vmem>> -> memref<1x64x128xf32, #tpu.memory_space<vmem>>
    %gather3A_1241 = tpu.memref_squeeze %gather3A_1240 : memref<1x64x128xf32, #tpu.memory_space<vmem>> -> memref<64x128xf32, #tpu.memory_space<vmem>>
    %gather3A_1242 = tpu.vector_load_idx %gather3A_1241[%add3A_1221, %and3A_1236] : memref<64x128xf32, #tpu.memory_space<vmem>>[vector<16xi32>, vector<16xi32>], vector<16xf32>,
    %add3A_1243 = arith.addf %get3A_3, %gather3A_1242 : vector<16xf32>
    %and3A_1244 = arith.constant 127 : i32
    %and3A_1245 = vector.broadcast %and3A_1244 : i32 to vector<16xi32>
    %and3A_1246 = arith.andi %get3A_1218, %and3A_1245 : vector<16xi32>
    %gather3A_1247 = arith.constant 0 : i32
    %gather3A_1248 = arith.constant 0 : i32
    %gather3A_1249 = arith.constant 0 : i32
    %gather3A_1250 = tpu.memref_slice %arg19[%gather3A_1247, %gather3A_1248, %gather3A_1249] : memref<2x64x128xf32, #tpu.memory_space<vmem>> -> memref<1x64x128xf32, #tpu.memory_space<vmem>>
    %gather3A_1251 = tpu.memref_squeeze %gather3A_1250 : memref<1x64x128xf32, #tpu.memory_space<vmem>> -> memref<64x128xf32, #tpu.memory_space<vmem>>
    %gather3A_1252 = tpu.vector_load_idx %gather3A_1251[%add3A_1221, %and3A_1246] : memref<64x128xf32, #tpu.memory_space<vmem>>[vector<16xi32>, vector<16xi32>], vector<16xf32>,
    %add3A_1253 = arith.addf %add3A_1243, %gather3A_1252 : vector<16xf32>
    %swap3A_1254 = arith.constant 144 : index
    %swap3A_1255 = tpu.vector_load %arg21[%swap3A_1254] {strides = array<i32>} : memref<512xf32, #tpu.memory_space<vmem>>, vector<16xf32>,
    tpu.vector_store %arg21[%swap3A_1254], %add3A_1253 {strides = array<i32>} : memref<512xf32, #tpu.memory_space<vmem>>, vector<16xf32>,
    %get3A_1256 = arith.constant 160 : index
    %get3A_1257 = tpu.vector_load %arg10[%get3A_1256] {strides = array<i32>} : memref<512xi32, #tpu.memory_space<vmem>>, vector<16xi32>,
    %get3A_1258 = arith.constant 160 : index
    %get3A_1259 = tpu.vector_load %arg11[%get3A_1258] {strides = array<i32>} : memref<512xi32, #tpu.memory_space<vmem>>, vector<16xi32>,
    %add3A_1260 = arith.constant 32 : i32
    %add3A_1261 = vector.broadcast %add3A_1260 : i32 to vector<16xi32>
    %add3A_1262 = arith.addi %add3A_1261, %iota3A : vector<16xi32>
    %and3A_1263 = arith.constant 7 : i32
    %and3A_1264 = vector.broadcast %and3A_1263 : i32 to vector<16xi32>
    %and3A_1265 = arith.andi %get3A_1257, %and3A_1264 : vector<16xi32>
    %mul3A_1266 = arith.constant 16 : i32
    %mul3A_1267 = vector.broadcast %mul3A_1266 : i32 to vector<16xi32>
    %mul3A_1268 = arith.muli %and3A_1265, %mul3A_1267 : vector<16xi32>
    %and3A_1269 = arith.constant 7 : i32
    %and3A_1270 = vector.broadcast %and3A_1269 : i32 to vector<16xi32>
    %and3A_1271 = arith.andi %get3A_1259, %and3A_1270 : vector<16xi32>
    %mul3A_1272 = arith.constant 16 : i32
    %mul3A_1273 = vector.broadcast %mul3A_1272 : i32 to vector<16xi32>
    %mul3A_1274 = arith.muli %and3A_1271, %mul3A_1273 : vector<16xi32>
    %and3A_1275 = arith.constant 127 : i32
    %and3A_1276 = vector.broadcast %and3A_1275 : i32 to vector<16xi32>
    %and3A_1277 = arith.andi %get3A_1257, %and3A_1276 : vector<16xi32>
    %gather3A_1278 = arith.constant 0 : i32
    %gather3A_1279 = arith.constant 0 : i32
    %gather3A_1280 = arith.constant 0 : i32
    %gather3A_1281 = tpu.memref_slice %arg18[%gather3A_1278, %gather3A_1279, %gather3A_1280] : memref<2x64x128xf32, #tpu.memory_space<vmem>> -> memref<1x64x128xf32, #tpu.memory_space<vmem>>
    %gather3A_1282 = tpu.memref_squeeze %gather3A_1281 : memref<1x64x128xf32, #tpu.memory_space<vmem>> -> memref<64x128xf32, #tpu.memory_space<vmem>>
    %gather3A_1283 = tpu.vector_load_idx %gather3A_1282[%add3A_1262, %and3A_1277] : memref<64x128xf32, #tpu.memory_space<vmem>>[vector<16xi32>, vector<16xi32>], vector<16xf32>,
    %add3A_1284 = arith.addf %get3A_3, %gather3A_1283 : vector<16xf32>
    %and3A_1285 = arith.constant 127 : i32
    %and3A_1286 = vector.broadcast %and3A_1285 : i32 to vector<16xi32>
    %and3A_1287 = arith.andi %get3A_1259, %and3A_1286 : vector<16xi32>
    %gather3A_1288 = arith.constant 0 : i32
    %gather3A_1289 = arith.constant 0 : i32
    %gather3A_1290 = arith.constant 0 : i32
    %gather3A_1291 = tpu.memref_slice %arg19[%gather3A_1288, %gather3A_1289, %gather3A_1290] : memref<2x64x128xf32, #tpu.memory_space<vmem>> -> memref<1x64x128xf32, #tpu.memory_space<vmem>>
    %gather3A_1292 = tpu.memref_squeeze %gather3A_1291 : memref<1x64x128xf32, #tpu.memory_space<vmem>> -> memref<64x128xf32, #tpu.memory_space<vmem>>
    %gather3A_1293 = tpu.vector_load_idx %gather3A_1292[%add3A_1262, %and3A_1287] : memref<64x128xf32, #tpu.memory_space<vmem>>[vector<16xi32>, vector<16xi32>], vector<16xf32>,
    %add3A_1294 = arith.addf %add3A_1284, %gather3A_1293 : vector<16xf32>
    %swap3A_1295 = arith.constant 160 : index
    %swap3A_1296 = tpu.vector_load %arg21[%swap3A_1295] {strides = array<i32>} : memref<512xf32, #tpu.memory_space<vmem>>, vector<16xf32>,
    tpu.vector_store %arg21[%swap3A_1295], %add3A_1294 {strides = array<i32>} : memref<512xf32, #tpu.memory_space<vmem>>, vector<16xf32>,
    %get3A_1297 = arith.constant 176 : index
    %get3A_1298 = tpu.vector_load %arg10[%get3A_1297] {strides = array<i32>} : memref<512xi32, #tpu.memory_space<vmem>>, vector<16xi32>,
    %get3A_1299 = arith.constant 176 : index
    %get3A_1300 = tpu.vector_load %arg11[%get3A_1299] {strides = array<i32>} : memref<512xi32, #tpu.memory_space<vmem>>, vector<16xi32>,
    %add3A_1301 = arith.constant 48 : i32
    %add3A_1302 = vector.broadcast %add3A_1301 : i32 to vector<16xi32>
    %add3A_1303 = arith.addi %add3A_1302, %iota3A : vector<16xi32>
    %and3A_1304 = arith.constant 7 : i32
    %and3A_1305 = vector.broadcast %and3A_1304 : i32 to vector<16xi32>
    %and3A_1306 = arith.andi %get3A_1298, %and3A_1305 : vector<16xi32>
    %mul3A_1307 = arith.constant 16 : i32
    %mul3A_1308 = vector.broadcast %mul3A_1307 : i32 to vector<16xi32>
    %mul3A_1309 = arith.muli %and3A_1306, %mul3A_1308 : vector<16xi32>
    %and3A_1310 = arith.constant 7 : i32
    %and3A_1311 = vector.broadcast %and3A_1310 : i32 to vector<16xi32>
    %and3A_1312 = arith.andi %get3A_1300, %and3A_1311 : vector<16xi32>
    %mul3A_1313 = arith.constant 16 : i32
    %mul3A_1314 = vector.broadcast %mul3A_1313 : i32 to vector<16xi32>
    %mul3A_1315 = arith.muli %and3A_1312, %mul3A_1314 : vector<16xi32>
    %and3A_1316 = arith.constant 127 : i32
    %and3A_1317 = vector.broadcast %and3A_1316 : i32 to vector<16xi32>
    %and3A_1318 = arith.andi %get3A_1298, %and3A_1317 : vector<16xi32>
    %gather3A_1319 = arith.constant 0 : i32
    %gather3A_1320 = arith.constant 0 : i32
    %gather3A_1321 = arith.constant 0 : i32
    %gather3A_1322 = tpu.memref_slice %arg18[%gather3A_1319, %gather3A_1320, %gather3A_1321] : memref<2x64x128xf32, #tpu.memory_space<vmem>> -> memref<1x64x128xf32, #tpu.memory_space<vmem>>
    %gather3A_1323 = tpu.memref_squeeze %gather3A_1322 : memref<1x64x128xf32, #tpu.memory_space<vmem>> -> memref<64x128xf32, #tpu.memory_space<vmem>>
    %gather3A_1324 = tpu.vector_load_idx %gather3A_1323[%add3A_1303, %and3A_1318] : memref<64x128xf32, #tpu.memory_space<vmem>>[vector<16xi32>, vector<16xi32>], vector<16xf32>,
    %add3A_1325 = arith.addf %get3A_3, %gather3A_1324 : vector<16xf32>
    %and3A_1326 = arith.constant 127 : i32
    %and3A_1327 = vector.broadcast %and3A_1326 : i32 to vector<16xi32>
    %and3A_1328 = arith.andi %get3A_1300, %and3A_1327 : vector<16xi32>
    %gather3A_1329 = arith.constant 0 : i32
    %gather3A_1330 = arith.constant 0 : i32
    %gather3A_1331 = arith.constant 0 : i32
    %gather3A_1332 = tpu.memref_slice %arg19[%gather3A_1329, %gather3A_1330, %gather3A_1331] : memref<2x64x128xf32, #tpu.memory_space<vmem>> -> memref<1x64x128xf32, #tpu.memory_space<vmem>>
    %gather3A_1333 = tpu.memref_squeeze %gather3A_1332 : memref<1x64x128xf32, #tpu.memory_space<vmem>> -> memref<64x128xf32, #tpu.memory_space<vmem>>
    %gather3A_1334 = tpu.vector_load_idx %gather3A_1333[%add3A_1303, %and3A_1328] : memref<64x128xf32, #tpu.memory_space<vmem>>[vector<16xi32>, vector<16xi32>], vector<16xf32>,
    %add3A_1335 = arith.addf %add3A_1325, %gather3A_1334 : vector<16xf32>
    %swap3A_1336 = arith.constant 176 : index
    %swap3A_1337 = tpu.vector_load %arg21[%swap3A_1336] {strides = array<i32>} : memref<512xf32, #tpu.memory_space<vmem>>, vector<16xf32>,
    tpu.vector_store %arg21[%swap3A_1336], %add3A_1335 {strides = array<i32>} : memref<512xf32, #tpu.memory_space<vmem>>, vector<16xf32>,
    %get3A_1338 = arith.constant 256 : index
    %get3A_1339 = tpu.vector_load %arg10[%get3A_1338] {strides = array<i32>} : memref<512xi32, #tpu.memory_space<vmem>>, vector<16xi32>,
    %get3A_1340 = arith.constant 256 : index
    %get3A_1341 = tpu.vector_load %arg11[%get3A_1340] {strides = array<i32>} : memref<512xi32, #tpu.memory_space<vmem>>, vector<16xi32>,
    %shift_right_logical3A_1342 = arith.constant 3 : i32
    %shift_right_logical3A_1343 = vector.broadcast %shift_right_logical3A_1342 : i32 to vector<16xi32>
    %shift_right_logical3A_1344 = arith.shrui %get3A_1339, %shift_right_logical3A_1343 : vector<16xi32>
    %swap3A_1345 = arith.constant 0 : i32
    %swap3A_1346 = arith.index_cast %swap3A_1345 : i32 to index
    %swap3A_1347 = arith.constant 0 : index
    %swap3A_1348 = tpu.vector_load %arg12[%swap3A_1346, %swap3A_1347] {strides = array<i32>} : memref<2x64xi32, #tpu.memory_space<vmem>>, vector<16xi32>,
    tpu.vector_store %arg12[%swap3A_1346, %swap3A_1347], %shift_right_logical3A_1344 {strides = array<i32>} : memref<2x64xi32, #tpu.memory_space<vmem>>, vector<16xi32>,
    %shift_right_logical3A_1349 = arith.constant 3 : i32
    %shift_right_logical3A_1350 = vector.broadcast %shift_right_logical3A_1349 : i32 to vector<16xi32>
    %shift_right_logical3A_1351 = arith.shrui %get3A_1341, %shift_right_logical3A_1350 : vector<16xi32>
    %swap3A_1352 = arith.constant 0 : i32
    %swap3A_1353 = arith.index_cast %swap3A_1352 : i32 to index
    %swap3A_1354 = arith.constant 0 : index
    %swap3A_1355 = tpu.vector_load %arg13[%swap3A_1353, %swap3A_1354] {strides = array<i32>} : memref<2x64xi32, #tpu.memory_space<vmem>>, vector<16xi32>,
    tpu.vector_store %arg13[%swap3A_1353, %swap3A_1354], %shift_right_logical3A_1351 {strides = array<i32>} : memref<2x64xi32, #tpu.memory_space<vmem>>, vector<16xi32>,
    %shift_right_logical3A_1356 = arith.constant 7 : i32
    %shift_right_logical3A_1357 = vector.broadcast %shift_right_logical3A_1356 : i32 to vector<16xi32>
    %shift_right_logical3A_1358 = arith.shrui %get3A_1339, %shift_right_logical3A_1357 : vector<16xi32>
    %swap3A_1359 = arith.constant 0 : i32
    %swap3A_1360 = arith.index_cast %swap3A_1359 : i32 to index
    %swap3A_1361 = arith.constant 0 : index
    %swap3A_1362 = tpu.vector_load %arg14[%swap3A_1360, %swap3A_1361] {strides = array<i32>} : memref<2x64xi32, #tpu.memory_space<vmem>>, vector<16xi32>,
    tpu.vector_store %arg14[%swap3A_1360, %swap3A_1361], %shift_right_logical3A_1358 {strides = array<i32>} : memref<2x64xi32, #tpu.memory_space<vmem>>, vector<16xi32>,
    %shift_right_logical3A_1363 = arith.constant 7 : i32
    %shift_right_logical3A_1364 = vector.broadcast %shift_right_logical3A_1363 : i32 to vector<16xi32>
    %shift_right_logical3A_1365 = arith.shrui %get3A_1341, %shift_right_logical3A_1364 : vector<16xi32>
    %swap3A_1366 = arith.constant 0 : i32
    %swap3A_1367 = arith.index_cast %swap3A_1366 : i32 to index
    %swap3A_1368 = arith.constant 0 : index
    %swap3A_1369 = tpu.vector_load %arg15[%swap3A_1367, %swap3A_1368] {strides = array<i32>} : memref<2x64xi32, #tpu.memory_space<vmem>>, vector<16xi32>,
    tpu.vector_store %arg15[%swap3A_1367, %swap3A_1368], %shift_right_logical3A_1365 {strides = array<i32>} : memref<2x64xi32, #tpu.memory_space<vmem>>, vector<16xi32>,
    %get3A_1370 = arith.constant 272 : index
    %get3A_1371 = tpu.vector_load %arg10[%get3A_1370] {strides = array<i32>} : memref<512xi32, #tpu.memory_space<vmem>>, vector<16xi32>,
    %get3A_1372 = arith.constant 272 : index
    %get3A_1373 = tpu.vector_load %arg11[%get3A_1372] {strides = array<i32>} : memref<512xi32, #tpu.memory_space<vmem>>, vector<16xi32>,
    %shift_right_logical3A_1374 = arith.constant 3 : i32
    %shift_right_logical3A_1375 = vector.broadcast %shift_right_logical3A_1374 : i32 to vector<16xi32>
    %shift_right_logical3A_1376 = arith.shrui %get3A_1371, %shift_right_logical3A_1375 : vector<16xi32>
    %swap3A_1377 = arith.constant 0 : i32
    %swap3A_1378 = arith.index_cast %swap3A_1377 : i32 to index
    %swap3A_1379 = arith.constant 16 : index
    %swap3A_1380 = tpu.vector_load %arg12[%swap3A_1378, %swap3A_1379] {strides = array<i32>} : memref<2x64xi32, #tpu.memory_space<vmem>>, vector<16xi32>,
    tpu.vector_store %arg12[%swap3A_1378, %swap3A_1379], %shift_right_logical3A_1376 {strides = array<i32>} : memref<2x64xi32, #tpu.memory_space<vmem>>, vector<16xi32>,
    %shift_right_logical3A_1381 = arith.constant 3 : i32
    %shift_right_logical3A_1382 = vector.broadcast %shift_right_logical3A_1381 : i32 to vector<16xi32>
    %shift_right_logical3A_1383 = arith.shrui %get3A_1373, %shift_right_logical3A_1382 : vector<16xi32>
    %swap3A_1384 = arith.constant 0 : i32
    %swap3A_1385 = arith.index_cast %swap3A_1384 : i32 to index
    %swap3A_1386 = arith.constant 16 : index
    %swap3A_1387 = tpu.vector_load %arg13[%swap3A_1385, %swap3A_1386] {strides = array<i32>} : memref<2x64xi32, #tpu.memory_space<vmem>>, vector<16xi32>,
    tpu.vector_store %arg13[%swap3A_1385, %swap3A_1386], %shift_right_logical3A_1383 {strides = array<i32>} : memref<2x64xi32, #tpu.memory_space<vmem>>, vector<16xi32>,
    %shift_right_logical3A_1388 = arith.constant 7 : i32
    %shift_right_logical3A_1389 = vector.broadcast %shift_right_logical3A_1388 : i32 to vector<16xi32>
    %shift_right_logical3A_1390 = arith.shrui %get3A_1371, %shift_right_logical3A_1389 : vector<16xi32>
    %swap3A_1391 = arith.constant 0 : i32
    %swap3A_1392 = arith.index_cast %swap3A_1391 : i32 to index
    %swap3A_1393 = arith.constant 16 : index
    %swap3A_1394 = tpu.vector_load %arg14[%swap3A_1392, %swap3A_1393] {strides = array<i32>} : memref<2x64xi32, #tpu.memory_space<vmem>>, vector<16xi32>,
    tpu.vector_store %arg14[%swap3A_1392, %swap3A_1393], %shift_right_logical3A_1390 {strides = array<i32>} : memref<2x64xi32, #tpu.memory_space<vmem>>, vector<16xi32>,
    %shift_right_logical3A_1395 = arith.constant 7 : i32
    %shift_right_logical3A_1396 = vector.broadcast %shift_right_logical3A_1395 : i32 to vector<16xi32>
    %shift_right_logical3A_1397 = arith.shrui %get3A_1373, %shift_right_logical3A_1396 : vector<16xi32>
    %swap3A_1398 = arith.constant 0 : i32
    %swap3A_1399 = arith.index_cast %swap3A_1398 : i32 to index
    %swap3A_1400 = arith.constant 16 : index
    %swap3A_1401 = tpu.vector_load %arg15[%swap3A_1399, %swap3A_1400] {strides = array<i32>} : memref<2x64xi32, #tpu.memory_space<vmem>>, vector<16xi32>,
    tpu.vector_store %arg15[%swap3A_1399, %swap3A_1400], %shift_right_logical3A_1397 {strides = array<i32>} : memref<2x64xi32, #tpu.memory_space<vmem>>, vector<16xi32>,
    %get3A_1402 = arith.constant 288 : index
    %get3A_1403 = tpu.vector_load %arg10[%get3A_1402] {strides = array<i32>} : memref<512xi32, #tpu.memory_space<vmem>>, vector<16xi32>,
    %get3A_1404 = arith.constant 288 : index
    %get3A_1405 = tpu.vector_load %arg11[%get3A_1404] {strides = array<i32>} : memref<512xi32, #tpu.memory_space<vmem>>, vector<16xi32>,
    %shift_right_logical3A_1406 = arith.constant 3 : i32
    %shift_right_logical3A_1407 = vector.broadcast %shift_right_logical3A_1406 : i32 to vector<16xi32>
    %shift_right_logical3A_1408 = arith.shrui %get3A_1403, %shift_right_logical3A_1407 : vector<16xi32>
    %swap3A_1409 = arith.constant 0 : i32
    %swap3A_1410 = arith.index_cast %swap3A_1409 : i32 to index
    %swap3A_1411 = arith.constant 32 : index
    %swap3A_1412 = tpu.vector_load %arg12[%swap3A_1410, %swap3A_1411] {strides = array<i32>} : memref<2x64xi32, #tpu.memory_space<vmem>>, vector<16xi32>,
    tpu.vector_store %arg12[%swap3A_1410, %swap3A_1411], %shift_right_logical3A_1408 {strides = array<i32>} : memref<2x64xi32, #tpu.memory_space<vmem>>, vector<16xi32>,
    %shift_right_logical3A_1413 = arith.constant 3 : i32
    %shift_right_logical3A_1414 = vector.broadcast %shift_right_logical3A_1413 : i32 to vector<16xi32>
    %shift_right_logical3A_1415 = arith.shrui %get3A_1405, %shift_right_logical3A_1414 : vector<16xi32>
    %swap3A_1416 = arith.constant 0 : i32
    %swap3A_1417 = arith.index_cast %swap3A_1416 : i32 to index
    %swap3A_1418 = arith.constant 32 : index
    %swap3A_1419 = tpu.vector_load %arg13[%swap3A_1417, %swap3A_1418] {strides = array<i32>} : memref<2x64xi32, #tpu.memory_space<vmem>>, vector<16xi32>,
    tpu.vector_store %arg13[%swap3A_1417, %swap3A_1418], %shift_right_logical3A_1415 {strides = array<i32>} : memref<2x64xi32, #tpu.memory_space<vmem>>, vector<16xi32>,
    %shift_right_logical3A_1420 = arith.constant 7 : i32
    %shift_right_logical3A_1421 = vector.broadcast %shift_right_logical3A_1420 : i32 to vector<16xi32>
    %shift_right_logical3A_1422 = arith.shrui %get3A_1403, %shift_right_logical3A_1421 : vector<16xi32>
    %swap3A_1423 = arith.constant 0 : i32
    %swap3A_1424 = arith.index_cast %swap3A_1423 : i32 to index
    %swap3A_1425 = arith.constant 32 : index
    %swap3A_1426 = tpu.vector_load %arg14[%swap3A_1424, %swap3A_1425] {strides = array<i32>} : memref<2x64xi32, #tpu.memory_space<vmem>>, vector<16xi32>,
    tpu.vector_store %arg14[%swap3A_1424, %swap3A_1425], %shift_right_logical3A_1422 {strides = array<i32>} : memref<2x64xi32, #tpu.memory_space<vmem>>, vector<16xi32>,
    %shift_right_logical3A_1427 = arith.constant 7 : i32
    %shift_right_logical3A_1428 = vector.broadcast %shift_right_logical3A_1427 : i32 to vector<16xi32>
    %shift_right_logical3A_1429 = arith.shrui %get3A_1405, %shift_right_logical3A_1428 : vector<16xi32>
    %swap3A_1430 = arith.constant 0 : i32
    %swap3A_1431 = arith.index_cast %swap3A_1430 : i32 to index
    %swap3A_1432 = arith.constant 32 : index
    %swap3A_1433 = tpu.vector_load %arg15[%swap3A_1431, %swap3A_1432] {strides = array<i32>} : memref<2x64xi32, #tpu.memory_space<vmem>>, vector<16xi32>,
    tpu.vector_store %arg15[%swap3A_1431, %swap3A_1432], %shift_right_logical3A_1429 {strides = array<i32>} : memref<2x64xi32, #tpu.memory_space<vmem>>, vector<16xi32>,
    %get3A_1434 = arith.constant 304 : index
    %get3A_1435 = tpu.vector_load %arg10[%get3A_1434] {strides = array<i32>} : memref<512xi32, #tpu.memory_space<vmem>>, vector<16xi32>,
    %get3A_1436 = arith.constant 304 : index
    %get3A_1437 = tpu.vector_load %arg11[%get3A_1436] {strides = array<i32>} : memref<512xi32, #tpu.memory_space<vmem>>, vector<16xi32>,
    %shift_right_logical3A_1438 = arith.constant 3 : i32
    %shift_right_logical3A_1439 = vector.broadcast %shift_right_logical3A_1438 : i32 to vector<16xi32>
    %shift_right_logical3A_1440 = arith.shrui %get3A_1435, %shift_right_logical3A_1439 : vector<16xi32>
    %swap3A_1441 = arith.constant 0 : i32
    %swap3A_1442 = arith.index_cast %swap3A_1441 : i32 to index
    %swap3A_1443 = arith.constant 48 : index
    %swap3A_1444 = tpu.vector_load %arg12[%swap3A_1442, %swap3A_1443] {strides = array<i32>} : memref<2x64xi32, #tpu.memory_space<vmem>>, vector<16xi32>,
    tpu.vector_store %arg12[%swap3A_1442, %swap3A_1443], %shift_right_logical3A_1440 {strides = array<i32>} : memref<2x64xi32, #tpu.memory_space<vmem>>, vector<16xi32>,
    %shift_right_logical3A_1445 = arith.constant 3 : i32
    %shift_right_logical3A_1446 = vector.broadcast %shift_right_logical3A_1445 : i32 to vector<16xi32>
    %shift_right_logical3A_1447 = arith.shrui %get3A_1437, %shift_right_logical3A_1446 : vector<16xi32>
    %swap3A_1448 = arith.constant 0 : i32
    %swap3A_1449 = arith.index_cast %swap3A_1448 : i32 to index
    %swap3A_1450 = arith.constant 48 : index
    %swap3A_1451 = tpu.vector_load %arg13[%swap3A_1449, %swap3A_1450] {strides = array<i32>} : memref<2x64xi32, #tpu.memory_space<vmem>>, vector<16xi32>,
    tpu.vector_store %arg13[%swap3A_1449, %swap3A_1450], %shift_right_logical3A_1447 {strides = array<i32>} : memref<2x64xi32, #tpu.memory_space<vmem>>, vector<16xi32>,
    %shift_right_logical3A_1452 = arith.constant 7 : i32
    %shift_right_logical3A_1453 = vector.broadcast %shift_right_logical3A_1452 : i32 to vector<16xi32>
    %shift_right_logical3A_1454 = arith.shrui %get3A_1435, %shift_right_logical3A_1453 : vector<16xi32>
    %swap3A_1455 = arith.constant 0 : i32
    %swap3A_1456 = arith.index_cast %swap3A_1455 : i32 to index
    %swap3A_1457 = arith.constant 48 : index
    %swap3A_1458 = tpu.vector_load %arg14[%swap3A_1456, %swap3A_1457] {strides = array<i32>} : memref<2x64xi32, #tpu.memory_space<vmem>>, vector<16xi32>,
    tpu.vector_store %arg14[%swap3A_1456, %swap3A_1457], %shift_right_logical3A_1454 {strides = array<i32>} : memref<2x64xi32, #tpu.memory_space<vmem>>, vector<16xi32>,
    %shift_right_logical3A_1459 = arith.constant 7 : i32
    %shift_right_logical3A_1460 = vector.broadcast %shift_right_logical3A_1459 : i32 to vector<16xi32>
    %shift_right_logical3A_1461 = arith.shrui %get3A_1437, %shift_right_logical3A_1460 : vector<16xi32>
    %swap3A_1462 = arith.constant 0 : i32
    %swap3A_1463 = arith.index_cast %swap3A_1462 : i32 to index
    %swap3A_1464 = arith.constant 48 : index
    %swap3A_1465 = tpu.vector_load %arg15[%swap3A_1463, %swap3A_1464] {strides = array<i32>} : memref<2x64xi32, #tpu.memory_space<vmem>>, vector<16xi32>,
    tpu.vector_store %arg15[%swap3A_1463, %swap3A_1464], %shift_right_logical3A_1461 {strides = array<i32>} : memref<2x64xi32, #tpu.memory_space<vmem>>, vector<16xi32>,
    %dma_start3A_1466 = arith.constant 0 : i32
    %dma_start3A_1467 = arith.constant 0 : i32
    %dma_start3A_1468 = arith.constant 0 : i32
    %dma_start3A_1469 = arith.constant 0 : i32
    %dma_start3A_1470 = tpu.memref_slice %arg16[%dma_start3A_1467, %dma_start3A_1468, %dma_start3A_1469] : memref<2x64x128xf32, #tpu.memory_space<vmem>> -> memref<1x64x128xf32, #tpu.memory_space<vmem>>
    %dma_start3A_1471 = tpu.memref_squeeze %dma_start3A_1470 : memref<1x64x128xf32, #tpu.memory_space<vmem>> -> memref<64x128xf32, #tpu.memory_space<vmem>>
    %dma_start3A_1472 = arith.constant 0 : i32
    %dma_start3A_1473 = tpu.memref_slice %arg12[%dma_start3A_1466, %dma_start3A_1472] : memref<2x64xi32, #tpu.memory_space<vmem>> -> memref<1x64xi32, #tpu.memory_space<vmem>>
    %dma_start3A_1474 = tpu.memref_squeeze %dma_start3A_1473 : memref<1x64xi32, #tpu.memory_space<vmem>> -> memref<64xi32, #tpu.memory_space<vmem>>
    %dma_start3A_1475 = arith.constant 0 : i32
    %dma_start3A_1476 = arith.constant 0 : i32
    %dma_start3A_1477 = tpu.memref_slice %arg4[%dma_start3A_1475, %dma_start3A_1476] : memref<12500x128xf32, #tpu.memory_space<hbm>> -> memref<12500x128xf32, #tpu.memory_space<hbm>>
    tpu.enqueue_indirect_dma source(%dma_start3A_1477 : memref<12500x128xf32, #tpu.memory_space<hbm>>) target(%dma_start3A_1471 : memref<64x128xf32, #tpu.memory_space<vmem>>) offsets(%dma_start3A_1474 : memref<64xi32, #tpu.memory_space<vmem>>) semaphore(%arg22 : memref<!tpu.dma_semaphore, #tpu.memory_space<semaphore_mem>>)
    %dma_start3A_1478 = arith.constant 0 : i32
    %dma_start3A_1479 = arith.constant 0 : i32
    %dma_start3A_1480 = arith.constant 0 : i32
    %dma_start3A_1481 = arith.constant 0 : i32
    %dma_start3A_1482 = tpu.memref_slice %arg17[%dma_start3A_1479, %dma_start3A_1480, %dma_start3A_1481] : memref<2x64x128xf32, #tpu.memory_space<vmem>> -> memref<1x64x128xf32, #tpu.memory_space<vmem>>
    %dma_start3A_1483 = tpu.memref_squeeze %dma_start3A_1482 : memref<1x64x128xf32, #tpu.memory_space<vmem>> -> memref<64x128xf32, #tpu.memory_space<vmem>>
    %dma_start3A_1484 = arith.constant 0 : i32
    %dma_start3A_1485 = tpu.memref_slice %arg13[%dma_start3A_1478, %dma_start3A_1484] : memref<2x64xi32, #tpu.memory_space<vmem>> -> memref<1x64xi32, #tpu.memory_space<vmem>>
    %dma_start3A_1486 = tpu.memref_squeeze %dma_start3A_1485 : memref<1x64xi32, #tpu.memory_space<vmem>> -> memref<64xi32, #tpu.memory_space<vmem>>
    %dma_start3A_1487 = arith.constant 0 : i32
    %dma_start3A_1488 = arith.constant 0 : i32
    %dma_start3A_1489 = tpu.memref_slice %arg5[%dma_start3A_1487, %dma_start3A_1488] : memref<125000x128xf32, #tpu.memory_space<hbm>> -> memref<125000x128xf32, #tpu.memory_space<hbm>>
    tpu.enqueue_indirect_dma source(%dma_start3A_1489 : memref<125000x128xf32, #tpu.memory_space<hbm>>) target(%dma_start3A_1483 : memref<64x128xf32, #tpu.memory_space<vmem>>) offsets(%dma_start3A_1486 : memref<64xi32, #tpu.memory_space<vmem>>) semaphore(%arg22 : memref<!tpu.dma_semaphore, #tpu.memory_space<semaphore_mem>>)
    %dma_start3A_1490 = arith.constant 0 : i32
    %dma_start3A_1491 = arith.constant 0 : i32
    %dma_start3A_1492 = arith.constant 0 : i32
    %dma_start3A_1493 = arith.constant 0 : i32
    %dma_start3A_1494 = tpu.memref_slice %arg18[%dma_start3A_1491, %dma_start3A_1492, %dma_start3A_1493] : memref<2x64x128xf32, #tpu.memory_space<vmem>> -> memref<1x64x128xf32, #tpu.memory_space<vmem>>
    %dma_start3A_1495 = tpu.memref_squeeze %dma_start3A_1494 : memref<1x64x128xf32, #tpu.memory_space<vmem>> -> memref<64x128xf32, #tpu.memory_space<vmem>>
    %dma_start3A_1496 = arith.constant 0 : i32
    %dma_start3A_1497 = tpu.memref_slice %arg14[%dma_start3A_1490, %dma_start3A_1496] : memref<2x64xi32, #tpu.memory_space<vmem>> -> memref<1x64xi32, #tpu.memory_space<vmem>>
    %dma_start3A_1498 = tpu.memref_squeeze %dma_start3A_1497 : memref<1x64xi32, #tpu.memory_space<vmem>> -> memref<64xi32, #tpu.memory_space<vmem>>
    %dma_start3A_1499 = arith.constant 0 : i32
    %dma_start3A_1500 = arith.constant 0 : i32
    %dma_start3A_1501 = tpu.memref_slice %arg6[%dma_start3A_1499, %dma_start3A_1500] : memref<782x128xf32, #tpu.memory_space<hbm>> -> memref<782x128xf32, #tpu.memory_space<hbm>>
    tpu.enqueue_indirect_dma source(%dma_start3A_1501 : memref<782x128xf32, #tpu.memory_space<hbm>>) target(%dma_start3A_1495 : memref<64x128xf32, #tpu.memory_space<vmem>>) offsets(%dma_start3A_1498 : memref<64xi32, #tpu.memory_space<vmem>>) semaphore(%arg22 : memref<!tpu.dma_semaphore, #tpu.memory_space<semaphore_mem>>)
    %dma_start3A_1502 = arith.constant 0 : i32
    %dma_start3A_1503 = arith.constant 0 : i32
    %dma_start3A_1504 = arith.constant 0 : i32
    %dma_start3A_1505 = arith.constant 0 : i32
    %dma_start3A_1506 = tpu.memref_slice %arg19[%dma_start3A_1503, %dma_start3A_1504, %dma_start3A_1505] : memref<2x64x128xf32, #tpu.memory_space<vmem>> -> memref<1x64x128xf32, #tpu.memory_space<vmem>>
    %dma_start3A_1507 = tpu.memref_squeeze %dma_start3A_1506 : memref<1x64x128xf32, #tpu.memory_space<vmem>> -> memref<64x128xf32, #tpu.memory_space<vmem>>
    %dma_start3A_1508 = arith.constant 0 : i32
    %dma_start3A_1509 = tpu.memref_slice %arg15[%dma_start3A_1502, %dma_start3A_1508] : memref<2x64xi32, #tpu.memory_space<vmem>> -> memref<1x64xi32, #tpu.memory_space<vmem>>
    %dma_start3A_1510 = tpu.memref_squeeze %dma_start3A_1509 : memref<1x64xi32, #tpu.memory_space<vmem>> -> memref<64xi32, #tpu.memory_space<vmem>>
    %dma_start3A_1511 = arith.constant 0 : i32
    %dma_start3A_1512 = arith.constant 0 : i32
    %dma_start3A_1513 = tpu.memref_slice %arg7[%dma_start3A_1511, %dma_start3A_1512] : memref<7813x128xf32, #tpu.memory_space<hbm>> -> memref<7813x128xf32, #tpu.memory_space<hbm>>
    tpu.enqueue_indirect_dma source(%dma_start3A_1513 : memref<7813x128xf32, #tpu.memory_space<hbm>>) target(%dma_start3A_1507 : memref<64x128xf32, #tpu.memory_space<vmem>>) offsets(%dma_start3A_1510 : memref<64xi32, #tpu.memory_space<vmem>>) semaphore(%arg22 : memref<!tpu.dma_semaphore, #tpu.memory_space<semaphore_mem>>)
    %dma_wait3A_1514 = arith.constant 1 : i32
    %dma_wait3A_1515 = arith.constant 1 : i32
    %dma_wait3A_1516 = arith.constant 0 : i32
    %dma_wait3A_1517 = arith.constant 0 : i32
    %dma_wait3A_1518 = tpu.memref_slice %arg16[%dma_wait3A_1515, %dma_wait3A_1516, %dma_wait3A_1517] : memref<2x64x128xf32, #tpu.memory_space<vmem>> -> memref<1x64x128xf32, #tpu.memory_space<vmem>>
    %dma_wait3A_1519 = tpu.memref_squeeze %dma_wait3A_1518 : memref<1x64x128xf32, #tpu.memory_space<vmem>> -> memref<64x128xf32, #tpu.memory_space<vmem>>
    %dma_wait3A_1520 = arith.constant 0 : i32
    %dma_wait3A_1521 = tpu.memref_slice %arg12[%dma_wait3A_1514, %dma_wait3A_1520] : memref<2x64xi32, #tpu.memory_space<vmem>> -> memref<1x64xi32, #tpu.memory_space<vmem>>
    %dma_wait3A_1522 = tpu.memref_squeeze %dma_wait3A_1521 : memref<1x64xi32, #tpu.memory_space<vmem>> -> memref<64xi32, #tpu.memory_space<vmem>>
    %dma_wait3A_1523 = arith.constant 0 : i32
    %dma_wait3A_1524 = arith.constant 0 : i32
    %dma_wait3A_1525 = tpu.memref_slice %arg4[%dma_wait3A_1523, %dma_wait3A_1524] : memref<12500x128xf32, #tpu.memory_space<hbm>> -> memref<12500x128xf32, #tpu.memory_space<hbm>>
    tpu.wait_indirect_dma semaphore(%arg23 : memref<!tpu.dma_semaphore, #tpu.memory_space<semaphore_mem>>) src(%dma_wait3A_1525 : memref<12500x128xf32, #tpu.memory_space<hbm>>) dst(%dma_wait3A_1519 : memref<64x128xf32, #tpu.memory_space<vmem>>)
    %dma_wait3A_1526 = arith.constant 1 : i32
    %dma_wait3A_1527 = arith.constant 1 : i32
    %dma_wait3A_1528 = arith.constant 0 : i32
    %dma_wait3A_1529 = arith.constant 0 : i32
    %dma_wait3A_1530 = tpu.memref_slice %arg17[%dma_wait3A_1527, %dma_wait3A_1528, %dma_wait3A_1529] : memref<2x64x128xf32, #tpu.memory_space<vmem>> -> memref<1x64x128xf32, #tpu.memory_space<vmem>>
    %dma_wait3A_1531 = tpu.memref_squeeze %dma_wait3A_1530 : memref<1x64x128xf32, #tpu.memory_space<vmem>> -> memref<64x128xf32, #tpu.memory_space<vmem>>
    %dma_wait3A_1532 = arith.constant 0 : i32
    %dma_wait3A_1533 = tpu.memref_slice %arg13[%dma_wait3A_1526, %dma_wait3A_1532] : memref<2x64xi32, #tpu.memory_space<vmem>> -> memref<1x64xi32, #tpu.memory_space<vmem>>
    %dma_wait3A_1534 = tpu.memref_squeeze %dma_wait3A_1533 : memref<1x64xi32, #tpu.memory_space<vmem>> -> memref<64xi32, #tpu.memory_space<vmem>>
    %dma_wait3A_1535 = arith.constant 0 : i32
    %dma_wait3A_1536 = arith.constant 0 : i32
    %dma_wait3A_1537 = tpu.memref_slice %arg5[%dma_wait3A_1535, %dma_wait3A_1536] : memref<125000x128xf32, #tpu.memory_space<hbm>> -> memref<125000x128xf32, #tpu.memory_space<hbm>>
    tpu.wait_indirect_dma semaphore(%arg23 : memref<!tpu.dma_semaphore, #tpu.memory_space<semaphore_mem>>) src(%dma_wait3A_1537 : memref<125000x128xf32, #tpu.memory_space<hbm>>) dst(%dma_wait3A_1531 : memref<64x128xf32, #tpu.memory_space<vmem>>)
    %dma_wait3A_1538 = arith.constant 1 : i32
    %dma_wait3A_1539 = arith.constant 1 : i32
    %dma_wait3A_1540 = arith.constant 0 : i32
    %dma_wait3A_1541 = arith.constant 0 : i32
    %dma_wait3A_1542 = tpu.memref_slice %arg18[%dma_wait3A_1539, %dma_wait3A_1540, %dma_wait3A_1541] : memref<2x64x128xf32, #tpu.memory_space<vmem>> -> memref<1x64x128xf32, #tpu.memory_space<vmem>>
    %dma_wait3A_1543 = tpu.memref_squeeze %dma_wait3A_1542 : memref<1x64x128xf32, #tpu.memory_space<vmem>> -> memref<64x128xf32, #tpu.memory_space<vmem>>
    %dma_wait3A_1544 = arith.constant 0 : i32
    %dma_wait3A_1545 = tpu.memref_slice %arg14[%dma_wait3A_1538, %dma_wait3A_1544] : memref<2x64xi32, #tpu.memory_space<vmem>> -> memref<1x64xi32, #tpu.memory_space<vmem>>
    %dma_wait3A_1546 = tpu.memref_squeeze %dma_wait3A_1545 : memref<1x64xi32, #tpu.memory_space<vmem>> -> memref<64xi32, #tpu.memory_space<vmem>>
    %dma_wait3A_1547 = arith.constant 0 : i32
    %dma_wait3A_1548 = arith.constant 0 : i32
    %dma_wait3A_1549 = tpu.memref_slice %arg6[%dma_wait3A_1547, %dma_wait3A_1548] : memref<782x128xf32, #tpu.memory_space<hbm>> -> memref<782x128xf32, #tpu.memory_space<hbm>>
    tpu.wait_indirect_dma semaphore(%arg23 : memref<!tpu.dma_semaphore, #tpu.memory_space<semaphore_mem>>) src(%dma_wait3A_1549 : memref<782x128xf32, #tpu.memory_space<hbm>>) dst(%dma_wait3A_1543 : memref<64x128xf32, #tpu.memory_space<vmem>>)
    %dma_wait3A_1550 = arith.constant 1 : i32
    %dma_wait3A_1551 = arith.constant 1 : i32
    %dma_wait3A_1552 = arith.constant 0 : i32
    %dma_wait3A_1553 = arith.constant 0 : i32
    %dma_wait3A_1554 = tpu.memref_slice %arg19[%dma_wait3A_1551, %dma_wait3A_1552, %dma_wait3A_1553] : memref<2x64x128xf32, #tpu.memory_space<vmem>> -> memref<1x64x128xf32, #tpu.memory_space<vmem>>
    %dma_wait3A_1555 = tpu.memref_squeeze %dma_wait3A_1554 : memref<1x64x128xf32, #tpu.memory_space<vmem>> -> memref<64x128xf32, #tpu.memory_space<vmem>>
    %dma_wait3A_1556 = arith.constant 0 : i32
    %dma_wait3A_1557 = tpu.memref_slice %arg15[%dma_wait3A_1550, %dma_wait3A_1556] : memref<2x64xi32, #tpu.memory_space<vmem>> -> memref<1x64xi32, #tpu.memory_space<vmem>>
    %dma_wait3A_1558 = tpu.memref_squeeze %dma_wait3A_1557 : memref<1x64xi32, #tpu.memory_space<vmem>> -> memref<64xi32, #tpu.memory_space<vmem>>
    %dma_wait3A_1559 = arith.constant 0 : i32
    %dma_wait3A_1560 = arith.constant 0 : i32
    %dma_wait3A_1561 = tpu.memref_slice %arg7[%dma_wait3A_1559, %dma_wait3A_1560] : memref<7813x128xf32, #tpu.memory_space<hbm>> -> memref<7813x128xf32, #tpu.memory_space<hbm>>
    tpu.wait_indirect_dma semaphore(%arg23 : memref<!tpu.dma_semaphore, #tpu.memory_space<semaphore_mem>>) src(%dma_wait3A_1561 : memref<7813x128xf32, #tpu.memory_space<hbm>>) dst(%dma_wait3A_1555 : memref<64x128xf32, #tpu.memory_space<vmem>>)
    %get3A_1562 = arith.constant 192 : index
    %get3A_1563 = tpu.vector_load %arg10[%get3A_1562] {strides = array<i32>} : memref<512xi32, #tpu.memory_space<vmem>>, vector<16xi32>,
    %get3A_1564 = arith.constant 192 : index
    %get3A_1565 = tpu.vector_load %arg11[%get3A_1564] {strides = array<i32>} : memref<512xi32, #tpu.memory_space<vmem>>, vector<16xi32>,
    %add3A_1566 = arith.constant 0 : i32
    %add3A_1567 = vector.broadcast %add3A_1566 : i32 to vector<16xi32>
    %add3A_1568 = arith.addi %add3A_1567, %iota3A : vector<16xi32>
    %and3A_1569 = arith.constant 7 : i32
    %and3A_1570 = vector.broadcast %and3A_1569 : i32 to vector<16xi32>
    %and3A_1571 = arith.andi %get3A_1563, %and3A_1570 : vector<16xi32>
    %mul3A_1572 = arith.constant 16 : i32
    %mul3A_1573 = vector.broadcast %mul3A_1572 : i32 to vector<16xi32>
    %mul3A_1574 = arith.muli %and3A_1571, %mul3A_1573 : vector<16xi32>
    %and3A_1575 = arith.constant 7 : i32
    %and3A_1576 = vector.broadcast %and3A_1575 : i32 to vector<16xi32>
    %and3A_1577 = arith.andi %get3A_1565, %and3A_1576 : vector<16xi32>
    %mul3A_1578 = arith.constant 16 : i32
    %mul3A_1579 = vector.broadcast %mul3A_1578 : i32 to vector<16xi32>
    %mul3A_1580 = arith.muli %and3A_1577, %mul3A_1579 : vector<16xi32>
    %and3A_1581 = arith.constant 127 : i32
    %and3A_1582 = vector.broadcast %and3A_1581 : i32 to vector<16xi32>
    %and3A_1583 = arith.andi %get3A_1563, %and3A_1582 : vector<16xi32>
    %gather3A_1584 = arith.constant 1 : i32
    %gather3A_1585 = arith.constant 0 : i32
    %gather3A_1586 = arith.constant 0 : i32
    %gather3A_1587 = tpu.memref_slice %arg18[%gather3A_1584, %gather3A_1585, %gather3A_1586] : memref<2x64x128xf32, #tpu.memory_space<vmem>> -> memref<1x64x128xf32, #tpu.memory_space<vmem>>
    %gather3A_1588 = tpu.memref_squeeze %gather3A_1587 : memref<1x64x128xf32, #tpu.memory_space<vmem>> -> memref<64x128xf32, #tpu.memory_space<vmem>>
    %gather3A_1589 = tpu.vector_load_idx %gather3A_1588[%add3A_1568, %and3A_1583] : memref<64x128xf32, #tpu.memory_space<vmem>>[vector<16xi32>, vector<16xi32>], vector<16xf32>,
    %add3A_1590 = arith.addf %get3A_3, %gather3A_1589 : vector<16xf32>
    %and3A_1591 = arith.constant 127 : i32
    %and3A_1592 = vector.broadcast %and3A_1591 : i32 to vector<16xi32>
    %and3A_1593 = arith.andi %get3A_1565, %and3A_1592 : vector<16xi32>
    %gather3A_1594 = arith.constant 1 : i32
    %gather3A_1595 = arith.constant 0 : i32
    %gather3A_1596 = arith.constant 0 : i32
    %gather3A_1597 = tpu.memref_slice %arg19[%gather3A_1594, %gather3A_1595, %gather3A_1596] : memref<2x64x128xf32, #tpu.memory_space<vmem>> -> memref<1x64x128xf32, #tpu.memory_space<vmem>>
    %gather3A_1598 = tpu.memref_squeeze %gather3A_1597 : memref<1x64x128xf32, #tpu.memory_space<vmem>> -> memref<64x128xf32, #tpu.memory_space<vmem>>
    %gather3A_1599 = tpu.vector_load_idx %gather3A_1598[%add3A_1568, %and3A_1593] : memref<64x128xf32, #tpu.memory_space<vmem>>[vector<16xi32>, vector<16xi32>], vector<16xf32>,
    %add3A_1600 = arith.addf %add3A_1590, %gather3A_1599 : vector<16xf32>
    %swap3A_1601 = arith.constant 192 : index
    %swap3A_1602 = tpu.vector_load %arg21[%swap3A_1601] {strides = array<i32>} : memref<512xf32, #tpu.memory_space<vmem>>, vector<16xf32>,
    tpu.vector_store %arg21[%swap3A_1601], %add3A_1600 {strides = array<i32>} : memref<512xf32, #tpu.memory_space<vmem>>, vector<16xf32>,
    %get3A_1603 = arith.constant 208 : index
    %get3A_1604 = tpu.vector_load %arg10[%get3A_1603] {strides = array<i32>} : memref<512xi32, #tpu.memory_space<vmem>>, vector<16xi32>,
    %get3A_1605 = arith.constant 208 : index
    %get3A_1606 = tpu.vector_load %arg11[%get3A_1605] {strides = array<i32>} : memref<512xi32, #tpu.memory_space<vmem>>, vector<16xi32>,
    %add3A_1607 = arith.constant 16 : i32
    %add3A_1608 = vector.broadcast %add3A_1607 : i32 to vector<16xi32>
    %add3A_1609 = arith.addi %add3A_1608, %iota3A : vector<16xi32>
    %and3A_1610 = arith.constant 7 : i32
    %and3A_1611 = vector.broadcast %and3A_1610 : i32 to vector<16xi32>
    %and3A_1612 = arith.andi %get3A_1604, %and3A_1611 : vector<16xi32>
    %mul3A_1613 = arith.constant 16 : i32
    %mul3A_1614 = vector.broadcast %mul3A_1613 : i32 to vector<16xi32>
    %mul3A_1615 = arith.muli %and3A_1612, %mul3A_1614 : vector<16xi32>
    %and3A_1616 = arith.constant 7 : i32
    %and3A_1617 = vector.broadcast %and3A_1616 : i32 to vector<16xi32>
    %and3A_1618 = arith.andi %get3A_1606, %and3A_1617 : vector<16xi32>
    %mul3A_1619 = arith.constant 16 : i32
    %mul3A_1620 = vector.broadcast %mul3A_1619 : i32 to vector<16xi32>
    %mul3A_1621 = arith.muli %and3A_1618, %mul3A_1620 : vector<16xi32>
    %and3A_1622 = arith.constant 127 : i32
    %and3A_1623 = vector.broadcast %and3A_1622 : i32 to vector<16xi32>
    %and3A_1624 = arith.andi %get3A_1604, %and3A_1623 : vector<16xi32>
    %gather3A_1625 = arith.constant 1 : i32
    %gather3A_1626 = arith.constant 0 : i32
    %gather3A_1627 = arith.constant 0 : i32
    %gather3A_1628 = tpu.memref_slice %arg18[%gather3A_1625, %gather3A_1626, %gather3A_1627] : memref<2x64x128xf32, #tpu.memory_space<vmem>> -> memref<1x64x128xf32, #tpu.memory_space<vmem>>
    %gather3A_1629 = tpu.memref_squeeze %gather3A_1628 : memref<1x64x128xf32, #tpu.memory_space<vmem>> -> memref<64x128xf32, #tpu.memory_space<vmem>>
    %gather3A_1630 = tpu.vector_load_idx %gather3A_1629[%add3A_1609, %and3A_1624] : memref<64x128xf32, #tpu.memory_space<vmem>>[vector<16xi32>, vector<16xi32>], vector<16xf32>,
    %add3A_1631 = arith.addf %get3A_3, %gather3A_1630 : vector<16xf32>
    %and3A_1632 = arith.constant 127 : i32
    %and3A_1633 = vector.broadcast %and3A_1632 : i32 to vector<16xi32>
    %and3A_1634 = arith.andi %get3A_1606, %and3A_1633 : vector<16xi32>
    %gather3A_1635 = arith.constant 1 : i32
    %gather3A_1636 = arith.constant 0 : i32
    %gather3A_1637 = arith.constant 0 : i32
    %gather3A_1638 = tpu.memref_slice %arg19[%gather3A_1635, %gather3A_1636, %gather3A_1637] : memref<2x64x128xf32, #tpu.memory_space<vmem>> -> memref<1x64x128xf32, #tpu.memory_space<vmem>>
    %gather3A_1639 = tpu.memref_squeeze %gather3A_1638 : memref<1x64x128xf32, #tpu.memory_space<vmem>> -> memref<64x128xf32, #tpu.memory_space<vmem>>
    %gather3A_1640 = tpu.vector_load_idx %gather3A_1639[%add3A_1609, %and3A_1634] : memref<64x128xf32, #tpu.memory_space<vmem>>[vector<16xi32>, vector<16xi32>], vector<16xf32>,
    %add3A_1641 = arith.addf %add3A_1631, %gather3A_1640 : vector<16xf32>
    %swap3A_1642 = arith.constant 208 : index
    %swap3A_1643 = tpu.vector_load %arg21[%swap3A_1642] {strides = array<i32>} : memref<512xf32, #tpu.memory_space<vmem>>, vector<16xf32>,
    tpu.vector_store %arg21[%swap3A_1642], %add3A_1641 {strides = array<i32>} : memref<512xf32, #tpu.memory_space<vmem>>, vector<16xf32>,
    %get3A_1644 = arith.constant 224 : index
    %get3A_1645 = tpu.vector_load %arg10[%get3A_1644] {strides = array<i32>} : memref<512xi32, #tpu.memory_space<vmem>>, vector<16xi32>,
    %get3A_1646 = arith.constant 224 : index
    %get3A_1647 = tpu.vector_load %arg11[%get3A_1646] {strides = array<i32>} : memref<512xi32, #tpu.memory_space<vmem>>, vector<16xi32>,
    %add3A_1648 = arith.constant 32 : i32
    %add3A_1649 = vector.broadcast %add3A_1648 : i32 to vector<16xi32>
    %add3A_1650 = arith.addi %add3A_1649, %iota3A : vector<16xi32>
    %and3A_1651 = arith.constant 7 : i32
    %and3A_1652 = vector.broadcast %and3A_1651 : i32 to vector<16xi32>
    %and3A_1653 = arith.andi %get3A_1645, %and3A_1652 : vector<16xi32>
    %mul3A_1654 = arith.constant 16 : i32
    %mul3A_1655 = vector.broadcast %mul3A_1654 : i32 to vector<16xi32>
    %mul3A_1656 = arith.muli %and3A_1653, %mul3A_1655 : vector<16xi32>
    %and3A_1657 = arith.constant 7 : i32
    %and3A_1658 = vector.broadcast %and3A_1657 : i32 to vector<16xi32>
    %and3A_1659 = arith.andi %get3A_1647, %and3A_1658 : vector<16xi32>
    %mul3A_1660 = arith.constant 16 : i32
    %mul3A_1661 = vector.broadcast %mul3A_1660 : i32 to vector<16xi32>
    %mul3A_1662 = arith.muli %and3A_1659, %mul3A_1661 : vector<16xi32>
    %and3A_1663 = arith.constant 127 : i32
    %and3A_1664 = vector.broadcast %and3A_1663 : i32 to vector<16xi32>
    %and3A_1665 = arith.andi %get3A_1645, %and3A_1664 : vector<16xi32>
    %gather3A_1666 = arith.constant 1 : i32
    %gather3A_1667 = arith.constant 0 : i32
    %gather3A_1668 = arith.constant 0 : i32
    %gather3A_1669 = tpu.memref_slice %arg18[%gather3A_1666, %gather3A_1667, %gather3A_1668] : memref<2x64x128xf32, #tpu.memory_space<vmem>> -> memref<1x64x128xf32, #tpu.memory_space<vmem>>
    %gather3A_1670 = tpu.memref_squeeze %gather3A_1669 : memref<1x64x128xf32, #tpu.memory_space<vmem>> -> memref<64x128xf32, #tpu.memory_space<vmem>>
    %gather3A_1671 = tpu.vector_load_idx %gather3A_1670[%add3A_1650, %and3A_1665] : memref<64x128xf32, #tpu.memory_space<vmem>>[vector<16xi32>, vector<16xi32>], vector<16xf32>,
    %add3A_1672 = arith.addf %get3A_3, %gather3A_1671 : vector<16xf32>
    %and3A_1673 = arith.constant 127 : i32
    %and3A_1674 = vector.broadcast %and3A_1673 : i32 to vector<16xi32>
    %and3A_1675 = arith.andi %get3A_1647, %and3A_1674 : vector<16xi32>
    %gather3A_1676 = arith.constant 1 : i32
    %gather3A_1677 = arith.constant 0 : i32
    %gather3A_1678 = arith.constant 0 : i32
    %gather3A_1679 = tpu.memref_slice %arg19[%gather3A_1676, %gather3A_1677, %gather3A_1678] : memref<2x64x128xf32, #tpu.memory_space<vmem>> -> memref<1x64x128xf32, #tpu.memory_space<vmem>>
    %gather3A_1680 = tpu.memref_squeeze %gather3A_1679 : memref<1x64x128xf32, #tpu.memory_space<vmem>> -> memref<64x128xf32, #tpu.memory_space<vmem>>
    %gather3A_1681 = tpu.vector_load_idx %gather3A_1680[%add3A_1650, %and3A_1675] : memref<64x128xf32, #tpu.memory_space<vmem>>[vector<16xi32>, vector<16xi32>], vector<16xf32>,
    %add3A_1682 = arith.addf %add3A_1672, %gather3A_1681 : vector<16xf32>
    %swap3A_1683 = arith.constant 224 : index
    %swap3A_1684 = tpu.vector_load %arg21[%swap3A_1683] {strides = array<i32>} : memref<512xf32, #tpu.memory_space<vmem>>, vector<16xf32>,
    tpu.vector_store %arg21[%swap3A_1683], %add3A_1682 {strides = array<i32>} : memref<512xf32, #tpu.memory_space<vmem>>, vector<16xf32>,
    %get3A_1685 = arith.constant 240 : index
    %get3A_1686 = tpu.vector_load %arg10[%get3A_1685] {strides = array<i32>} : memref<512xi32, #tpu.memory_space<vmem>>, vector<16xi32>,
    %get3A_1687 = arith.constant 240 : index
    %get3A_1688 = tpu.vector_load %arg11[%get3A_1687] {strides = array<i32>} : memref<512xi32, #tpu.memory_space<vmem>>, vector<16xi32>,
    %add3A_1689 = arith.constant 48 : i32
    %add3A_1690 = vector.broadcast %add3A_1689 : i32 to vector<16xi32>
    %add3A_1691 = arith.addi %add3A_1690, %iota3A : vector<16xi32>
    %and3A_1692 = arith.constant 7 : i32
    %and3A_1693 = vector.broadcast %and3A_1692 : i32 to vector<16xi32>
    %and3A_1694 = arith.andi %get3A_1686, %and3A_1693 : vector<16xi32>
    %mul3A_1695 = arith.constant 16 : i32
    %mul3A_1696 = vector.broadcast %mul3A_1695 : i32 to vector<16xi32>
    %mul3A_1697 = arith.muli %and3A_1694, %mul3A_1696 : vector<16xi32>
    %and3A_1698 = arith.constant 7 : i32
    %and3A_1699 = vector.broadcast %and3A_1698 : i32 to vector<16xi32>
    %and3A_1700 = arith.andi %get3A_1688, %and3A_1699 : vector<16xi32>
    %mul3A_1701 = arith.constant 16 : i32
    %mul3A_1702 = vector.broadcast %mul3A_1701 : i32 to vector<16xi32>
    %mul3A_1703 = arith.muli %and3A_1700, %mul3A_1702 : vector<16xi32>
    %and3A_1704 = arith.constant 127 : i32
    %and3A_1705 = vector.broadcast %and3A_1704 : i32 to vector<16xi32>
    %and3A_1706 = arith.andi %get3A_1686, %and3A_1705 : vector<16xi32>
    %gather3A_1707 = arith.constant 1 : i32
    %gather3A_1708 = arith.constant 0 : i32
    %gather3A_1709 = arith.constant 0 : i32
    %gather3A_1710 = tpu.memref_slice %arg18[%gather3A_1707, %gather3A_1708, %gather3A_1709] : memref<2x64x128xf32, #tpu.memory_space<vmem>> -> memref<1x64x128xf32, #tpu.memory_space<vmem>>
    %gather3A_1711 = tpu.memref_squeeze %gather3A_1710 : memref<1x64x128xf32, #tpu.memory_space<vmem>> -> memref<64x128xf32, #tpu.memory_space<vmem>>
    %gather3A_1712 = tpu.vector_load_idx %gather3A_1711[%add3A_1691, %and3A_1706] : memref<64x128xf32, #tpu.memory_space<vmem>>[vector<16xi32>, vector<16xi32>], vector<16xf32>,
    %add3A_1713 = arith.addf %get3A_3, %gather3A_1712 : vector<16xf32>
    %and3A_1714 = arith.constant 127 : i32
    %and3A_1715 = vector.broadcast %and3A_1714 : i32 to vector<16xi32>
    %and3A_1716 = arith.andi %get3A_1688, %and3A_1715 : vector<16xi32>
    %gather3A_1717 = arith.constant 1 : i32
    %gather3A_1718 = arith.constant 0 : i32
    %gather3A_1719 = arith.constant 0 : i32
    %gather3A_1720 = tpu.memref_slice %arg19[%gather3A_1717, %gather3A_1718, %gather3A_1719] : memref<2x64x128xf32, #tpu.memory_space<vmem>> -> memref<1x64x128xf32, #tpu.memory_space<vmem>>
    %gather3A_1721 = tpu.memref_squeeze %gather3A_1720 : memref<1x64x128xf32, #tpu.memory_space<vmem>> -> memref<64x128xf32, #tpu.memory_space<vmem>>
    %gather3A_1722 = tpu.vector_load_idx %gather3A_1721[%add3A_1691, %and3A_1716] : memref<64x128xf32, #tpu.memory_space<vmem>>[vector<16xi32>, vector<16xi32>], vector<16xf32>,
    %add3A_1723 = arith.addf %add3A_1713, %gather3A_1722 : vector<16xf32>
    %swap3A_1724 = arith.constant 240 : index
    %swap3A_1725 = tpu.vector_load %arg21[%swap3A_1724] {strides = array<i32>} : memref<512xf32, #tpu.memory_space<vmem>>, vector<16xf32>,
    tpu.vector_store %arg21[%swap3A_1724], %add3A_1723 {strides = array<i32>} : memref<512xf32, #tpu.memory_space<vmem>>, vector<16xf32>,
    %get3A_1726 = arith.constant 320 : index
    %get3A_1727 = tpu.vector_load %arg10[%get3A_1726] {strides = array<i32>} : memref<512xi32, #tpu.memory_space<vmem>>, vector<16xi32>,
    %get3A_1728 = arith.constant 320 : index
    %get3A_1729 = tpu.vector_load %arg11[%get3A_1728] {strides = array<i32>} : memref<512xi32, #tpu.memory_space<vmem>>, vector<16xi32>,
    %shift_right_logical3A_1730 = arith.constant 3 : i32
    %shift_right_logical3A_1731 = vector.broadcast %shift_right_logical3A_1730 : i32 to vector<16xi32>
    %shift_right_logical3A_1732 = arith.shrui %get3A_1727, %shift_right_logical3A_1731 : vector<16xi32>
    %swap3A_1733 = arith.constant 1 : i32
    %swap3A_1734 = arith.index_cast %swap3A_1733 : i32 to index
    %swap3A_1735 = arith.constant 0 : index
    %swap3A_1736 = tpu.vector_load %arg12[%swap3A_1734, %swap3A_1735] {strides = array<i32>} : memref<2x64xi32, #tpu.memory_space<vmem>>, vector<16xi32>,
    tpu.vector_store %arg12[%swap3A_1734, %swap3A_1735], %shift_right_logical3A_1732 {strides = array<i32>} : memref<2x64xi32, #tpu.memory_space<vmem>>, vector<16xi32>,
    %shift_right_logical3A_1737 = arith.constant 3 : i32
    %shift_right_logical3A_1738 = vector.broadcast %shift_right_logical3A_1737 : i32 to vector<16xi32>
    %shift_right_logical3A_1739 = arith.shrui %get3A_1729, %shift_right_logical3A_1738 : vector<16xi32>
    %swap3A_1740 = arith.constant 1 : i32
    %swap3A_1741 = arith.index_cast %swap3A_1740 : i32 to index
    %swap3A_1742 = arith.constant 0 : index
    %swap3A_1743 = tpu.vector_load %arg13[%swap3A_1741, %swap3A_1742] {strides = array<i32>} : memref<2x64xi32, #tpu.memory_space<vmem>>, vector<16xi32>,
    tpu.vector_store %arg13[%swap3A_1741, %swap3A_1742], %shift_right_logical3A_1739 {strides = array<i32>} : memref<2x64xi32, #tpu.memory_space<vmem>>, vector<16xi32>,
    %shift_right_logical3A_1744 = arith.constant 7 : i32
    %shift_right_logical3A_1745 = vector.broadcast %shift_right_logical3A_1744 : i32 to vector<16xi32>
    %shift_right_logical3A_1746 = arith.shrui %get3A_1727, %shift_right_logical3A_1745 : vector<16xi32>
    %swap3A_1747 = arith.constant 1 : i32
    %swap3A_1748 = arith.index_cast %swap3A_1747 : i32 to index
    %swap3A_1749 = arith.constant 0 : index
    %swap3A_1750 = tpu.vector_load %arg14[%swap3A_1748, %swap3A_1749] {strides = array<i32>} : memref<2x64xi32, #tpu.memory_space<vmem>>, vector<16xi32>,
    tpu.vector_store %arg14[%swap3A_1748, %swap3A_1749], %shift_right_logical3A_1746 {strides = array<i32>} : memref<2x64xi32, #tpu.memory_space<vmem>>, vector<16xi32>,
    %shift_right_logical3A_1751 = arith.constant 7 : i32
    %shift_right_logical3A_1752 = vector.broadcast %shift_right_logical3A_1751 : i32 to vector<16xi32>
    %shift_right_logical3A_1753 = arith.shrui %get3A_1729, %shift_right_logical3A_1752 : vector<16xi32>
    %swap3A_1754 = arith.constant 1 : i32
    %swap3A_1755 = arith.index_cast %swap3A_1754 : i32 to index
    %swap3A_1756 = arith.constant 0 : index
    %swap3A_1757 = tpu.vector_load %arg15[%swap3A_1755, %swap3A_1756] {strides = array<i32>} : memref<2x64xi32, #tpu.memory_space<vmem>>, vector<16xi32>,
    tpu.vector_store %arg15[%swap3A_1755, %swap3A_1756], %shift_right_logical3A_1753 {strides = array<i32>} : memref<2x64xi32, #tpu.memory_space<vmem>>, vector<16xi32>,
    %get3A_1758 = arith.constant 336 : index
    %get3A_1759 = tpu.vector_load %arg10[%get3A_1758] {strides = array<i32>} : memref<512xi32, #tpu.memory_space<vmem>>, vector<16xi32>,
    %get3A_1760 = arith.constant 336 : index
    %get3A_1761 = tpu.vector_load %arg11[%get3A_1760] {strides = array<i32>} : memref<512xi32, #tpu.memory_space<vmem>>, vector<16xi32>,
    %shift_right_logical3A_1762 = arith.constant 3 : i32
    %shift_right_logical3A_1763 = vector.broadcast %shift_right_logical3A_1762 : i32 to vector<16xi32>
    %shift_right_logical3A_1764 = arith.shrui %get3A_1759, %shift_right_logical3A_1763 : vector<16xi32>
    %swap3A_1765 = arith.constant 1 : i32
    %swap3A_1766 = arith.index_cast %swap3A_1765 : i32 to index
    %swap3A_1767 = arith.constant 16 : index
    %swap3A_1768 = tpu.vector_load %arg12[%swap3A_1766, %swap3A_1767] {strides = array<i32>} : memref<2x64xi32, #tpu.memory_space<vmem>>, vector<16xi32>,
    tpu.vector_store %arg12[%swap3A_1766, %swap3A_1767], %shift_right_logical3A_1764 {strides = array<i32>} : memref<2x64xi32, #tpu.memory_space<vmem>>, vector<16xi32>,
    %shift_right_logical3A_1769 = arith.constant 3 : i32
    %shift_right_logical3A_1770 = vector.broadcast %shift_right_logical3A_1769 : i32 to vector<16xi32>
    %shift_right_logical3A_1771 = arith.shrui %get3A_1761, %shift_right_logical3A_1770 : vector<16xi32>
    %swap3A_1772 = arith.constant 1 : i32
    %swap3A_1773 = arith.index_cast %swap3A_1772 : i32 to index
    %swap3A_1774 = arith.constant 16 : index
    %swap3A_1775 = tpu.vector_load %arg13[%swap3A_1773, %swap3A_1774] {strides = array<i32>} : memref<2x64xi32, #tpu.memory_space<vmem>>, vector<16xi32>,
    tpu.vector_store %arg13[%swap3A_1773, %swap3A_1774], %shift_right_logical3A_1771 {strides = array<i32>} : memref<2x64xi32, #tpu.memory_space<vmem>>, vector<16xi32>,
    %shift_right_logical3A_1776 = arith.constant 7 : i32
    %shift_right_logical3A_1777 = vector.broadcast %shift_right_logical3A_1776 : i32 to vector<16xi32>
    %shift_right_logical3A_1778 = arith.shrui %get3A_1759, %shift_right_logical3A_1777 : vector<16xi32>
    %swap3A_1779 = arith.constant 1 : i32
    %swap3A_1780 = arith.index_cast %swap3A_1779 : i32 to index
    %swap3A_1781 = arith.constant 16 : index
    %swap3A_1782 = tpu.vector_load %arg14[%swap3A_1780, %swap3A_1781] {strides = array<i32>} : memref<2x64xi32, #tpu.memory_space<vmem>>, vector<16xi32>,
    tpu.vector_store %arg14[%swap3A_1780, %swap3A_1781], %shift_right_logical3A_1778 {strides = array<i32>} : memref<2x64xi32, #tpu.memory_space<vmem>>, vector<16xi32>,
    %shift_right_logical3A_1783 = arith.constant 7 : i32
    %shift_right_logical3A_1784 = vector.broadcast %shift_right_logical3A_1783 : i32 to vector<16xi32>
    %shift_right_logical3A_1785 = arith.shrui %get3A_1761, %shift_right_logical3A_1784 : vector<16xi32>
    %swap3A_1786 = arith.constant 1 : i32
    %swap3A_1787 = arith.index_cast %swap3A_1786 : i32 to index
    %swap3A_1788 = arith.constant 16 : index
    %swap3A_1789 = tpu.vector_load %arg15[%swap3A_1787, %swap3A_1788] {strides = array<i32>} : memref<2x64xi32, #tpu.memory_space<vmem>>, vector<16xi32>,
    tpu.vector_store %arg15[%swap3A_1787, %swap3A_1788], %shift_right_logical3A_1785 {strides = array<i32>} : memref<2x64xi32, #tpu.memory_space<vmem>>, vector<16xi32>,
    %get3A_1790 = arith.constant 352 : index
    %get3A_1791 = tpu.vector_load %arg10[%get3A_1790] {strides = array<i32>} : memref<512xi32, #tpu.memory_space<vmem>>, vector<16xi32>,
    %get3A_1792 = arith.constant 352 : index
    %get3A_1793 = tpu.vector_load %arg11[%get3A_1792] {strides = array<i32>} : memref<512xi32, #tpu.memory_space<vmem>>, vector<16xi32>,
    %shift_right_logical3A_1794 = arith.constant 3 : i32
    %shift_right_logical3A_1795 = vector.broadcast %shift_right_logical3A_1794 : i32 to vector<16xi32>
    %shift_right_logical3A_1796 = arith.shrui %get3A_1791, %shift_right_logical3A_1795 : vector<16xi32>
    %swap3A_1797 = arith.constant 1 : i32
    %swap3A_1798 = arith.index_cast %swap3A_1797 : i32 to index
    %swap3A_1799 = arith.constant 32 : index
    %swap3A_1800 = tpu.vector_load %arg12[%swap3A_1798, %swap3A_1799] {strides = array<i32>} : memref<2x64xi32, #tpu.memory_space<vmem>>, vector<16xi32>,
    tpu.vector_store %arg12[%swap3A_1798, %swap3A_1799], %shift_right_logical3A_1796 {strides = array<i32>} : memref<2x64xi32, #tpu.memory_space<vmem>>, vector<16xi32>,
    %shift_right_logical3A_1801 = arith.constant 3 : i32
    %shift_right_logical3A_1802 = vector.broadcast %shift_right_logical3A_1801 : i32 to vector<16xi32>
    %shift_right_logical3A_1803 = arith.shrui %get3A_1793, %shift_right_logical3A_1802 : vector<16xi32>
    %swap3A_1804 = arith.constant 1 : i32
    %swap3A_1805 = arith.index_cast %swap3A_1804 : i32 to index
    %swap3A_1806 = arith.constant 32 : index
    %swap3A_1807 = tpu.vector_load %arg13[%swap3A_1805, %swap3A_1806] {strides = array<i32>} : memref<2x64xi32, #tpu.memory_space<vmem>>, vector<16xi32>,
    tpu.vector_store %arg13[%swap3A_1805, %swap3A_1806], %shift_right_logical3A_1803 {strides = array<i32>} : memref<2x64xi32, #tpu.memory_space<vmem>>, vector<16xi32>,
    %shift_right_logical3A_1808 = arith.constant 7 : i32
    %shift_right_logical3A_1809 = vector.broadcast %shift_right_logical3A_1808 : i32 to vector<16xi32>
    %shift_right_logical3A_1810 = arith.shrui %get3A_1791, %shift_right_logical3A_1809 : vector<16xi32>
    %swap3A_1811 = arith.constant 1 : i32
    %swap3A_1812 = arith.index_cast %swap3A_1811 : i32 to index
    %swap3A_1813 = arith.constant 32 : index
    %swap3A_1814 = tpu.vector_load %arg14[%swap3A_1812, %swap3A_1813] {strides = array<i32>} : memref<2x64xi32, #tpu.memory_space<vmem>>, vector<16xi32>,
    tpu.vector_store %arg14[%swap3A_1812, %swap3A_1813], %shift_right_logical3A_1810 {strides = array<i32>} : memref<2x64xi32, #tpu.memory_space<vmem>>, vector<16xi32>,
    %shift_right_logical3A_1815 = arith.constant 7 : i32
    %shift_right_logical3A_1816 = vector.broadcast %shift_right_logical3A_1815 : i32 to vector<16xi32>
    %shift_right_logical3A_1817 = arith.shrui %get3A_1793, %shift_right_logical3A_1816 : vector<16xi32>
    %swap3A_1818 = arith.constant 1 : i32
    %swap3A_1819 = arith.index_cast %swap3A_1818 : i32 to index
    %swap3A_1820 = arith.constant 32 : index
    %swap3A_1821 = tpu.vector_load %arg15[%swap3A_1819, %swap3A_1820] {strides = array<i32>} : memref<2x64xi32, #tpu.memory_space<vmem>>, vector<16xi32>,
    tpu.vector_store %arg15[%swap3A_1819, %swap3A_1820], %shift_right_logical3A_1817 {strides = array<i32>} : memref<2x64xi32, #tpu.memory_space<vmem>>, vector<16xi32>,
    %get3A_1822 = arith.constant 368 : index
    %get3A_1823 = tpu.vector_load %arg10[%get3A_1822] {strides = array<i32>} : memref<512xi32, #tpu.memory_space<vmem>>, vector<16xi32>,
    %get3A_1824 = arith.constant 368 : index
    %get3A_1825 = tpu.vector_load %arg11[%get3A_1824] {strides = array<i32>} : memref<512xi32, #tpu.memory_space<vmem>>, vector<16xi32>,
    %shift_right_logical3A_1826 = arith.constant 3 : i32
    %shift_right_logical3A_1827 = vector.broadcast %shift_right_logical3A_1826 : i32 to vector<16xi32>
    %shift_right_logical3A_1828 = arith.shrui %get3A_1823, %shift_right_logical3A_1827 : vector<16xi32>
    %swap3A_1829 = arith.constant 1 : i32
    %swap3A_1830 = arith.index_cast %swap3A_1829 : i32 to index
    %swap3A_1831 = arith.constant 48 : index
    %swap3A_1832 = tpu.vector_load %arg12[%swap3A_1830, %swap3A_1831] {strides = array<i32>} : memref<2x64xi32, #tpu.memory_space<vmem>>, vector<16xi32>,
    tpu.vector_store %arg12[%swap3A_1830, %swap3A_1831], %shift_right_logical3A_1828 {strides = array<i32>} : memref<2x64xi32, #tpu.memory_space<vmem>>, vector<16xi32>,
    %shift_right_logical3A_1833 = arith.constant 3 : i32
    %shift_right_logical3A_1834 = vector.broadcast %shift_right_logical3A_1833 : i32 to vector<16xi32>
    %shift_right_logical3A_1835 = arith.shrui %get3A_1825, %shift_right_logical3A_1834 : vector<16xi32>
    %swap3A_1836 = arith.constant 1 : i32
    %swap3A_1837 = arith.index_cast %swap3A_1836 : i32 to index
    %swap3A_1838 = arith.constant 48 : index
    %swap3A_1839 = tpu.vector_load %arg13[%swap3A_1837, %swap3A_1838] {strides = array<i32>} : memref<2x64xi32, #tpu.memory_space<vmem>>, vector<16xi32>,
    tpu.vector_store %arg13[%swap3A_1837, %swap3A_1838], %shift_right_logical3A_1835 {strides = array<i32>} : memref<2x64xi32, #tpu.memory_space<vmem>>, vector<16xi32>,
    %shift_right_logical3A_1840 = arith.constant 7 : i32
    %shift_right_logical3A_1841 = vector.broadcast %shift_right_logical3A_1840 : i32 to vector<16xi32>
    %shift_right_logical3A_1842 = arith.shrui %get3A_1823, %shift_right_logical3A_1841 : vector<16xi32>
    %swap3A_1843 = arith.constant 1 : i32
    %swap3A_1844 = arith.index_cast %swap3A_1843 : i32 to index
    %swap3A_1845 = arith.constant 48 : index
    %swap3A_1846 = tpu.vector_load %arg14[%swap3A_1844, %swap3A_1845] {strides = array<i32>} : memref<2x64xi32, #tpu.memory_space<vmem>>, vector<16xi32>,
    tpu.vector_store %arg14[%swap3A_1844, %swap3A_1845], %shift_right_logical3A_1842 {strides = array<i32>} : memref<2x64xi32, #tpu.memory_space<vmem>>, vector<16xi32>,
    %shift_right_logical3A_1847 = arith.constant 7 : i32
    %shift_right_logical3A_1848 = vector.broadcast %shift_right_logical3A_1847 : i32 to vector<16xi32>
    %shift_right_logical3A_1849 = arith.shrui %get3A_1825, %shift_right_logical3A_1848 : vector<16xi32>
    %swap3A_1850 = arith.constant 1 : i32
    %swap3A_1851 = arith.index_cast %swap3A_1850 : i32 to index
    %swap3A_1852 = arith.constant 48 : index
    %swap3A_1853 = tpu.vector_load %arg15[%swap3A_1851, %swap3A_1852] {strides = array<i32>} : memref<2x64xi32, #tpu.memory_space<vmem>>, vector<16xi32>,
    tpu.vector_store %arg15[%swap3A_1851, %swap3A_1852], %shift_right_logical3A_1849 {strides = array<i32>} : memref<2x64xi32, #tpu.memory_space<vmem>>, vector<16xi32>,
    %dma_start3A_1854 = arith.constant 1 : i32
    %dma_start3A_1855 = arith.constant 1 : i32
    %dma_start3A_1856 = arith.constant 0 : i32
    %dma_start3A_1857 = arith.constant 0 : i32
    %dma_start3A_1858 = tpu.memref_slice %arg16[%dma_start3A_1855, %dma_start3A_1856, %dma_start3A_1857] : memref<2x64x128xf32, #tpu.memory_space<vmem>> -> memref<1x64x128xf32, #tpu.memory_space<vmem>>
    %dma_start3A_1859 = tpu.memref_squeeze %dma_start3A_1858 : memref<1x64x128xf32, #tpu.memory_space<vmem>> -> memref<64x128xf32, #tpu.memory_space<vmem>>
    %dma_start3A_1860 = arith.constant 0 : i32
    %dma_start3A_1861 = tpu.memref_slice %arg12[%dma_start3A_1854, %dma_start3A_1860] : memref<2x64xi32, #tpu.memory_space<vmem>> -> memref<1x64xi32, #tpu.memory_space<vmem>>
    %dma_start3A_1862 = tpu.memref_squeeze %dma_start3A_1861 : memref<1x64xi32, #tpu.memory_space<vmem>> -> memref<64xi32, #tpu.memory_space<vmem>>
    %dma_start3A_1863 = arith.constant 0 : i32
    %dma_start3A_1864 = arith.constant 0 : i32
    %dma_start3A_1865 = tpu.memref_slice %arg4[%dma_start3A_1863, %dma_start3A_1864] : memref<12500x128xf32, #tpu.memory_space<hbm>> -> memref<12500x128xf32, #tpu.memory_space<hbm>>
    tpu.enqueue_indirect_dma source(%dma_start3A_1865 : memref<12500x128xf32, #tpu.memory_space<hbm>>) target(%dma_start3A_1859 : memref<64x128xf32, #tpu.memory_space<vmem>>) offsets(%dma_start3A_1862 : memref<64xi32, #tpu.memory_space<vmem>>) semaphore(%arg23 : memref<!tpu.dma_semaphore, #tpu.memory_space<semaphore_mem>>)
    %dma_start3A_1866 = arith.constant 1 : i32
    %dma_start3A_1867 = arith.constant 1 : i32
    %dma_start3A_1868 = arith.constant 0 : i32
    %dma_start3A_1869 = arith.constant 0 : i32
    %dma_start3A_1870 = tpu.memref_slice %arg17[%dma_start3A_1867, %dma_start3A_1868, %dma_start3A_1869] : memref<2x64x128xf32, #tpu.memory_space<vmem>> -> memref<1x64x128xf32, #tpu.memory_space<vmem>>
    %dma_start3A_1871 = tpu.memref_squeeze %dma_start3A_1870 : memref<1x64x128xf32, #tpu.memory_space<vmem>> -> memref<64x128xf32, #tpu.memory_space<vmem>>
    %dma_start3A_1872 = arith.constant 0 : i32
    %dma_start3A_1873 = tpu.memref_slice %arg13[%dma_start3A_1866, %dma_start3A_1872] : memref<2x64xi32, #tpu.memory_space<vmem>> -> memref<1x64xi32, #tpu.memory_space<vmem>>
    %dma_start3A_1874 = tpu.memref_squeeze %dma_start3A_1873 : memref<1x64xi32, #tpu.memory_space<vmem>> -> memref<64xi32, #tpu.memory_space<vmem>>
    %dma_start3A_1875 = arith.constant 0 : i32
    %dma_start3A_1876 = arith.constant 0 : i32
    %dma_start3A_1877 = tpu.memref_slice %arg5[%dma_start3A_1875, %dma_start3A_1876] : memref<125000x128xf32, #tpu.memory_space<hbm>> -> memref<125000x128xf32, #tpu.memory_space<hbm>>
    tpu.enqueue_indirect_dma source(%dma_start3A_1877 : memref<125000x128xf32, #tpu.memory_space<hbm>>) target(%dma_start3A_1871 : memref<64x128xf32, #tpu.memory_space<vmem>>) offsets(%dma_start3A_1874 : memref<64xi32, #tpu.memory_space<vmem>>) semaphore(%arg23 : memref<!tpu.dma_semaphore, #tpu.memory_space<semaphore_mem>>)
    %dma_start3A_1878 = arith.constant 1 : i32
    %dma_start3A_1879 = arith.constant 1 : i32
    %dma_start3A_1880 = arith.constant 0 : i32
    %dma_start3A_1881 = arith.constant 0 : i32
    %dma_start3A_1882 = tpu.memref_slice %arg18[%dma_start3A_1879, %dma_start3A_1880, %dma_start3A_1881] : memref<2x64x128xf32, #tpu.memory_space<vmem>> -> memref<1x64x128xf32, #tpu.memory_space<vmem>>
    %dma_start3A_1883 = tpu.memref_squeeze %dma_start3A_1882 : memref<1x64x128xf32, #tpu.memory_space<vmem>> -> memref<64x128xf32, #tpu.memory_space<vmem>>
    %dma_start3A_1884 = arith.constant 0 : i32
    %dma_start3A_1885 = tpu.memref_slice %arg14[%dma_start3A_1878, %dma_start3A_1884] : memref<2x64xi32, #tpu.memory_space<vmem>> -> memref<1x64xi32, #tpu.memory_space<vmem>>
    %dma_start3A_1886 = tpu.memref_squeeze %dma_start3A_1885 : memref<1x64xi32, #tpu.memory_space<vmem>> -> memref<64xi32, #tpu.memory_space<vmem>>
    %dma_start3A_1887 = arith.constant 0 : i32
    %dma_start3A_1888 = arith.constant 0 : i32
    %dma_start3A_1889 = tpu.memref_slice %arg6[%dma_start3A_1887, %dma_start3A_1888] : memref<782x128xf32, #tpu.memory_space<hbm>> -> memref<782x128xf32, #tpu.memory_space<hbm>>
    tpu.enqueue_indirect_dma source(%dma_start3A_1889 : memref<782x128xf32, #tpu.memory_space<hbm>>) target(%dma_start3A_1883 : memref<64x128xf32, #tpu.memory_space<vmem>>) offsets(%dma_start3A_1886 : memref<64xi32, #tpu.memory_space<vmem>>) semaphore(%arg23 : memref<!tpu.dma_semaphore, #tpu.memory_space<semaphore_mem>>)
    %dma_start3A_1890 = arith.constant 1 : i32
    %dma_start3A_1891 = arith.constant 1 : i32
    %dma_start3A_1892 = arith.constant 0 : i32
    %dma_start3A_1893 = arith.constant 0 : i32
    %dma_start3A_1894 = tpu.memref_slice %arg19[%dma_start3A_1891, %dma_start3A_1892, %dma_start3A_1893] : memref<2x64x128xf32, #tpu.memory_space<vmem>> -> memref<1x64x128xf32, #tpu.memory_space<vmem>>
    %dma_start3A_1895 = tpu.memref_squeeze %dma_start3A_1894 : memref<1x64x128xf32, #tpu.memory_space<vmem>> -> memref<64x128xf32, #tpu.memory_space<vmem>>
    %dma_start3A_1896 = arith.constant 0 : i32
    %dma_start3A_1897 = tpu.memref_slice %arg15[%dma_start3A_1890, %dma_start3A_1896] : memref<2x64xi32, #tpu.memory_space<vmem>> -> memref<1x64xi32, #tpu.memory_space<vmem>>
    %dma_start3A_1898 = tpu.memref_squeeze %dma_start3A_1897 : memref<1x64xi32, #tpu.memory_space<vmem>> -> memref<64xi32, #tpu.memory_space<vmem>>
    %dma_start3A_1899 = arith.constant 0 : i32
    %dma_start3A_1900 = arith.constant 0 : i32
    %dma_start3A_1901 = tpu.memref_slice %arg7[%dma_start3A_1899, %dma_start3A_1900] : memref<7813x128xf32, #tpu.memory_space<hbm>> -> memref<7813x128xf32, #tpu.memory_space<hbm>>
    tpu.enqueue_indirect_dma source(%dma_start3A_1901 : memref<7813x128xf32, #tpu.memory_space<hbm>>) target(%dma_start3A_1895 : memref<64x128xf32, #tpu.memory_space<vmem>>) offsets(%dma_start3A_1898 : memref<64xi32, #tpu.memory_space<vmem>>) semaphore(%arg23 : memref<!tpu.dma_semaphore, #tpu.memory_space<semaphore_mem>>)
    %dma_wait3A_1902 = arith.constant 0 : i32
    %dma_wait3A_1903 = arith.constant 0 : i32
    %dma_wait3A_1904 = arith.constant 0 : i32
    %dma_wait3A_1905 = arith.constant 0 : i32
    %dma_wait3A_1906 = tpu.memref_slice %arg16[%dma_wait3A_1903, %dma_wait3A_1904, %dma_wait3A_1905] : memref<2x64x128xf32, #tpu.memory_space<vmem>> -> memref<1x64x128xf32, #tpu.memory_space<vmem>>
    %dma_wait3A_1907 = tpu.memref_squeeze %dma_wait3A_1906 : memref<1x64x128xf32, #tpu.memory_space<vmem>> -> memref<64x128xf32, #tpu.memory_space<vmem>>
    %dma_wait3A_1908 = arith.constant 0 : i32
    %dma_wait3A_1909 = tpu.memref_slice %arg12[%dma_wait3A_1902, %dma_wait3A_1908] : memref<2x64xi32, #tpu.memory_space<vmem>> -> memref<1x64xi32, #tpu.memory_space<vmem>>
    %dma_wait3A_1910 = tpu.memref_squeeze %dma_wait3A_1909 : memref<1x64xi32, #tpu.memory_space<vmem>> -> memref<64xi32, #tpu.memory_space<vmem>>
    %dma_wait3A_1911 = arith.constant 0 : i32
    %dma_wait3A_1912 = arith.constant 0 : i32
    %dma_wait3A_1913 = tpu.memref_slice %arg4[%dma_wait3A_1911, %dma_wait3A_1912] : memref<12500x128xf32, #tpu.memory_space<hbm>> -> memref<12500x128xf32, #tpu.memory_space<hbm>>
    tpu.wait_indirect_dma semaphore(%arg22 : memref<!tpu.dma_semaphore, #tpu.memory_space<semaphore_mem>>) src(%dma_wait3A_1913 : memref<12500x128xf32, #tpu.memory_space<hbm>>) dst(%dma_wait3A_1907 : memref<64x128xf32, #tpu.memory_space<vmem>>)
    %dma_wait3A_1914 = arith.constant 0 : i32
    %dma_wait3A_1915 = arith.constant 0 : i32
    %dma_wait3A_1916 = arith.constant 0 : i32
    %dma_wait3A_1917 = arith.constant 0 : i32
    %dma_wait3A_1918 = tpu.memref_slice %arg17[%dma_wait3A_1915, %dma_wait3A_1916, %dma_wait3A_1917] : memref<2x64x128xf32, #tpu.memory_space<vmem>> -> memref<1x64x128xf32, #tpu.memory_space<vmem>>
    %dma_wait3A_1919 = tpu.memref_squeeze %dma_wait3A_1918 : memref<1x64x128xf32, #tpu.memory_space<vmem>> -> memref<64x128xf32, #tpu.memory_space<vmem>>
    %dma_wait3A_1920 = arith.constant 0 : i32
    %dma_wait3A_1921 = tpu.memref_slice %arg13[%dma_wait3A_1914, %dma_wait3A_1920] : memref<2x64xi32, #tpu.memory_space<vmem>> -> memref<1x64xi32, #tpu.memory_space<vmem>>
    %dma_wait3A_1922 = tpu.memref_squeeze %dma_wait3A_1921 : memref<1x64xi32, #tpu.memory_space<vmem>> -> memref<64xi32, #tpu.memory_space<vmem>>
    %dma_wait3A_1923 = arith.constant 0 : i32
    %dma_wait3A_1924 = arith.constant 0 : i32
    %dma_wait3A_1925 = tpu.memref_slice %arg5[%dma_wait3A_1923, %dma_wait3A_1924] : memref<125000x128xf32, #tpu.memory_space<hbm>> -> memref<125000x128xf32, #tpu.memory_space<hbm>>
    tpu.wait_indirect_dma semaphore(%arg22 : memref<!tpu.dma_semaphore, #tpu.memory_space<semaphore_mem>>) src(%dma_wait3A_1925 : memref<125000x128xf32, #tpu.memory_space<hbm>>) dst(%dma_wait3A_1919 : memref<64x128xf32, #tpu.memory_space<vmem>>)
    %dma_wait3A_1926 = arith.constant 0 : i32
    %dma_wait3A_1927 = arith.constant 0 : i32
    %dma_wait3A_1928 = arith.constant 0 : i32
    %dma_wait3A_1929 = arith.constant 0 : i32
    %dma_wait3A_1930 = tpu.memref_slice %arg18[%dma_wait3A_1927, %dma_wait3A_1928, %dma_wait3A_1929] : memref<2x64x128xf32, #tpu.memory_space<vmem>> -> memref<1x64x128xf32, #tpu.memory_space<vmem>>
    %dma_wait3A_1931 = tpu.memref_squeeze %dma_wait3A_1930 : memref<1x64x128xf32, #tpu.memory_space<vmem>> -> memref<64x128xf32, #tpu.memory_space<vmem>>
    %dma_wait3A_1932 = arith.constant 0 : i32
    %dma_wait3A_1933 = tpu.memref_slice %arg14[%dma_wait3A_1926, %dma_wait3A_1932] : memref<2x64xi32, #tpu.memory_space<vmem>> -> memref<1x64xi32, #tpu.memory_space<vmem>>
    %dma_wait3A_1934 = tpu.memref_squeeze %dma_wait3A_1933 : memref<1x64xi32, #tpu.memory_space<vmem>> -> memref<64xi32, #tpu.memory_space<vmem>>
    %dma_wait3A_1935 = arith.constant 0 : i32
    %dma_wait3A_1936 = arith.constant 0 : i32
    %dma_wait3A_1937 = tpu.memref_slice %arg6[%dma_wait3A_1935, %dma_wait3A_1936] : memref<782x128xf32, #tpu.memory_space<hbm>> -> memref<782x128xf32, #tpu.memory_space<hbm>>
    tpu.wait_indirect_dma semaphore(%arg22 : memref<!tpu.dma_semaphore, #tpu.memory_space<semaphore_mem>>) src(%dma_wait3A_1937 : memref<782x128xf32, #tpu.memory_space<hbm>>) dst(%dma_wait3A_1931 : memref<64x128xf32, #tpu.memory_space<vmem>>)
    %dma_wait3A_1938 = arith.constant 0 : i32
    %dma_wait3A_1939 = arith.constant 0 : i32
    %dma_wait3A_1940 = arith.constant 0 : i32
    %dma_wait3A_1941 = arith.constant 0 : i32
    %dma_wait3A_1942 = tpu.memref_slice %arg19[%dma_wait3A_1939, %dma_wait3A_1940, %dma_wait3A_1941] : memref<2x64x128xf32, #tpu.memory_space<vmem>> -> memref<1x64x128xf32, #tpu.memory_space<vmem>>
    %dma_wait3A_1943 = tpu.memref_squeeze %dma_wait3A_1942 : memref<1x64x128xf32, #tpu.memory_space<vmem>> -> memref<64x128xf32, #tpu.memory_space<vmem>>
    %dma_wait3A_1944 = arith.constant 0 : i32
    %dma_wait3A_1945 = tpu.memref_slice %arg15[%dma_wait3A_1938, %dma_wait3A_1944] : memref<2x64xi32, #tpu.memory_space<vmem>> -> memref<1x64xi32, #tpu.memory_space<vmem>>
    %dma_wait3A_1946 = tpu.memref_squeeze %dma_wait3A_1945 : memref<1x64xi32, #tpu.memory_space<vmem>> -> memref<64xi32, #tpu.memory_space<vmem>>
    %dma_wait3A_1947 = arith.constant 0 : i32
    %dma_wait3A_1948 = arith.constant 0 : i32
    %dma_wait3A_1949 = tpu.memref_slice %arg7[%dma_wait3A_1947, %dma_wait3A_1948] : memref<7813x128xf32, #tpu.memory_space<hbm>> -> memref<7813x128xf32, #tpu.memory_space<hbm>>
    tpu.wait_indirect_dma semaphore(%arg22 : memref<!tpu.dma_semaphore, #tpu.memory_space<semaphore_mem>>) src(%dma_wait3A_1949 : memref<7813x128xf32, #tpu.memory_space<hbm>>) dst(%dma_wait3A_1943 : memref<64x128xf32, #tpu.memory_space<vmem>>)
    %get3A_1950 = arith.constant 256 : index
    %get3A_1951 = tpu.vector_load %arg10[%get3A_1950] {strides = array<i32>} : memref<512xi32, #tpu.memory_space<vmem>>, vector<16xi32>,
    %get3A_1952 = arith.constant 256 : index
    %get3A_1953 = tpu.vector_load %arg11[%get3A_1952] {strides = array<i32>} : memref<512xi32, #tpu.memory_space<vmem>>, vector<16xi32>,
    %add3A_1954 = arith.constant 0 : i32
    %add3A_1955 = vector.broadcast %add3A_1954 : i32 to vector<16xi32>
    %add3A_1956 = arith.addi %add3A_1955, %iota3A : vector<16xi32>
    %and3A_1957 = arith.constant 7 : i32
    %and3A_1958 = vector.broadcast %and3A_1957 : i32 to vector<16xi32>
    %and3A_1959 = arith.andi %get3A_1951, %and3A_1958 : vector<16xi32>
    %mul3A_1960 = arith.constant 16 : i32
    %mul3A_1961 = vector.broadcast %mul3A_1960 : i32 to vector<16xi32>
    %mul3A_1962 = arith.muli %and3A_1959, %mul3A_1961 : vector<16xi32>
    %and3A_1963 = arith.constant 7 : i32
    %and3A_1964 = vector.broadcast %and3A_1963 : i32 to vector<16xi32>
    %and3A_1965 = arith.andi %get3A_1953, %and3A_1964 : vector<16xi32>
    %mul3A_1966 = arith.constant 16 : i32
    %mul3A_1967 = vector.broadcast %mul3A_1966 : i32 to vector<16xi32>
    %mul3A_1968 = arith.muli %and3A_1965, %mul3A_1967 : vector<16xi32>
    %and3A_1969 = arith.constant 127 : i32
    %and3A_1970 = vector.broadcast %and3A_1969 : i32 to vector<16xi32>
    %and3A_1971 = arith.andi %get3A_1951, %and3A_1970 : vector<16xi32>
    %gather3A_1972 = arith.constant 0 : i32
    %gather3A_1973 = arith.constant 0 : i32
    %gather3A_1974 = arith.constant 0 : i32
    %gather3A_1975 = tpu.memref_slice %arg18[%gather3A_1972, %gather3A_1973, %gather3A_1974] : memref<2x64x128xf32, #tpu.memory_space<vmem>> -> memref<1x64x128xf32, #tpu.memory_space<vmem>>
    %gather3A_1976 = tpu.memref_squeeze %gather3A_1975 : memref<1x64x128xf32, #tpu.memory_space<vmem>> -> memref<64x128xf32, #tpu.memory_space<vmem>>
    %gather3A_1977 = tpu.vector_load_idx %gather3A_1976[%add3A_1956, %and3A_1971] : memref<64x128xf32, #tpu.memory_space<vmem>>[vector<16xi32>, vector<16xi32>], vector<16xf32>,
    %add3A_1978 = arith.addf %get3A_3, %gather3A_1977 : vector<16xf32>
    %and3A_1979 = arith.constant 127 : i32
    %and3A_1980 = vector.broadcast %and3A_1979 : i32 to vector<16xi32>
    %and3A_1981 = arith.andi %get3A_1953, %and3A_1980 : vector<16xi32>
    %gather3A_1982 = arith.constant 0 : i32
    %gather3A_1983 = arith.constant 0 : i32
    %gather3A_1984 = arith.constant 0 : i32
    %gather3A_1985 = tpu.memref_slice %arg19[%gather3A_1982, %gather3A_1983, %gather3A_1984] : memref<2x64x128xf32, #tpu.memory_space<vmem>> -> memref<1x64x128xf32, #tpu.memory_space<vmem>>
    %gather3A_1986 = tpu.memref_squeeze %gather3A_1985 : memref<1x64x128xf32, #tpu.memory_space<vmem>> -> memref<64x128xf32, #tpu.memory_space<vmem>>
    %gather3A_1987 = tpu.vector_load_idx %gather3A_1986[%add3A_1956, %and3A_1981] : memref<64x128xf32, #tpu.memory_space<vmem>>[vector<16xi32>, vector<16xi32>], vector<16xf32>,
    %add3A_1988 = arith.addf %add3A_1978, %gather3A_1987 : vector<16xf32>
    %swap3A_1989 = arith.constant 256 : index
    %swap3A_1990 = tpu.vector_load %arg21[%swap3A_1989] {strides = array<i32>} : memref<512xf32, #tpu.memory_space<vmem>>, vector<16xf32>,
    tpu.vector_store %arg21[%swap3A_1989], %add3A_1988 {strides = array<i32>} : memref<512xf32, #tpu.memory_space<vmem>>, vector<16xf32>,
    %get3A_1991 = arith.constant 272 : index
    %get3A_1992 = tpu.vector_load %arg10[%get3A_1991] {strides = array<i32>} : memref<512xi32, #tpu.memory_space<vmem>>, vector<16xi32>,
    %get3A_1993 = arith.constant 272 : index
    %get3A_1994 = tpu.vector_load %arg11[%get3A_1993] {strides = array<i32>} : memref<512xi32, #tpu.memory_space<vmem>>, vector<16xi32>,
    %add3A_1995 = arith.constant 16 : i32
    %add3A_1996 = vector.broadcast %add3A_1995 : i32 to vector<16xi32>
    %add3A_1997 = arith.addi %add3A_1996, %iota3A : vector<16xi32>
    %and3A_1998 = arith.constant 7 : i32
    %and3A_1999 = vector.broadcast %and3A_1998 : i32 to vector<16xi32>
    %and3A_2000 = arith.andi %get3A_1992, %and3A_1999 : vector<16xi32>
    %mul3A_2001 = arith.constant 16 : i32
    %mul3A_2002 = vector.broadcast %mul3A_2001 : i32 to vector<16xi32>
    %mul3A_2003 = arith.muli %and3A_2000, %mul3A_2002 : vector<16xi32>
    %and3A_2004 = arith.constant 7 : i32
    %and3A_2005 = vector.broadcast %and3A_2004 : i32 to vector<16xi32>
    %and3A_2006 = arith.andi %get3A_1994, %and3A_2005 : vector<16xi32>
    %mul3A_2007 = arith.constant 16 : i32
    %mul3A_2008 = vector.broadcast %mul3A_2007 : i32 to vector<16xi32>
    %mul3A_2009 = arith.muli %and3A_2006, %mul3A_2008 : vector<16xi32>
    %and3A_2010 = arith.constant 127 : i32
    %and3A_2011 = vector.broadcast %and3A_2010 : i32 to vector<16xi32>
    %and3A_2012 = arith.andi %get3A_1992, %and3A_2011 : vector<16xi32>
    %gather3A_2013 = arith.constant 0 : i32
    %gather3A_2014 = arith.constant 0 : i32
    %gather3A_2015 = arith.constant 0 : i32
    %gather3A_2016 = tpu.memref_slice %arg18[%gather3A_2013, %gather3A_2014, %gather3A_2015] : memref<2x64x128xf32, #tpu.memory_space<vmem>> -> memref<1x64x128xf32, #tpu.memory_space<vmem>>
    %gather3A_2017 = tpu.memref_squeeze %gather3A_2016 : memref<1x64x128xf32, #tpu.memory_space<vmem>> -> memref<64x128xf32, #tpu.memory_space<vmem>>
    %gather3A_2018 = tpu.vector_load_idx %gather3A_2017[%add3A_1997, %and3A_2012] : memref<64x128xf32, #tpu.memory_space<vmem>>[vector<16xi32>, vector<16xi32>], vector<16xf32>,
    %add3A_2019 = arith.addf %get3A_3, %gather3A_2018 : vector<16xf32>
    %and3A_2020 = arith.constant 127 : i32
    %and3A_2021 = vector.broadcast %and3A_2020 : i32 to vector<16xi32>
    %and3A_2022 = arith.andi %get3A_1994, %and3A_2021 : vector<16xi32>
    %gather3A_2023 = arith.constant 0 : i32
    %gather3A_2024 = arith.constant 0 : i32
    %gather3A_2025 = arith.constant 0 : i32
    %gather3A_2026 = tpu.memref_slice %arg19[%gather3A_2023, %gather3A_2024, %gather3A_2025] : memref<2x64x128xf32, #tpu.memory_space<vmem>> -> memref<1x64x128xf32, #tpu.memory_space<vmem>>
    %gather3A_2027 = tpu.memref_squeeze %gather3A_2026 : memref<1x64x128xf32, #tpu.memory_space<vmem>> -> memref<64x128xf32, #tpu.memory_space<vmem>>
    %gather3A_2028 = tpu.vector_load_idx %gather3A_2027[%add3A_1997, %and3A_2022] : memref<64x128xf32, #tpu.memory_space<vmem>>[vector<16xi32>, vector<16xi32>], vector<16xf32>,
    %add3A_2029 = arith.addf %add3A_2019, %gather3A_2028 : vector<16xf32>
    %swap3A_2030 = arith.constant 272 : index
    %swap3A_2031 = tpu.vector_load %arg21[%swap3A_2030] {strides = array<i32>} : memref<512xf32, #tpu.memory_space<vmem>>, vector<16xf32>,
    tpu.vector_store %arg21[%swap3A_2030], %add3A_2029 {strides = array<i32>} : memref<512xf32, #tpu.memory_space<vmem>>, vector<16xf32>,
    %get3A_2032 = arith.constant 288 : index
    %get3A_2033 = tpu.vector_load %arg10[%get3A_2032] {strides = array<i32>} : memref<512xi32, #tpu.memory_space<vmem>>, vector<16xi32>,
    %get3A_2034 = arith.constant 288 : index
    %get3A_2035 = tpu.vector_load %arg11[%get3A_2034] {strides = array<i32>} : memref<512xi32, #tpu.memory_space<vmem>>, vector<16xi32>,
    %add3A_2036 = arith.constant 32 : i32
    %add3A_2037 = vector.broadcast %add3A_2036 : i32 to vector<16xi32>
    %add3A_2038 = arith.addi %add3A_2037, %iota3A : vector<16xi32>
    %and3A_2039 = arith.constant 7 : i32
    %and3A_2040 = vector.broadcast %and3A_2039 : i32 to vector<16xi32>
    %and3A_2041 = arith.andi %get3A_2033, %and3A_2040 : vector<16xi32>
    %mul3A_2042 = arith.constant 16 : i32
    %mul3A_2043 = vector.broadcast %mul3A_2042 : i32 to vector<16xi32>
    %mul3A_2044 = arith.muli %and3A_2041, %mul3A_2043 : vector<16xi32>
    %and3A_2045 = arith.constant 7 : i32
    %and3A_2046 = vector.broadcast %and3A_2045 : i32 to vector<16xi32>
    %and3A_2047 = arith.andi %get3A_2035, %and3A_2046 : vector<16xi32>
    %mul3A_2048 = arith.constant 16 : i32
    %mul3A_2049 = vector.broadcast %mul3A_2048 : i32 to vector<16xi32>
    %mul3A_2050 = arith.muli %and3A_2047, %mul3A_2049 : vector<16xi32>
    %and3A_2051 = arith.constant 127 : i32
    %and3A_2052 = vector.broadcast %and3A_2051 : i32 to vector<16xi32>
    %and3A_2053 = arith.andi %get3A_2033, %and3A_2052 : vector<16xi32>
    %gather3A_2054 = arith.constant 0 : i32
    %gather3A_2055 = arith.constant 0 : i32
    %gather3A_2056 = arith.constant 0 : i32
    %gather3A_2057 = tpu.memref_slice %arg18[%gather3A_2054, %gather3A_2055, %gather3A_2056] : memref<2x64x128xf32, #tpu.memory_space<vmem>> -> memref<1x64x128xf32, #tpu.memory_space<vmem>>
    %gather3A_2058 = tpu.memref_squeeze %gather3A_2057 : memref<1x64x128xf32, #tpu.memory_space<vmem>> -> memref<64x128xf32, #tpu.memory_space<vmem>>
    %gather3A_2059 = tpu.vector_load_idx %gather3A_2058[%add3A_2038, %and3A_2053] : memref<64x128xf32, #tpu.memory_space<vmem>>[vector<16xi32>, vector<16xi32>], vector<16xf32>,
    %add3A_2060 = arith.addf %get3A_3, %gather3A_2059 : vector<16xf32>
    %and3A_2061 = arith.constant 127 : i32
    %and3A_2062 = vector.broadcast %and3A_2061 : i32 to vector<16xi32>
    %and3A_2063 = arith.andi %get3A_2035, %and3A_2062 : vector<16xi32>
    %gather3A_2064 = arith.constant 0 : i32
    %gather3A_2065 = arith.constant 0 : i32
    %gather3A_2066 = arith.constant 0 : i32
    %gather3A_2067 = tpu.memref_slice %arg19[%gather3A_2064, %gather3A_2065, %gather3A_2066] : memref<2x64x128xf32, #tpu.memory_space<vmem>> -> memref<1x64x128xf32, #tpu.memory_space<vmem>>
    %gather3A_2068 = tpu.memref_squeeze %gather3A_2067 : memref<1x64x128xf32, #tpu.memory_space<vmem>> -> memref<64x128xf32, #tpu.memory_space<vmem>>
    %gather3A_2069 = tpu.vector_load_idx %gather3A_2068[%add3A_2038, %and3A_2063] : memref<64x128xf32, #tpu.memory_space<vmem>>[vector<16xi32>, vector<16xi32>], vector<16xf32>,
    %add3A_2070 = arith.addf %add3A_2060, %gather3A_2069 : vector<16xf32>
    %swap3A_2071 = arith.constant 288 : index
    %swap3A_2072 = tpu.vector_load %arg21[%swap3A_2071] {strides = array<i32>} : memref<512xf32, #tpu.memory_space<vmem>>, vector<16xf32>,
    tpu.vector_store %arg21[%swap3A_2071], %add3A_2070 {strides = array<i32>} : memref<512xf32, #tpu.memory_space<vmem>>, vector<16xf32>,
    %get3A_2073 = arith.constant 304 : index
    %get3A_2074 = tpu.vector_load %arg10[%get3A_2073] {strides = array<i32>} : memref<512xi32, #tpu.memory_space<vmem>>, vector<16xi32>,
    %get3A_2075 = arith.constant 304 : index
    %get3A_2076 = tpu.vector_load %arg11[%get3A_2075] {strides = array<i32>} : memref<512xi32, #tpu.memory_space<vmem>>, vector<16xi32>,
    %add3A_2077 = arith.constant 48 : i32
    %add3A_2078 = vector.broadcast %add3A_2077 : i32 to vector<16xi32>
    %add3A_2079 = arith.addi %add3A_2078, %iota3A : vector<16xi32>
    %and3A_2080 = arith.constant 7 : i32
    %and3A_2081 = vector.broadcast %and3A_2080 : i32 to vector<16xi32>
    %and3A_2082 = arith.andi %get3A_2074, %and3A_2081 : vector<16xi32>
    %mul3A_2083 = arith.constant 16 : i32
    %mul3A_2084 = vector.broadcast %mul3A_2083 : i32 to vector<16xi32>
    %mul3A_2085 = arith.muli %and3A_2082, %mul3A_2084 : vector<16xi32>
    %and3A_2086 = arith.constant 7 : i32
    %and3A_2087 = vector.broadcast %and3A_2086 : i32 to vector<16xi32>
    %and3A_2088 = arith.andi %get3A_2076, %and3A_2087 : vector<16xi32>
    %mul3A_2089 = arith.constant 16 : i32
    %mul3A_2090 = vector.broadcast %mul3A_2089 : i32 to vector<16xi32>
    %mul3A_2091 = arith.muli %and3A_2088, %mul3A_2090 : vector<16xi32>
    %and3A_2092 = arith.constant 127 : i32
    %and3A_2093 = vector.broadcast %and3A_2092 : i32 to vector<16xi32>
    %and3A_2094 = arith.andi %get3A_2074, %and3A_2093 : vector<16xi32>
    %gather3A_2095 = arith.constant 0 : i32
    %gather3A_2096 = arith.constant 0 : i32
    %gather3A_2097 = arith.constant 0 : i32
    %gather3A_2098 = tpu.memref_slice %arg18[%gather3A_2095, %gather3A_2096, %gather3A_2097] : memref<2x64x128xf32, #tpu.memory_space<vmem>> -> memref<1x64x128xf32, #tpu.memory_space<vmem>>
    %gather3A_2099 = tpu.memref_squeeze %gather3A_2098 : memref<1x64x128xf32, #tpu.memory_space<vmem>> -> memref<64x128xf32, #tpu.memory_space<vmem>>
    %gather3A_2100 = tpu.vector_load_idx %gather3A_2099[%add3A_2079, %and3A_2094] : memref<64x128xf32, #tpu.memory_space<vmem>>[vector<16xi32>, vector<16xi32>], vector<16xf32>,
    %add3A_2101 = arith.addf %get3A_3, %gather3A_2100 : vector<16xf32>
    %and3A_2102 = arith.constant 127 : i32
    %and3A_2103 = vector.broadcast %and3A_2102 : i32 to vector<16xi32>
    %and3A_2104 = arith.andi %get3A_2076, %and3A_2103 : vector<16xi32>
    %gather3A_2105 = arith.constant 0 : i32
    %gather3A_2106 = arith.constant 0 : i32
    %gather3A_2107 = arith.constant 0 : i32
    %gather3A_2108 = tpu.memref_slice %arg19[%gather3A_2105, %gather3A_2106, %gather3A_2107] : memref<2x64x128xf32, #tpu.memory_space<vmem>> -> memref<1x64x128xf32, #tpu.memory_space<vmem>>
    %gather3A_2109 = tpu.memref_squeeze %gather3A_2108 : memref<1x64x128xf32, #tpu.memory_space<vmem>> -> memref<64x128xf32, #tpu.memory_space<vmem>>
    %gather3A_2110 = tpu.vector_load_idx %gather3A_2109[%add3A_2079, %and3A_2104] : memref<64x128xf32, #tpu.memory_space<vmem>>[vector<16xi32>, vector<16xi32>], vector<16xf32>,
    %add3A_2111 = arith.addf %add3A_2101, %gather3A_2110 : vector<16xf32>
    %swap3A_2112 = arith.constant 304 : index
    %swap3A_2113 = tpu.vector_load %arg21[%swap3A_2112] {strides = array<i32>} : memref<512xf32, #tpu.memory_space<vmem>>, vector<16xf32>,
    tpu.vector_store %arg21[%swap3A_2112], %add3A_2111 {strides = array<i32>} : memref<512xf32, #tpu.memory_space<vmem>>, vector<16xf32>,
    %get3A_2114 = arith.constant 384 : index
    %get3A_2115 = tpu.vector_load %arg10[%get3A_2114] {strides = array<i32>} : memref<512xi32, #tpu.memory_space<vmem>>, vector<16xi32>,
    %get3A_2116 = arith.constant 384 : index
    %get3A_2117 = tpu.vector_load %arg11[%get3A_2116] {strides = array<i32>} : memref<512xi32, #tpu.memory_space<vmem>>, vector<16xi32>,
    %shift_right_logical3A_2118 = arith.constant 3 : i32
    %shift_right_logical3A_2119 = vector.broadcast %shift_right_logical3A_2118 : i32 to vector<16xi32>
    %shift_right_logical3A_2120 = arith.shrui %get3A_2115, %shift_right_logical3A_2119 : vector<16xi32>
    %swap3A_2121 = arith.constant 0 : i32
    %swap3A_2122 = arith.index_cast %swap3A_2121 : i32 to index
    %swap3A_2123 = arith.constant 0 : index
    %swap3A_2124 = tpu.vector_load %arg12[%swap3A_2122, %swap3A_2123] {strides = array<i32>} : memref<2x64xi32, #tpu.memory_space<vmem>>, vector<16xi32>,
    tpu.vector_store %arg12[%swap3A_2122, %swap3A_2123], %shift_right_logical3A_2120 {strides = array<i32>} : memref<2x64xi32, #tpu.memory_space<vmem>>, vector<16xi32>,
    %shift_right_logical3A_2125 = arith.constant 3 : i32
    %shift_right_logical3A_2126 = vector.broadcast %shift_right_logical3A_2125 : i32 to vector<16xi32>
    %shift_right_logical3A_2127 = arith.shrui %get3A_2117, %shift_right_logical3A_2126 : vector<16xi32>
    %swap3A_2128 = arith.constant 0 : i32
    %swap3A_2129 = arith.index_cast %swap3A_2128 : i32 to index
    %swap3A_2130 = arith.constant 0 : index
    %swap3A_2131 = tpu.vector_load %arg13[%swap3A_2129, %swap3A_2130] {strides = array<i32>} : memref<2x64xi32, #tpu.memory_space<vmem>>, vector<16xi32>,
    tpu.vector_store %arg13[%swap3A_2129, %swap3A_2130], %shift_right_logical3A_2127 {strides = array<i32>} : memref<2x64xi32, #tpu.memory_space<vmem>>, vector<16xi32>,
    %shift_right_logical3A_2132 = arith.constant 7 : i32
    %shift_right_logical3A_2133 = vector.broadcast %shift_right_logical3A_2132 : i32 to vector<16xi32>
    %shift_right_logical3A_2134 = arith.shrui %get3A_2115, %shift_right_logical3A_2133 : vector<16xi32>
    %swap3A_2135 = arith.constant 0 : i32
    %swap3A_2136 = arith.index_cast %swap3A_2135 : i32 to index
    %swap3A_2137 = arith.constant 0 : index
    %swap3A_2138 = tpu.vector_load %arg14[%swap3A_2136, %swap3A_2137] {strides = array<i32>} : memref<2x64xi32, #tpu.memory_space<vmem>>, vector<16xi32>,
    tpu.vector_store %arg14[%swap3A_2136, %swap3A_2137], %shift_right_logical3A_2134 {strides = array<i32>} : memref<2x64xi32, #tpu.memory_space<vmem>>, vector<16xi32>,
    %shift_right_logical3A_2139 = arith.constant 7 : i32
    %shift_right_logical3A_2140 = vector.broadcast %shift_right_logical3A_2139 : i32 to vector<16xi32>
    %shift_right_logical3A_2141 = arith.shrui %get3A_2117, %shift_right_logical3A_2140 : vector<16xi32>
    %swap3A_2142 = arith.constant 0 : i32
    %swap3A_2143 = arith.index_cast %swap3A_2142 : i32 to index
    %swap3A_2144 = arith.constant 0 : index
    %swap3A_2145 = tpu.vector_load %arg15[%swap3A_2143, %swap3A_2144] {strides = array<i32>} : memref<2x64xi32, #tpu.memory_space<vmem>>, vector<16xi32>,
    tpu.vector_store %arg15[%swap3A_2143, %swap3A_2144], %shift_right_logical3A_2141 {strides = array<i32>} : memref<2x64xi32, #tpu.memory_space<vmem>>, vector<16xi32>,
    %get3A_2146 = arith.constant 400 : index
    %get3A_2147 = tpu.vector_load %arg10[%get3A_2146] {strides = array<i32>} : memref<512xi32, #tpu.memory_space<vmem>>, vector<16xi32>,
    %get3A_2148 = arith.constant 400 : index
    %get3A_2149 = tpu.vector_load %arg11[%get3A_2148] {strides = array<i32>} : memref<512xi32, #tpu.memory_space<vmem>>, vector<16xi32>,
    %shift_right_logical3A_2150 = arith.constant 3 : i32
    %shift_right_logical3A_2151 = vector.broadcast %shift_right_logical3A_2150 : i32 to vector<16xi32>
    %shift_right_logical3A_2152 = arith.shrui %get3A_2147, %shift_right_logical3A_2151 : vector<16xi32>
    %swap3A_2153 = arith.constant 0 : i32
    %swap3A_2154 = arith.index_cast %swap3A_2153 : i32 to index
    %swap3A_2155 = arith.constant 16 : index
    %swap3A_2156 = tpu.vector_load %arg12[%swap3A_2154, %swap3A_2155] {strides = array<i32>} : memref<2x64xi32, #tpu.memory_space<vmem>>, vector<16xi32>,
    tpu.vector_store %arg12[%swap3A_2154, %swap3A_2155], %shift_right_logical3A_2152 {strides = array<i32>} : memref<2x64xi32, #tpu.memory_space<vmem>>, vector<16xi32>,
    %shift_right_logical3A_2157 = arith.constant 3 : i32
    %shift_right_logical3A_2158 = vector.broadcast %shift_right_logical3A_2157 : i32 to vector<16xi32>
    %shift_right_logical3A_2159 = arith.shrui %get3A_2149, %shift_right_logical3A_2158 : vector<16xi32>
    %swap3A_2160 = arith.constant 0 : i32
    %swap3A_2161 = arith.index_cast %swap3A_2160 : i32 to index
    %swap3A_2162 = arith.constant 16 : index
    %swap3A_2163 = tpu.vector_load %arg13[%swap3A_2161, %swap3A_2162] {strides = array<i32>} : memref<2x64xi32, #tpu.memory_space<vmem>>, vector<16xi32>,
    tpu.vector_store %arg13[%swap3A_2161, %swap3A_2162], %shift_right_logical3A_2159 {strides = array<i32>} : memref<2x64xi32, #tpu.memory_space<vmem>>, vector<16xi32>,
    %shift_right_logical3A_2164 = arith.constant 7 : i32
    %shift_right_logical3A_2165 = vector.broadcast %shift_right_logical3A_2164 : i32 to vector<16xi32>
    %shift_right_logical3A_2166 = arith.shrui %get3A_2147, %shift_right_logical3A_2165 : vector<16xi32>
    %swap3A_2167 = arith.constant 0 : i32
    %swap3A_2168 = arith.index_cast %swap3A_2167 : i32 to index
    %swap3A_2169 = arith.constant 16 : index
    %swap3A_2170 = tpu.vector_load %arg14[%swap3A_2168, %swap3A_2169] {strides = array<i32>} : memref<2x64xi32, #tpu.memory_space<vmem>>, vector<16xi32>,
    tpu.vector_store %arg14[%swap3A_2168, %swap3A_2169], %shift_right_logical3A_2166 {strides = array<i32>} : memref<2x64xi32, #tpu.memory_space<vmem>>, vector<16xi32>,
    %shift_right_logical3A_2171 = arith.constant 7 : i32
    %shift_right_logical3A_2172 = vector.broadcast %shift_right_logical3A_2171 : i32 to vector<16xi32>
    %shift_right_logical3A_2173 = arith.shrui %get3A_2149, %shift_right_logical3A_2172 : vector<16xi32>
    %swap3A_2174 = arith.constant 0 : i32
    %swap3A_2175 = arith.index_cast %swap3A_2174 : i32 to index
    %swap3A_2176 = arith.constant 16 : index
    %swap3A_2177 = tpu.vector_load %arg15[%swap3A_2175, %swap3A_2176] {strides = array<i32>} : memref<2x64xi32, #tpu.memory_space<vmem>>, vector<16xi32>,
    tpu.vector_store %arg15[%swap3A_2175, %swap3A_2176], %shift_right_logical3A_2173 {strides = array<i32>} : memref<2x64xi32, #tpu.memory_space<vmem>>, vector<16xi32>,
    %get3A_2178 = arith.constant 416 : index
    %get3A_2179 = tpu.vector_load %arg10[%get3A_2178] {strides = array<i32>} : memref<512xi32, #tpu.memory_space<vmem>>, vector<16xi32>,
    %get3A_2180 = arith.constant 416 : index
    %get3A_2181 = tpu.vector_load %arg11[%get3A_2180] {strides = array<i32>} : memref<512xi32, #tpu.memory_space<vmem>>, vector<16xi32>,
    %shift_right_logical3A_2182 = arith.constant 3 : i32
    %shift_right_logical3A_2183 = vector.broadcast %shift_right_logical3A_2182 : i32 to vector<16xi32>
    %shift_right_logical3A_2184 = arith.shrui %get3A_2179, %shift_right_logical3A_2183 : vector<16xi32>
    %swap3A_2185 = arith.constant 0 : i32
    %swap3A_2186 = arith.index_cast %swap3A_2185 : i32 to index
    %swap3A_2187 = arith.constant 32 : index
    %swap3A_2188 = tpu.vector_load %arg12[%swap3A_2186, %swap3A_2187] {strides = array<i32>} : memref<2x64xi32, #tpu.memory_space<vmem>>, vector<16xi32>,
    tpu.vector_store %arg12[%swap3A_2186, %swap3A_2187], %shift_right_logical3A_2184 {strides = array<i32>} : memref<2x64xi32, #tpu.memory_space<vmem>>, vector<16xi32>,
    %shift_right_logical3A_2189 = arith.constant 3 : i32
    %shift_right_logical3A_2190 = vector.broadcast %shift_right_logical3A_2189 : i32 to vector<16xi32>
    %shift_right_logical3A_2191 = arith.shrui %get3A_2181, %shift_right_logical3A_2190 : vector<16xi32>
    %swap3A_2192 = arith.constant 0 : i32
    %swap3A_2193 = arith.index_cast %swap3A_2192 : i32 to index
    %swap3A_2194 = arith.constant 32 : index
    %swap3A_2195 = tpu.vector_load %arg13[%swap3A_2193, %swap3A_2194] {strides = array<i32>} : memref<2x64xi32, #tpu.memory_space<vmem>>, vector<16xi32>,
    tpu.vector_store %arg13[%swap3A_2193, %swap3A_2194], %shift_right_logical3A_2191 {strides = array<i32>} : memref<2x64xi32, #tpu.memory_space<vmem>>, vector<16xi32>,
    %shift_right_logical3A_2196 = arith.constant 7 : i32
    %shift_right_logical3A_2197 = vector.broadcast %shift_right_logical3A_2196 : i32 to vector<16xi32>
    %shift_right_logical3A_2198 = arith.shrui %get3A_2179, %shift_right_logical3A_2197 : vector<16xi32>
    %swap3A_2199 = arith.constant 0 : i32
    %swap3A_2200 = arith.index_cast %swap3A_2199 : i32 to index
    %swap3A_2201 = arith.constant 32 : index
    %swap3A_2202 = tpu.vector_load %arg14[%swap3A_2200, %swap3A_2201] {strides = array<i32>} : memref<2x64xi32, #tpu.memory_space<vmem>>, vector<16xi32>,
    tpu.vector_store %arg14[%swap3A_2200, %swap3A_2201], %shift_right_logical3A_2198 {strides = array<i32>} : memref<2x64xi32, #tpu.memory_space<vmem>>, vector<16xi32>,
    %shift_right_logical3A_2203 = arith.constant 7 : i32
    %shift_right_logical3A_2204 = vector.broadcast %shift_right_logical3A_2203 : i32 to vector<16xi32>
    %shift_right_logical3A_2205 = arith.shrui %get3A_2181, %shift_right_logical3A_2204 : vector<16xi32>
    %swap3A_2206 = arith.constant 0 : i32
    %swap3A_2207 = arith.index_cast %swap3A_2206 : i32 to index
    %swap3A_2208 = arith.constant 32 : index
    %swap3A_2209 = tpu.vector_load %arg15[%swap3A_2207, %swap3A_2208] {strides = array<i32>} : memref<2x64xi32, #tpu.memory_space<vmem>>, vector<16xi32>,
    tpu.vector_store %arg15[%swap3A_2207, %swap3A_2208], %shift_right_logical3A_2205 {strides = array<i32>} : memref<2x64xi32, #tpu.memory_space<vmem>>, vector<16xi32>,
    %get3A_2210 = arith.constant 432 : index
    %get3A_2211 = tpu.vector_load %arg10[%get3A_2210] {strides = array<i32>} : memref<512xi32, #tpu.memory_space<vmem>>, vector<16xi32>,
    %get3A_2212 = arith.constant 432 : index
    %get3A_2213 = tpu.vector_load %arg11[%get3A_2212] {strides = array<i32>} : memref<512xi32, #tpu.memory_space<vmem>>, vector<16xi32>,
    %shift_right_logical3A_2214 = arith.constant 3 : i32
    %shift_right_logical3A_2215 = vector.broadcast %shift_right_logical3A_2214 : i32 to vector<16xi32>
    %shift_right_logical3A_2216 = arith.shrui %get3A_2211, %shift_right_logical3A_2215 : vector<16xi32>
    %swap3A_2217 = arith.constant 0 : i32
    %swap3A_2218 = arith.index_cast %swap3A_2217 : i32 to index
    %swap3A_2219 = arith.constant 48 : index
    %swap3A_2220 = tpu.vector_load %arg12[%swap3A_2218, %swap3A_2219] {strides = array<i32>} : memref<2x64xi32, #tpu.memory_space<vmem>>, vector<16xi32>,
    tpu.vector_store %arg12[%swap3A_2218, %swap3A_2219], %shift_right_logical3A_2216 {strides = array<i32>} : memref<2x64xi32, #tpu.memory_space<vmem>>, vector<16xi32>,
    %shift_right_logical3A_2221 = arith.constant 3 : i32
    %shift_right_logical3A_2222 = vector.broadcast %shift_right_logical3A_2221 : i32 to vector<16xi32>
    %shift_right_logical3A_2223 = arith.shrui %get3A_2213, %shift_right_logical3A_2222 : vector<16xi32>
    %swap3A_2224 = arith.constant 0 : i32
    %swap3A_2225 = arith.index_cast %swap3A_2224 : i32 to index
    %swap3A_2226 = arith.constant 48 : index
    %swap3A_2227 = tpu.vector_load %arg13[%swap3A_2225, %swap3A_2226] {strides = array<i32>} : memref<2x64xi32, #tpu.memory_space<vmem>>, vector<16xi32>,
    tpu.vector_store %arg13[%swap3A_2225, %swap3A_2226], %shift_right_logical3A_2223 {strides = array<i32>} : memref<2x64xi32, #tpu.memory_space<vmem>>, vector<16xi32>,
    %shift_right_logical3A_2228 = arith.constant 7 : i32
    %shift_right_logical3A_2229 = vector.broadcast %shift_right_logical3A_2228 : i32 to vector<16xi32>
    %shift_right_logical3A_2230 = arith.shrui %get3A_2211, %shift_right_logical3A_2229 : vector<16xi32>
    %swap3A_2231 = arith.constant 0 : i32
    %swap3A_2232 = arith.index_cast %swap3A_2231 : i32 to index
    %swap3A_2233 = arith.constant 48 : index
    %swap3A_2234 = tpu.vector_load %arg14[%swap3A_2232, %swap3A_2233] {strides = array<i32>} : memref<2x64xi32, #tpu.memory_space<vmem>>, vector<16xi32>,
    tpu.vector_store %arg14[%swap3A_2232, %swap3A_2233], %shift_right_logical3A_2230 {strides = array<i32>} : memref<2x64xi32, #tpu.memory_space<vmem>>, vector<16xi32>,
    %shift_right_logical3A_2235 = arith.constant 7 : i32
    %shift_right_logical3A_2236 = vector.broadcast %shift_right_logical3A_2235 : i32 to vector<16xi32>
    %shift_right_logical3A_2237 = arith.shrui %get3A_2213, %shift_right_logical3A_2236 : vector<16xi32>
    %swap3A_2238 = arith.constant 0 : i32
    %swap3A_2239 = arith.index_cast %swap3A_2238 : i32 to index
    %swap3A_2240 = arith.constant 48 : index
    %swap3A_2241 = tpu.vector_load %arg15[%swap3A_2239, %swap3A_2240] {strides = array<i32>} : memref<2x64xi32, #tpu.memory_space<vmem>>, vector<16xi32>,
    tpu.vector_store %arg15[%swap3A_2239, %swap3A_2240], %shift_right_logical3A_2237 {strides = array<i32>} : memref<2x64xi32, #tpu.memory_space<vmem>>, vector<16xi32>,
    %dma_start3A_2242 = arith.constant 0 : i32
    %dma_start3A_2243 = arith.constant 0 : i32
    %dma_start3A_2244 = arith.constant 0 : i32
    %dma_start3A_2245 = arith.constant 0 : i32
    %dma_start3A_2246 = tpu.memref_slice %arg16[%dma_start3A_2243, %dma_start3A_2244, %dma_start3A_2245] : memref<2x64x128xf32, #tpu.memory_space<vmem>> -> memref<1x64x128xf32, #tpu.memory_space<vmem>>
    %dma_start3A_2247 = tpu.memref_squeeze %dma_start3A_2246 : memref<1x64x128xf32, #tpu.memory_space<vmem>> -> memref<64x128xf32, #tpu.memory_space<vmem>>
    %dma_start3A_2248 = arith.constant 0 : i32
    %dma_start3A_2249 = tpu.memref_slice %arg12[%dma_start3A_2242, %dma_start3A_2248] : memref<2x64xi32, #tpu.memory_space<vmem>> -> memref<1x64xi32, #tpu.memory_space<vmem>>
    %dma_start3A_2250 = tpu.memref_squeeze %dma_start3A_2249 : memref<1x64xi32, #tpu.memory_space<vmem>> -> memref<64xi32, #tpu.memory_space<vmem>>
    %dma_start3A_2251 = arith.constant 0 : i32
    %dma_start3A_2252 = arith.constant 0 : i32
    %dma_start3A_2253 = tpu.memref_slice %arg4[%dma_start3A_2251, %dma_start3A_2252] : memref<12500x128xf32, #tpu.memory_space<hbm>> -> memref<12500x128xf32, #tpu.memory_space<hbm>>
    tpu.enqueue_indirect_dma source(%dma_start3A_2253 : memref<12500x128xf32, #tpu.memory_space<hbm>>) target(%dma_start3A_2247 : memref<64x128xf32, #tpu.memory_space<vmem>>) offsets(%dma_start3A_2250 : memref<64xi32, #tpu.memory_space<vmem>>) semaphore(%arg22 : memref<!tpu.dma_semaphore, #tpu.memory_space<semaphore_mem>>)
    %dma_start3A_2254 = arith.constant 0 : i32
    %dma_start3A_2255 = arith.constant 0 : i32
    %dma_start3A_2256 = arith.constant 0 : i32
    %dma_start3A_2257 = arith.constant 0 : i32
    %dma_start3A_2258 = tpu.memref_slice %arg17[%dma_start3A_2255, %dma_start3A_2256, %dma_start3A_2257] : memref<2x64x128xf32, #tpu.memory_space<vmem>> -> memref<1x64x128xf32, #tpu.memory_space<vmem>>
    %dma_start3A_2259 = tpu.memref_squeeze %dma_start3A_2258 : memref<1x64x128xf32, #tpu.memory_space<vmem>> -> memref<64x128xf32, #tpu.memory_space<vmem>>
    %dma_start3A_2260 = arith.constant 0 : i32
    %dma_start3A_2261 = tpu.memref_slice %arg13[%dma_start3A_2254, %dma_start3A_2260] : memref<2x64xi32, #tpu.memory_space<vmem>> -> memref<1x64xi32, #tpu.memory_space<vmem>>
    %dma_start3A_2262 = tpu.memref_squeeze %dma_start3A_2261 : memref<1x64xi32, #tpu.memory_space<vmem>> -> memref<64xi32, #tpu.memory_space<vmem>>
    %dma_start3A_2263 = arith.constant 0 : i32
    %dma_start3A_2264 = arith.constant 0 : i32
    %dma_start3A_2265 = tpu.memref_slice %arg5[%dma_start3A_2263, %dma_start3A_2264] : memref<125000x128xf32, #tpu.memory_space<hbm>> -> memref<125000x128xf32, #tpu.memory_space<hbm>>
    tpu.enqueue_indirect_dma source(%dma_start3A_2265 : memref<125000x128xf32, #tpu.memory_space<hbm>>) target(%dma_start3A_2259 : memref<64x128xf32, #tpu.memory_space<vmem>>) offsets(%dma_start3A_2262 : memref<64xi32, #tpu.memory_space<vmem>>) semaphore(%arg22 : memref<!tpu.dma_semaphore, #tpu.memory_space<semaphore_mem>>)
    %dma_start3A_2266 = arith.constant 0 : i32
    %dma_start3A_2267 = arith.constant 0 : i32
    %dma_start3A_2268 = arith.constant 0 : i32
    %dma_start3A_2269 = arith.constant 0 : i32
    %dma_start3A_2270 = tpu.memref_slice %arg18[%dma_start3A_2267, %dma_start3A_2268, %dma_start3A_2269] : memref<2x64x128xf32, #tpu.memory_space<vmem>> -> memref<1x64x128xf32, #tpu.memory_space<vmem>>
    %dma_start3A_2271 = tpu.memref_squeeze %dma_start3A_2270 : memref<1x64x128xf32, #tpu.memory_space<vmem>> -> memref<64x128xf32, #tpu.memory_space<vmem>>
    %dma_start3A_2272 = arith.constant 0 : i32
    %dma_start3A_2273 = tpu.memref_slice %arg14[%dma_start3A_2266, %dma_start3A_2272] : memref<2x64xi32, #tpu.memory_space<vmem>> -> memref<1x64xi32, #tpu.memory_space<vmem>>
    %dma_start3A_2274 = tpu.memref_squeeze %dma_start3A_2273 : memref<1x64xi32, #tpu.memory_space<vmem>> -> memref<64xi32, #tpu.memory_space<vmem>>
    %dma_start3A_2275 = arith.constant 0 : i32
    %dma_start3A_2276 = arith.constant 0 : i32
    %dma_start3A_2277 = tpu.memref_slice %arg6[%dma_start3A_2275, %dma_start3A_2276] : memref<782x128xf32, #tpu.memory_space<hbm>> -> memref<782x128xf32, #tpu.memory_space<hbm>>
    tpu.enqueue_indirect_dma source(%dma_start3A_2277 : memref<782x128xf32, #tpu.memory_space<hbm>>) target(%dma_start3A_2271 : memref<64x128xf32, #tpu.memory_space<vmem>>) offsets(%dma_start3A_2274 : memref<64xi32, #tpu.memory_space<vmem>>) semaphore(%arg22 : memref<!tpu.dma_semaphore, #tpu.memory_space<semaphore_mem>>)
    %dma_start3A_2278 = arith.constant 0 : i32
    %dma_start3A_2279 = arith.constant 0 : i32
    %dma_start3A_2280 = arith.constant 0 : i32
    %dma_start3A_2281 = arith.constant 0 : i32
    %dma_start3A_2282 = tpu.memref_slice %arg19[%dma_start3A_2279, %dma_start3A_2280, %dma_start3A_2281] : memref<2x64x128xf32, #tpu.memory_space<vmem>> -> memref<1x64x128xf32, #tpu.memory_space<vmem>>
    %dma_start3A_2283 = tpu.memref_squeeze %dma_start3A_2282 : memref<1x64x128xf32, #tpu.memory_space<vmem>> -> memref<64x128xf32, #tpu.memory_space<vmem>>
    %dma_start3A_2284 = arith.constant 0 : i32
    %dma_start3A_2285 = tpu.memref_slice %arg15[%dma_start3A_2278, %dma_start3A_2284] : memref<2x64xi32, #tpu.memory_space<vmem>> -> memref<1x64xi32, #tpu.memory_space<vmem>>
    %dma_start3A_2286 = tpu.memref_squeeze %dma_start3A_2285 : memref<1x64xi32, #tpu.memory_space<vmem>> -> memref<64xi32, #tpu.memory_space<vmem>>
    %dma_start3A_2287 = arith.constant 0 : i32
    %dma_start3A_2288 = arith.constant 0 : i32
    %dma_start3A_2289 = tpu.memref_slice %arg7[%dma_start3A_2287, %dma_start3A_2288] : memref<7813x128xf32, #tpu.memory_space<hbm>> -> memref<7813x128xf32, #tpu.memory_space<hbm>>
    tpu.enqueue_indirect_dma source(%dma_start3A_2289 : memref<7813x128xf32, #tpu.memory_space<hbm>>) target(%dma_start3A_2283 : memref<64x128xf32, #tpu.memory_space<vmem>>) offsets(%dma_start3A_2286 : memref<64xi32, #tpu.memory_space<vmem>>) semaphore(%arg22 : memref<!tpu.dma_semaphore, #tpu.memory_space<semaphore_mem>>)
    %dma_wait3A_2290 = arith.constant 1 : i32
    %dma_wait3A_2291 = arith.constant 1 : i32
    %dma_wait3A_2292 = arith.constant 0 : i32
    %dma_wait3A_2293 = arith.constant 0 : i32
    %dma_wait3A_2294 = tpu.memref_slice %arg16[%dma_wait3A_2291, %dma_wait3A_2292, %dma_wait3A_2293] : memref<2x64x128xf32, #tpu.memory_space<vmem>> -> memref<1x64x128xf32, #tpu.memory_space<vmem>>
    %dma_wait3A_2295 = tpu.memref_squeeze %dma_wait3A_2294 : memref<1x64x128xf32, #tpu.memory_space<vmem>> -> memref<64x128xf32, #tpu.memory_space<vmem>>
    %dma_wait3A_2296 = arith.constant 0 : i32
    %dma_wait3A_2297 = tpu.memref_slice %arg12[%dma_wait3A_2290, %dma_wait3A_2296] : memref<2x64xi32, #tpu.memory_space<vmem>> -> memref<1x64xi32, #tpu.memory_space<vmem>>
    %dma_wait3A_2298 = tpu.memref_squeeze %dma_wait3A_2297 : memref<1x64xi32, #tpu.memory_space<vmem>> -> memref<64xi32, #tpu.memory_space<vmem>>
    %dma_wait3A_2299 = arith.constant 0 : i32
    %dma_wait3A_2300 = arith.constant 0 : i32
    %dma_wait3A_2301 = tpu.memref_slice %arg4[%dma_wait3A_2299, %dma_wait3A_2300] : memref<12500x128xf32, #tpu.memory_space<hbm>> -> memref<12500x128xf32, #tpu.memory_space<hbm>>
    tpu.wait_indirect_dma semaphore(%arg23 : memref<!tpu.dma_semaphore, #tpu.memory_space<semaphore_mem>>) src(%dma_wait3A_2301 : memref<12500x128xf32, #tpu.memory_space<hbm>>) dst(%dma_wait3A_2295 : memref<64x128xf32, #tpu.memory_space<vmem>>)
    %dma_wait3A_2302 = arith.constant 1 : i32
    %dma_wait3A_2303 = arith.constant 1 : i32
    %dma_wait3A_2304 = arith.constant 0 : i32
    %dma_wait3A_2305 = arith.constant 0 : i32
    %dma_wait3A_2306 = tpu.memref_slice %arg17[%dma_wait3A_2303, %dma_wait3A_2304, %dma_wait3A_2305] : memref<2x64x128xf32, #tpu.memory_space<vmem>> -> memref<1x64x128xf32, #tpu.memory_space<vmem>>
    %dma_wait3A_2307 = tpu.memref_squeeze %dma_wait3A_2306 : memref<1x64x128xf32, #tpu.memory_space<vmem>> -> memref<64x128xf32, #tpu.memory_space<vmem>>
    %dma_wait3A_2308 = arith.constant 0 : i32
    %dma_wait3A_2309 = tpu.memref_slice %arg13[%dma_wait3A_2302, %dma_wait3A_2308] : memref<2x64xi32, #tpu.memory_space<vmem>> -> memref<1x64xi32, #tpu.memory_space<vmem>>
    %dma_wait3A_2310 = tpu.memref_squeeze %dma_wait3A_2309 : memref<1x64xi32, #tpu.memory_space<vmem>> -> memref<64xi32, #tpu.memory_space<vmem>>
    %dma_wait3A_2311 = arith.constant 0 : i32
    %dma_wait3A_2312 = arith.constant 0 : i32
    %dma_wait3A_2313 = tpu.memref_slice %arg5[%dma_wait3A_2311, %dma_wait3A_2312] : memref<125000x128xf32, #tpu.memory_space<hbm>> -> memref<125000x128xf32, #tpu.memory_space<hbm>>
    tpu.wait_indirect_dma semaphore(%arg23 : memref<!tpu.dma_semaphore, #tpu.memory_space<semaphore_mem>>) src(%dma_wait3A_2313 : memref<125000x128xf32, #tpu.memory_space<hbm>>) dst(%dma_wait3A_2307 : memref<64x128xf32, #tpu.memory_space<vmem>>)
    %dma_wait3A_2314 = arith.constant 1 : i32
    %dma_wait3A_2315 = arith.constant 1 : i32
    %dma_wait3A_2316 = arith.constant 0 : i32
    %dma_wait3A_2317 = arith.constant 0 : i32
    %dma_wait3A_2318 = tpu.memref_slice %arg18[%dma_wait3A_2315, %dma_wait3A_2316, %dma_wait3A_2317] : memref<2x64x128xf32, #tpu.memory_space<vmem>> -> memref<1x64x128xf32, #tpu.memory_space<vmem>>
    %dma_wait3A_2319 = tpu.memref_squeeze %dma_wait3A_2318 : memref<1x64x128xf32, #tpu.memory_space<vmem>> -> memref<64x128xf32, #tpu.memory_space<vmem>>
    %dma_wait3A_2320 = arith.constant 0 : i32
    %dma_wait3A_2321 = tpu.memref_slice %arg14[%dma_wait3A_2314, %dma_wait3A_2320] : memref<2x64xi32, #tpu.memory_space<vmem>> -> memref<1x64xi32, #tpu.memory_space<vmem>>
    %dma_wait3A_2322 = tpu.memref_squeeze %dma_wait3A_2321 : memref<1x64xi32, #tpu.memory_space<vmem>> -> memref<64xi32, #tpu.memory_space<vmem>>
    %dma_wait3A_2323 = arith.constant 0 : i32
    %dma_wait3A_2324 = arith.constant 0 : i32
    %dma_wait3A_2325 = tpu.memref_slice %arg6[%dma_wait3A_2323, %dma_wait3A_2324] : memref<782x128xf32, #tpu.memory_space<hbm>> -> memref<782x128xf32, #tpu.memory_space<hbm>>
    tpu.wait_indirect_dma semaphore(%arg23 : memref<!tpu.dma_semaphore, #tpu.memory_space<semaphore_mem>>) src(%dma_wait3A_2325 : memref<782x128xf32, #tpu.memory_space<hbm>>) dst(%dma_wait3A_2319 : memref<64x128xf32, #tpu.memory_space<vmem>>)
    %dma_wait3A_2326 = arith.constant 1 : i32
    %dma_wait3A_2327 = arith.constant 1 : i32
    %dma_wait3A_2328 = arith.constant 0 : i32
    %dma_wait3A_2329 = arith.constant 0 : i32
    %dma_wait3A_2330 = tpu.memref_slice %arg19[%dma_wait3A_2327, %dma_wait3A_2328, %dma_wait3A_2329] : memref<2x64x128xf32, #tpu.memory_space<vmem>> -> memref<1x64x128xf32, #tpu.memory_space<vmem>>
    %dma_wait3A_2331 = tpu.memref_squeeze %dma_wait3A_2330 : memref<1x64x128xf32, #tpu.memory_space<vmem>> -> memref<64x128xf32, #tpu.memory_space<vmem>>
    %dma_wait3A_2332 = arith.constant 0 : i32
    %dma_wait3A_2333 = tpu.memref_slice %arg15[%dma_wait3A_2326, %dma_wait3A_2332] : memref<2x64xi32, #tpu.memory_space<vmem>> -> memref<1x64xi32, #tpu.memory_space<vmem>>
    %dma_wait3A_2334 = tpu.memref_squeeze %dma_wait3A_2333 : memref<1x64xi32, #tpu.memory_space<vmem>> -> memref<64xi32, #tpu.memory_space<vmem>>
    %dma_wait3A_2335 = arith.constant 0 : i32
    %dma_wait3A_2336 = arith.constant 0 : i32
    %dma_wait3A_2337 = tpu.memref_slice %arg7[%dma_wait3A_2335, %dma_wait3A_2336] : memref<7813x128xf32, #tpu.memory_space<hbm>> -> memref<7813x128xf32, #tpu.memory_space<hbm>>
    tpu.wait_indirect_dma semaphore(%arg23 : memref<!tpu.dma_semaphore, #tpu.memory_space<semaphore_mem>>) src(%dma_wait3A_2337 : memref<7813x128xf32, #tpu.memory_space<hbm>>) dst(%dma_wait3A_2331 : memref<64x128xf32, #tpu.memory_space<vmem>>)
    %get3A_2338 = arith.constant 320 : index
    %get3A_2339 = tpu.vector_load %arg10[%get3A_2338] {strides = array<i32>} : memref<512xi32, #tpu.memory_space<vmem>>, vector<16xi32>,
    %get3A_2340 = arith.constant 320 : index
    %get3A_2341 = tpu.vector_load %arg11[%get3A_2340] {strides = array<i32>} : memref<512xi32, #tpu.memory_space<vmem>>, vector<16xi32>,
    %add3A_2342 = arith.constant 0 : i32
    %add3A_2343 = vector.broadcast %add3A_2342 : i32 to vector<16xi32>
    %add3A_2344 = arith.addi %add3A_2343, %iota3A : vector<16xi32>
    %and3A_2345 = arith.constant 7 : i32
    %and3A_2346 = vector.broadcast %and3A_2345 : i32 to vector<16xi32>
    %and3A_2347 = arith.andi %get3A_2339, %and3A_2346 : vector<16xi32>
    %mul3A_2348 = arith.constant 16 : i32
    %mul3A_2349 = vector.broadcast %mul3A_2348 : i32 to vector<16xi32>
    %mul3A_2350 = arith.muli %and3A_2347, %mul3A_2349 : vector<16xi32>
    %and3A_2351 = arith.constant 7 : i32
    %and3A_2352 = vector.broadcast %and3A_2351 : i32 to vector<16xi32>
    %and3A_2353 = arith.andi %get3A_2341, %and3A_2352 : vector<16xi32>
    %mul3A_2354 = arith.constant 16 : i32
    %mul3A_2355 = vector.broadcast %mul3A_2354 : i32 to vector<16xi32>
    %mul3A_2356 = arith.muli %and3A_2353, %mul3A_2355 : vector<16xi32>
    %and3A_2357 = arith.constant 127 : i32
    %and3A_2358 = vector.broadcast %and3A_2357 : i32 to vector<16xi32>
    %and3A_2359 = arith.andi %get3A_2339, %and3A_2358 : vector<16xi32>
    %gather3A_2360 = arith.constant 1 : i32
    %gather3A_2361 = arith.constant 0 : i32
    %gather3A_2362 = arith.constant 0 : i32
    %gather3A_2363 = tpu.memref_slice %arg18[%gather3A_2360, %gather3A_2361, %gather3A_2362] : memref<2x64x128xf32, #tpu.memory_space<vmem>> -> memref<1x64x128xf32, #tpu.memory_space<vmem>>
    %gather3A_2364 = tpu.memref_squeeze %gather3A_2363 : memref<1x64x128xf32, #tpu.memory_space<vmem>> -> memref<64x128xf32, #tpu.memory_space<vmem>>
    %gather3A_2365 = tpu.vector_load_idx %gather3A_2364[%add3A_2344, %and3A_2359] : memref<64x128xf32, #tpu.memory_space<vmem>>[vector<16xi32>, vector<16xi32>], vector<16xf32>,
    %add3A_2366 = arith.addf %get3A_3, %gather3A_2365 : vector<16xf32>
    %and3A_2367 = arith.constant 127 : i32
    %and3A_2368 = vector.broadcast %and3A_2367 : i32 to vector<16xi32>
    %and3A_2369 = arith.andi %get3A_2341, %and3A_2368 : vector<16xi32>
    %gather3A_2370 = arith.constant 1 : i32
    %gather3A_2371 = arith.constant 0 : i32
    %gather3A_2372 = arith.constant 0 : i32
    %gather3A_2373 = tpu.memref_slice %arg19[%gather3A_2370, %gather3A_2371, %gather3A_2372] : memref<2x64x128xf32, #tpu.memory_space<vmem>> -> memref<1x64x128xf32, #tpu.memory_space<vmem>>
    %gather3A_2374 = tpu.memref_squeeze %gather3A_2373 : memref<1x64x128xf32, #tpu.memory_space<vmem>> -> memref<64x128xf32, #tpu.memory_space<vmem>>
    %gather3A_2375 = tpu.vector_load_idx %gather3A_2374[%add3A_2344, %and3A_2369] : memref<64x128xf32, #tpu.memory_space<vmem>>[vector<16xi32>, vector<16xi32>], vector<16xf32>,
    %add3A_2376 = arith.addf %add3A_2366, %gather3A_2375 : vector<16xf32>
    %swap3A_2377 = arith.constant 320 : index
    %swap3A_2378 = tpu.vector_load %arg21[%swap3A_2377] {strides = array<i32>} : memref<512xf32, #tpu.memory_space<vmem>>, vector<16xf32>,
    tpu.vector_store %arg21[%swap3A_2377], %add3A_2376 {strides = array<i32>} : memref<512xf32, #tpu.memory_space<vmem>>, vector<16xf32>,
    %get3A_2379 = arith.constant 336 : index
    %get3A_2380 = tpu.vector_load %arg10[%get3A_2379] {strides = array<i32>} : memref<512xi32, #tpu.memory_space<vmem>>, vector<16xi32>,
    %get3A_2381 = arith.constant 336 : index
    %get3A_2382 = tpu.vector_load %arg11[%get3A_2381] {strides = array<i32>} : memref<512xi32, #tpu.memory_space<vmem>>, vector<16xi32>,
    %add3A_2383 = arith.constant 16 : i32
    %add3A_2384 = vector.broadcast %add3A_2383 : i32 to vector<16xi32>
    %add3A_2385 = arith.addi %add3A_2384, %iota3A : vector<16xi32>
    %and3A_2386 = arith.constant 7 : i32
    %and3A_2387 = vector.broadcast %and3A_2386 : i32 to vector<16xi32>
    %and3A_2388 = arith.andi %get3A_2380, %and3A_2387 : vector<16xi32>
    %mul3A_2389 = arith.constant 16 : i32
    %mul3A_2390 = vector.broadcast %mul3A_2389 : i32 to vector<16xi32>
    %mul3A_2391 = arith.muli %and3A_2388, %mul3A_2390 : vector<16xi32>
    %and3A_2392 = arith.constant 7 : i32
    %and3A_2393 = vector.broadcast %and3A_2392 : i32 to vector<16xi32>
    %and3A_2394 = arith.andi %get3A_2382, %and3A_2393 : vector<16xi32>
    %mul3A_2395 = arith.constant 16 : i32
    %mul3A_2396 = vector.broadcast %mul3A_2395 : i32 to vector<16xi32>
    %mul3A_2397 = arith.muli %and3A_2394, %mul3A_2396 : vector<16xi32>
    %and3A_2398 = arith.constant 127 : i32
    %and3A_2399 = vector.broadcast %and3A_2398 : i32 to vector<16xi32>
    %and3A_2400 = arith.andi %get3A_2380, %and3A_2399 : vector<16xi32>
    %gather3A_2401 = arith.constant 1 : i32
    %gather3A_2402 = arith.constant 0 : i32
    %gather3A_2403 = arith.constant 0 : i32
    %gather3A_2404 = tpu.memref_slice %arg18[%gather3A_2401, %gather3A_2402, %gather3A_2403] : memref<2x64x128xf32, #tpu.memory_space<vmem>> -> memref<1x64x128xf32, #tpu.memory_space<vmem>>
    %gather3A_2405 = tpu.memref_squeeze %gather3A_2404 : memref<1x64x128xf32, #tpu.memory_space<vmem>> -> memref<64x128xf32, #tpu.memory_space<vmem>>
    %gather3A_2406 = tpu.vector_load_idx %gather3A_2405[%add3A_2385, %and3A_2400] : memref<64x128xf32, #tpu.memory_space<vmem>>[vector<16xi32>, vector<16xi32>], vector<16xf32>,
    %add3A_2407 = arith.addf %get3A_3, %gather3A_2406 : vector<16xf32>
    %and3A_2408 = arith.constant 127 : i32
    %and3A_2409 = vector.broadcast %and3A_2408 : i32 to vector<16xi32>
    %and3A_2410 = arith.andi %get3A_2382, %and3A_2409 : vector<16xi32>
    %gather3A_2411 = arith.constant 1 : i32
    %gather3A_2412 = arith.constant 0 : i32
    %gather3A_2413 = arith.constant 0 : i32
    %gather3A_2414 = tpu.memref_slice %arg19[%gather3A_2411, %gather3A_2412, %gather3A_2413] : memref<2x64x128xf32, #tpu.memory_space<vmem>> -> memref<1x64x128xf32, #tpu.memory_space<vmem>>
    %gather3A_2415 = tpu.memref_squeeze %gather3A_2414 : memref<1x64x128xf32, #tpu.memory_space<vmem>> -> memref<64x128xf32, #tpu.memory_space<vmem>>
    %gather3A_2416 = tpu.vector_load_idx %gather3A_2415[%add3A_2385, %and3A_2410] : memref<64x128xf32, #tpu.memory_space<vmem>>[vector<16xi32>, vector<16xi32>], vector<16xf32>,
    %add3A_2417 = arith.addf %add3A_2407, %gather3A_2416 : vector<16xf32>
    %swap3A_2418 = arith.constant 336 : index
    %swap3A_2419 = tpu.vector_load %arg21[%swap3A_2418] {strides = array<i32>} : memref<512xf32, #tpu.memory_space<vmem>>, vector<16xf32>,
    tpu.vector_store %arg21[%swap3A_2418], %add3A_2417 {strides = array<i32>} : memref<512xf32, #tpu.memory_space<vmem>>, vector<16xf32>,
    %get3A_2420 = arith.constant 352 : index
    %get3A_2421 = tpu.vector_load %arg10[%get3A_2420] {strides = array<i32>} : memref<512xi32, #tpu.memory_space<vmem>>, vector<16xi32>,
    %get3A_2422 = arith.constant 352 : index
    %get3A_2423 = tpu.vector_load %arg11[%get3A_2422] {strides = array<i32>} : memref<512xi32, #tpu.memory_space<vmem>>, vector<16xi32>,
    %add3A_2424 = arith.constant 32 : i32
    %add3A_2425 = vector.broadcast %add3A_2424 : i32 to vector<16xi32>
    %add3A_2426 = arith.addi %add3A_2425, %iota3A : vector<16xi32>
    %and3A_2427 = arith.constant 7 : i32
    %and3A_2428 = vector.broadcast %and3A_2427 : i32 to vector<16xi32>
    %and3A_2429 = arith.andi %get3A_2421, %and3A_2428 : vector<16xi32>
    %mul3A_2430 = arith.constant 16 : i32
    %mul3A_2431 = vector.broadcast %mul3A_2430 : i32 to vector<16xi32>
    %mul3A_2432 = arith.muli %and3A_2429, %mul3A_2431 : vector<16xi32>
    %and3A_2433 = arith.constant 7 : i32
    %and3A_2434 = vector.broadcast %and3A_2433 : i32 to vector<16xi32>
    %and3A_2435 = arith.andi %get3A_2423, %and3A_2434 : vector<16xi32>
    %mul3A_2436 = arith.constant 16 : i32
    %mul3A_2437 = vector.broadcast %mul3A_2436 : i32 to vector<16xi32>
    %mul3A_2438 = arith.muli %and3A_2435, %mul3A_2437 : vector<16xi32>
    %and3A_2439 = arith.constant 127 : i32
    %and3A_2440 = vector.broadcast %and3A_2439 : i32 to vector<16xi32>
    %and3A_2441 = arith.andi %get3A_2421, %and3A_2440 : vector<16xi32>
    %gather3A_2442 = arith.constant 1 : i32
    %gather3A_2443 = arith.constant 0 : i32
    %gather3A_2444 = arith.constant 0 : i32
    %gather3A_2445 = tpu.memref_slice %arg18[%gather3A_2442, %gather3A_2443, %gather3A_2444] : memref<2x64x128xf32, #tpu.memory_space<vmem>> -> memref<1x64x128xf32, #tpu.memory_space<vmem>>
    %gather3A_2446 = tpu.memref_squeeze %gather3A_2445 : memref<1x64x128xf32, #tpu.memory_space<vmem>> -> memref<64x128xf32, #tpu.memory_space<vmem>>
    %gather3A_2447 = tpu.vector_load_idx %gather3A_2446[%add3A_2426, %and3A_2441] : memref<64x128xf32, #tpu.memory_space<vmem>>[vector<16xi32>, vector<16xi32>], vector<16xf32>,
    %add3A_2448 = arith.addf %get3A_3, %gather3A_2447 : vector<16xf32>
    %and3A_2449 = arith.constant 127 : i32
    %and3A_2450 = vector.broadcast %and3A_2449 : i32 to vector<16xi32>
    %and3A_2451 = arith.andi %get3A_2423, %and3A_2450 : vector<16xi32>
    %gather3A_2452 = arith.constant 1 : i32
    %gather3A_2453 = arith.constant 0 : i32
    %gather3A_2454 = arith.constant 0 : i32
    %gather3A_2455 = tpu.memref_slice %arg19[%gather3A_2452, %gather3A_2453, %gather3A_2454] : memref<2x64x128xf32, #tpu.memory_space<vmem>> -> memref<1x64x128xf32, #tpu.memory_space<vmem>>
    %gather3A_2456 = tpu.memref_squeeze %gather3A_2455 : memref<1x64x128xf32, #tpu.memory_space<vmem>> -> memref<64x128xf32, #tpu.memory_space<vmem>>
    %gather3A_2457 = tpu.vector_load_idx %gather3A_2456[%add3A_2426, %and3A_2451] : memref<64x128xf32, #tpu.memory_space<vmem>>[vector<16xi32>, vector<16xi32>], vector<16xf32>,
    %add3A_2458 = arith.addf %add3A_2448, %gather3A_2457 : vector<16xf32>
    %swap3A_2459 = arith.constant 352 : index
    %swap3A_2460 = tpu.vector_load %arg21[%swap3A_2459] {strides = array<i32>} : memref<512xf32, #tpu.memory_space<vmem>>, vector<16xf32>,
    tpu.vector_store %arg21[%swap3A_2459], %add3A_2458 {strides = array<i32>} : memref<512xf32, #tpu.memory_space<vmem>>, vector<16xf32>,
    %get3A_2461 = arith.constant 368 : index
    %get3A_2462 = tpu.vector_load %arg10[%get3A_2461] {strides = array<i32>} : memref<512xi32, #tpu.memory_space<vmem>>, vector<16xi32>,
    %get3A_2463 = arith.constant 368 : index
    %get3A_2464 = tpu.vector_load %arg11[%get3A_2463] {strides = array<i32>} : memref<512xi32, #tpu.memory_space<vmem>>, vector<16xi32>,
    %add3A_2465 = arith.constant 48 : i32
    %add3A_2466 = vector.broadcast %add3A_2465 : i32 to vector<16xi32>
    %add3A_2467 = arith.addi %add3A_2466, %iota3A : vector<16xi32>
    %and3A_2468 = arith.constant 7 : i32
    %and3A_2469 = vector.broadcast %and3A_2468 : i32 to vector<16xi32>
    %and3A_2470 = arith.andi %get3A_2462, %and3A_2469 : vector<16xi32>
    %mul3A_2471 = arith.constant 16 : i32
    %mul3A_2472 = vector.broadcast %mul3A_2471 : i32 to vector<16xi32>
    %mul3A_2473 = arith.muli %and3A_2470, %mul3A_2472 : vector<16xi32>
    %and3A_2474 = arith.constant 7 : i32
    %and3A_2475 = vector.broadcast %and3A_2474 : i32 to vector<16xi32>
    %and3A_2476 = arith.andi %get3A_2464, %and3A_2475 : vector<16xi32>
    %mul3A_2477 = arith.constant 16 : i32
    %mul3A_2478 = vector.broadcast %mul3A_2477 : i32 to vector<16xi32>
    %mul3A_2479 = arith.muli %and3A_2476, %mul3A_2478 : vector<16xi32>
    %and3A_2480 = arith.constant 127 : i32
    %and3A_2481 = vector.broadcast %and3A_2480 : i32 to vector<16xi32>
    %and3A_2482 = arith.andi %get3A_2462, %and3A_2481 : vector<16xi32>
    %gather3A_2483 = arith.constant 1 : i32
    %gather3A_2484 = arith.constant 0 : i32
    %gather3A_2485 = arith.constant 0 : i32
    %gather3A_2486 = tpu.memref_slice %arg18[%gather3A_2483, %gather3A_2484, %gather3A_2485] : memref<2x64x128xf32, #tpu.memory_space<vmem>> -> memref<1x64x128xf32, #tpu.memory_space<vmem>>
    %gather3A_2487 = tpu.memref_squeeze %gather3A_2486 : memref<1x64x128xf32, #tpu.memory_space<vmem>> -> memref<64x128xf32, #tpu.memory_space<vmem>>
    %gather3A_2488 = tpu.vector_load_idx %gather3A_2487[%add3A_2467, %and3A_2482] : memref<64x128xf32, #tpu.memory_space<vmem>>[vector<16xi32>, vector<16xi32>], vector<16xf32>,
    %add3A_2489 = arith.addf %get3A_3, %gather3A_2488 : vector<16xf32>
    %and3A_2490 = arith.constant 127 : i32
    %and3A_2491 = vector.broadcast %and3A_2490 : i32 to vector<16xi32>
    %and3A_2492 = arith.andi %get3A_2464, %and3A_2491 : vector<16xi32>
    %gather3A_2493 = arith.constant 1 : i32
    %gather3A_2494 = arith.constant 0 : i32
    %gather3A_2495 = arith.constant 0 : i32
    %gather3A_2496 = tpu.memref_slice %arg19[%gather3A_2493, %gather3A_2494, %gather3A_2495] : memref<2x64x128xf32, #tpu.memory_space<vmem>> -> memref<1x64x128xf32, #tpu.memory_space<vmem>>
    %gather3A_2497 = tpu.memref_squeeze %gather3A_2496 : memref<1x64x128xf32, #tpu.memory_space<vmem>> -> memref<64x128xf32, #tpu.memory_space<vmem>>
    %gather3A_2498 = tpu.vector_load_idx %gather3A_2497[%add3A_2467, %and3A_2492] : memref<64x128xf32, #tpu.memory_space<vmem>>[vector<16xi32>, vector<16xi32>], vector<16xf32>,
    %add3A_2499 = arith.addf %add3A_2489, %gather3A_2498 : vector<16xf32>
    %swap3A_2500 = arith.constant 368 : index
    %swap3A_2501 = tpu.vector_load %arg21[%swap3A_2500] {strides = array<i32>} : memref<512xf32, #tpu.memory_space<vmem>>, vector<16xf32>,
    tpu.vector_store %arg21[%swap3A_2500], %add3A_2499 {strides = array<i32>} : memref<512xf32, #tpu.memory_space<vmem>>, vector<16xf32>,
    %get3A_2502 = arith.constant 448 : index
    %get3A_2503 = tpu.vector_load %arg10[%get3A_2502] {strides = array<i32>} : memref<512xi32, #tpu.memory_space<vmem>>, vector<16xi32>,
    %get3A_2504 = arith.constant 448 : index
    %get3A_2505 = tpu.vector_load %arg11[%get3A_2504] {strides = array<i32>} : memref<512xi32, #tpu.memory_space<vmem>>, vector<16xi32>,
    %shift_right_logical3A_2506 = arith.constant 3 : i32
    %shift_right_logical3A_2507 = vector.broadcast %shift_right_logical3A_2506 : i32 to vector<16xi32>
    %shift_right_logical3A_2508 = arith.shrui %get3A_2503, %shift_right_logical3A_2507 : vector<16xi32>
    %swap3A_2509 = arith.constant 1 : i32
    %swap3A_2510 = arith.index_cast %swap3A_2509 : i32 to index
    %swap3A_2511 = arith.constant 0 : index
    %swap3A_2512 = tpu.vector_load %arg12[%swap3A_2510, %swap3A_2511] {strides = array<i32>} : memref<2x64xi32, #tpu.memory_space<vmem>>, vector<16xi32>,
    tpu.vector_store %arg12[%swap3A_2510, %swap3A_2511], %shift_right_logical3A_2508 {strides = array<i32>} : memref<2x64xi32, #tpu.memory_space<vmem>>, vector<16xi32>,
    %shift_right_logical3A_2513 = arith.constant 3 : i32
    %shift_right_logical3A_2514 = vector.broadcast %shift_right_logical3A_2513 : i32 to vector<16xi32>
    %shift_right_logical3A_2515 = arith.shrui %get3A_2505, %shift_right_logical3A_2514 : vector<16xi32>
    %swap3A_2516 = arith.constant 1 : i32
    %swap3A_2517 = arith.index_cast %swap3A_2516 : i32 to index
    %swap3A_2518 = arith.constant 0 : index
    %swap3A_2519 = tpu.vector_load %arg13[%swap3A_2517, %swap3A_2518] {strides = array<i32>} : memref<2x64xi32, #tpu.memory_space<vmem>>, vector<16xi32>,
    tpu.vector_store %arg13[%swap3A_2517, %swap3A_2518], %shift_right_logical3A_2515 {strides = array<i32>} : memref<2x64xi32, #tpu.memory_space<vmem>>, vector<16xi32>,
    %shift_right_logical3A_2520 = arith.constant 7 : i32
    %shift_right_logical3A_2521 = vector.broadcast %shift_right_logical3A_2520 : i32 to vector<16xi32>
    %shift_right_logical3A_2522 = arith.shrui %get3A_2503, %shift_right_logical3A_2521 : vector<16xi32>
    %swap3A_2523 = arith.constant 1 : i32
    %swap3A_2524 = arith.index_cast %swap3A_2523 : i32 to index
    %swap3A_2525 = arith.constant 0 : index
    %swap3A_2526 = tpu.vector_load %arg14[%swap3A_2524, %swap3A_2525] {strides = array<i32>} : memref<2x64xi32, #tpu.memory_space<vmem>>, vector<16xi32>,
    tpu.vector_store %arg14[%swap3A_2524, %swap3A_2525], %shift_right_logical3A_2522 {strides = array<i32>} : memref<2x64xi32, #tpu.memory_space<vmem>>, vector<16xi32>,
    %shift_right_logical3A_2527 = arith.constant 7 : i32
    %shift_right_logical3A_2528 = vector.broadcast %shift_right_logical3A_2527 : i32 to vector<16xi32>
    %shift_right_logical3A_2529 = arith.shrui %get3A_2505, %shift_right_logical3A_2528 : vector<16xi32>
    %swap3A_2530 = arith.constant 1 : i32
    %swap3A_2531 = arith.index_cast %swap3A_2530 : i32 to index
    %swap3A_2532 = arith.constant 0 : index
    %swap3A_2533 = tpu.vector_load %arg15[%swap3A_2531, %swap3A_2532] {strides = array<i32>} : memref<2x64xi32, #tpu.memory_space<vmem>>, vector<16xi32>,
    tpu.vector_store %arg15[%swap3A_2531, %swap3A_2532], %shift_right_logical3A_2529 {strides = array<i32>} : memref<2x64xi32, #tpu.memory_space<vmem>>, vector<16xi32>,
    %get3A_2534 = arith.constant 464 : index
    %get3A_2535 = tpu.vector_load %arg10[%get3A_2534] {strides = array<i32>} : memref<512xi32, #tpu.memory_space<vmem>>, vector<16xi32>,
    %get3A_2536 = arith.constant 464 : index
    %get3A_2537 = tpu.vector_load %arg11[%get3A_2536] {strides = array<i32>} : memref<512xi32, #tpu.memory_space<vmem>>, vector<16xi32>,
    %shift_right_logical3A_2538 = arith.constant 3 : i32
    %shift_right_logical3A_2539 = vector.broadcast %shift_right_logical3A_2538 : i32 to vector<16xi32>
    %shift_right_logical3A_2540 = arith.shrui %get3A_2535, %shift_right_logical3A_2539 : vector<16xi32>
    %swap3A_2541 = arith.constant 1 : i32
    %swap3A_2542 = arith.index_cast %swap3A_2541 : i32 to index
    %swap3A_2543 = arith.constant 16 : index
    %swap3A_2544 = tpu.vector_load %arg12[%swap3A_2542, %swap3A_2543] {strides = array<i32>} : memref<2x64xi32, #tpu.memory_space<vmem>>, vector<16xi32>,
    tpu.vector_store %arg12[%swap3A_2542, %swap3A_2543], %shift_right_logical3A_2540 {strides = array<i32>} : memref<2x64xi32, #tpu.memory_space<vmem>>, vector<16xi32>,
    %shift_right_logical3A_2545 = arith.constant 3 : i32
    %shift_right_logical3A_2546 = vector.broadcast %shift_right_logical3A_2545 : i32 to vector<16xi32>
    %shift_right_logical3A_2547 = arith.shrui %get3A_2537, %shift_right_logical3A_2546 : vector<16xi32>
    %swap3A_2548 = arith.constant 1 : i32
    %swap3A_2549 = arith.index_cast %swap3A_2548 : i32 to index
    %swap3A_2550 = arith.constant 16 : index
    %swap3A_2551 = tpu.vector_load %arg13[%swap3A_2549, %swap3A_2550] {strides = array<i32>} : memref<2x64xi32, #tpu.memory_space<vmem>>, vector<16xi32>,
    tpu.vector_store %arg13[%swap3A_2549, %swap3A_2550], %shift_right_logical3A_2547 {strides = array<i32>} : memref<2x64xi32, #tpu.memory_space<vmem>>, vector<16xi32>,
    %shift_right_logical3A_2552 = arith.constant 7 : i32
    %shift_right_logical3A_2553 = vector.broadcast %shift_right_logical3A_2552 : i32 to vector<16xi32>
    %shift_right_logical3A_2554 = arith.shrui %get3A_2535, %shift_right_logical3A_2553 : vector<16xi32>
    %swap3A_2555 = arith.constant 1 : i32
    %swap3A_2556 = arith.index_cast %swap3A_2555 : i32 to index
    %swap3A_2557 = arith.constant 16 : index
    %swap3A_2558 = tpu.vector_load %arg14[%swap3A_2556, %swap3A_2557] {strides = array<i32>} : memref<2x64xi32, #tpu.memory_space<vmem>>, vector<16xi32>,
    tpu.vector_store %arg14[%swap3A_2556, %swap3A_2557], %shift_right_logical3A_2554 {strides = array<i32>} : memref<2x64xi32, #tpu.memory_space<vmem>>, vector<16xi32>,
    %shift_right_logical3A_2559 = arith.constant 7 : i32
    %shift_right_logical3A_2560 = vector.broadcast %shift_right_logical3A_2559 : i32 to vector<16xi32>
    %shift_right_logical3A_2561 = arith.shrui %get3A_2537, %shift_right_logical3A_2560 : vector<16xi32>
    %swap3A_2562 = arith.constant 1 : i32
    %swap3A_2563 = arith.index_cast %swap3A_2562 : i32 to index
    %swap3A_2564 = arith.constant 16 : index
    %swap3A_2565 = tpu.vector_load %arg15[%swap3A_2563, %swap3A_2564] {strides = array<i32>} : memref<2x64xi32, #tpu.memory_space<vmem>>, vector<16xi32>,
    tpu.vector_store %arg15[%swap3A_2563, %swap3A_2564], %shift_right_logical3A_2561 {strides = array<i32>} : memref<2x64xi32, #tpu.memory_space<vmem>>, vector<16xi32>,
    %get3A_2566 = arith.constant 480 : index
    %get3A_2567 = tpu.vector_load %arg10[%get3A_2566] {strides = array<i32>} : memref<512xi32, #tpu.memory_space<vmem>>, vector<16xi32>,
    %get3A_2568 = arith.constant 480 : index
    %get3A_2569 = tpu.vector_load %arg11[%get3A_2568] {strides = array<i32>} : memref<512xi32, #tpu.memory_space<vmem>>, vector<16xi32>,
    %shift_right_logical3A_2570 = arith.constant 3 : i32
    %shift_right_logical3A_2571 = vector.broadcast %shift_right_logical3A_2570 : i32 to vector<16xi32>
    %shift_right_logical3A_2572 = arith.shrui %get3A_2567, %shift_right_logical3A_2571 : vector<16xi32>
    %swap3A_2573 = arith.constant 1 : i32
    %swap3A_2574 = arith.index_cast %swap3A_2573 : i32 to index
    %swap3A_2575 = arith.constant 32 : index
    %swap3A_2576 = tpu.vector_load %arg12[%swap3A_2574, %swap3A_2575] {strides = array<i32>} : memref<2x64xi32, #tpu.memory_space<vmem>>, vector<16xi32>,
    tpu.vector_store %arg12[%swap3A_2574, %swap3A_2575], %shift_right_logical3A_2572 {strides = array<i32>} : memref<2x64xi32, #tpu.memory_space<vmem>>, vector<16xi32>,
    %shift_right_logical3A_2577 = arith.constant 3 : i32
    %shift_right_logical3A_2578 = vector.broadcast %shift_right_logical3A_2577 : i32 to vector<16xi32>
    %shift_right_logical3A_2579 = arith.shrui %get3A_2569, %shift_right_logical3A_2578 : vector<16xi32>
    %swap3A_2580 = arith.constant 1 : i32
    %swap3A_2581 = arith.index_cast %swap3A_2580 : i32 to index
    %swap3A_2582 = arith.constant 32 : index
    %swap3A_2583 = tpu.vector_load %arg13[%swap3A_2581, %swap3A_2582] {strides = array<i32>} : memref<2x64xi32, #tpu.memory_space<vmem>>, vector<16xi32>,
    tpu.vector_store %arg13[%swap3A_2581, %swap3A_2582], %shift_right_logical3A_2579 {strides = array<i32>} : memref<2x64xi32, #tpu.memory_space<vmem>>, vector<16xi32>,
    %shift_right_logical3A_2584 = arith.constant 7 : i32
    %shift_right_logical3A_2585 = vector.broadcast %shift_right_logical3A_2584 : i32 to vector<16xi32>
    %shift_right_logical3A_2586 = arith.shrui %get3A_2567, %shift_right_logical3A_2585 : vector<16xi32>
    %swap3A_2587 = arith.constant 1 : i32
    %swap3A_2588 = arith.index_cast %swap3A_2587 : i32 to index
    %swap3A_2589 = arith.constant 32 : index
    %swap3A_2590 = tpu.vector_load %arg14[%swap3A_2588, %swap3A_2589] {strides = array<i32>} : memref<2x64xi32, #tpu.memory_space<vmem>>, vector<16xi32>,
    tpu.vector_store %arg14[%swap3A_2588, %swap3A_2589], %shift_right_logical3A_2586 {strides = array<i32>} : memref<2x64xi32, #tpu.memory_space<vmem>>, vector<16xi32>,
    %shift_right_logical3A_2591 = arith.constant 7 : i32
    %shift_right_logical3A_2592 = vector.broadcast %shift_right_logical3A_2591 : i32 to vector<16xi32>
    %shift_right_logical3A_2593 = arith.shrui %get3A_2569, %shift_right_logical3A_2592 : vector<16xi32>
    %swap3A_2594 = arith.constant 1 : i32
    %swap3A_2595 = arith.index_cast %swap3A_2594 : i32 to index
    %swap3A_2596 = arith.constant 32 : index
    %swap3A_2597 = tpu.vector_load %arg15[%swap3A_2595, %swap3A_2596] {strides = array<i32>} : memref<2x64xi32, #tpu.memory_space<vmem>>, vector<16xi32>,
    tpu.vector_store %arg15[%swap3A_2595, %swap3A_2596], %shift_right_logical3A_2593 {strides = array<i32>} : memref<2x64xi32, #tpu.memory_space<vmem>>, vector<16xi32>,
    %get3A_2598 = arith.constant 496 : index
    %get3A_2599 = tpu.vector_load %arg10[%get3A_2598] {strides = array<i32>} : memref<512xi32, #tpu.memory_space<vmem>>, vector<16xi32>,
    %get3A_2600 = arith.constant 496 : index
    %get3A_2601 = tpu.vector_load %arg11[%get3A_2600] {strides = array<i32>} : memref<512xi32, #tpu.memory_space<vmem>>, vector<16xi32>,
    %shift_right_logical3A_2602 = arith.constant 3 : i32
    %shift_right_logical3A_2603 = vector.broadcast %shift_right_logical3A_2602 : i32 to vector<16xi32>
    %shift_right_logical3A_2604 = arith.shrui %get3A_2599, %shift_right_logical3A_2603 : vector<16xi32>
    %swap3A_2605 = arith.constant 1 : i32
    %swap3A_2606 = arith.index_cast %swap3A_2605 : i32 to index
    %swap3A_2607 = arith.constant 48 : index
    %swap3A_2608 = tpu.vector_load %arg12[%swap3A_2606, %swap3A_2607] {strides = array<i32>} : memref<2x64xi32, #tpu.memory_space<vmem>>, vector<16xi32>,
    tpu.vector_store %arg12[%swap3A_2606, %swap3A_2607], %shift_right_logical3A_2604 {strides = array<i32>} : memref<2x64xi32, #tpu.memory_space<vmem>>, vector<16xi32>,
    %shift_right_logical3A_2609 = arith.constant 3 : i32
    %shift_right_logical3A_2610 = vector.broadcast %shift_right_logical3A_2609 : i32 to vector<16xi32>
    %shift_right_logical3A_2611 = arith.shrui %get3A_2601, %shift_right_logical3A_2610 : vector<16xi32>
    %swap3A_2612 = arith.constant 1 : i32
    %swap3A_2613 = arith.index_cast %swap3A_2612 : i32 to index
    %swap3A_2614 = arith.constant 48 : index
    %swap3A_2615 = tpu.vector_load %arg13[%swap3A_2613, %swap3A_2614] {strides = array<i32>} : memref<2x64xi32, #tpu.memory_space<vmem>>, vector<16xi32>,
    tpu.vector_store %arg13[%swap3A_2613, %swap3A_2614], %shift_right_logical3A_2611 {strides = array<i32>} : memref<2x64xi32, #tpu.memory_space<vmem>>, vector<16xi32>,
    %shift_right_logical3A_2616 = arith.constant 7 : i32
    %shift_right_logical3A_2617 = vector.broadcast %shift_right_logical3A_2616 : i32 to vector<16xi32>
    %shift_right_logical3A_2618 = arith.shrui %get3A_2599, %shift_right_logical3A_2617 : vector<16xi32>
    %swap3A_2619 = arith.constant 1 : i32
    %swap3A_2620 = arith.index_cast %swap3A_2619 : i32 to index
    %swap3A_2621 = arith.constant 48 : index
    %swap3A_2622 = tpu.vector_load %arg14[%swap3A_2620, %swap3A_2621] {strides = array<i32>} : memref<2x64xi32, #tpu.memory_space<vmem>>, vector<16xi32>,
    tpu.vector_store %arg14[%swap3A_2620, %swap3A_2621], %shift_right_logical3A_2618 {strides = array<i32>} : memref<2x64xi32, #tpu.memory_space<vmem>>, vector<16xi32>,
    %shift_right_logical3A_2623 = arith.constant 7 : i32
    %shift_right_logical3A_2624 = vector.broadcast %shift_right_logical3A_2623 : i32 to vector<16xi32>
    %shift_right_logical3A_2625 = arith.shrui %get3A_2601, %shift_right_logical3A_2624 : vector<16xi32>
    %swap3A_2626 = arith.constant 1 : i32
    %swap3A_2627 = arith.index_cast %swap3A_2626 : i32 to index
    %swap3A_2628 = arith.constant 48 : index
    %swap3A_2629 = tpu.vector_load %arg15[%swap3A_2627, %swap3A_2628] {strides = array<i32>} : memref<2x64xi32, #tpu.memory_space<vmem>>, vector<16xi32>,
    tpu.vector_store %arg15[%swap3A_2627, %swap3A_2628], %shift_right_logical3A_2625 {strides = array<i32>} : memref<2x64xi32, #tpu.memory_space<vmem>>, vector<16xi32>,
    %dma_start3A_2630 = arith.constant 1 : i32
    %dma_start3A_2631 = arith.constant 1 : i32
    %dma_start3A_2632 = arith.constant 0 : i32
    %dma_start3A_2633 = arith.constant 0 : i32
    %dma_start3A_2634 = tpu.memref_slice %arg16[%dma_start3A_2631, %dma_start3A_2632, %dma_start3A_2633] : memref<2x64x128xf32, #tpu.memory_space<vmem>> -> memref<1x64x128xf32, #tpu.memory_space<vmem>>
    %dma_start3A_2635 = tpu.memref_squeeze %dma_start3A_2634 : memref<1x64x128xf32, #tpu.memory_space<vmem>> -> memref<64x128xf32, #tpu.memory_space<vmem>>
    %dma_start3A_2636 = arith.constant 0 : i32
    %dma_start3A_2637 = tpu.memref_slice %arg12[%dma_start3A_2630, %dma_start3A_2636] : memref<2x64xi32, #tpu.memory_space<vmem>> -> memref<1x64xi32, #tpu.memory_space<vmem>>
    %dma_start3A_2638 = tpu.memref_squeeze %dma_start3A_2637 : memref<1x64xi32, #tpu.memory_space<vmem>> -> memref<64xi32, #tpu.memory_space<vmem>>
    %dma_start3A_2639 = arith.constant 0 : i32
    %dma_start3A_2640 = arith.constant 0 : i32
    %dma_start3A_2641 = tpu.memref_slice %arg4[%dma_start3A_2639, %dma_start3A_2640] : memref<12500x128xf32, #tpu.memory_space<hbm>> -> memref<12500x128xf32, #tpu.memory_space<hbm>>
    tpu.enqueue_indirect_dma source(%dma_start3A_2641 : memref<12500x128xf32, #tpu.memory_space<hbm>>) target(%dma_start3A_2635 : memref<64x128xf32, #tpu.memory_space<vmem>>) offsets(%dma_start3A_2638 : memref<64xi32, #tpu.memory_space<vmem>>) semaphore(%arg23 : memref<!tpu.dma_semaphore, #tpu.memory_space<semaphore_mem>>)
    %dma_start3A_2642 = arith.constant 1 : i32
    %dma_start3A_2643 = arith.constant 1 : i32
    %dma_start3A_2644 = arith.constant 0 : i32
    %dma_start3A_2645 = arith.constant 0 : i32
    %dma_start3A_2646 = tpu.memref_slice %arg17[%dma_start3A_2643, %dma_start3A_2644, %dma_start3A_2645] : memref<2x64x128xf32, #tpu.memory_space<vmem>> -> memref<1x64x128xf32, #tpu.memory_space<vmem>>
    %dma_start3A_2647 = tpu.memref_squeeze %dma_start3A_2646 : memref<1x64x128xf32, #tpu.memory_space<vmem>> -> memref<64x128xf32, #tpu.memory_space<vmem>>
    %dma_start3A_2648 = arith.constant 0 : i32
    %dma_start3A_2649 = tpu.memref_slice %arg13[%dma_start3A_2642, %dma_start3A_2648] : memref<2x64xi32, #tpu.memory_space<vmem>> -> memref<1x64xi32, #tpu.memory_space<vmem>>
    %dma_start3A_2650 = tpu.memref_squeeze %dma_start3A_2649 : memref<1x64xi32, #tpu.memory_space<vmem>> -> memref<64xi32, #tpu.memory_space<vmem>>
    %dma_start3A_2651 = arith.constant 0 : i32
    %dma_start3A_2652 = arith.constant 0 : i32
    %dma_start3A_2653 = tpu.memref_slice %arg5[%dma_start3A_2651, %dma_start3A_2652] : memref<125000x128xf32, #tpu.memory_space<hbm>> -> memref<125000x128xf32, #tpu.memory_space<hbm>>
    tpu.enqueue_indirect_dma source(%dma_start3A_2653 : memref<125000x128xf32, #tpu.memory_space<hbm>>) target(%dma_start3A_2647 : memref<64x128xf32, #tpu.memory_space<vmem>>) offsets(%dma_start3A_2650 : memref<64xi32, #tpu.memory_space<vmem>>) semaphore(%arg23 : memref<!tpu.dma_semaphore, #tpu.memory_space<semaphore_mem>>)
    %dma_start3A_2654 = arith.constant 1 : i32
    %dma_start3A_2655 = arith.constant 1 : i32
    %dma_start3A_2656 = arith.constant 0 : i32
    %dma_start3A_2657 = arith.constant 0 : i32
    %dma_start3A_2658 = tpu.memref_slice %arg18[%dma_start3A_2655, %dma_start3A_2656, %dma_start3A_2657] : memref<2x64x128xf32, #tpu.memory_space<vmem>> -> memref<1x64x128xf32, #tpu.memory_space<vmem>>
    %dma_start3A_2659 = tpu.memref_squeeze %dma_start3A_2658 : memref<1x64x128xf32, #tpu.memory_space<vmem>> -> memref<64x128xf32, #tpu.memory_space<vmem>>
    %dma_start3A_2660 = arith.constant 0 : i32
    %dma_start3A_2661 = tpu.memref_slice %arg14[%dma_start3A_2654, %dma_start3A_2660] : memref<2x64xi32, #tpu.memory_space<vmem>> -> memref<1x64xi32, #tpu.memory_space<vmem>>
    %dma_start3A_2662 = tpu.memref_squeeze %dma_start3A_2661 : memref<1x64xi32, #tpu.memory_space<vmem>> -> memref<64xi32, #tpu.memory_space<vmem>>
    %dma_start3A_2663 = arith.constant 0 : i32
    %dma_start3A_2664 = arith.constant 0 : i32
    %dma_start3A_2665 = tpu.memref_slice %arg6[%dma_start3A_2663, %dma_start3A_2664] : memref<782x128xf32, #tpu.memory_space<hbm>> -> memref<782x128xf32, #tpu.memory_space<hbm>>
    tpu.enqueue_indirect_dma source(%dma_start3A_2665 : memref<782x128xf32, #tpu.memory_space<hbm>>) target(%dma_start3A_2659 : memref<64x128xf32, #tpu.memory_space<vmem>>) offsets(%dma_start3A_2662 : memref<64xi32, #tpu.memory_space<vmem>>) semaphore(%arg23 : memref<!tpu.dma_semaphore, #tpu.memory_space<semaphore_mem>>)
    %dma_start3A_2666 = arith.constant 1 : i32
    %dma_start3A_2667 = arith.constant 1 : i32
    %dma_start3A_2668 = arith.constant 0 : i32
    %dma_start3A_2669 = arith.constant 0 : i32
    %dma_start3A_2670 = tpu.memref_slice %arg19[%dma_start3A_2667, %dma_start3A_2668, %dma_start3A_2669] : memref<2x64x128xf32, #tpu.memory_space<vmem>> -> memref<1x64x128xf32, #tpu.memory_space<vmem>>
    %dma_start3A_2671 = tpu.memref_squeeze %dma_start3A_2670 : memref<1x64x128xf32, #tpu.memory_space<vmem>> -> memref<64x128xf32, #tpu.memory_space<vmem>>
    %dma_start3A_2672 = arith.constant 0 : i32
    %dma_start3A_2673 = tpu.memref_slice %arg15[%dma_start3A_2666, %dma_start3A_2672] : memref<2x64xi32, #tpu.memory_space<vmem>> -> memref<1x64xi32, #tpu.memory_space<vmem>>
    %dma_start3A_2674 = tpu.memref_squeeze %dma_start3A_2673 : memref<1x64xi32, #tpu.memory_space<vmem>> -> memref<64xi32, #tpu.memory_space<vmem>>
    %dma_start3A_2675 = arith.constant 0 : i32
    %dma_start3A_2676 = arith.constant 0 : i32
    %dma_start3A_2677 = tpu.memref_slice %arg7[%dma_start3A_2675, %dma_start3A_2676] : memref<7813x128xf32, #tpu.memory_space<hbm>> -> memref<7813x128xf32, #tpu.memory_space<hbm>>
    tpu.enqueue_indirect_dma source(%dma_start3A_2677 : memref<7813x128xf32, #tpu.memory_space<hbm>>) target(%dma_start3A_2671 : memref<64x128xf32, #tpu.memory_space<vmem>>) offsets(%dma_start3A_2674 : memref<64xi32, #tpu.memory_space<vmem>>) semaphore(%arg23 : memref<!tpu.dma_semaphore, #tpu.memory_space<semaphore_mem>>)
    %dma_wait3A_2678 = arith.constant 0 : i32
    %dma_wait3A_2679 = arith.constant 0 : i32
    %dma_wait3A_2680 = arith.constant 0 : i32
    %dma_wait3A_2681 = arith.constant 0 : i32
    %dma_wait3A_2682 = tpu.memref_slice %arg16[%dma_wait3A_2679, %dma_wait3A_2680, %dma_wait3A_2681] : memref<2x64x128xf32, #tpu.memory_space<vmem>> -> memref<1x64x128xf32, #tpu.memory_space<vmem>>
    %dma_wait3A_2683 = tpu.memref_squeeze %dma_wait3A_2682 : memref<1x64x128xf32, #tpu.memory_space<vmem>> -> memref<64x128xf32, #tpu.memory_space<vmem>>
    %dma_wait3A_2684 = arith.constant 0 : i32
    %dma_wait3A_2685 = tpu.memref_slice %arg12[%dma_wait3A_2678, %dma_wait3A_2684] : memref<2x64xi32, #tpu.memory_space<vmem>> -> memref<1x64xi32, #tpu.memory_space<vmem>>
    %dma_wait3A_2686 = tpu.memref_squeeze %dma_wait3A_2685 : memref<1x64xi32, #tpu.memory_space<vmem>> -> memref<64xi32, #tpu.memory_space<vmem>>
    %dma_wait3A_2687 = arith.constant 0 : i32
    %dma_wait3A_2688 = arith.constant 0 : i32
    %dma_wait3A_2689 = tpu.memref_slice %arg4[%dma_wait3A_2687, %dma_wait3A_2688] : memref<12500x128xf32, #tpu.memory_space<hbm>> -> memref<12500x128xf32, #tpu.memory_space<hbm>>
    tpu.wait_indirect_dma semaphore(%arg22 : memref<!tpu.dma_semaphore, #tpu.memory_space<semaphore_mem>>) src(%dma_wait3A_2689 : memref<12500x128xf32, #tpu.memory_space<hbm>>) dst(%dma_wait3A_2683 : memref<64x128xf32, #tpu.memory_space<vmem>>)
    %dma_wait3A_2690 = arith.constant 0 : i32
    %dma_wait3A_2691 = arith.constant 0 : i32
    %dma_wait3A_2692 = arith.constant 0 : i32
    %dma_wait3A_2693 = arith.constant 0 : i32
    %dma_wait3A_2694 = tpu.memref_slice %arg17[%dma_wait3A_2691, %dma_wait3A_2692, %dma_wait3A_2693] : memref<2x64x128xf32, #tpu.memory_space<vmem>> -> memref<1x64x128xf32, #tpu.memory_space<vmem>>
    %dma_wait3A_2695 = tpu.memref_squeeze %dma_wait3A_2694 : memref<1x64x128xf32, #tpu.memory_space<vmem>> -> memref<64x128xf32, #tpu.memory_space<vmem>>
    %dma_wait3A_2696 = arith.constant 0 : i32
    %dma_wait3A_2697 = tpu.memref_slice %arg13[%dma_wait3A_2690, %dma_wait3A_2696] : memref<2x64xi32, #tpu.memory_space<vmem>> -> memref<1x64xi32, #tpu.memory_space<vmem>>
    %dma_wait3A_2698 = tpu.memref_squeeze %dma_wait3A_2697 : memref<1x64xi32, #tpu.memory_space<vmem>> -> memref<64xi32, #tpu.memory_space<vmem>>
    %dma_wait3A_2699 = arith.constant 0 : i32
    %dma_wait3A_2700 = arith.constant 0 : i32
    %dma_wait3A_2701 = tpu.memref_slice %arg5[%dma_wait3A_2699, %dma_wait3A_2700] : memref<125000x128xf32, #tpu.memory_space<hbm>> -> memref<125000x128xf32, #tpu.memory_space<hbm>>
    tpu.wait_indirect_dma semaphore(%arg22 : memref<!tpu.dma_semaphore, #tpu.memory_space<semaphore_mem>>) src(%dma_wait3A_2701 : memref<125000x128xf32, #tpu.memory_space<hbm>>) dst(%dma_wait3A_2695 : memref<64x128xf32, #tpu.memory_space<vmem>>)
    %dma_wait3A_2702 = arith.constant 0 : i32
    %dma_wait3A_2703 = arith.constant 0 : i32
    %dma_wait3A_2704 = arith.constant 0 : i32
    %dma_wait3A_2705 = arith.constant 0 : i32
    %dma_wait3A_2706 = tpu.memref_slice %arg18[%dma_wait3A_2703, %dma_wait3A_2704, %dma_wait3A_2705] : memref<2x64x128xf32, #tpu.memory_space<vmem>> -> memref<1x64x128xf32, #tpu.memory_space<vmem>>
    %dma_wait3A_2707 = tpu.memref_squeeze %dma_wait3A_2706 : memref<1x64x128xf32, #tpu.memory_space<vmem>> -> memref<64x128xf32, #tpu.memory_space<vmem>>
    %dma_wait3A_2708 = arith.constant 0 : i32
    %dma_wait3A_2709 = tpu.memref_slice %arg14[%dma_wait3A_2702, %dma_wait3A_2708] : memref<2x64xi32, #tpu.memory_space<vmem>> -> memref<1x64xi32, #tpu.memory_space<vmem>>
    %dma_wait3A_2710 = tpu.memref_squeeze %dma_wait3A_2709 : memref<1x64xi32, #tpu.memory_space<vmem>> -> memref<64xi32, #tpu.memory_space<vmem>>
    %dma_wait3A_2711 = arith.constant 0 : i32
    %dma_wait3A_2712 = arith.constant 0 : i32
    %dma_wait3A_2713 = tpu.memref_slice %arg6[%dma_wait3A_2711, %dma_wait3A_2712] : memref<782x128xf32, #tpu.memory_space<hbm>> -> memref<782x128xf32, #tpu.memory_space<hbm>>
    tpu.wait_indirect_dma semaphore(%arg22 : memref<!tpu.dma_semaphore, #tpu.memory_space<semaphore_mem>>) src(%dma_wait3A_2713 : memref<782x128xf32, #tpu.memory_space<hbm>>) dst(%dma_wait3A_2707 : memref<64x128xf32, #tpu.memory_space<vmem>>)
    %dma_wait3A_2714 = arith.constant 0 : i32
    %dma_wait3A_2715 = arith.constant 0 : i32
    %dma_wait3A_2716 = arith.constant 0 : i32
    %dma_wait3A_2717 = arith.constant 0 : i32
    %dma_wait3A_2718 = tpu.memref_slice %arg19[%dma_wait3A_2715, %dma_wait3A_2716, %dma_wait3A_2717] : memref<2x64x128xf32, #tpu.memory_space<vmem>> -> memref<1x64x128xf32, #tpu.memory_space<vmem>>
    %dma_wait3A_2719 = tpu.memref_squeeze %dma_wait3A_2718 : memref<1x64x128xf32, #tpu.memory_space<vmem>> -> memref<64x128xf32, #tpu.memory_space<vmem>>
    %dma_wait3A_2720 = arith.constant 0 : i32
    %dma_wait3A_2721 = tpu.memref_slice %arg15[%dma_wait3A_2714, %dma_wait3A_2720] : memref<2x64xi32, #tpu.memory_space<vmem>> -> memref<1x64xi32, #tpu.memory_space<vmem>>
    %dma_wait3A_2722 = tpu.memref_squeeze %dma_wait3A_2721 : memref<1x64xi32, #tpu.memory_space<vmem>> -> memref<64xi32, #tpu.memory_space<vmem>>
    %dma_wait3A_2723 = arith.constant 0 : i32
    %dma_wait3A_2724 = arith.constant 0 : i32
    %dma_wait3A_2725 = tpu.memref_slice %arg7[%dma_wait3A_2723, %dma_wait3A_2724] : memref<7813x128xf32, #tpu.memory_space<hbm>> -> memref<7813x128xf32, #tpu.memory_space<hbm>>
    tpu.wait_indirect_dma semaphore(%arg22 : memref<!tpu.dma_semaphore, #tpu.memory_space<semaphore_mem>>) src(%dma_wait3A_2725 : memref<7813x128xf32, #tpu.memory_space<hbm>>) dst(%dma_wait3A_2719 : memref<64x128xf32, #tpu.memory_space<vmem>>)
    %get3A_2726 = arith.constant 384 : index
    %get3A_2727 = tpu.vector_load %arg10[%get3A_2726] {strides = array<i32>} : memref<512xi32, #tpu.memory_space<vmem>>, vector<16xi32>,
    %get3A_2728 = arith.constant 384 : index
    %get3A_2729 = tpu.vector_load %arg11[%get3A_2728] {strides = array<i32>} : memref<512xi32, #tpu.memory_space<vmem>>, vector<16xi32>,
    %add3A_2730 = arith.constant 0 : i32
    %add3A_2731 = vector.broadcast %add3A_2730 : i32 to vector<16xi32>
    %add3A_2732 = arith.addi %add3A_2731, %iota3A : vector<16xi32>
    %and3A_2733 = arith.constant 7 : i32
    %and3A_2734 = vector.broadcast %and3A_2733 : i32 to vector<16xi32>
    %and3A_2735 = arith.andi %get3A_2727, %and3A_2734 : vector<16xi32>
    %mul3A_2736 = arith.constant 16 : i32
    %mul3A_2737 = vector.broadcast %mul3A_2736 : i32 to vector<16xi32>
    %mul3A_2738 = arith.muli %and3A_2735, %mul3A_2737 : vector<16xi32>
    %and3A_2739 = arith.constant 7 : i32
    %and3A_2740 = vector.broadcast %and3A_2739 : i32 to vector<16xi32>
    %and3A_2741 = arith.andi %get3A_2729, %and3A_2740 : vector<16xi32>
    %mul3A_2742 = arith.constant 16 : i32
    %mul3A_2743 = vector.broadcast %mul3A_2742 : i32 to vector<16xi32>
    %mul3A_2744 = arith.muli %and3A_2741, %mul3A_2743 : vector<16xi32>
    %and3A_2745 = arith.constant 127 : i32
    %and3A_2746 = vector.broadcast %and3A_2745 : i32 to vector<16xi32>
    %and3A_2747 = arith.andi %get3A_2727, %and3A_2746 : vector<16xi32>
    %gather3A_2748 = arith.constant 0 : i32
    %gather3A_2749 = arith.constant 0 : i32
    %gather3A_2750 = arith.constant 0 : i32
    %gather3A_2751 = tpu.memref_slice %arg18[%gather3A_2748, %gather3A_2749, %gather3A_2750] : memref<2x64x128xf32, #tpu.memory_space<vmem>> -> memref<1x64x128xf32, #tpu.memory_space<vmem>>
    %gather3A_2752 = tpu.memref_squeeze %gather3A_2751 : memref<1x64x128xf32, #tpu.memory_space<vmem>> -> memref<64x128xf32, #tpu.memory_space<vmem>>
    %gather3A_2753 = tpu.vector_load_idx %gather3A_2752[%add3A_2732, %and3A_2747] : memref<64x128xf32, #tpu.memory_space<vmem>>[vector<16xi32>, vector<16xi32>], vector<16xf32>,
    %add3A_2754 = arith.addf %get3A_3, %gather3A_2753 : vector<16xf32>
    %and3A_2755 = arith.constant 127 : i32
    %and3A_2756 = vector.broadcast %and3A_2755 : i32 to vector<16xi32>
    %and3A_2757 = arith.andi %get3A_2729, %and3A_2756 : vector<16xi32>
    %gather3A_2758 = arith.constant 0 : i32
    %gather3A_2759 = arith.constant 0 : i32
    %gather3A_2760 = arith.constant 0 : i32
    %gather3A_2761 = tpu.memref_slice %arg19[%gather3A_2758, %gather3A_2759, %gather3A_2760] : memref<2x64x128xf32, #tpu.memory_space<vmem>> -> memref<1x64x128xf32, #tpu.memory_space<vmem>>
    %gather3A_2762 = tpu.memref_squeeze %gather3A_2761 : memref<1x64x128xf32, #tpu.memory_space<vmem>> -> memref<64x128xf32, #tpu.memory_space<vmem>>
    %gather3A_2763 = tpu.vector_load_idx %gather3A_2762[%add3A_2732, %and3A_2757] : memref<64x128xf32, #tpu.memory_space<vmem>>[vector<16xi32>, vector<16xi32>], vector<16xf32>,
    %add3A_2764 = arith.addf %add3A_2754, %gather3A_2763 : vector<16xf32>
    %swap3A_2765 = arith.constant 384 : index
    %swap3A_2766 = tpu.vector_load %arg21[%swap3A_2765] {strides = array<i32>} : memref<512xf32, #tpu.memory_space<vmem>>, vector<16xf32>,
    tpu.vector_store %arg21[%swap3A_2765], %add3A_2764 {strides = array<i32>} : memref<512xf32, #tpu.memory_space<vmem>>, vector<16xf32>,
    %get3A_2767 = arith.constant 400 : index
    %get3A_2768 = tpu.vector_load %arg10[%get3A_2767] {strides = array<i32>} : memref<512xi32, #tpu.memory_space<vmem>>, vector<16xi32>,
    %get3A_2769 = arith.constant 400 : index
    %get3A_2770 = tpu.vector_load %arg11[%get3A_2769] {strides = array<i32>} : memref<512xi32, #tpu.memory_space<vmem>>, vector<16xi32>,
    %add3A_2771 = arith.constant 16 : i32
    %add3A_2772 = vector.broadcast %add3A_2771 : i32 to vector<16xi32>
    %add3A_2773 = arith.addi %add3A_2772, %iota3A : vector<16xi32>
    %and3A_2774 = arith.constant 7 : i32
    %and3A_2775 = vector.broadcast %and3A_2774 : i32 to vector<16xi32>
    %and3A_2776 = arith.andi %get3A_2768, %and3A_2775 : vector<16xi32>
    %mul3A_2777 = arith.constant 16 : i32
    %mul3A_2778 = vector.broadcast %mul3A_2777 : i32 to vector<16xi32>
    %mul3A_2779 = arith.muli %and3A_2776, %mul3A_2778 : vector<16xi32>
    %and3A_2780 = arith.constant 7 : i32
    %and3A_2781 = vector.broadcast %and3A_2780 : i32 to vector<16xi32>
    %and3A_2782 = arith.andi %get3A_2770, %and3A_2781 : vector<16xi32>
    %mul3A_2783 = arith.constant 16 : i32
    %mul3A_2784 = vector.broadcast %mul3A_2783 : i32 to vector<16xi32>
    %mul3A_2785 = arith.muli %and3A_2782, %mul3A_2784 : vector<16xi32>
    %and3A_2786 = arith.constant 127 : i32
    %and3A_2787 = vector.broadcast %and3A_2786 : i32 to vector<16xi32>
    %and3A_2788 = arith.andi %get3A_2768, %and3A_2787 : vector<16xi32>
    %gather3A_2789 = arith.constant 0 : i32
    %gather3A_2790 = arith.constant 0 : i32
    %gather3A_2791 = arith.constant 0 : i32
    %gather3A_2792 = tpu.memref_slice %arg18[%gather3A_2789, %gather3A_2790, %gather3A_2791] : memref<2x64x128xf32, #tpu.memory_space<vmem>> -> memref<1x64x128xf32, #tpu.memory_space<vmem>>
    %gather3A_2793 = tpu.memref_squeeze %gather3A_2792 : memref<1x64x128xf32, #tpu.memory_space<vmem>> -> memref<64x128xf32, #tpu.memory_space<vmem>>
    %gather3A_2794 = tpu.vector_load_idx %gather3A_2793[%add3A_2773, %and3A_2788] : memref<64x128xf32, #tpu.memory_space<vmem>>[vector<16xi32>, vector<16xi32>], vector<16xf32>,
    %add3A_2795 = arith.addf %get3A_3, %gather3A_2794 : vector<16xf32>
    %and3A_2796 = arith.constant 127 : i32
    %and3A_2797 = vector.broadcast %and3A_2796 : i32 to vector<16xi32>
    %and3A_2798 = arith.andi %get3A_2770, %and3A_2797 : vector<16xi32>
    %gather3A_2799 = arith.constant 0 : i32
    %gather3A_2800 = arith.constant 0 : i32
    %gather3A_2801 = arith.constant 0 : i32
    %gather3A_2802 = tpu.memref_slice %arg19[%gather3A_2799, %gather3A_2800, %gather3A_2801] : memref<2x64x128xf32, #tpu.memory_space<vmem>> -> memref<1x64x128xf32, #tpu.memory_space<vmem>>
    %gather3A_2803 = tpu.memref_squeeze %gather3A_2802 : memref<1x64x128xf32, #tpu.memory_space<vmem>> -> memref<64x128xf32, #tpu.memory_space<vmem>>
    %gather3A_2804 = tpu.vector_load_idx %gather3A_2803[%add3A_2773, %and3A_2798] : memref<64x128xf32, #tpu.memory_space<vmem>>[vector<16xi32>, vector<16xi32>], vector<16xf32>,
    %add3A_2805 = arith.addf %add3A_2795, %gather3A_2804 : vector<16xf32>
    %swap3A_2806 = arith.constant 400 : index
    %swap3A_2807 = tpu.vector_load %arg21[%swap3A_2806] {strides = array<i32>} : memref<512xf32, #tpu.memory_space<vmem>>, vector<16xf32>,
    tpu.vector_store %arg21[%swap3A_2806], %add3A_2805 {strides = array<i32>} : memref<512xf32, #tpu.memory_space<vmem>>, vector<16xf32>,
    %get3A_2808 = arith.constant 416 : index
    %get3A_2809 = tpu.vector_load %arg10[%get3A_2808] {strides = array<i32>} : memref<512xi32, #tpu.memory_space<vmem>>, vector<16xi32>,
    %get3A_2810 = arith.constant 416 : index
    %get3A_2811 = tpu.vector_load %arg11[%get3A_2810] {strides = array<i32>} : memref<512xi32, #tpu.memory_space<vmem>>, vector<16xi32>,
    %add3A_2812 = arith.constant 32 : i32
    %add3A_2813 = vector.broadcast %add3A_2812 : i32 to vector<16xi32>
    %add3A_2814 = arith.addi %add3A_2813, %iota3A : vector<16xi32>
    %and3A_2815 = arith.constant 7 : i32
    %and3A_2816 = vector.broadcast %and3A_2815 : i32 to vector<16xi32>
    %and3A_2817 = arith.andi %get3A_2809, %and3A_2816 : vector<16xi32>
    %mul3A_2818 = arith.constant 16 : i32
    %mul3A_2819 = vector.broadcast %mul3A_2818 : i32 to vector<16xi32>
    %mul3A_2820 = arith.muli %and3A_2817, %mul3A_2819 : vector<16xi32>
    %and3A_2821 = arith.constant 7 : i32
    %and3A_2822 = vector.broadcast %and3A_2821 : i32 to vector<16xi32>
    %and3A_2823 = arith.andi %get3A_2811, %and3A_2822 : vector<16xi32>
    %mul3A_2824 = arith.constant 16 : i32
    %mul3A_2825 = vector.broadcast %mul3A_2824 : i32 to vector<16xi32>
    %mul3A_2826 = arith.muli %and3A_2823, %mul3A_2825 : vector<16xi32>
    %and3A_2827 = arith.constant 127 : i32
    %and3A_2828 = vector.broadcast %and3A_2827 : i32 to vector<16xi32>
    %and3A_2829 = arith.andi %get3A_2809, %and3A_2828 : vector<16xi32>
    %gather3A_2830 = arith.constant 0 : i32
    %gather3A_2831 = arith.constant 0 : i32
    %gather3A_2832 = arith.constant 0 : i32
    %gather3A_2833 = tpu.memref_slice %arg18[%gather3A_2830, %gather3A_2831, %gather3A_2832] : memref<2x64x128xf32, #tpu.memory_space<vmem>> -> memref<1x64x128xf32, #tpu.memory_space<vmem>>
    %gather3A_2834 = tpu.memref_squeeze %gather3A_2833 : memref<1x64x128xf32, #tpu.memory_space<vmem>> -> memref<64x128xf32, #tpu.memory_space<vmem>>
    %gather3A_2835 = tpu.vector_load_idx %gather3A_2834[%add3A_2814, %and3A_2829] : memref<64x128xf32, #tpu.memory_space<vmem>>[vector<16xi32>, vector<16xi32>], vector<16xf32>,
    %add3A_2836 = arith.addf %get3A_3, %gather3A_2835 : vector<16xf32>
    %and3A_2837 = arith.constant 127 : i32
    %and3A_2838 = vector.broadcast %and3A_2837 : i32 to vector<16xi32>
    %and3A_2839 = arith.andi %get3A_2811, %and3A_2838 : vector<16xi32>
    %gather3A_2840 = arith.constant 0 : i32
    %gather3A_2841 = arith.constant 0 : i32
    %gather3A_2842 = arith.constant 0 : i32
    %gather3A_2843 = tpu.memref_slice %arg19[%gather3A_2840, %gather3A_2841, %gather3A_2842] : memref<2x64x128xf32, #tpu.memory_space<vmem>> -> memref<1x64x128xf32, #tpu.memory_space<vmem>>
    %gather3A_2844 = tpu.memref_squeeze %gather3A_2843 : memref<1x64x128xf32, #tpu.memory_space<vmem>> -> memref<64x128xf32, #tpu.memory_space<vmem>>
    %gather3A_2845 = tpu.vector_load_idx %gather3A_2844[%add3A_2814, %and3A_2839] : memref<64x128xf32, #tpu.memory_space<vmem>>[vector<16xi32>, vector<16xi32>], vector<16xf32>,
    %add3A_2846 = arith.addf %add3A_2836, %gather3A_2845 : vector<16xf32>
    %swap3A_2847 = arith.constant 416 : index
    %swap3A_2848 = tpu.vector_load %arg21[%swap3A_2847] {strides = array<i32>} : memref<512xf32, #tpu.memory_space<vmem>>, vector<16xf32>,
    tpu.vector_store %arg21[%swap3A_2847], %add3A_2846 {strides = array<i32>} : memref<512xf32, #tpu.memory_space<vmem>>, vector<16xf32>,
    %get3A_2849 = arith.constant 432 : index
    %get3A_2850 = tpu.vector_load %arg10[%get3A_2849] {strides = array<i32>} : memref<512xi32, #tpu.memory_space<vmem>>, vector<16xi32>,
    %get3A_2851 = arith.constant 432 : index
    %get3A_2852 = tpu.vector_load %arg11[%get3A_2851] {strides = array<i32>} : memref<512xi32, #tpu.memory_space<vmem>>, vector<16xi32>,
    %add3A_2853 = arith.constant 48 : i32
    %add3A_2854 = vector.broadcast %add3A_2853 : i32 to vector<16xi32>
    %add3A_2855 = arith.addi %add3A_2854, %iota3A : vector<16xi32>
    %and3A_2856 = arith.constant 7 : i32
    %and3A_2857 = vector.broadcast %and3A_2856 : i32 to vector<16xi32>
    %and3A_2858 = arith.andi %get3A_2850, %and3A_2857 : vector<16xi32>
    %mul3A_2859 = arith.constant 16 : i32
    %mul3A_2860 = vector.broadcast %mul3A_2859 : i32 to vector<16xi32>
    %mul3A_2861 = arith.muli %and3A_2858, %mul3A_2860 : vector<16xi32>
    %and3A_2862 = arith.constant 7 : i32
    %and3A_2863 = vector.broadcast %and3A_2862 : i32 to vector<16xi32>
    %and3A_2864 = arith.andi %get3A_2852, %and3A_2863 : vector<16xi32>
    %mul3A_2865 = arith.constant 16 : i32
    %mul3A_2866 = vector.broadcast %mul3A_2865 : i32 to vector<16xi32>
    %mul3A_2867 = arith.muli %and3A_2864, %mul3A_2866 : vector<16xi32>
    %and3A_2868 = arith.constant 127 : i32
    %and3A_2869 = vector.broadcast %and3A_2868 : i32 to vector<16xi32>
    %and3A_2870 = arith.andi %get3A_2850, %and3A_2869 : vector<16xi32>
    %gather3A_2871 = arith.constant 0 : i32
    %gather3A_2872 = arith.constant 0 : i32
    %gather3A_2873 = arith.constant 0 : i32
    %gather3A_2874 = tpu.memref_slice %arg18[%gather3A_2871, %gather3A_2872, %gather3A_2873] : memref<2x64x128xf32, #tpu.memory_space<vmem>> -> memref<1x64x128xf32, #tpu.memory_space<vmem>>
    %gather3A_2875 = tpu.memref_squeeze %gather3A_2874 : memref<1x64x128xf32, #tpu.memory_space<vmem>> -> memref<64x128xf32, #tpu.memory_space<vmem>>
    %gather3A_2876 = tpu.vector_load_idx %gather3A_2875[%add3A_2855, %and3A_2870] : memref<64x128xf32, #tpu.memory_space<vmem>>[vector<16xi32>, vector<16xi32>], vector<16xf32>,
    %add3A_2877 = arith.addf %get3A_3, %gather3A_2876 : vector<16xf32>
    %and3A_2878 = arith.constant 127 : i32
    %and3A_2879 = vector.broadcast %and3A_2878 : i32 to vector<16xi32>
    %and3A_2880 = arith.andi %get3A_2852, %and3A_2879 : vector<16xi32>
    %gather3A_2881 = arith.constant 0 : i32
    %gather3A_2882 = arith.constant 0 : i32
    %gather3A_2883 = arith.constant 0 : i32
    %gather3A_2884 = tpu.memref_slice %arg19[%gather3A_2881, %gather3A_2882, %gather3A_2883] : memref<2x64x128xf32, #tpu.memory_space<vmem>> -> memref<1x64x128xf32, #tpu.memory_space<vmem>>
    %gather3A_2885 = tpu.memref_squeeze %gather3A_2884 : memref<1x64x128xf32, #tpu.memory_space<vmem>> -> memref<64x128xf32, #tpu.memory_space<vmem>>
    %gather3A_2886 = tpu.vector_load_idx %gather3A_2885[%add3A_2855, %and3A_2880] : memref<64x128xf32, #tpu.memory_space<vmem>>[vector<16xi32>, vector<16xi32>], vector<16xf32>,
    %add3A_2887 = arith.addf %add3A_2877, %gather3A_2886 : vector<16xf32>
    %swap3A_2888 = arith.constant 432 : index
    %swap3A_2889 = tpu.vector_load %arg21[%swap3A_2888] {strides = array<i32>} : memref<512xf32, #tpu.memory_space<vmem>>, vector<16xf32>,
    tpu.vector_store %arg21[%swap3A_2888], %add3A_2887 {strides = array<i32>} : memref<512xf32, #tpu.memory_space<vmem>>, vector<16xf32>,
    %dma_wait3A_2890 = arith.constant 1 : i32
    %dma_wait3A_2891 = arith.constant 1 : i32
    %dma_wait3A_2892 = arith.constant 0 : i32
    %dma_wait3A_2893 = arith.constant 0 : i32
    %dma_wait3A_2894 = tpu.memref_slice %arg16[%dma_wait3A_2891, %dma_wait3A_2892, %dma_wait3A_2893] : memref<2x64x128xf32, #tpu.memory_space<vmem>> -> memref<1x64x128xf32, #tpu.memory_space<vmem>>
    %dma_wait3A_2895 = tpu.memref_squeeze %dma_wait3A_2894 : memref<1x64x128xf32, #tpu.memory_space<vmem>> -> memref<64x128xf32, #tpu.memory_space<vmem>>
    %dma_wait3A_2896 = arith.constant 0 : i32
    %dma_wait3A_2897 = tpu.memref_slice %arg12[%dma_wait3A_2890, %dma_wait3A_2896] : memref<2x64xi32, #tpu.memory_space<vmem>> -> memref<1x64xi32, #tpu.memory_space<vmem>>
    %dma_wait3A_2898 = tpu.memref_squeeze %dma_wait3A_2897 : memref<1x64xi32, #tpu.memory_space<vmem>> -> memref<64xi32, #tpu.memory_space<vmem>>
    %dma_wait3A_2899 = arith.constant 0 : i32
    %dma_wait3A_2900 = arith.constant 0 : i32
    %dma_wait3A_2901 = tpu.memref_slice %arg4[%dma_wait3A_2899, %dma_wait3A_2900] : memref<12500x128xf32, #tpu.memory_space<hbm>> -> memref<12500x128xf32, #tpu.memory_space<hbm>>
    tpu.wait_indirect_dma semaphore(%arg23 : memref<!tpu.dma_semaphore, #tpu.memory_space<semaphore_mem>>) src(%dma_wait3A_2901 : memref<12500x128xf32, #tpu.memory_space<hbm>>) dst(%dma_wait3A_2895 : memref<64x128xf32, #tpu.memory_space<vmem>>)
    %dma_wait3A_2902 = arith.constant 1 : i32
    %dma_wait3A_2903 = arith.constant 1 : i32
    %dma_wait3A_2904 = arith.constant 0 : i32
    %dma_wait3A_2905 = arith.constant 0 : i32
    %dma_wait3A_2906 = tpu.memref_slice %arg17[%dma_wait3A_2903, %dma_wait3A_2904, %dma_wait3A_2905] : memref<2x64x128xf32, #tpu.memory_space<vmem>> -> memref<1x64x128xf32, #tpu.memory_space<vmem>>
    %dma_wait3A_2907 = tpu.memref_squeeze %dma_wait3A_2906 : memref<1x64x128xf32, #tpu.memory_space<vmem>> -> memref<64x128xf32, #tpu.memory_space<vmem>>
    %dma_wait3A_2908 = arith.constant 0 : i32
    %dma_wait3A_2909 = tpu.memref_slice %arg13[%dma_wait3A_2902, %dma_wait3A_2908] : memref<2x64xi32, #tpu.memory_space<vmem>> -> memref<1x64xi32, #tpu.memory_space<vmem>>
    %dma_wait3A_2910 = tpu.memref_squeeze %dma_wait3A_2909 : memref<1x64xi32, #tpu.memory_space<vmem>> -> memref<64xi32, #tpu.memory_space<vmem>>
    %dma_wait3A_2911 = arith.constant 0 : i32
    %dma_wait3A_2912 = arith.constant 0 : i32
    %dma_wait3A_2913 = tpu.memref_slice %arg5[%dma_wait3A_2911, %dma_wait3A_2912] : memref<125000x128xf32, #tpu.memory_space<hbm>> -> memref<125000x128xf32, #tpu.memory_space<hbm>>
    tpu.wait_indirect_dma semaphore(%arg23 : memref<!tpu.dma_semaphore, #tpu.memory_space<semaphore_mem>>) src(%dma_wait3A_2913 : memref<125000x128xf32, #tpu.memory_space<hbm>>) dst(%dma_wait3A_2907 : memref<64x128xf32, #tpu.memory_space<vmem>>)
    %dma_wait3A_2914 = arith.constant 1 : i32
    %dma_wait3A_2915 = arith.constant 1 : i32
    %dma_wait3A_2916 = arith.constant 0 : i32
    %dma_wait3A_2917 = arith.constant 0 : i32
    %dma_wait3A_2918 = tpu.memref_slice %arg18[%dma_wait3A_2915, %dma_wait3A_2916, %dma_wait3A_2917] : memref<2x64x128xf32, #tpu.memory_space<vmem>> -> memref<1x64x128xf32, #tpu.memory_space<vmem>>
    %dma_wait3A_2919 = tpu.memref_squeeze %dma_wait3A_2918 : memref<1x64x128xf32, #tpu.memory_space<vmem>> -> memref<64x128xf32, #tpu.memory_space<vmem>>
    %dma_wait3A_2920 = arith.constant 0 : i32
    %dma_wait3A_2921 = tpu.memref_slice %arg14[%dma_wait3A_2914, %dma_wait3A_2920] : memref<2x64xi32, #tpu.memory_space<vmem>> -> memref<1x64xi32, #tpu.memory_space<vmem>>
    %dma_wait3A_2922 = tpu.memref_squeeze %dma_wait3A_2921 : memref<1x64xi32, #tpu.memory_space<vmem>> -> memref<64xi32, #tpu.memory_space<vmem>>
    %dma_wait3A_2923 = arith.constant 0 : i32
    %dma_wait3A_2924 = arith.constant 0 : i32
    %dma_wait3A_2925 = tpu.memref_slice %arg6[%dma_wait3A_2923, %dma_wait3A_2924] : memref<782x128xf32, #tpu.memory_space<hbm>> -> memref<782x128xf32, #tpu.memory_space<hbm>>
    tpu.wait_indirect_dma semaphore(%arg23 : memref<!tpu.dma_semaphore, #tpu.memory_space<semaphore_mem>>) src(%dma_wait3A_2925 : memref<782x128xf32, #tpu.memory_space<hbm>>) dst(%dma_wait3A_2919 : memref<64x128xf32, #tpu.memory_space<vmem>>)
    %dma_wait3A_2926 = arith.constant 1 : i32
    %dma_wait3A_2927 = arith.constant 1 : i32
    %dma_wait3A_2928 = arith.constant 0 : i32
    %dma_wait3A_2929 = arith.constant 0 : i32
    %dma_wait3A_2930 = tpu.memref_slice %arg19[%dma_wait3A_2927, %dma_wait3A_2928, %dma_wait3A_2929] : memref<2x64x128xf32, #tpu.memory_space<vmem>> -> memref<1x64x128xf32, #tpu.memory_space<vmem>>
    %dma_wait3A_2931 = tpu.memref_squeeze %dma_wait3A_2930 : memref<1x64x128xf32, #tpu.memory_space<vmem>> -> memref<64x128xf32, #tpu.memory_space<vmem>>
    %dma_wait3A_2932 = arith.constant 0 : i32
    %dma_wait3A_2933 = tpu.memref_slice %arg15[%dma_wait3A_2926, %dma_wait3A_2932] : memref<2x64xi32, #tpu.memory_space<vmem>> -> memref<1x64xi32, #tpu.memory_space<vmem>>
    %dma_wait3A_2934 = tpu.memref_squeeze %dma_wait3A_2933 : memref<1x64xi32, #tpu.memory_space<vmem>> -> memref<64xi32, #tpu.memory_space<vmem>>
    %dma_wait3A_2935 = arith.constant 0 : i32
    %dma_wait3A_2936 = arith.constant 0 : i32
    %dma_wait3A_2937 = tpu.memref_slice %arg7[%dma_wait3A_2935, %dma_wait3A_2936] : memref<7813x128xf32, #tpu.memory_space<hbm>> -> memref<7813x128xf32, #tpu.memory_space<hbm>>
    tpu.wait_indirect_dma semaphore(%arg23 : memref<!tpu.dma_semaphore, #tpu.memory_space<semaphore_mem>>) src(%dma_wait3A_2937 : memref<7813x128xf32, #tpu.memory_space<hbm>>) dst(%dma_wait3A_2931 : memref<64x128xf32, #tpu.memory_space<vmem>>)
    %get3A_2938 = arith.constant 448 : index
    %get3A_2939 = tpu.vector_load %arg10[%get3A_2938] {strides = array<i32>} : memref<512xi32, #tpu.memory_space<vmem>>, vector<16xi32>,
    %get3A_2940 = arith.constant 448 : index
    %get3A_2941 = tpu.vector_load %arg11[%get3A_2940] {strides = array<i32>} : memref<512xi32, #tpu.memory_space<vmem>>, vector<16xi32>,
    %add3A_2942 = arith.constant 0 : i32
    %add3A_2943 = vector.broadcast %add3A_2942 : i32 to vector<16xi32>
    %add3A_2944 = arith.addi %add3A_2943, %iota3A : vector<16xi32>
    %and3A_2945 = arith.constant 7 : i32
    %and3A_2946 = vector.broadcast %and3A_2945 : i32 to vector<16xi32>
    %and3A_2947 = arith.andi %get3A_2939, %and3A_2946 : vector<16xi32>
    %mul3A_2948 = arith.constant 16 : i32
    %mul3A_2949 = vector.broadcast %mul3A_2948 : i32 to vector<16xi32>
    %mul3A_2950 = arith.muli %and3A_2947, %mul3A_2949 : vector<16xi32>
    %and3A_2951 = arith.constant 7 : i32
    %and3A_2952 = vector.broadcast %and3A_2951 : i32 to vector<16xi32>
    %and3A_2953 = arith.andi %get3A_2941, %and3A_2952 : vector<16xi32>
    %mul3A_2954 = arith.constant 16 : i32
    %mul3A_2955 = vector.broadcast %mul3A_2954 : i32 to vector<16xi32>
    %mul3A_2956 = arith.muli %and3A_2953, %mul3A_2955 : vector<16xi32>
    %and3A_2957 = arith.constant 127 : i32
    %and3A_2958 = vector.broadcast %and3A_2957 : i32 to vector<16xi32>
    %and3A_2959 = arith.andi %get3A_2939, %and3A_2958 : vector<16xi32>
    %gather3A_2960 = arith.constant 1 : i32
    %gather3A_2961 = arith.constant 0 : i32
    %gather3A_2962 = arith.constant 0 : i32
    %gather3A_2963 = tpu.memref_slice %arg18[%gather3A_2960, %gather3A_2961, %gather3A_2962] : memref<2x64x128xf32, #tpu.memory_space<vmem>> -> memref<1x64x128xf32, #tpu.memory_space<vmem>>
    %gather3A_2964 = tpu.memref_squeeze %gather3A_2963 : memref<1x64x128xf32, #tpu.memory_space<vmem>> -> memref<64x128xf32, #tpu.memory_space<vmem>>
    %gather3A_2965 = tpu.vector_load_idx %gather3A_2964[%add3A_2944, %and3A_2959] : memref<64x128xf32, #tpu.memory_space<vmem>>[vector<16xi32>, vector<16xi32>], vector<16xf32>,
    %add3A_2966 = arith.addf %get3A_3, %gather3A_2965 : vector<16xf32>
    %and3A_2967 = arith.constant 127 : i32
    %and3A_2968 = vector.broadcast %and3A_2967 : i32 to vector<16xi32>
    %and3A_2969 = arith.andi %get3A_2941, %and3A_2968 : vector<16xi32>
    %gather3A_2970 = arith.constant 1 : i32
    %gather3A_2971 = arith.constant 0 : i32
    %gather3A_2972 = arith.constant 0 : i32
    %gather3A_2973 = tpu.memref_slice %arg19[%gather3A_2970, %gather3A_2971, %gather3A_2972] : memref<2x64x128xf32, #tpu.memory_space<vmem>> -> memref<1x64x128xf32, #tpu.memory_space<vmem>>
    %gather3A_2974 = tpu.memref_squeeze %gather3A_2973 : memref<1x64x128xf32, #tpu.memory_space<vmem>> -> memref<64x128xf32, #tpu.memory_space<vmem>>
    %gather3A_2975 = tpu.vector_load_idx %gather3A_2974[%add3A_2944, %and3A_2969] : memref<64x128xf32, #tpu.memory_space<vmem>>[vector<16xi32>, vector<16xi32>], vector<16xf32>,
    %add3A_2976 = arith.addf %add3A_2966, %gather3A_2975 : vector<16xf32>
    %swap3A_2977 = arith.constant 448 : index
    %swap3A_2978 = tpu.vector_load %arg21[%swap3A_2977] {strides = array<i32>} : memref<512xf32, #tpu.memory_space<vmem>>, vector<16xf32>,
    tpu.vector_store %arg21[%swap3A_2977], %add3A_2976 {strides = array<i32>} : memref<512xf32, #tpu.memory_space<vmem>>, vector<16xf32>,
    %get3A_2979 = arith.constant 464 : index
    %get3A_2980 = tpu.vector_load %arg10[%get3A_2979] {strides = array<i32>} : memref<512xi32, #tpu.memory_space<vmem>>, vector<16xi32>,
    %get3A_2981 = arith.constant 464 : index
    %get3A_2982 = tpu.vector_load %arg11[%get3A_2981] {strides = array<i32>} : memref<512xi32, #tpu.memory_space<vmem>>, vector<16xi32>,
    %add3A_2983 = arith.constant 16 : i32
    %add3A_2984 = vector.broadcast %add3A_2983 : i32 to vector<16xi32>
    %add3A_2985 = arith.addi %add3A_2984, %iota3A : vector<16xi32>
    %and3A_2986 = arith.constant 7 : i32
    %and3A_2987 = vector.broadcast %and3A_2986 : i32 to vector<16xi32>
    %and3A_2988 = arith.andi %get3A_2980, %and3A_2987 : vector<16xi32>
    %mul3A_2989 = arith.constant 16 : i32
    %mul3A_2990 = vector.broadcast %mul3A_2989 : i32 to vector<16xi32>
    %mul3A_2991 = arith.muli %and3A_2988, %mul3A_2990 : vector<16xi32>
    %and3A_2992 = arith.constant 7 : i32
    %and3A_2993 = vector.broadcast %and3A_2992 : i32 to vector<16xi32>
    %and3A_2994 = arith.andi %get3A_2982, %and3A_2993 : vector<16xi32>
    %mul3A_2995 = arith.constant 16 : i32
    %mul3A_2996 = vector.broadcast %mul3A_2995 : i32 to vector<16xi32>
    %mul3A_2997 = arith.muli %and3A_2994, %mul3A_2996 : vector<16xi32>
    %and3A_2998 = arith.constant 127 : i32
    %and3A_2999 = vector.broadcast %and3A_2998 : i32 to vector<16xi32>
    %and3A_3000 = arith.andi %get3A_2980, %and3A_2999 : vector<16xi32>
    %gather3A_3001 = arith.constant 1 : i32
    %gather3A_3002 = arith.constant 0 : i32
    %gather3A_3003 = arith.constant 0 : i32
    %gather3A_3004 = tpu.memref_slice %arg18[%gather3A_3001, %gather3A_3002, %gather3A_3003] : memref<2x64x128xf32, #tpu.memory_space<vmem>> -> memref<1x64x128xf32, #tpu.memory_space<vmem>>
    %gather3A_3005 = tpu.memref_squeeze %gather3A_3004 : memref<1x64x128xf32, #tpu.memory_space<vmem>> -> memref<64x128xf32, #tpu.memory_space<vmem>>
    %gather3A_3006 = tpu.vector_load_idx %gather3A_3005[%add3A_2985, %and3A_3000] : memref<64x128xf32, #tpu.memory_space<vmem>>[vector<16xi32>, vector<16xi32>], vector<16xf32>,
    %add3A_3007 = arith.addf %get3A_3, %gather3A_3006 : vector<16xf32>
    %and3A_3008 = arith.constant 127 : i32
    %and3A_3009 = vector.broadcast %and3A_3008 : i32 to vector<16xi32>
    %and3A_3010 = arith.andi %get3A_2982, %and3A_3009 : vector<16xi32>
    %gather3A_3011 = arith.constant 1 : i32
    %gather3A_3012 = arith.constant 0 : i32
    %gather3A_3013 = arith.constant 0 : i32
    %gather3A_3014 = tpu.memref_slice %arg19[%gather3A_3011, %gather3A_3012, %gather3A_3013] : memref<2x64x128xf32, #tpu.memory_space<vmem>> -> memref<1x64x128xf32, #tpu.memory_space<vmem>>
    %gather3A_3015 = tpu.memref_squeeze %gather3A_3014 : memref<1x64x128xf32, #tpu.memory_space<vmem>> -> memref<64x128xf32, #tpu.memory_space<vmem>>
    %gather3A_3016 = tpu.vector_load_idx %gather3A_3015[%add3A_2985, %and3A_3010] : memref<64x128xf32, #tpu.memory_space<vmem>>[vector<16xi32>, vector<16xi32>], vector<16xf32>,
    %add3A_3017 = arith.addf %add3A_3007, %gather3A_3016 : vector<16xf32>
    %swap3A_3018 = arith.constant 464 : index
    %swap3A_3019 = tpu.vector_load %arg21[%swap3A_3018] {strides = array<i32>} : memref<512xf32, #tpu.memory_space<vmem>>, vector<16xf32>,
    tpu.vector_store %arg21[%swap3A_3018], %add3A_3017 {strides = array<i32>} : memref<512xf32, #tpu.memory_space<vmem>>, vector<16xf32>,
    %get3A_3020 = arith.constant 480 : index
    %get3A_3021 = tpu.vector_load %arg10[%get3A_3020] {strides = array<i32>} : memref<512xi32, #tpu.memory_space<vmem>>, vector<16xi32>,
    %get3A_3022 = arith.constant 480 : index
    %get3A_3023 = tpu.vector_load %arg11[%get3A_3022] {strides = array<i32>} : memref<512xi32, #tpu.memory_space<vmem>>, vector<16xi32>,
    %add3A_3024 = arith.constant 32 : i32
    %add3A_3025 = vector.broadcast %add3A_3024 : i32 to vector<16xi32>
    %add3A_3026 = arith.addi %add3A_3025, %iota3A : vector<16xi32>
    %and3A_3027 = arith.constant 7 : i32
    %and3A_3028 = vector.broadcast %and3A_3027 : i32 to vector<16xi32>
    %and3A_3029 = arith.andi %get3A_3021, %and3A_3028 : vector<16xi32>
    %mul3A_3030 = arith.constant 16 : i32
    %mul3A_3031 = vector.broadcast %mul3A_3030 : i32 to vector<16xi32>
    %mul3A_3032 = arith.muli %and3A_3029, %mul3A_3031 : vector<16xi32>
    %and3A_3033 = arith.constant 7 : i32
    %and3A_3034 = vector.broadcast %and3A_3033 : i32 to vector<16xi32>
    %and3A_3035 = arith.andi %get3A_3023, %and3A_3034 : vector<16xi32>
    %mul3A_3036 = arith.constant 16 : i32
    %mul3A_3037 = vector.broadcast %mul3A_3036 : i32 to vector<16xi32>
    %mul3A_3038 = arith.muli %and3A_3035, %mul3A_3037 : vector<16xi32>
    %and3A_3039 = arith.constant 127 : i32
    %and3A_3040 = vector.broadcast %and3A_3039 : i32 to vector<16xi32>
    %and3A_3041 = arith.andi %get3A_3021, %and3A_3040 : vector<16xi32>
    %gather3A_3042 = arith.constant 1 : i32
    %gather3A_3043 = arith.constant 0 : i32
    %gather3A_3044 = arith.constant 0 : i32
    %gather3A_3045 = tpu.memref_slice %arg18[%gather3A_3042, %gather3A_3043, %gather3A_3044] : memref<2x64x128xf32, #tpu.memory_space<vmem>> -> memref<1x64x128xf32, #tpu.memory_space<vmem>>
    %gather3A_3046 = tpu.memref_squeeze %gather3A_3045 : memref<1x64x128xf32, #tpu.memory_space<vmem>> -> memref<64x128xf32, #tpu.memory_space<vmem>>
    %gather3A_3047 = tpu.vector_load_idx %gather3A_3046[%add3A_3026, %and3A_3041] : memref<64x128xf32, #tpu.memory_space<vmem>>[vector<16xi32>, vector<16xi32>], vector<16xf32>,
    %add3A_3048 = arith.addf %get3A_3, %gather3A_3047 : vector<16xf32>
    %and3A_3049 = arith.constant 127 : i32
    %and3A_3050 = vector.broadcast %and3A_3049 : i32 to vector<16xi32>
    %and3A_3051 = arith.andi %get3A_3023, %and3A_3050 : vector<16xi32>
    %gather3A_3052 = arith.constant 1 : i32
    %gather3A_3053 = arith.constant 0 : i32
    %gather3A_3054 = arith.constant 0 : i32
    %gather3A_3055 = tpu.memref_slice %arg19[%gather3A_3052, %gather3A_3053, %gather3A_3054] : memref<2x64x128xf32, #tpu.memory_space<vmem>> -> memref<1x64x128xf32, #tpu.memory_space<vmem>>
    %gather3A_3056 = tpu.memref_squeeze %gather3A_3055 : memref<1x64x128xf32, #tpu.memory_space<vmem>> -> memref<64x128xf32, #tpu.memory_space<vmem>>
    %gather3A_3057 = tpu.vector_load_idx %gather3A_3056[%add3A_3026, %and3A_3051] : memref<64x128xf32, #tpu.memory_space<vmem>>[vector<16xi32>, vector<16xi32>], vector<16xf32>,
    %add3A_3058 = arith.addf %add3A_3048, %gather3A_3057 : vector<16xf32>
    %swap3A_3059 = arith.constant 480 : index
    %swap3A_3060 = tpu.vector_load %arg21[%swap3A_3059] {strides = array<i32>} : memref<512xf32, #tpu.memory_space<vmem>>, vector<16xf32>,
    tpu.vector_store %arg21[%swap3A_3059], %add3A_3058 {strides = array<i32>} : memref<512xf32, #tpu.memory_space<vmem>>, vector<16xf32>,
    %get3A_3061 = arith.constant 496 : index
    %get3A_3062 = tpu.vector_load %arg10[%get3A_3061] {strides = array<i32>} : memref<512xi32, #tpu.memory_space<vmem>>, vector<16xi32>,
    %get3A_3063 = arith.constant 496 : index
    %get3A_3064 = tpu.vector_load %arg11[%get3A_3063] {strides = array<i32>} : memref<512xi32, #tpu.memory_space<vmem>>, vector<16xi32>,
    %add3A_3065 = arith.constant 48 : i32
    %add3A_3066 = vector.broadcast %add3A_3065 : i32 to vector<16xi32>
    %add3A_3067 = arith.addi %add3A_3066, %iota3A : vector<16xi32>
    %and3A_3068 = arith.constant 7 : i32
    %and3A_3069 = vector.broadcast %and3A_3068 : i32 to vector<16xi32>
    %and3A_3070 = arith.andi %get3A_3062, %and3A_3069 : vector<16xi32>
    %mul3A_3071 = arith.constant 16 : i32
    %mul3A_3072 = vector.broadcast %mul3A_3071 : i32 to vector<16xi32>
    %mul3A_3073 = arith.muli %and3A_3070, %mul3A_3072 : vector<16xi32>
    %and3A_3074 = arith.constant 7 : i32
    %and3A_3075 = vector.broadcast %and3A_3074 : i32 to vector<16xi32>
    %and3A_3076 = arith.andi %get3A_3064, %and3A_3075 : vector<16xi32>
    %mul3A_3077 = arith.constant 16 : i32
    %mul3A_3078 = vector.broadcast %mul3A_3077 : i32 to vector<16xi32>
    %mul3A_3079 = arith.muli %and3A_3076, %mul3A_3078 : vector<16xi32>
    %and3A_3080 = arith.constant 127 : i32
    %and3A_3081 = vector.broadcast %and3A_3080 : i32 to vector<16xi32>
    %and3A_3082 = arith.andi %get3A_3062, %and3A_3081 : vector<16xi32>
    %gather3A_3083 = arith.constant 1 : i32
    %gather3A_3084 = arith.constant 0 : i32
    %gather3A_3085 = arith.constant 0 : i32
    %gather3A_3086 = tpu.memref_slice %arg18[%gather3A_3083, %gather3A_3084, %gather3A_3085] : memref<2x64x128xf32, #tpu.memory_space<vmem>> -> memref<1x64x128xf32, #tpu.memory_space<vmem>>
    %gather3A_3087 = tpu.memref_squeeze %gather3A_3086 : memref<1x64x128xf32, #tpu.memory_space<vmem>> -> memref<64x128xf32, #tpu.memory_space<vmem>>
    %gather3A_3088 = tpu.vector_load_idx %gather3A_3087[%add3A_3067, %and3A_3082] : memref<64x128xf32, #tpu.memory_space<vmem>>[vector<16xi32>, vector<16xi32>], vector<16xf32>,
    %add3A_3089 = arith.addf %get3A_3, %gather3A_3088 : vector<16xf32>
    %and3A_3090 = arith.constant 127 : i32
    %and3A_3091 = vector.broadcast %and3A_3090 : i32 to vector<16xi32>
    %and3A_3092 = arith.andi %get3A_3064, %and3A_3091 : vector<16xi32>
    %gather3A_3093 = arith.constant 1 : i32
    %gather3A_3094 = arith.constant 0 : i32
    %gather3A_3095 = arith.constant 0 : i32
    %gather3A_3096 = tpu.memref_slice %arg19[%gather3A_3093, %gather3A_3094, %gather3A_3095] : memref<2x64x128xf32, #tpu.memory_space<vmem>> -> memref<1x64x128xf32, #tpu.memory_space<vmem>>
    %gather3A_3097 = tpu.memref_squeeze %gather3A_3096 : memref<1x64x128xf32, #tpu.memory_space<vmem>> -> memref<64x128xf32, #tpu.memory_space<vmem>>
    %gather3A_3098 = tpu.vector_load_idx %gather3A_3097[%add3A_3067, %and3A_3092] : memref<64x128xf32, #tpu.memory_space<vmem>>[vector<16xi32>, vector<16xi32>], vector<16xf32>,
    %add3A_3099 = arith.addf %add3A_3089, %gather3A_3098 : vector<16xf32>
    %swap3A_3100 = arith.constant 496 : index
    %swap3A_3101 = tpu.vector_load %arg21[%swap3A_3100] {strides = array<i32>} : memref<512xf32, #tpu.memory_space<vmem>>, vector<16xf32>,
    tpu.vector_store %arg21[%swap3A_3100], %add3A_3099 {strides = array<i32>} : memref<512xf32, #tpu.memory_space<vmem>>, vector<16xf32>,
    "tpu.region"() ({
      %run_scoped3A = tpu.sem_alloc : memref<!tpu.dma_semaphore, #tpu.memory_space<semaphore_mem>>
      %dma_start3A_3102 = tpu.memref_slice %arg9[%mul3A_2] : memref<16384xf32, #tpu.memory_space<hbm>> -> memref<512xf32, #tpu.memory_space<hbm>>
      %dma_start3A_3103 = tpu.memref_slice %arg9[%mul3A_2] : memref<16384xf32, #tpu.memory_space<hbm>> -> memref<512xf32, #tpu.memory_space<hbm>>
      tpu.enqueue_dma source(%arg21 : memref<512xf32, #tpu.memory_space<vmem>>) target(%dma_start3A_3103 : memref<512xf32, #tpu.memory_space<hbm>>) target_semaphore(%run_scoped3A : memref<!tpu.dma_semaphore, #tpu.memory_space<semaphore_mem>>)
      %dma_wait3A_3104 = tpu.memref_slice %arg9[%mul3A_2] : memref<16384xf32, #tpu.memory_space<hbm>> -> memref<512xf32, #tpu.memory_space<hbm>>
      %dma_wait3A_3105 = tpu.memref_slice %arg9[%mul3A_2] : memref<16384xf32, #tpu.memory_space<hbm>> -> memref<512xf32, #tpu.memory_space<hbm>>
      tpu.wait_dma2 semaphore(%run_scoped3A : memref<!tpu.dma_semaphore, #tpu.memory_space<semaphore_mem>>) src(%arg21 : memref<512xf32, #tpu.memory_space<vmem>>) dst(%dma_wait3A_3105 : memref<512xf32, #tpu.memory_space<hbm>>)
      tpu.yield
    }) : () -> ()
    return
  }
}

</mosaic_0001>

<sc_bundles>
// kernel: kernel.3.cloned.1.call-start
scs
__scs_entry_jumppad:
0x0: {  	(pc) =	sbr.rel $0x88, $3  }
0x1: {  	(tag) =	ssettag $0x0;
	lr =	simm.s32 $0x1  }
0x2: {  	[smem:$0x3F9A] =	sst lr;
	_ =	strace $0xD0000000  }
0x3: {  	_ = 	snop  }
0x4: {  	_ = 	snop  }
0x5: {  	_ = 	snop  }
0x6: {  	_ = 	snop  }
0x7: {  	_ = 	snop  }
__scs_overlays_trampoline_lowered:
0x8: {  	[smem:$0x3FA9] =	sst s0  }
0x9: {  	[smem:$0x3FAA] =	sst s1  }
0xa: {  	[smem:$0x3FAB] =	sst s2  }
0xb: {  	[smem:$0x3FAC] =	sst s3  }
0xc: {  	[smem:$0x3FAD] =	sst s4  }
0xd: {  	[smem:$0x3FAE] =	sst s5  }
0xe: {  	[smem:$0x3FAF] =	sst s6  }
0xf: {  	[smem:$0x3FB0] =	sst s7  }
0x10: {  	[smem:$0x3FB1] =	sst s8  }
0x11: {  	[smem:$0x3FB2] =	sst s9;
	s0 =	simm.s32 @!p0 $0x0  }
0x12: {  	s1 =	sld [smem:$0x3F98];
	s0 =	simm.s32 @p0 $0x1  }
0x13: {  	[smem:$0x3FB3] =	sst s0;
	s0 =	simm.s32 @!p1 $0x0  }
0x14: {  	s2 =	sld [smem:$0x3F97];
	s0 =	simm.s32 @p1 $0x1  }
0x15: {  	[smem:$0x3FB4] =	sst s0;
	s0 =	simm.s32 @!p2 $0x0  }
0x16: {  	s3 =	sld [smem:$0x3FDB];
	s0 =	simm.s32 @p2 $0x1  }
0x17: {  	s4 =	simm.s32 $0x1BF5;
	[smem:$0x3FB6] =	sst s0  }
0x18: {  	s0 =	sld [smem:$0x3F99];
	_ =	swait.ge [sflag:s4], $0x0  }
0x19: {  	s7 =	sld [smem:$0x3F9A]  }
0x1a: {  	s8 =	sadd.s32 $0xFFFFE003, lr  }
0x1b: {  	s9 =	sadd.s32 $0xFFFFFEF7, lr;
	s5 =	simm.s32 $0xFFFFFFFF;
	p2 =	slt.u32 s8, $0xFFFFF086  }
0x1c: {  	p1 =	slt.u32 s9, $0xF7A;
	s5 =	simm.s32 @!p2 $0x0  }
0x1d: {  	s5 =	simm.s32 @p1 $0x1;
	p0 =	seq.s32 s7, s2  }
0x1e: {  	s7 =	smul.u32 @!p0 $0xF7A, s2;
	p2 =	seq.s32 @!p0 s5, $0x0  }
0x1f: {  	s9 =	smul.u32 $0xF7A, s1;
	s8 =	simm.s32 @!p0 $0x1BF5;
	p2 =	por !p2, p0  }
0x20: {  	[sflag:s8] =	ssyncset.s32 @!p0 $0xFFFFF086;
	s6 =	sadd.s32 @!p0 s3, s7;
	s7 =	simm.s32 @!p0 $0x108  }
0x21: {  	s3 =	sadd.s32 s3, s9;
	s6 =	sadd.s32 @!p0 $0x88, s6;
	s7 =	simm.s32 @p2 $0x1082  }
0x22: {  	[simem:s7], [sflag:s8] =	dma.local @!p0 [hbm:s6], $0xF7A  }
0x23: {  	s9 =	sor.u32 $0xD0000000, s2;
	s6 =	simm.s32 $0x108;
	_ =	swait.ge @!p0 [sflag:s8], $0x0  }
0x24: {  	s3 =	sadd.s32 $0x88, s3;
	s6 =	simm.s32 @!p1 $0x1082;
	[sflag:s4] =	ssyncset.s32 $0xFFFFF086  }
0x25: {  	[simem:s6], [sflag:s4] =	dma.local [hbm:s3], $0xF7A  }
0x26: {  	[smem:$0x3F9A] =	sst s1;
	(tag) =	ssettag s2;
	_ =	strace s9  }
0x27: {  	s1 =	sld [smem:$0x3FAA]  }
0x28: {  	s2 =	sld [smem:$0x3FAB]  }
0x29: {  	s4 =	sld [smem:$0x3FAD]  }
0x2a: {  	p0 =	seq.s32 s5, $0x0;
	s5 =	sld [smem:$0x3FAE]  }
0x2b: {  	s6 =	sld [smem:$0x3FAF]  }
0x2c: {  	s7 =	sld [smem:$0x3FB0]  }
0x2d: {  	s3 =	simm.s32 $0x108;
	s8 =	sld [smem:$0x3FB1]  }
0x2e: {  	s3 =	simm.s32 @!p0 $0x1082;
	s9 =	sld [smem:$0x3FB2]  }
0x2f: {  	lr =	sadd.s32 s0, s3;
	s0 =	sld [smem:$0x3FA9]  }
0x30: {  	s3 =	sld [smem:$0x3FAC]  }
0x31: {  	[smem:$0x3FB5] =	sst s10  }
0x32: {  	s10 =	sld [smem:$0x3FB3];
	_ =	sdelay $0x3  }
0x33: {  	p0 =	seq.s32 s10, $0x1;
	s10 =	sld [smem:$0x3FB5];
	_ =	sdelay $0x3  }
0x34: {  	[smem:$0x3FB5] =	sst s10  }
0x35: {  	s10 =	sld [smem:$0x3FB4];
	_ =	sdelay $0x3  }
0x36: {  	p1 =	seq.s32 s10, $0x1;
	s10 =	sld [smem:$0x3FB5];
	_ =	sdelay $0x3  }
0x37: {  	[smem:$0x3FB5] =	sst s10  }
0x38: {  	s10 =	sld [smem:$0x3FB6]  }
0x39: {  	_ = 	snop;
	(pc) =	sbr.ind lr, $3  }
0x3a: {  	_ = 	snop  }
0x3b: {  	_ = 	snop  }
0x3c: {  	p2 =	seq.s32 s10, $0x1;
	s10 =	sld [smem:$0x3FB5]  }
0x3d: {  	_ =	shalt  }
0x3e: {  	_ =	shalt  }
0x3f: {  	_ =	shalt  }
0x40: {  	_ =	shalt  }
0x41: {  	_ =	shalt  }
0x42: {  	_ =	shalt  }
0x43: {  	_ =	shalt  }
0x44: {  	_ =	shalt  }
0x45: {  	_ =	shalt  }
0x46: {  	_ =	shalt  }
0x47: {  	_ =	shalt  }
0x48: {  	_ =	shalt  }
0x49: {  	_ =	shalt  }
0x4a: {  	_ =	shalt  }
0x4b: {  	_ =	shalt  }
0x4c: {  	_ =	shalt  }
0x4d: {  	_ =	shalt  }
0x4e: {  	_ =	shalt  }
0x4f: {  	_ =	shalt  }
0x50: {  	_ =	shalt  }
0x51: {  	_ =	shalt  }
0x52: {  	_ =	shalt  }
0x53: {  	_ =	shalt  }
0x54: {  	_ =	shalt  }
0x55: {  	_ =	shalt  }
0x56: {  	_ =	shalt  }
0x57: {  	_ =	shalt  }
0x58: {  	_ =	shalt  }
0x59: {  	_ =	shalt  }
0x5a: {  	_ =	shalt  }
0x5b: {  	_ =	shalt  }
0x5c: {  	_ =	shalt  }
0x5d: {  	_ =	shalt  }
0x5e: {  	_ =	shalt  }
0x5f: {  	_ =	shalt  }
0x60: {  	_ =	shalt  }
0x61: {  	_ =	shalt  }
0x62: {  	_ =	shalt  }
0x63: {  	_ =	shalt  }
0x64: {  	_ =	shalt  }
0x65: {  	_ =	shalt  }
0x66: {  	_ =	shalt  }
0x67: {  	_ =	shalt  }
0x68: {  	_ =	shalt  }
0x69: {  	_ =	shalt  }
0x6a: {  	_ =	shalt  }
0x6b: {  	_ =	shalt  }
0x6c: {  	_ =	shalt  }
0x6d: {  	_ =	shalt  }
0x6e: {  	_ =	shalt  }
0x6f: {  	_ =	shalt  }
0x70: {  	_ =	shalt  }
0x71: {  	_ =	shalt  }
0x72: {  	_ =	shalt  }
0x73: {  	_ =	shalt  }
0x74: {  	_ =	shalt  }
0x75: {  	_ =	shalt  }
0x76: {  	_ =	shalt  }
0x77: {  	_ =	shalt  }
0x78: {  	_ =	shalt  }
0x79: {  	_ =	shalt  }
0x7a: {  	_ =	shalt  }
0x7b: {  	_ =	shalt  }
0x7c: {  	_ =	shalt  }
0x7d: {  	_ =	shalt  }
0x7e: {  	_ =	shalt  }
0x7f: {  	_ =	shalt  }
0x80: {  	_ =	shalt  }
0x81: {  	_ =	shalt  }
0x82: {  	_ =	shalt  }
0x83: {  	_ =	shalt  }
0x84: {  	_ =	shalt  }
0x85: {  	_ =	shalt  }
0x86: {  	_ =	shalt  }
0x87: {  	_ =	shalt  }
.Lfunc_end0:
.L_simem_size_0:
called_computation_lowered:
.L_overlay_start_0:
0x88: {  	s2 =	sld [smem:$0x3FD9]  }
0x89: {  	s3 =	sld [smem:$0x3FFE];
	_ =	sdelay $0x1  }
0x8a: {  	s1 =	srdreg.scid  }
0x8b: {  	s0 =	sand.u32 $0x1, s1  }
0x8c: {  	s17 =	sshll.u32 s0, $0xA;
	s2 =	sadd.s32 s3, s2  }
0x8d: {  	s2 =	sadd.s32 s2, s17  }
0x8e: {  	[smem:$0x3FC1] =	sst s2  }
0x8f: {  	_ = 	snop  }
0x90: {  	s2 =	sld [smem:$0x3FC9]  }
0x91: {  	s18 =	sld [smem:$0x3FC8]  }
0x92: {  	s4 =	sld [smem:$0x3FD0];
	(tm) =	ssettm $0x1  }
0x93: {  	s5 =	sld [smem:$0x3FFB];
	_ =	sdelay $0x3  }
0x94: {  	_ =	strace s5  }
0x95: {  	s5 =	sld [smem:$0x3FFC];
	_ =	sdelay $0x3  }
0x96: {  	_ =	strace s5  }
0x97: {  	s5 =	sld [smem:$0x3FFD];
	_ =	sdelay $0x3  }
0x98: {  	_ =	strace s5  }
0x99: {  	_ =	strace $0x8FFFFFFF  }
0x9a: {  	s19 =	sld [smem:$0x3FDB];
	_ =	sdelay $0x1  }
0x9b: {  	s6 =	simm.s32 $_scs_section_size  }
0x9c: {  	s7 =	simm.s32 $_size__tile_overlayer_lowered;
	s8 =	simm.s32 $_tile_overlayer_lowered  }
0x9d: {  	s22 =	simm.s32 $0x1BFF;
	s21 =	sshll.u32 s8, $0x1;
	s5 =	sadd.s32 s6, s19  }
0x9e: {  	s9 =	simm.s32 $0x0;
	s20 =	sshll.u32 s7, $0x1;
	s7 =	sadd.s32 s21, s5  }
0x9f: {  	[timem:s9], [sflag:s22] =	dma.local [hbm:s7], s20  }
0xa0: {  	_ =	swait.ge [sflag:s22], s20  }
0xa1: {  	s6 =	ssub.s32 $0x0, s20;
	[sflag:s22] =	ssyncset.done $0x0  }
0xa2: {  	[sflag:s22] =	ssyncadd.s32 s6;
	_ =	sdelay $0x1  }
0xa3: {  	s23 =	simm.s32 $0x1B8B  }
0xa4: {  	_ =	swait.ge [sflag:s23], $0x1  }
0xa5: {  	[sflag:s23] =	ssyncset.done $0x0  }
0xa6: {  	s25 =	simm.s32 $0x1B8E;
	s24 =	sld [smem:$0x3FFE];
	[sflag:s23] =	ssyncadd.s32 $0xFFFFFFFF  }
0xa7: {  	s26 =	simm.s32 $execute0_lowered;
	[smem:$0x3FD2] =	sst s25  }
0xa8: {  	s7 =	sshll.u32 s26, $0x1;
	_ =	strace $0x80000046;
	[dreg:$0x1] =	wrdreg $0xFFFFFFFF  }
0xa9: {  	s28 =	simm.s32 $_size_execute0_lowered;
	s5 =	sadd.s32 s5, s7;
	[dreg:$0x0] =	wrdreg $0x0  }
0xaa: {  	s7 =	sshll.u32 s28, $0x1;
	[dreg:$0x2] =	wrdreg s5  }
0xab: {  	[dreg:$0x3] =	wrdreg s7  }
0xac: {  	[dreg:$0x4] =	wrdreg $0xC0  }
0xad: {  	_ =	task [dreg:s9], $0x5FFFF  }
0xae: {  	[dreg:$0x1] =	wrdreg $0xFFFFFFFF  }
0xaf: {  	[dreg:$0x0] =	wrdreg $0x60  }
0xb0: {  	[dreg:$0x2] =	wrdreg s2  }
0xb1: {  	[dreg:$0x3] =	wrdreg s18  }
0xb2: {  	[dreg:$0x4] =	wrdreg s24  }
0xb3: {  	[dreg:$0x5] =	wrdreg s4  }
0xb4: {  	[dreg:$0x6] =	wrdreg $0x9  }
0xb5: {  	_ =	task.clear_ibuf [dreg:s9], $0x7FFFF;
	_ =	strace $0x90000046  }
0xb6: {  	s29 =	simm.s32 $0x9;
	_ =	strace $0x80000048  }
0xb7: {  	_ =	swait.ge [sflag:s29], $0x1  }
0xb8: {  	[sflag:s29] =	ssyncadd.s32 $0xFFFFFFFF  }
0xb9: {  	_ =	strace $0x90000048  }
0xba: {  	_ =	sfence  }
0xbb: {  	s30 =	sld [smem:$0x0];
	_ =	sdelay $0x2  }
0xbc: {  	s31 =	sshll.u32 s1, $0xD;
	s1 =	sshrl.u32 s1, $0x2  }
0xbd: {  	s3 =	sand.u32 $0x4000, s31;
	s1 =	sadd.s32 s1, s30  }
0xbe: {  	s0 =	sor.u32 s3, s0;
	s1 =	sshll.u32 s1, $0x11  }
0xbf: {  	s0 =	sor.u32 s1, s0  }
0xc0: {  	s0 =	sadd.s32 $0x8F2B, s0  }
0xc1: {  	[sflag:s0] =	ssyncadd.remote.s32 $0x1  }
0xc2: {  	_ =	sfence.sel $0xFFFF  }
0xc3: {  	[dreg:$0x0] =	wrdreg $0xFFFFFFFF;
	(pc) =	sbr.abs _section_cstart, $3  }
0xc4: {  	[dreg:$0x1] =	wrdreg $0xFFFFFFFF  }
0xc5: {  	_ =	task.clear_ibuf [dreg:s9], $0x2FFFF;
	_ =	strace $0x9FFFFFFF  }
0xc6: {  	(tm) =	ssettm $0x7FFFFFFF  }
0xc7: {  	_ =	shalt  }
tec
execute0_lowered:
.L_overlay_start_1:
0x0: {  	(tag) =	ssettag $0x1  }
0x1: {  	s0 =	rddreg [dreg:$0x0]  }
0x2: {  	s7 =	rddreg [dreg:$0x1]  }
0x3: {  	s8 =	rddreg [dreg:$0x2]  }
0x4: {  	s9 =	rddreg [dreg:$0x3];
	s1 =	simm.s32 $0x0;
	s5 =	srdreg.scid  }
0x5: {  	s2 =	stileid.u32;
	s13 =	simm.s32 $0x400;
	s14 =	simm.s32 $0x800  }
0x6: {  	s15 =	simm.s32 $0x500;
	s16 =	simm.s32 $0x4800;
	s17 =	simm.s32 $0x600  }
0x7: {  	s18 =	simm.s32 $0x8800;
	s19 =	simm.s32 $0x700;
	s20 =	simm.s32 $0xC800  }
0x8: {  	s21 =	simm.s32 $0x480;
	s22 =	simm.s32 $0x2800;
	s23 =	simm.s32 $0x580  }
0x9: {  	s24 =	simm.s32 $0x6800;
	s28 =	simm.s32 $0x780;
	s29 =	simm.s32 $0xE800  }
0xa: {  	s30 =	simm.s32 $0x1;
	s31 =	simm.s32 $0x2;
	[smem:$0x7FF] =	sst s1  }
0xb: {  	s3 =	sadd.s32 $0x187400, s8;
	s4 =	sadd.s32 $0xF42E00, s8;
	s10 =	sand.u32 $0x1, s5  }
0xc: {  	s5 =	sadd.s32 $0x1F400, s8;
	s11 =	sshll.u32 s2, $0x7;
	s6 =	sadd.s32 $0xA00, s8  }
0xd: {  	s8 =	sadd.s32 $0x22600, s8;
	_ =	strace $0x80000047;
	s12 =	sshll.u32 s10, $0x6  }
0xe: {  	[dreg:$0x5] =	wrdreg s8;
	s25 =	ssub.s32 $0x2, s10;
	s11 =	sor.u32 s12, s11  }
0xf: {  	s10 =	sshrl.u32 s25, $0x1;
	s12 =	simm.s32 $0x40;
	s0 =	sadd.s32 s0, s11  }
0x10: {  	v0 =	vlaneseq.u32;
	s26 =	sadd.s32 s7, s11;
	s8 =	ssub.s32 s25, s10;
	s7 =	sadd.s32 s9, s11  }
0x11: {  	v0 =	vmul.u32 $0x80, v0;
	s9 =	simm.s32 $0x3;
	s10 =	simm.s32 $0x200;
	[dreg:$0x6] =	wrdreg s0  }
0x12: {  	s11 =	simm.s32 $0x10800;
	s25 =	simm.s32 $0x680;
	[dreg:$0x7] =	wrdreg s26  }
0x13: {  	v1 =	vor.u32 $0x800, v0;
	v2 =	vor.u32 $0x1000, v0;
	v3 =	vor.u32 $0x1800, v0;
	s8 =	smax.u32 s8, $0x1;
	s26 =	simm.s32 $0xA800;
	s0 =	simm.s32 $0x10880  }
.LBB2_1:
0x14: {  	s2 =	rddreg [dreg:$0x6]  }
0x15: {  	[tilespmem:s1], [sflag:$0x3] =	stream.linear.gather [hbm4b:s2+s1], $0x200, $0x38;
	[tilespmem:$0x10A80] =	vst v63  }
0x16: {  	_ =	swait.ge [sflag:s9], $0x200  }
0x17: {  	[sflag:s9] =	ssyncset.done $0x0  }
0x18: {  	s2 =	rddreg [dreg:$0x7];
	[sflag:s9] =	ssyncadd.s32 $0xFFFFFE00  }
0x19: {  	[tilespmem:s10], [sflag:$0x3] =	stream.linear.gather [hbm4b:s2+s1], $0x200, $0x38;
	[tilespmem:$0x10A80] =	vst v63  }
0x1a: {  	_ =	swait.ge [sflag:s9], $0x200  }
0x1b: {  	[sflag:s9] =	ssyncset.done $0x0  }
0x1c: {  	s2 =	rddreg [dreg:$0x5];
	[sflag:s9] =	ssyncadd.s32 $0xFFFFFE00  }
0x1d: {  	[tilespmem:s11], [sflag:$0x3] =	stream.linear.gather [hbm4b:s2+s1], $0x80, $0x38;
	[tilespmem:$0x10A80] =	vst v63  }
0x1e: {  	_ =	swait.ge [sflag:s9], $0x80  }
0x1f: {  	[sflag:s9] =	ssyncset.done $0x0  }
0x20: {  	[sflag:s9] =	ssyncadd.s32 $0xFFFFFF80  }
0x21: {  	v4 =	vld [tilespmem:$0x0]  }
0x22: {  	v5 =	vld [tilespmem:$0x200];
	_ =	sdelay $0x2  }
0x23: {  	v6 =	vld [tilespmem:$0x10]  }
0x24: {  	v8 =	vld [tilespmem:$0x210];
	v7 =	vshrl.u32 v4, $0x3  }
0x25: {  	v28 =	vshrl.u32 v5, $0x3;
	[tilespmem:$0x400] =	vst v7  }
0x26: {  	v4 =	vshrl.u32 v4, $0x7;
	[tilespmem:$0x500] =	vst v28  }
0x27: {  	[tilespmem:$0x600] =	vst v4;
	v4 =	vshrl.u32 v5, $0x7;
	v5 =	vld [tilespmem:$0x20]  }
0x28: {  	v29 =	vld [tilespmem:$0x220];
	[tilespmem:$0x700] =	vst v4;
	v4 =	vshrl.u32 v6, $0x3  }
0x29: {  	[tilespmem:$0x410] =	vst v4;
	v4 =	vshrl.u32 v8, $0x3  }
0x2a: {  	v31 =	vld [tilespmem:$0x230];
	[tilespmem:$0x510] =	vst v4;
	v4 =	vshrl.u32 v6, $0x7  }
0x2b: {  	[tilespmem:$0x610] =	vst v4;
	v4 =	vshrl.u32 v8, $0x7  }
0x2c: {  	v30 =	vld [tilespmem:$0x30];
	[tilespmem:$0x710] =	vst v4;
	v4 =	vshrl.u32 v5, $0x3  }
0x2d: {  	[tilespmem:$0x420] =	vst v4;
	v4 =	vshrl.u32 v29, $0x3  }
0x2e: {  	[tilespmem:$0x520] =	vst v4;
	v4 =	vshrl.u32 v5, $0x7  }
0x2f: {  	v5 =	vshrl.u32 v31, $0x7;
	[tilespmem:$0x620] =	vst v4  }
0x30: {  	v4 =	vshrl.u32 v29, $0x7;
	[tilespmem:$0x730] =	vst v5  }
0x31: {  	[tilespmem:$0x720] =	vst v4;
	v4 =	vshrl.u32 v30, $0x3  }
0x32: {  	[tilespmem:$0x430] =	vst v4;
	v4 =	vshrl.u32 v31, $0x3  }
0x33: {  	[tilespmem:$0x530] =	vst v4;
	v4 =	vshrl.u32 v30, $0x7  }
0x34: {  	[tilespmem:$0x630] =	vst v4  }
0x35: {  	v4 =	vld [tilespmem:$0x10800];
	[tilespmem:s14], [sflag:$0x1] =	stream.indirect.gather [hbm4b:s3+s12], $0x80, s13, s12, $0xb8  }
0x36: {  	_ = 	snop  }
0x37: {  	[tilespmem:s16], [sflag:$0x1] =	stream.indirect.gather [hbm4b:s4+s12], $0x80, s15, s12, $0xb8;
	[tilespmem:$0x10A80] =	vst v63  }
0x38: {  	_ = 	snop  }
0x39: {  	[tilespmem:s18], [sflag:$0x1] =	stream.indirect.gather [hbm4b:s5+s12], $0x80, s17, s12, $0xb8;
	[tilespmem:$0x10A80] =	vst v63  }
0x3a: {  	_ = 	snop  }
0x3b: {  	[tilespmem:s20], [sflag:$0x1] =	stream.indirect.gather [hbm4b:s6+s12], $0x80, s19, s12, $0xb8;
	[tilespmem:$0x10A80] =	vst v63  }
0x3c: {  	v5 =	vld [tilespmem:$0x40]  }
0x3d: {  	v32 =	vld [tilespmem:$0x240];
	_ =	sdelay $0x2  }
0x3e: {  	v33 =	vld [tilespmem:$0x50]  }
0x3f: {  	v9 =	vld [tilespmem:$0x250];
	v34 =	vshrl.u32 v5, $0x3  }
0x40: {  	v35 =	vshrl.u32 v32, $0x3;
	[tilespmem:$0x480] =	vst v34  }
0x41: {  	v5 =	vshrl.u32 v5, $0x7;
	[tilespmem:$0x580] =	vst v35  }
0x42: {  	v36 =	vld [tilespmem:$0x60];
	[tilespmem:$0x680] =	vst v5;
	v5 =	vshrl.u32 v32, $0x7  }
0x43: {  	v37 =	vld [tilespmem:$0x260];
	[tilespmem:$0x780] =	vst v5;
	v5 =	vshrl.u32 v33, $0x3  }
0x44: {  	[tilespmem:$0x490] =	vst v5;
	v5 =	vshrl.u32 v9, $0x3  }
0x45: {  	[tilespmem:$0x590] =	vst v5;
	v5 =	vshrl.u32 v33, $0x7  }
0x46: {  	v38 =	vld [tilespmem:$0x70];
	[tilespmem:$0x690] =	vst v5;
	v5 =	vshrl.u32 v9, $0x7  }
0x47: {  	v39 =	vld [tilespmem:$0x270];
	[tilespmem:$0x790] =	vst v5;
	v5 =	vshrl.u32 v36, $0x3  }
0x48: {  	[tilespmem:$0x4A0] =	vst v5;
	v5 =	vshrl.u32 v37, $0x3  }
0x49: {  	[tilespmem:$0x5A0] =	vst v5;
	v5 =	vshrl.u32 v36, $0x7  }
0x4a: {  	[tilespmem:$0x6A0] =	vst v5;
	v5 =	vshrl.u32 v37, $0x7  }
0x4b: {  	[tilespmem:$0x7A0] =	vst v5;
	v5 =	vshrl.u32 v38, $0x3  }
0x4c: {  	[tilespmem:$0x4B0] =	vst v5;
	v5 =	vshrl.u32 v39, $0x3  }
0x4d: {  	[tilespmem:$0x5B0] =	vst v5;
	v5 =	vshrl.u32 v38, $0x7  }
0x4e: {  	[tilespmem:$0x6B0] =	vst v5;
	v5 =	vshrl.u32 v39, $0x7  }
0x4f: {  	[tilespmem:$0x7B0] =	vst v5  }
0x50: {  	[tilespmem:s22], [sflag:$0x2] =	stream.indirect.gather [hbm4b:s3+s12], $0x80, s21, s12, $0xb8;
	[tilespmem:$0x10A80] =	vst v63  }
0x51: {  	_ = 	snop  }
0x52: {  	[tilespmem:s24], [sflag:$0x2] =	stream.indirect.gather [hbm4b:s4+s12], $0x80, s23, s12, $0xb8;
	[tilespmem:$0x10A80] =	vst v63  }
0x53: {  	_ = 	snop  }
0x54: {  	[tilespmem:s26], [sflag:$0x2] =	stream.indirect.gather [hbm4b:s5+s12], $0x80, s25, s12, $0xb8;
	[tilespmem:$0x10A80] =	vst v63  }
0x55: {  	_ = 	snop  }
0x56: {  	[tilespmem:s29], [sflag:$0x2] =	stream.indirect.gather [hbm4b:s6+s12], $0x80, s28, s12, $0xb8;
	[tilespmem:$0x10A80] =	vst v63  }
0x57: {  	_ =	swait.ge [sflag:s30], $0x2000  }
0x58: {  	[sflag:s30] =	ssyncset.done $0x0  }
0x59: {  	[sflag:s30] =	ssyncadd.s32 $0xFFFFE000  }
0x5a: {  	_ =	swait.ge [sflag:s30], $0x2000  }
0x5b: {  	[sflag:s30] =	ssyncset.done $0x0  }
0x5c: {  	[sflag:s30] =	ssyncadd.s32 $0xFFFFE000  }
0x5d: {  	_ =	swait.ge [sflag:s30], $0x2000  }
0x5e: {  	[sflag:s30] =	ssyncset.done $0x0  }
0x5f: {  	[sflag:s30] =	ssyncadd.s32 $0xFFFFE000  }
0x60: {  	_ =	swait.ge [sflag:s30], $0x2000  }
0x61: {  	[sflag:s30] =	ssyncset.done $0x0  }
0x62: {  	[sflag:s30] =	ssyncadd.s32 $0xFFFFE000  }
0x63: {  	v5 =	vld [tilespmem:$0x0];
	_ =	sdelay $0x1  }
0x64: {  	v40 =	vld [tilespmem:$0x200];
	_ =	sdelay $0x2  }
0x65: {  	v5 =	vand.u32 $0x7F, v5  }
0x66: {  	v5 =	vor.u32 v0, v5  }
0x67: {  	v6 =	vand.u32 $0x7F, v40  }
0x68: {  	v6 =	vor.u32 v0, v6;
	_ =	sdelay $0x1  }
0x69: {  	v41 =	vld [tilespmem:$0x10]  }
0x6a: {  	v5 =	vld.idx.msk [tilespmem:v5+s18+$0x0], $0xffff  }
0x6b: {  	v42 =	vld [tilespmem:$0x210]  }
0x6c: {  	v6 =	vld.idx.msk [tilespmem:v6+s20+$0x0], $0xffff;
	_ =	sdelay $0x1  }
0x6d: {  	v7 =	vand.u32 $0x7F, v41  }
0x6e: {  	v7 =	vor.u32 v1, v7;
	v5 =	vadd.f32 v5, v4  }
0x6f: {  	v8 =	vand.u32 $0x7F, v42  }
0x70: {  	v43 =	vor.u32 v1, v8;
	v5 =	vadd.f32 v6, v5;
	_ =	sdelay $0x1  }
0x71: {  	[tilespmem:$0x10880] =	vst v5;
	v5 =	vld [tilespmem:$0x20]  }
0x72: {  	v7 =	vld.idx.msk [tilespmem:v7+s18+$0x0], $0xffff  }
0x73: {  	v44 =	vld [tilespmem:$0x220]  }
0x74: {  	v6 =	vld.idx.msk [tilespmem:v43+s20+$0x0], $0xffff;
	_ =	sdelay $0x1  }
0x75: {  	v5 =	vand.u32 $0x7F, v5  }
0x76: {  	v7 =	vadd.f32 v7, v4;
	v5 =	vor.u32 v2, v5  }
0x77: {  	v8 =	vand.u32 $0x7F, v44  }
0x78: {  	v45 =	vor.u32 v2, v8;
	v6 =	vadd.f32 v6, v7;
	_ =	sdelay $0x1  }
0x79: {  	v46 =	vld [tilespmem:$0x30];
	[tilespmem:$0x10890] =	vst v6  }
0x7a: {  	v5 =	vld.idx.msk [tilespmem:v5+s18+$0x0], $0xffff  }
0x7b: {  	v47 =	vld [tilespmem:$0x230]  }
0x7c: {  	v7 =	vld.idx.msk [tilespmem:v45+s20+$0x0], $0xffff;
	_ =	sdelay $0x1  }
0x7d: {  	v6 =	vand.u32 $0x7F, v46  }
0x7e: {  	v6 =	vor.u32 v3, v6;
	v5 =	vadd.f32 v5, v4  }
0x7f: {  	v8 =	vand.u32 $0x7F, v47  }
0x80: {  	v48 =	vor.u32 v3, v8;
	v5 =	vadd.f32 v7, v5;
	_ =	sdelay $0x1  }
0x81: {  	[tilespmem:$0x108A0] =	vst v5  }
0x82: {  	v5 =	vld.idx.msk [tilespmem:v6+s18+$0x0], $0xffff;
	_ =	sdelay $0x1  }
0x83: {  	v49 =	vld.idx.msk [tilespmem:v48+s20+$0x0], $0xffff;
	_ =	sdelay $0x1  }
0x84: {  	v50 =	vld [tilespmem:$0x80]  }
0x85: {  	v51 =	vld [tilespmem:$0x280];
	v5 =	vadd.f32 v5, v4;
	_ =	sdelay $0x1  }
0x86: {  	v5 =	vadd.f32 v49, v5  }
0x87: {  	v52 =	vld [tilespmem:$0x90]  }
0x88: {  	v53 =	vld [tilespmem:$0x290];
	[tilespmem:$0x108B0] =	vst v5;
	v5 =	vshrl.u32 v50, $0x3  }
0x89: {  	[tilespmem:$0x400] =	vst v5;
	v5 =	vshrl.u32 v51, $0x3  }
0x8a: {  	[tilespmem:$0x500] =	vst v5;
	v5 =	vshrl.u32 v50, $0x7  }
0x8b: {  	v54 =	vld [tilespmem:$0xA0];
	[tilespmem:$0x600] =	vst v5;
	v5 =	vshrl.u32 v51, $0x7  }
0x8c: {  	v55 =	vld [tilespmem:$0x2A0];
	[tilespmem:$0x700] =	vst v5;
	v5 =	vshrl.u32 v52, $0x3  }
0x8d: {  	[tilespmem:$0x410] =	vst v5;
	v5 =	vshrl.u32 v53, $0x3  }
0x8e: {  	[tilespmem:$0x510] =	vst v5;
	v5 =	vshrl.u32 v52, $0x7  }
0x8f: {  	v56 =	vld [tilespmem:$0xB0];
	[tilespmem:$0x610] =	vst v5;
	v5 =	vshrl.u32 v53, $0x7  }
0x90: {  	v57 =	vld [tilespmem:$0x2B0];
	[tilespmem:$0x710] =	vst v5;
	v5 =	vshrl.u32 v54, $0x3  }
0x91: {  	[tilespmem:$0x420] =	vst v5;
	v5 =	vshrl.u32 v55, $0x3  }
0x92: {  	[tilespmem:$0x520] =	vst v5;
	v5 =	vshrl.u32 v54, $0x7  }
0x93: {  	[tilespmem:$0x620] =	vst v5;
	v5 =	vshrl.u32 v55, $0x7  }
0x94: {  	[tilespmem:$0x720] =	vst v5;
	v5 =	vshrl.u32 v56, $0x3  }
0x95: {  	[tilespmem:$0x430] =	vst v5;
	v5 =	vshrl.u32 v57, $0x3  }
0x96: {  	[tilespmem:$0x530] =	vst v5;
	v5 =	vshrl.u32 v56, $0x7  }
0x97: {  	[tilespmem:$0x630] =	vst v5;
	v5 =	vshrl.u32 v57, $0x7  }
0x98: {  	[tilespmem:$0x730] =	vst v5  }
0x99: {  	[tilespmem:s14], [sflag:$0x1] =	stream.indirect.gather [hbm4b:s3+s12], $0x80, s13, s12, $0xb8;
	[tilespmem:$0x10A80] =	vst v63  }
0x9a: {  	_ = 	snop  }
0x9b: {  	[tilespmem:s16], [sflag:$0x1] =	stream.indirect.gather [hbm4b:s4+s12], $0x80, s15, s12, $0xb8;
	[tilespmem:$0x10A80] =	vst v63  }
0x9c: {  	_ = 	snop  }
0x9d: {  	[tilespmem:s18], [sflag:$0x1] =	stream.indirect.gather [hbm4b:s5+s12], $0x80, s17, s12, $0xb8;
	[tilespmem:$0x10A80] =	vst v63  }
0x9e: {  	_ = 	snop  }
0x9f: {  	[tilespmem:s20], [sflag:$0x1] =	stream.indirect.gather [hbm4b:s6+s12], $0x80, s19, s12, $0xb8;
	[tilespmem:$0x10A80] =	vst v63  }
0xa0: {  	_ =	swait.ge [sflag:s31], $0x2000  }
0xa1: {  	[sflag:s31] =	ssyncset.done $0x0  }
0xa2: {  	[sflag:s31] =	ssyncadd.s32 $0xFFFFE000  }
0xa3: {  	_ =	swait.ge [sflag:s31], $0x2000  }
0xa4: {  	[sflag:s31] =	ssyncset.done $0x0  }
0xa5: {  	[sflag:s31] =	ssyncadd.s32 $0xFFFFE000  }
0xa6: {  	_ =	swait.ge [sflag:s31], $0x2000  }
0xa7: {  	[sflag:s31] =	ssyncset.done $0x0  }
0xa8: {  	[sflag:s31] =	ssyncadd.s32 $0xFFFFE000  }
0xa9: {  	_ =	swait.ge [sflag:s31], $0x2000  }
0xaa: {  	[sflag:s31] =	ssyncset.done $0x0  }
0xab: {  	[sflag:s31] =	ssyncadd.s32 $0xFFFFE000  }
0xac: {  	v5 =	vld [tilespmem:$0x40];
	_ =	sdelay $0x1  }
0xad: {  	v58 =	vld [tilespmem:$0x240];
	_ =	sdelay $0x2  }
0xae: {  	v5 =	vand.u32 $0x7F, v5  }
0xaf: {  	v5 =	vor.u32 v0, v5  }
0xb0: {  	v6 =	vand.u32 $0x7F, v58  }
0xb1: {  	v6 =	vor.u32 v0, v6;
	_ =	sdelay $0x1  }
0xb2: {  	v59 =	vld [tilespmem:$0x50]  }
0xb3: {  	v5 =	vld.idx.msk [tilespmem:v5+s26+$0x0], $0xffff  }
0xb4: {  	v60 =	vld [tilespmem:$0x250]  }
0xb5: {  	v6 =	vld.idx.msk [tilespmem:v6+s29+$0x0], $0xffff;
	_ =	sdelay $0x1  }
0xb6: {  	v7 =	vand.u32 $0x7F, v59  }
0xb7: {  	v7 =	vor.u32 v1, v7;
	v5 =	vadd.f32 v5, v4  }
0xb8: {  	v8 =	vand.u32 $0x7F, v60  }
0xb9: {  	v61 =	vor.u32 v1, v8;
	v5 =	vadd.f32 v6, v5;
	_ =	sdelay $0x1  }
0xba: {  	[tilespmem:$0x108C0] =	vst v5;
	v5 =	vld [tilespmem:$0x60]  }
0xbb: {  	v7 =	vld.idx.msk [tilespmem:v7+s26+$0x0], $0xffff  }
0xbc: {  	v62 =	vld [tilespmem:$0x260]  }
0xbd: {  	v6 =	vld.idx.msk [tilespmem:v61+s29+$0x0], $0xffff;
	_ =	sdelay $0x1  }
0xbe: {  	v5 =	vand.u32 $0x7F, v5  }
0xbf: {  	v7 =	vadd.f32 v7, v4;
	v5 =	vor.u32 v2, v5  }
0xc0: {  	v8 =	vand.u32 $0x7F, v62  }
0xc1: {  	v63 =	vor.u32 v2, v8;
	v6 =	vadd.f32 v6, v7;
	_ =	sdelay $0x1  }
0xc2: {  	v12 =	vld [tilespmem:$0x70];
	[tilespmem:$0x108D0] =	vst v6  }
0xc3: {  	v5 =	vld.idx.msk [tilespmem:v5+s26+$0x0], $0xffff  }
0xc4: {  	v13 =	vld [tilespmem:$0x270]  }
0xc5: {  	v7 =	vld.idx.msk [tilespmem:v63+s29+$0x0], $0xffff;
	_ =	sdelay $0x1  }
0xc6: {  	v6 =	vand.u32 $0x7F, v12  }
0xc7: {  	v6 =	vor.u32 v3, v6;
	v5 =	vadd.f32 v5, v4  }
0xc8: {  	v8 =	vand.u32 $0x7F, v13  }
0xc9: {  	v14 =	vor.u32 v3, v8;
	v5 =	vadd.f32 v7, v5;
	_ =	sdelay $0x1  }
0xca: {  	[tilespmem:$0x108E0] =	vst v5  }
0xcb: {  	v5 =	vld.idx.msk [tilespmem:v6+s26+$0x0], $0xffff;
	_ =	sdelay $0x1  }
0xcc: {  	v15 =	vld.idx.msk [tilespmem:v14+s29+$0x0], $0xffff;
	_ =	sdelay $0x1  }
0xcd: {  	v16 =	vld [tilespmem:$0xC0]  }
0xce: {  	v17 =	vld [tilespmem:$0x2C0];
	v5 =	vadd.f32 v5, v4;
	_ =	sdelay $0x1  }
0xcf: {  	v5 =	vadd.f32 v15, v5  }
0xd0: {  	v18 =	vld [tilespmem:$0xD0]  }
0xd1: {  	v19 =	vld [tilespmem:$0x2D0];
	[tilespmem:$0x108F0] =	vst v5;
	v5 =	vshrl.u32 v16, $0x3  }
0xd2: {  	[tilespmem:$0x480] =	vst v5;
	v5 =	vshrl.u32 v17, $0x3  }
0xd3: {  	[tilespmem:$0x580] =	vst v5;
	v5 =	vshrl.u32 v16, $0x7  }
0xd4: {  	v20 =	vld [tilespmem:$0xE0];
	[tilespmem:$0x680] =	vst v5;
	v5 =	vshrl.u32 v17, $0x7  }
0xd5: {  	v21 =	vld [tilespmem:$0x2E0];
	[tilespmem:$0x780] =	vst v5;
	v5 =	vshrl.u32 v18, $0x3  }
0xd6: {  	[tilespmem:$0x490] =	vst v5;
	v5 =	vshrl.u32 v19, $0x3  }
0xd7: {  	[tilespmem:$0x590] =	vst v5;
	v5 =	vshrl.u32 v18, $0x7  }
0xd8: {  	v22 =	vld [tilespmem:$0xF0];
	[tilespmem:$0x690] =	vst v5;
	v5 =	vshrl.u32 v19, $0x7  }
0xd9: {  	v23 =	vld [tilespmem:$0x2F0];
	[tilespmem:$0x790] =	vst v5;
	v5 =	vshrl.u32 v20, $0x3  }
0xda: {  	[tilespmem:$0x4A0] =	vst v5;
	v5 =	vshrl.u32 v21, $0x3  }
0xdb: {  	[tilespmem:$0x5A0] =	vst v5;
	v5 =	vshrl.u32 v20, $0x7  }
0xdc: {  	[tilespmem:$0x6A0] =	vst v5;
	v5 =	vshrl.u32 v21, $0x7  }
0xdd: {  	[tilespmem:$0x7A0] =	vst v5;
	v5 =	vshrl.u32 v22, $0x3  }
0xde: {  	[tilespmem:$0x4B0] =	vst v5;
	v5 =	vshrl.u32 v23, $0x3  }
0xdf: {  	[tilespmem:$0x5B0] =	vst v5;
	v5 =	vshrl.u32 v22, $0x7  }
0xe0: {  	[tilespmem:$0x6B0] =	vst v5;
	v5 =	vshrl.u32 v23, $0x7  }
0xe1: {  	[tilespmem:$0x7B0] =	vst v5  }
0xe2: {  	[tilespmem:s22], [sflag:$0x2] =	stream.indirect.gather [hbm4b:s3+s12], $0x80, s21, s12, $0xb8;
	[tilespmem:$0x10A80] =	vst v63  }
0xe3: {  	_ = 	snop  }
0xe4: {  	[tilespmem:s24], [sflag:$0x2] =	stream.indirect.gather [hbm4b:s4+s12], $0x80, s23, s12, $0xb8;
	[tilespmem:$0x10A80] =	vst v63  }
0xe5: {  	_ = 	snop  }
0xe6: {  	[tilespmem:s26], [sflag:$0x2] =	stream.indirect.gather [hbm4b:s5+s12], $0x80, s25, s12, $0xb8;
	[tilespmem:$0x10A80] =	vst v63  }
0xe7: {  	_ = 	snop  }
0xe8: {  	[tilespmem:s29], [sflag:$0x2] =	stream.indirect.gather [hbm4b:s6+s12], $0x80, s28, s12, $0xb8;
	[tilespmem:$0x10A80] =	vst v63  }
0xe9: {  	_ =	swait.ge [sflag:s30], $0x2000  }
0xea: {  	[sflag:s30] =	ssyncset.done $0x0  }
0xeb: {  	[sflag:s30] =	ssyncadd.s32 $0xFFFFE000  }
0xec: {  	_ =	swait.ge [sflag:s30], $0x2000  }
0xed: {  	[sflag:s30] =	ssyncset.done $0x0  }
0xee: {  	[sflag:s30] =	ssyncadd.s32 $0xFFFFE000  }
0xef: {  	_ =	swait.ge [sflag:s30], $0x2000  }
0xf0: {  	[sflag:s30] =	ssyncset.done $0x0  }
0xf1: {  	[sflag:s30] =	ssyncadd.s32 $0xFFFFE000  }
0xf2: {  	_ =	swait.ge [sflag:s30], $0x2000  }
0xf3: {  	[sflag:s30] =	ssyncset.done $0x0  }
0xf4: {  	[sflag:s30] =	ssyncadd.s32 $0xFFFFE000  }
0xf5: {  	v5 =	vld [tilespmem:$0x80];
	_ =	sdelay $0x1  }
0xf6: {  	v24 =	vld [tilespmem:$0x280];
	_ =	sdelay $0x2  }
0xf7: {  	v5 =	vand.u32 $0x7F, v5  }
0xf8: {  	v5 =	vor.u32 v0, v5  }
0xf9: {  	v6 =	vand.u32 $0x7F, v24  }
0xfa: {  	v6 =	vor.u32 v0, v6;
	_ =	sdelay $0x1  }
0xfb: {  	v25 =	vld [tilespmem:$0x90]  }
0xfc: {  	v5 =	vld.idx.msk [tilespmem:v5+s18+$0x0], $0xffff  }
0xfd: {  	v26 =	vld [tilespmem:$0x290]  }
0xfe: {  	v6 =	vld.idx.msk [tilespmem:v6+s20+$0x0], $0xffff;
	_ =	sdelay $0x1  }
0xff: {  	v7 =	vand.u32 $0x7F, v25  }
0x100: {  	v7 =	vor.u32 v1, v7;
	v5 =	vadd.f32 v5, v4  }
0x101: {  	v8 =	vand.u32 $0x7F, v26  }
0x102: {  	v27 =	vor.u32 v1, v8;
	v5 =	vadd.f32 v6, v5;
	_ =	sdelay $0x1  }
0x103: {  	[tilespmem:$0x10900] =	vst v5;
	v5 =	vld [tilespmem:$0xA0]  }
0x104: {  	v7 =	vld.idx.msk [tilespmem:v7+s18+$0x0], $0xffff  }
0x105: {  	v28 =	vld [tilespmem:$0x2A0]  }
0x106: {  	v6 =	vld.idx.msk [tilespmem:v27+s20+$0x0], $0xffff;
	_ =	sdelay $0x1  }
0x107: {  	v5 =	vand.u32 $0x7F, v5  }
0x108: {  	v7 =	vadd.f32 v7, v4;
	v5 =	vor.u32 v2, v5  }
0x109: {  	v8 =	vand.u32 $0x7F, v28  }
0x10a: {  	v29 =	vor.u32 v2, v8;
	v6 =	vadd.f32 v6, v7;
	_ =	sdelay $0x1  }
0x10b: {  	v30 =	vld [tilespmem:$0xB0];
	[tilespmem:$0x10910] =	vst v6  }
0x10c: {  	v5 =	vld.idx.msk [tilespmem:v5+s18+$0x0], $0xffff  }
0x10d: {  	v31 =	vld [tilespmem:$0x2B0]  }
0x10e: {  	v7 =	vld.idx.msk [tilespmem:v29+s20+$0x0], $0xffff;
	_ =	sdelay $0x1  }
0x10f: {  	v6 =	vand.u32 $0x7F, v30  }
0x110: {  	v6 =	vor.u32 v3, v6;
	v5 =	vadd.f32 v5, v4  }
0x111: {  	v8 =	vand.u32 $0x7F, v31  }
0x112: {  	v32 =	vor.u32 v3, v8;
	v5 =	vadd.f32 v7, v5;
	_ =	sdelay $0x1  }
0x113: {  	[tilespmem:$0x10920] =	vst v5  }
0x114: {  	v5 =	vld.idx.msk [tilespmem:v6+s18+$0x0], $0xffff;
	_ =	sdelay $0x1  }
0x115: {  	v33 =	vld.idx.msk [tilespmem:v32+s20+$0x0], $0xffff;
	_ =	sdelay $0x1  }
0x116: {  	v34 =	vld [tilespmem:$0x100]  }
0x117: {  	v35 =	vld [tilespmem:$0x300];
	v5 =	vadd.f32 v5, v4;
	_ =	sdelay $0x1  }
0x118: {  	v5 =	vadd.f32 v33, v5  }
0x119: {  	v36 =	vld [tilespmem:$0x110]  }
0x11a: {  	v37 =	vld [tilespmem:$0x310];
	[tilespmem:$0x10930] =	vst v5;
	v5 =	vshrl.u32 v34, $0x3  }
0x11b: {  	[tilespmem:$0x400] =	vst v5;
	v5 =	vshrl.u32 v35, $0x3  }
0x11c: {  	[tilespmem:$0x500] =	vst v5;
	v5 =	vshrl.u32 v34, $0x7  }
0x11d: {  	v38 =	vld [tilespmem:$0x120];
	[tilespmem:$0x600] =	vst v5;
	v5 =	vshrl.u32 v35, $0x7  }
0x11e: {  	v39 =	vld [tilespmem:$0x320];
	[tilespmem:$0x700] =	vst v5;
	v5 =	vshrl.u32 v36, $0x3  }
0x11f: {  	[tilespmem:$0x410] =	vst v5;
	v5 =	vshrl.u32 v37, $0x3  }
0x120: {  	[tilespmem:$0x510] =	vst v5;
	v5 =	vshrl.u32 v36, $0x7  }
0x121: {  	v40 =	vld [tilespmem:$0x130];
	[tilespmem:$0x610] =	vst v5;
	v5 =	vshrl.u32 v37, $0x7  }
0x122: {  	v41 =	vld [tilespmem:$0x330];
	[tilespmem:$0x710] =	vst v5;
	v5 =	vshrl.u32 v38, $0x3  }
0x123: {  	[tilespmem:$0x420] =	vst v5;
	v5 =	vshrl.u32 v39, $0x3  }
0x124: {  	[tilespmem:$0x520] =	vst v5;
	v5 =	vshrl.u32 v38, $0x7  }
0x125: {  	[tilespmem:$0x620] =	vst v5;
	v5 =	vshrl.u32 v39, $0x7  }
0x126: {  	[tilespmem:$0x720] =	vst v5;
	v5 =	vshrl.u32 v40, $0x3  }
0x127: {  	[tilespmem:$0x430] =	vst v5;
	v5 =	vshrl.u32 v41, $0x3  }
0x128: {  	[tilespmem:$0x530] =	vst v5;
	v5 =	vshrl.u32 v40, $0x7  }
0x129: {  	[tilespmem:$0x630] =	vst v5;
	v5 =	vshrl.u32 v41, $0x7  }
0x12a: {  	[tilespmem:$0x730] =	vst v5  }
0x12b: {  	[tilespmem:s14], [sflag:$0x1] =	stream.indirect.gather [hbm4b:s3+s12], $0x80, s13, s12, $0xb8;
	[tilespmem:$0x10A80] =	vst v63  }
0x12c: {  	_ = 	snop  }
0x12d: {  	[tilespmem:s16], [sflag:$0x1] =	stream.indirect.gather [hbm4b:s4+s12], $0x80, s15, s12, $0xb8;
	[tilespmem:$0x10A80] =	vst v63  }
0x12e: {  	_ = 	snop  }
0x12f: {  	[tilespmem:s18], [sflag:$0x1] =	stream.indirect.gather [hbm4b:s5+s12], $0x80, s17, s12, $0xb8;
	[tilespmem:$0x10A80] =	vst v63  }
0x130: {  	_ = 	snop  }
0x131: {  	[tilespmem:s20], [sflag:$0x1] =	stream.indirect.gather [hbm4b:s6+s12], $0x80, s19, s12, $0xb8;
	[tilespmem:$0x10A80] =	vst v63  }
0x132: {  	_ =	swait.ge [sflag:s31], $0x2000  }
0x133: {  	[sflag:s31] =	ssyncset.done $0x0  }
0x134: {  	[sflag:s31] =	ssyncadd.s32 $0xFFFFE000  }
0x135: {  	_ =	swait.ge [sflag:s31], $0x2000  }
0x136: {  	[sflag:s31] =	ssyncset.done $0x0  }
0x137: {  	[sflag:s31] =	ssyncadd.s32 $0xFFFFE000  }
0x138: {  	_ =	swait.ge [sflag:s31], $0x2000  }
0x139: {  	[sflag:s31] =	ssyncset.done $0x0  }
0x13a: {  	[sflag:s31] =	ssyncadd.s32 $0xFFFFE000  }
0x13b: {  	_ =	swait.ge [sflag:s31], $0x2000  }
0x13c: {  	[sflag:s31] =	ssyncset.done $0x0  }
0x13d: {  	[sflag:s31] =	ssyncadd.s32 $0xFFFFE000  }
0x13e: {  	v5 =	vld [tilespmem:$0xC0];
	_ =	sdelay $0x1  }
0x13f: {  	v42 =	vld [tilespmem:$0x2C0];
	_ =	sdelay $0x2  }
0x140: {  	v5 =	vand.u32 $0x7F, v5  }
0x141: {  	v5 =	vor.u32 v0, v5  }
0x142: {  	v6 =	vand.u32 $0x7F, v42  }
0x143: {  	v6 =	vor.u32 v0, v6;
	_ =	sdelay $0x1  }
0x144: {  	v43 =	vld [tilespmem:$0xD0]  }
0x145: {  	v5 =	vld.idx.msk [tilespmem:v5+s26+$0x0], $0xffff  }
0x146: {  	v44 =	vld [tilespmem:$0x2D0]  }
0x147: {  	v6 =	vld.idx.msk [tilespmem:v6+s29+$0x0], $0xffff;
	_ =	sdelay $0x1  }
0x148: {  	v7 =	vand.u32 $0x7F, v43  }
0x149: {  	v7 =	vor.u32 v1, v7;
	v5 =	vadd.f32 v5, v4  }
0x14a: {  	v8 =	vand.u32 $0x7F, v44  }
0x14b: {  	v45 =	vor.u32 v1, v8;
	v5 =	vadd.f32 v6, v5;
	_ =	sdelay $0x1  }
0x14c: {  	[tilespmem:$0x10940] =	vst v5;
	v5 =	vld [tilespmem:$0xE0]  }
0x14d: {  	v7 =	vld.idx.msk [tilespmem:v7+s26+$0x0], $0xffff  }
0x14e: {  	v46 =	vld [tilespmem:$0x2E0]  }
0x14f: {  	v6 =	vld.idx.msk [tilespmem:v45+s29+$0x0], $0xffff;
	_ =	sdelay $0x1  }
0x150: {  	v5 =	vand.u32 $0x7F, v5  }
0x151: {  	v7 =	vadd.f32 v7, v4;
	v5 =	vor.u32 v2, v5  }
0x152: {  	v8 =	vand.u32 $0x7F, v46  }
0x153: {  	v47 =	vor.u32 v2, v8;
	v6 =	vadd.f32 v6, v7;
	_ =	sdelay $0x1  }
0x154: {  	v48 =	vld [tilespmem:$0xF0];
	[tilespmem:$0x10950] =	vst v6  }
0x155: {  	v5 =	vld.idx.msk [tilespmem:v5+s26+$0x0], $0xffff  }
0x156: {  	v49 =	vld [tilespmem:$0x2F0]  }
0x157: {  	v7 =	vld.idx.msk [tilespmem:v47+s29+$0x0], $0xffff;
	_ =	sdelay $0x1  }
0x158: {  	v6 =	vand.u32 $0x7F, v48  }
0x159: {  	v6 =	vor.u32 v3, v6;
	v5 =	vadd.f32 v5, v4  }
0x15a: {  	v8 =	vand.u32 $0x7F, v49  }
0x15b: {  	v50 =	vor.u32 v3, v8;
	v5 =	vadd.f32 v7, v5;
	_ =	sdelay $0x1  }
0x15c: {  	[tilespmem:$0x10960] =	vst v5  }
0x15d: {  	v5 =	vld.idx.msk [tilespmem:v6+s26+$0x0], $0xffff;
	_ =	sdelay $0x1  }
0x15e: {  	v51 =	vld.idx.msk [tilespmem:v50+s29+$0x0], $0xffff;
	_ =	sdelay $0x1  }
0x15f: {  	v52 =	vld [tilespmem:$0x140]  }
0x160: {  	v53 =	vld [tilespmem:$0x340];
	v5 =	vadd.f32 v5, v4;
	_ =	sdelay $0x1  }
0x161: {  	v5 =	vadd.f32 v51, v5  }
0x162: {  	v54 =	vld [tilespmem:$0x150]  }
0x163: {  	v55 =	vld [tilespmem:$0x350];
	[tilespmem:$0x10970] =	vst v5;
	v5 =	vshrl.u32 v52, $0x3  }
0x164: {  	[tilespmem:$0x480] =	vst v5;
	v5 =	vshrl.u32 v53, $0x3  }
0x165: {  	[tilespmem:$0x580] =	vst v5;
	v5 =	vshrl.u32 v52, $0x7  }
0x166: {  	v56 =	vld [tilespmem:$0x160];
	[tilespmem:$0x680] =	vst v5;
	v5 =	vshrl.u32 v53, $0x7  }
0x167: {  	v57 =	vld [tilespmem:$0x360];
	[tilespmem:$0x780] =	vst v5;
	v5 =	vshrl.u32 v54, $0x3  }
0x168: {  	[tilespmem:$0x490] =	vst v5;
	v5 =	vshrl.u32 v55, $0x3  }
0x169: {  	[tilespmem:$0x590] =	vst v5;
	v5 =	vshrl.u32 v54, $0x7  }
0x16a: {  	v58 =	vld [tilespmem:$0x170];
	[tilespmem:$0x690] =	vst v5;
	v5 =	vshrl.u32 v55, $0x7  }
0x16b: {  	v59 =	vld [tilespmem:$0x370];
	[tilespmem:$0x790] =	vst v5;
	v5 =	vshrl.u32 v56, $0x3  }
0x16c: {  	[tilespmem:$0x4A0] =	vst v5;
	v5 =	vshrl.u32 v57, $0x3  }
0x16d: {  	[tilespmem:$0x5A0] =	vst v5;
	v5 =	vshrl.u32 v56, $0x7  }
0x16e: {  	[tilespmem:$0x6A0] =	vst v5;
	v5 =	vshrl.u32 v57, $0x7  }
0x16f: {  	[tilespmem:$0x7A0] =	vst v5;
	v5 =	vshrl.u32 v58, $0x3  }
0x170: {  	[tilespmem:$0x4B0] =	vst v5;
	v5 =	vshrl.u32 v59, $0x3  }
0x171: {  	[tilespmem:$0x5B0] =	vst v5;
	v5 =	vshrl.u32 v58, $0x7  }
0x172: {  	[tilespmem:$0x6B0] =	vst v5;
	v5 =	vshrl.u32 v59, $0x7  }
0x173: {  	[tilespmem:$0x7B0] =	vst v5  }
0x174: {  	[tilespmem:s22], [sflag:$0x2] =	stream.indirect.gather [hbm4b:s3+s12], $0x80, s21, s12, $0xb8;
	[tilespmem:$0x10A80] =	vst v63  }
0x175: {  	_ = 	snop  }
0x176: {  	[tilespmem:s24], [sflag:$0x2] =	stream.indirect.gather [hbm4b:s4+s12], $0x80, s23, s12, $0xb8;
	[tilespmem:$0x10A80] =	vst v63  }
0x177: {  	_ = 	snop  }
0x178: {  	[tilespmem:s26], [sflag:$0x2] =	stream.indirect.gather [hbm4b:s5+s12], $0x80, s25, s12, $0xb8;
	[tilespmem:$0x10A80] =	vst v63  }
0x179: {  	_ = 	snop  }
0x17a: {  	[tilespmem:s29], [sflag:$0x2] =	stream.indirect.gather [hbm4b:s6+s12], $0x80, s28, s12, $0xb8;
	[tilespmem:$0x10A80] =	vst v63  }
0x17b: {  	_ =	swait.ge [sflag:s30], $0x2000  }
0x17c: {  	[sflag:s30] =	ssyncset.done $0x0  }
0x17d: {  	[sflag:s30] =	ssyncadd.s32 $0xFFFFE000  }
0x17e: {  	_ =	swait.ge [sflag:s30], $0x2000  }
0x17f: {  	[sflag:s30] =	ssyncset.done $0x0  }
0x180: {  	[sflag:s30] =	ssyncadd.s32 $0xFFFFE000  }
0x181: {  	_ =	swait.ge [sflag:s30], $0x2000  }
0x182: {  	[sflag:s30] =	ssyncset.done $0x0  }
0x183: {  	[sflag:s30] =	ssyncadd.s32 $0xFFFFE000  }
0x184: {  	_ =	swait.ge [sflag:s30], $0x2000  }
0x185: {  	[sflag:s30] =	ssyncset.done $0x0  }
0x186: {  	[sflag:s30] =	ssyncadd.s32 $0xFFFFE000  }
0x187: {  	v5 =	vld [tilespmem:$0x100];
	_ =	sdelay $0x1  }
0x188: {  	v60 =	vld [tilespmem:$0x300];
	_ =	sdelay $0x2  }
0x189: {  	v5 =	vand.u32 $0x7F, v5  }
0x18a: {  	v5 =	vor.u32 v0, v5  }
0x18b: {  	v6 =	vand.u32 $0x7F, v60  }
0x18c: {  	v6 =	vor.u32 v0, v6;
	_ =	sdelay $0x1  }
0x18d: {  	v61 =	vld [tilespmem:$0x110]  }
0x18e: {  	v5 =	vld.idx.msk [tilespmem:v5+s18+$0x0], $0xffff  }
0x18f: {  	v62 =	vld [tilespmem:$0x310]  }
0x190: {  	v6 =	vld.idx.msk [tilespmem:v6+s20+$0x0], $0xffff;
	_ =	sdelay $0x1  }
0x191: {  	v7 =	vand.u32 $0x7F, v61  }
0x192: {  	v7 =	vor.u32 v1, v7;
	v5 =	vadd.f32 v5, v4  }
0x193: {  	v8 =	vand.u32 $0x7F, v62  }
0x194: {  	v63 =	vor.u32 v1, v8;
	v5 =	vadd.f32 v6, v5;
	_ =	sdelay $0x1  }
0x195: {  	[tilespmem:$0x10980] =	vst v5;
	v5 =	vld [tilespmem:$0x120]  }
0x196: {  	v7 =	vld.idx.msk [tilespmem:v7+s18+$0x0], $0xffff  }
0x197: {  	v12 =	vld [tilespmem:$0x320]  }
0x198: {  	v6 =	vld.idx.msk [tilespmem:v63+s20+$0x0], $0xffff;
	_ =	sdelay $0x1  }
0x199: {  	v5 =	vand.u32 $0x7F, v5  }
0x19a: {  	v7 =	vadd.f32 v7, v4;
	v5 =	vor.u32 v2, v5  }
0x19b: {  	v8 =	vand.u32 $0x7F, v12  }
0x19c: {  	v13 =	vor.u32 v2, v8;
	v6 =	vadd.f32 v6, v7;
	_ =	sdelay $0x1  }
0x19d: {  	v14 =	vld [tilespmem:$0x130];
	[tilespmem:$0x10990] =	vst v6  }
0x19e: {  	v5 =	vld.idx.msk [tilespmem:v5+s18+$0x0], $0xffff  }
0x19f: {  	v15 =	vld [tilespmem:$0x330]  }
0x1a0: {  	v7 =	vld.idx.msk [tilespmem:v13+s20+$0x0], $0xffff;
	_ =	sdelay $0x1  }
0x1a1: {  	v6 =	vand.u32 $0x7F, v14  }
0x1a2: {  	v6 =	vor.u32 v3, v6;
	v5 =	vadd.f32 v5, v4  }
0x1a3: {  	v8 =	vand.u32 $0x7F, v15  }
0x1a4: {  	v16 =	vor.u32 v3, v8;
	v5 =	vadd.f32 v7, v5;
	_ =	sdelay $0x1  }
0x1a5: {  	[tilespmem:$0x109A0] =	vst v5  }
0x1a6: {  	v5 =	vld.idx.msk [tilespmem:v6+s18+$0x0], $0xffff;
	_ =	sdelay $0x1  }
0x1a7: {  	v17 =	vld.idx.msk [tilespmem:v16+s20+$0x0], $0xffff;
	_ =	sdelay $0x1  }
0x1a8: {  	v18 =	vld [tilespmem:$0x180]  }
0x1a9: {  	v19 =	vld [tilespmem:$0x380];
	v5 =	vadd.f32 v5, v4;
	_ =	sdelay $0x1  }
0x1aa: {  	v5 =	vadd.f32 v17, v5  }
0x1ab: {  	v20 =	vld [tilespmem:$0x190]  }
0x1ac: {  	v21 =	vld [tilespmem:$0x390];
	[tilespmem:$0x109B0] =	vst v5;
	v5 =	vshrl.u32 v18, $0x3  }
0x1ad: {  	[tilespmem:$0x400] =	vst v5;
	v5 =	vshrl.u32 v19, $0x3  }
0x1ae: {  	[tilespmem:$0x500] =	vst v5;
	v5 =	vshrl.u32 v18, $0x7  }
0x1af: {  	v22 =	vld [tilespmem:$0x1A0];
	[tilespmem:$0x600] =	vst v5;
	v5 =	vshrl.u32 v19, $0x7  }
0x1b0: {  	v23 =	vld [tilespmem:$0x3A0];
	[tilespmem:$0x700] =	vst v5;
	v5 =	vshrl.u32 v20, $0x3  }
0x1b1: {  	[tilespmem:$0x410] =	vst v5;
	v5 =	vshrl.u32 v21, $0x3  }
0x1b2: {  	[tilespmem:$0x510] =	vst v5;
	v5 =	vshrl.u32 v20, $0x7  }
0x1b3: {  	v24 =	vld [tilespmem:$0x1B0];
	[tilespmem:$0x610] =	vst v5;
	v5 =	vshrl.u32 v21, $0x7  }
0x1b4: {  	v25 =	vld [tilespmem:$0x3B0];
	[tilespmem:$0x710] =	vst v5;
	v5 =	vshrl.u32 v22, $0x3  }
0x1b5: {  	[tilespmem:$0x420] =	vst v5;
	v5 =	vshrl.u32 v23, $0x3  }
0x1b6: {  	[tilespmem:$0x520] =	vst v5;
	v5 =	vshrl.u32 v22, $0x7  }
0x1b7: {  	[tilespmem:$0x620] =	vst v5;
	v5 =	vshrl.u32 v23, $0x7  }
0x1b8: {  	[tilespmem:$0x720] =	vst v5;
	v5 =	vshrl.u32 v24, $0x3  }
0x1b9: {  	[tilespmem:$0x430] =	vst v5;
	v5 =	vshrl.u32 v25, $0x3  }
0x1ba: {  	[tilespmem:$0x530] =	vst v5;
	v5 =	vshrl.u32 v24, $0x7  }
0x1bb: {  	[tilespmem:$0x630] =	vst v5;
	v5 =	vshrl.u32 v25, $0x7  }
0x1bc: {  	[tilespmem:$0x730] =	vst v5  }
0x1bd: {  	[tilespmem:s14], [sflag:$0x1] =	stream.indirect.gather [hbm4b:s3+s12], $0x80, s13, s12, $0xb8;
	[tilespmem:$0x10A80] =	vst v63  }
0x1be: {  	_ = 	snop  }
0x1bf: {  	[tilespmem:s16], [sflag:$0x1] =	stream.indirect.gather [hbm4b:s4+s12], $0x80, s15, s12, $0xb8;
	[tilespmem:$0x10A80] =	vst v63  }
0x1c0: {  	_ = 	snop  }
0x1c1: {  	[tilespmem:s18], [sflag:$0x1] =	stream.indirect.gather [hbm4b:s5+s12], $0x80, s17, s12, $0xb8;
	[tilespmem:$0x10A80] =	vst v63  }
0x1c2: {  	_ = 	snop  }
0x1c3: {  	[tilespmem:s20], [sflag:$0x1] =	stream.indirect.gather [hbm4b:s6+s12], $0x80, s19, s12, $0xb8;
	[tilespmem:$0x10A80] =	vst v63  }
0x1c4: {  	_ =	swait.ge [sflag:s31], $0x2000  }
0x1c5: {  	[sflag:s31] =	ssyncset.done $0x0  }
0x1c6: {  	[sflag:s31] =	ssyncadd.s32 $0xFFFFE000  }
0x1c7: {  	_ =	swait.ge [sflag:s31], $0x2000  }
0x1c8: {  	[sflag:s31] =	ssyncset.done $0x0  }
0x1c9: {  	[sflag:s31] =	ssyncadd.s32 $0xFFFFE000  }
0x1ca: {  	_ =	swait.ge [sflag:s31], $0x2000  }
0x1cb: {  	[sflag:s31] =	ssyncset.done $0x0  }
0x1cc: {  	[sflag:s31] =	ssyncadd.s32 $0xFFFFE000  }
0x1cd: {  	_ =	swait.ge [sflag:s31], $0x2000  }
0x1ce: {  	[sflag:s31] =	ssyncset.done $0x0  }
0x1cf: {  	[sflag:s31] =	ssyncadd.s32 $0xFFFFE000  }
0x1d0: {  	v5 =	vld [tilespmem:$0x140];
	_ =	sdelay $0x1  }
0x1d1: {  	v26 =	vld [tilespmem:$0x340];
	_ =	sdelay $0x2  }
0x1d2: {  	v5 =	vand.u32 $0x7F, v5  }
0x1d3: {  	v5 =	vor.u32 v0, v5  }
0x1d4: {  	v6 =	vand.u32 $0x7F, v26  }
0x1d5: {  	v6 =	vor.u32 v0, v6;
	_ =	sdelay $0x1  }
0x1d6: {  	v27 =	vld [tilespmem:$0x150]  }
0x1d7: {  	v5 =	vld.idx.msk [tilespmem:v5+s26+$0x0], $0xffff  }
0x1d8: {  	v28 =	vld [tilespmem:$0x350]  }
0x1d9: {  	v6 =	vld.idx.msk [tilespmem:v6+s29+$0x0], $0xffff;
	_ =	sdelay $0x1  }
0x1da: {  	v7 =	vand.u32 $0x7F, v27  }
0x1db: {  	v7 =	vor.u32 v1, v7;
	v5 =	vadd.f32 v5, v4  }
0x1dc: {  	v8 =	vand.u32 $0x7F, v28  }
0x1dd: {  	v29 =	vor.u32 v1, v8;
	v5 =	vadd.f32 v6, v5;
	_ =	sdelay $0x1  }
0x1de: {  	[tilespmem:$0x109C0] =	vst v5;
	v5 =	vld [tilespmem:$0x160]  }
0x1df: {  	v7 =	vld.idx.msk [tilespmem:v7+s26+$0x0], $0xffff  }
0x1e0: {  	v30 =	vld [tilespmem:$0x360]  }
0x1e1: {  	v6 =	vld.idx.msk [tilespmem:v29+s29+$0x0], $0xffff;
	_ =	sdelay $0x1  }
0x1e2: {  	v5 =	vand.u32 $0x7F, v5  }
0x1e3: {  	v7 =	vadd.f32 v7, v4;
	v5 =	vor.u32 v2, v5  }
0x1e4: {  	v8 =	vand.u32 $0x7F, v30  }
0x1e5: {  	v31 =	vor.u32 v2, v8;
	v6 =	vadd.f32 v6, v7;
	_ =	sdelay $0x1  }
0x1e6: {  	v32 =	vld [tilespmem:$0x170];
	[tilespmem:$0x109D0] =	vst v6  }
0x1e7: {  	v5 =	vld.idx.msk [tilespmem:v5+s26+$0x0], $0xffff  }
0x1e8: {  	v33 =	vld [tilespmem:$0x370]  }
0x1e9: {  	v7 =	vld.idx.msk [tilespmem:v31+s29+$0x0], $0xffff;
	_ =	sdelay $0x1  }
0x1ea: {  	v6 =	vand.u32 $0x7F, v32  }
0x1eb: {  	v6 =	vor.u32 v3, v6;
	v5 =	vadd.f32 v5, v4  }
0x1ec: {  	v8 =	vand.u32 $0x7F, v33  }
0x1ed: {  	v34 =	vor.u32 v3, v8;
	v5 =	vadd.f32 v7, v5;
	_ =	sdelay $0x1  }
0x1ee: {  	[tilespmem:$0x109E0] =	vst v5  }
0x1ef: {  	v5 =	vld.idx.msk [tilespmem:v6+s26+$0x0], $0xffff;
	_ =	sdelay $0x1  }
0x1f0: {  	v35 =	vld.idx.msk [tilespmem:v34+s29+$0x0], $0xffff;
	_ =	sdelay $0x1  }
0x1f1: {  	v36 =	vld [tilespmem:$0x1C0]  }
0x1f2: {  	v37 =	vld [tilespmem:$0x3C0];
	v5 =	vadd.f32 v5, v4;
	_ =	sdelay $0x1  }
0x1f3: {  	v5 =	vadd.f32 v35, v5  }
0x1f4: {  	v38 =	vld [tilespmem:$0x1D0]  }
0x1f5: {  	v39 =	vld [tilespmem:$0x3D0];
	[tilespmem:$0x109F0] =	vst v5;
	v5 =	vshrl.u32 v36, $0x3  }
0x1f6: {  	[tilespmem:$0x480] =	vst v5;
	v5 =	vshrl.u32 v37, $0x3  }
0x1f7: {  	[tilespmem:$0x580] =	vst v5;
	v5 =	vshrl.u32 v36, $0x7  }
0x1f8: {  	v40 =	vld [tilespmem:$0x1E0];
	[tilespmem:$0x680] =	vst v5;
	v5 =	vshrl.u32 v37, $0x7  }
0x1f9: {  	v41 =	vld [tilespmem:$0x3E0];
	[tilespmem:$0x780] =	vst v5;
	v5 =	vshrl.u32 v38, $0x3  }
0x1fa: {  	[tilespmem:$0x490] =	vst v5;
	v5 =	vshrl.u32 v39, $0x3  }
0x1fb: {  	[tilespmem:$0x590] =	vst v5;
	v5 =	vshrl.u32 v38, $0x7  }
0x1fc: {  	v42 =	vld [tilespmem:$0x1F0];
	[tilespmem:$0x690] =	vst v5;
	v5 =	vshrl.u32 v39, $0x7  }
0x1fd: {  	v43 =	vld [tilespmem:$0x3F0];
	[tilespmem:$0x790] =	vst v5;
	v5 =	vshrl.u32 v40, $0x3  }
0x1fe: {  	[tilespmem:$0x4A0] =	vst v5;
	v5 =	vshrl.u32 v41, $0x3  }
0x1ff: {  	[tilespmem:$0x5A0] =	vst v5;
	v5 =	vshrl.u32 v40, $0x7  }
0x200: {  	[tilespmem:$0x6A0] =	vst v5;
	v5 =	vshrl.u32 v41, $0x7  }
0x201: {  	[tilespmem:$0x7A0] =	vst v5;
	v5 =	vshrl.u32 v42, $0x3  }
0x202: {  	[tilespmem:$0x4B0] =	vst v5;
	v5 =	vshrl.u32 v43, $0x3  }
0x203: {  	[tilespmem:$0x5B0] =	vst v5;
	v5 =	vshrl.u32 v42, $0x7  }
0x204: {  	[tilespmem:$0x6B0] =	vst v5;
	v5 =	vshrl.u32 v43, $0x7  }
0x205: {  	[tilespmem:$0x7B0] =	vst v5  }
0x206: {  	[tilespmem:s22], [sflag:$0x2] =	stream.indirect.gather [hbm4b:s3+s12], $0x80, s21, s12, $0xb8;
	[tilespmem:$0x10A80] =	vst v63  }
0x207: {  	_ = 	snop  }
0x208: {  	[tilespmem:s24], [sflag:$0x2] =	stream.indirect.gather [hbm4b:s4+s12], $0x80, s23, s12, $0xb8;
	[tilespmem:$0x10A80] =	vst v63  }
0x209: {  	_ = 	snop  }
0x20a: {  	[tilespmem:s26], [sflag:$0x2] =	stream.indirect.gather [hbm4b:s5+s12], $0x80, s25, s12, $0xb8;
	[tilespmem:$0x10A80] =	vst v63  }
0x20b: {  	_ = 	snop  }
0x20c: {  	[tilespmem:s29], [sflag:$0x2] =	stream.indirect.gather [hbm4b:s6+s12], $0x80, s28, s12, $0xb8;
	[tilespmem:$0x10A80] =	vst v63  }
0x20d: {  	_ =	swait.ge [sflag:s30], $0x2000  }
0x20e: {  	[sflag:s30] =	ssyncset.done $0x0  }
0x20f: {  	[sflag:s30] =	ssyncadd.s32 $0xFFFFE000  }
0x210: {  	_ =	swait.ge [sflag:s30], $0x2000  }
0x211: {  	[sflag:s30] =	ssyncset.done $0x0  }
0x212: {  	[sflag:s30] =	ssyncadd.s32 $0xFFFFE000  }
0x213: {  	_ =	swait.ge [sflag:s30], $0x2000  }
0x214: {  	[sflag:s30] =	ssyncset.done $0x0  }
0x215: {  	[sflag:s30] =	ssyncadd.s32 $0xFFFFE000  }
0x216: {  	_ =	swait.ge [sflag:s30], $0x2000  }
0x217: {  	[sflag:s30] =	ssyncset.done $0x0  }
0x218: {  	[sflag:s30] =	ssyncadd.s32 $0xFFFFE000  }
0x219: {  	v5 =	vld [tilespmem:$0x180];
	_ =	sdelay $0x1  }
0x21a: {  	v44 =	vld [tilespmem:$0x380];
	_ =	sdelay $0x2  }
0x21b: {  	v5 =	vand.u32 $0x7F, v5  }
0x21c: {  	v5 =	vor.u32 v0, v5  }
0x21d: {  	v6 =	vand.u32 $0x7F, v44  }
0x21e: {  	v6 =	vor.u32 v0, v6;
	_ =	sdelay $0x1  }
0x21f: {  	v45 =	vld [tilespmem:$0x190]  }
0x220: {  	v5 =	vld.idx.msk [tilespmem:v5+s18+$0x0], $0xffff  }
0x221: {  	v46 =	vld [tilespmem:$0x390]  }
0x222: {  	v6 =	vld.idx.msk [tilespmem:v6+s20+$0x0], $0xffff;
	_ =	sdelay $0x1  }
0x223: {  	v7 =	vand.u32 $0x7F, v45  }
0x224: {  	v7 =	vor.u32 v1, v7;
	v5 =	vadd.f32 v5, v4  }
0x225: {  	v8 =	vand.u32 $0x7F, v46  }
0x226: {  	v47 =	vor.u32 v1, v8;
	v5 =	vadd.f32 v6, v5;
	_ =	sdelay $0x1  }
0x227: {  	[tilespmem:$0x10A00] =	vst v5;
	v5 =	vld [tilespmem:$0x1A0]  }
0x228: {  	v7 =	vld.idx.msk [tilespmem:v7+s18+$0x0], $0xffff  }
0x229: {  	v48 =	vld [tilespmem:$0x3A0]  }
0x22a: {  	v6 =	vld.idx.msk [tilespmem:v47+s20+$0x0], $0xffff;
	_ =	sdelay $0x1  }
0x22b: {  	v5 =	vand.u32 $0x7F, v5  }
0x22c: {  	v7 =	vadd.f32 v7, v4;
	v5 =	vor.u32 v2, v5  }
0x22d: {  	v8 =	vand.u32 $0x7F, v48  }
0x22e: {  	v49 =	vor.u32 v2, v8;
	v6 =	vadd.f32 v6, v7;
	_ =	sdelay $0x1  }
0x22f: {  	v50 =	vld [tilespmem:$0x1B0];
	[tilespmem:$0x10A10] =	vst v6  }
0x230: {  	v5 =	vld.idx.msk [tilespmem:v5+s18+$0x0], $0xffff  }
0x231: {  	v51 =	vld [tilespmem:$0x3B0]  }
0x232: {  	v7 =	vld.idx.msk [tilespmem:v49+s20+$0x0], $0xffff;
	_ =	sdelay $0x1  }
0x233: {  	v6 =	vand.u32 $0x7F, v50  }
0x234: {  	v6 =	vor.u32 v3, v6;
	v5 =	vadd.f32 v5, v4  }
0x235: {  	v8 =	vand.u32 $0x7F, v51  }
0x236: {  	v52 =	vor.u32 v3, v8;
	v5 =	vadd.f32 v7, v5;
	_ =	sdelay $0x1  }
0x237: {  	[tilespmem:$0x10A20] =	vst v5  }
0x238: {  	v5 =	vld.idx.msk [tilespmem:v6+s18+$0x0], $0xffff;
	_ =	sdelay $0x1  }
0x239: {  	v53 =	vld.idx.msk [tilespmem:v52+s20+$0x0], $0xffff;
	_ =	sdelay $0x2  }
0x23a: {  	v5 =	vadd.f32 v5, v4;
	_ =	sdelay $0x1  }
0x23b: {  	v5 =	vadd.f32 v53, v5;
	_ =	sdelay $0x1  }
0x23c: {  	[tilespmem:$0x10A30] =	vst v5  }
0x23d: {  	_ =	swait.ge [sflag:s31], $0x2000  }
0x23e: {  	[sflag:s31] =	ssyncset.done $0x0  }
0x23f: {  	[sflag:s31] =	ssyncadd.s32 $0xFFFFE000  }
0x240: {  	_ =	swait.ge [sflag:s31], $0x2000  }
0x241: {  	[sflag:s31] =	ssyncset.done $0x0  }
0x242: {  	[sflag:s31] =	ssyncadd.s32 $0xFFFFE000  }
0x243: {  	_ =	swait.ge [sflag:s31], $0x2000  }
0x244: {  	[sflag:s31] =	ssyncset.done $0x0  }
0x245: {  	[sflag:s31] =	ssyncadd.s32 $0xFFFFE000  }
0x246: {  	_ =	swait.ge [sflag:s31], $0x2000  }
0x247: {  	[sflag:s31] =	ssyncset.done $0x0  }
0x248: {  	[sflag:s31] =	ssyncadd.s32 $0xFFFFE000  }
0x249: {  	v5 =	vld [tilespmem:$0x1C0];
	_ =	sdelay $0x1  }
0x24a: {  	v54 =	vld [tilespmem:$0x3C0];
	_ =	sdelay $0x2  }
0x24b: {  	v5 =	vand.u32 $0x7F, v5  }
0x24c: {  	v5 =	vor.u32 v0, v5  }
0x24d: {  	v6 =	vand.u32 $0x7F, v54  }
0x24e: {  	v6 =	vor.u32 v0, v6;
	_ =	sdelay $0x1  }
0x24f: {  	v55 =	vld [tilespmem:$0x1D0]  }
0x250: {  	v5 =	vld.idx.msk [tilespmem:v5+s26+$0x0], $0xffff  }
0x251: {  	v56 =	vld [tilespmem:$0x3D0]  }
0x252: {  	v6 =	vld.idx.msk [tilespmem:v6+s29+$0x0], $0xffff;
	_ =	sdelay $0x1  }
0x253: {  	v7 =	vand.u32 $0x7F, v55  }
0x254: {  	v7 =	vor.u32 v1, v7;
	v5 =	vadd.f32 v5, v4  }
0x255: {  	v8 =	vand.u32 $0x7F, v56  }
0x256: {  	v57 =	vor.u32 v1, v8;
	v5 =	vadd.f32 v6, v5;
	_ =	sdelay $0x1  }
0x257: {  	[tilespmem:$0x10A40] =	vst v5;
	v5 =	vld [tilespmem:$0x1E0]  }
0x258: {  	v7 =	vld.idx.msk [tilespmem:v7+s26+$0x0], $0xffff  }
0x259: {  	v58 =	vld [tilespmem:$0x3E0]  }
0x25a: {  	v6 =	vld.idx.msk [tilespmem:v57+s29+$0x0], $0xffff;
	_ =	sdelay $0x1  }
0x25b: {  	v5 =	vand.u32 $0x7F, v5  }
0x25c: {  	v7 =	vadd.f32 v7, v4;
	v5 =	vor.u32 v2, v5  }
0x25d: {  	v8 =	vand.u32 $0x7F, v58  }
0x25e: {  	v59 =	vor.u32 v2, v8;
	v6 =	vadd.f32 v6, v7;
	_ =	sdelay $0x1  }
0x25f: {  	v60 =	vld [tilespmem:$0x1F0];
	[tilespmem:$0x10A50] =	vst v6  }
0x260: {  	v5 =	vld.idx.msk [tilespmem:v5+s26+$0x0], $0xffff  }
0x261: {  	v61 =	vld [tilespmem:$0x3F0]  }
0x262: {  	v7 =	vld.idx.msk [tilespmem:v59+s29+$0x0], $0xffff;
	_ =	sdelay $0x1  }
0x263: {  	v6 =	vand.u32 $0x7F, v60  }
0x264: {  	v6 =	vor.u32 v3, v6;
	v5 =	vadd.f32 v5, v4  }
0x265: {  	v8 =	vand.u32 $0x7F, v61  }
0x266: {  	v62 =	vor.u32 v3, v8;
	v5 =	vadd.f32 v7, v5;
	_ =	sdelay $0x1  }
0x267: {  	[tilespmem:$0x10A60] =	vst v5  }
0x268: {  	v5 =	vld.idx.msk [tilespmem:v6+s26+$0x0], $0xffff;
	_ =	sdelay $0x1  }
0x269: {  	v63 =	vld.idx.msk [tilespmem:v62+s29+$0x0], $0xffff;
	_ =	sdelay $0x2  }
0x26a: {  	v4 =	vadd.f32 v5, v4;
	_ =	sdelay $0x1  }
0x26b: {  	v4 =	vadd.f32 v63, v4  }
0x26c: {  	p0 =	sne.s32 s8, $0x1  }
.Ltmp0:
0x26d: {  	[tilespmem:$0x10A70] =	vst v4;
	(pc) =	sbr.rel @p0 .LBB2_1-.Ltmp0, $4  }
0x26e: {  	[hbm4b:s7+s1] =	stream.linear.scatter [tilespmem:s0], [sflag:$0x3], $0x200, $0x38;
	[tilespmem:$0x10A80] =	vst v63  }
0x26f: {  	_ =	swait.ge [sflag:s9], $0x200  }
0x270: {  	[sflag:s9] =	ssyncset.done $0x0  }
0x271: {  	s8 =	sadd.s32 $0xFFFFFFFF, s8;
	[sflag:s9] =	ssyncadd.s32 $0xFFFFFE00  }
0x272: {  	_ =	sfence.sel $0x180000  }
0x273: {  	[bflag:$0x0] =	sbarrier.arrive $0xFFFF  }
0x274: {  	_ =	strace $0x90000047  }
0x275: {  	s0 =	stileid.u32;
	[bflag:$0x2] =	sbarrier.arrive $0xFFFF  }
0x276: {  	p0 =	sne.s32 s0, $0x0;
	s0 =	rddreg [dreg:$0x4]  }
0x277: {  	s0 =	sadd.s32 @!p0 $0x100000, s0  }
0x278: {  	[sflag:s0] =	ssyncadd.tile.s32 @!p0 $0x1;
	_ =	shalt  }
.Lfunc_end2:
_tile_overlayer_lowered:
.L_overlay_start_2:
0x279: {  	(tag) =	ssettag $0x2  }
0x27a: {  	s0 =	rddreg [dreg:$0x0];
	s2 =	stileid.u32  }
0x27b: {  	s1 =	rddreg [dreg:$0x1];
	p0 =	sne.s32 s2, $0x0  }
0x27c: {  	s3 =	rddreg [dreg:$0x2];
	[bflag:$0x3] =	sbarrier.arrive $0xFFFF;
	s2 =	simm.s32 @!p0 $0x1C03  }
0x27d: {  	[timem:s3], [sflag:s2] =	dma.local @!p0 [hbm:s0], s1  }
0x27e: {  	s0 =	simm.s32 @!p0 $0x3  }
0x27f: {  	_ =	swait.ge @!p0 [sflag:s0], s1  }
0x280: {  	s1 =	ssub.s32 @!p0 $0x0, s1;
	[sflag:s0] =	ssyncset.done @!p0 $0x0  }
0x281: {  	[sflag:s0] =	ssyncadd.s32 @!p0 s1  }
0x282: {  	[bflag:$0x3] =	sbarrier.arrive $0xFFFF  }
0x283: {  	_ =	shalt  }

</sc_bundles>
